<compile_context>
chip_gen: v7x
topology: tpu7x:2x2x1
jax: 0.10.2.dev20260603
libtpu: 0.0.44.dev20260713+nightly
codegen_flags: <defaults>
</compile_context>

<pallas_src>
import jax
import jax.numpy as jnp
from jax import lax
from jax.experimental import pallas as pl
from jax.experimental.pallas import tpu as pltpu
from jax.experimental.pallas import tpu_sc as plsc

N = 10000
E = 320000
D_IN = 128
D_HID = 256
D_OUT = 128

C = 128
IB = 40
NCHUNK = E // C
CPW_ES = 80
CPW_CS = 160
MAIN = 31 * CPW_ES
TAIL = 24
ACC_ROWS = 10112
ZROWS = ACC_ROWS // 16
OROWS = ACC_ROWS // 16

_MESH = plsc.VectorSubcoreMesh(
    core_axis_name="c", subcore_axis_name="s", num_cores=2, num_subcores=16)


def _agg_block(y_hbm, srcs, dsts, acc, src_v, dst_v, rows0, rows1,
               gsem0, gsem1, ssem0, ssem1, blk, ib):
  def gwait(buf, gsem):
    pltpu.make_async_copy(y_hbm.at[src_v.at[0]], buf, gsem).wait()

  def swait(buf, ssem):
    pltpu.make_async_copy(buf, acc.at[dst_v.at[0]], ssem).wait()

  blk = pl.multiple_of(blk, 8)
  pltpu.sync_copy(srcs.at[pl.ds(blk, ib)], src_v.at[pl.ds(0, ib)])
  pltpu.sync_copy(dsts.at[pl.ds(blk, ib)], dst_v.at[pl.ds(0, ib)])
  pltpu.async_copy(y_hbm.at[src_v.at[0]], rows0, gsem0)

  def inner(p, carry2):
    j0 = 2 * p

    @pl.when(p > 0)
    def _():
      swait(rows1, ssem1)

    pltpu.async_copy(y_hbm.at[src_v.at[j0 + 1]], rows1, gsem1)
    gwait(rows0, gsem0)
    pltpu.async_copy(rows0, acc.at[dst_v.at[j0]], ssem0, add=True)

    @pl.when(p < ib // 2 - 1)
    def _():
      swait(rows0, ssem0)
      pltpu.async_copy(y_hbm.at[src_v.at[j0 + 2]], rows0, gsem0)

    gwait(rows1, gsem1)
    pltpu.async_copy(rows1, acc.at[dst_v.at[j0 + 1]], ssem1, add=True)
    return carry2

  lax.fori_loop(0, ib // 2, inner, 0)
  swait(rows0, ssem0)
  swait(rows1, ssem1)


def _agg_pass(y_hbm, srcs, dsts, acc, src_v, dst_v, rows0, rows1,
              gsem0, gsem1, ssem0, ssem1, base_chunk, nblocks):
  def outer(g, carry):
    _agg_block(y_hbm, srcs, dsts, acc, src_v, dst_v, rows0, rows1,
               gsem0, gsem1, ssem0, ssem1, base_chunk + g * IB, IB)
    return carry

  lax.fori_loop(0, nblocks, outer, 0)


def _zero_acc(rows0, acc, s):
  def zrow(r, carry):
    for k in range(8):
      rows0[r, pl.ds(k * 16, 16)] = jnp.zeros((16,), jnp.float32)
    return carry

  lax.fori_loop(0, C, zrow, 0)
  for k in range(4):
    pltpu.sync_copy(rows0, acc.at[pl.ds(s * ZROWS + k * C, C)])
  pltpu.sync_copy(rows0.at[pl.ds(0, ZROWS - 4 * C)],
                  acc.at[pl.ds(s * ZROWS + 4 * C, ZROWS - 4 * C)])


def _writeout(acc, o, s):
  pltpu.sync_copy(acc.at[pl.ds(s * OROWS, OROWS)],
                  o.at[pl.ds(s * OROWS, OROWS)])


def _agg_edge_split_body(x_hbm, srcs, dsts, tsrc, tdst, q0, q1,
                         src_v, dst_v, rows0, rows1, acc,
                         gsem0, gsem1, ssem0, ssem1):
  c = lax.axis_index("c")
  s = lax.axis_index("s")
  w = c * 16 + s
  _zero_acc(rows0, acc, s)
  plsc.subcore_barrier()

  @pl.when(w < 31)
  def _():
    _agg_pass(x_hbm, srcs, dsts, acc, src_v, dst_v, rows0, rows1,
              gsem0, gsem1, ssem0, ssem1, w * CPW_ES, CPW_ES // IB)

  @pl.when(w == 31)
  def _():
    _agg_block(x_hbm, tsrc, tdst, acc, src_v, dst_v, rows0, rows1,
               gsem0, gsem1, ssem0, ssem1, 0, TAIL)

  plsc.subcore_barrier()

  @pl.when(c == 0)
  def _():
    _writeout(acc, q0, s)

  @pl.when(c == 1)
  def _():
    _writeout(acc, q1, s)


def _agg_col_split_body(ya, yb, srcs, dsts, tsrc, tdst, a0, a1,
                        src_v, dst_v, rows0, rows1, acc,
                        gsem0, gsem1, ssem0, ssem1):
  c = lax.axis_index("c")
  s = lax.axis_index("s")
  _zero_acc(rows0, acc, s)
  plsc.subcore_barrier()

  def cs_pass(y_hbm):
    @pl.when(s < 15)
    def _():
      _agg_pass(y_hbm, srcs, dsts, acc, src_v, dst_v, rows0, rows1,
                gsem0, gsem1, ssem0, ssem1, s * CPW_CS, CPW_CS // IB)

    @pl.when(s == 15)
    def _():
      _agg_pass(y_hbm, srcs, dsts, acc, src_v, dst_v, rows0, rows1,
                gsem0, gsem1, ssem0, ssem1, 15 * CPW_CS,
                (MAIN - 15 * CPW_CS) // IB)
      _agg_block(y_hbm, tsrc, tdst, acc, src_v, dst_v, rows0, rows1,
                 gsem0, gsem1, ssem0, ssem1, 0, TAIL)

  @pl.when(c == 0)
  def _():
    cs_pass(ya)

  @pl.when(c == 1)
  def _():
    cs_pass(yb)

  plsc.subcore_barrier()

  @pl.when(c == 0)
  def _():
    _writeout(acc, a0, s)

  @pl.when(c == 1)
  def _():
    _writeout(acc, a1, s)


def _make_agg(body):
  return pl.kernel(
      body,
      out_type=(jax.ShapeDtypeStruct((ACC_ROWS, 128), jnp.float32),
                jax.ShapeDtypeStruct((ACC_ROWS, 128), jnp.float32)),
      mesh=_MESH,
      scratch_types=(
          pltpu.VMEM((IB, C), jnp.int32),
          pltpu.VMEM((IB, C), jnp.int32),
          pltpu.VMEM((C, 128), jnp.float32),
          pltpu.VMEM((C, 128), jnp.float32),
          pltpu.VMEM_SHARED((ACC_ROWS, 128), jnp.float32),
          pltpu.SemaphoreType.DMA,
          pltpu.SemaphoreType.DMA,
          pltpu.SemaphoreType.DMA,
          pltpu.SemaphoreType.DMA,
      ),
  )


_agg_edge_split = _make_agg(_agg_edge_split_body)
_agg_col_split = _make_agg(_agg_col_split_body)

RB = 2000


def _mm1_body(p0, p1, w1, b1, ya, yb):
  h = p0[...] + p1[...]
  y = jnp.dot(h, w1[...], preferred_element_type=jnp.float32) + b1[...]
  y = jnp.maximum(y, 0.0)
  ya[...] = y[:, :128]
  yb[...] = y[:, 128:]


_mm1 = pl.pallas_call(
    _mm1_body,
    grid=(N // RB,),
    in_specs=[
        pl.BlockSpec((RB, D_IN), lambda i: (i, 0)),
        pl.BlockSpec((RB, D_IN), lambda i: (i, 0)),
        pl.BlockSpec((D_IN, D_HID), lambda i: (0, 0)),
        pl.BlockSpec((1, D_HID), lambda i: (0, 0)),
    ],
    out_specs=[
        pl.BlockSpec((RB, 128), lambda i: (i, 0)),
        pl.BlockSpec((RB, 128), lambda i: (i, 0)),
    ],
    out_shape=[
        jax.ShapeDtypeStruct((N, 128), jnp.float32),
        jax.ShapeDtypeStruct((N, 128), jnp.float32),
    ],
)


def _mm2_body(a0, a1, w2a, w2b, b2, w3, t3):
  h = (jnp.dot(a0[...], w2a[...], preferred_element_type=jnp.float32)
       + jnp.dot(a1[...], w2b[...], preferred_element_type=jnp.float32)
       + b2[...])
  h = jnp.maximum(h, 0.0)
  t3[...] = jnp.dot(h, w3[...], preferred_element_type=jnp.float32)


_mm2 = pl.pallas_call(
    _mm2_body,
    grid=(N // RB,),
    in_specs=[
        pl.BlockSpec((RB, 128), lambda i: (i, 0)),
        pl.BlockSpec((RB, 128), lambda i: (i, 0)),
        pl.BlockSpec((128, D_HID), lambda i: (0, 0)),
        pl.BlockSpec((128, D_HID), lambda i: (0, 0)),
        pl.BlockSpec((1, D_HID), lambda i: (0, 0)),
        pl.BlockSpec((D_HID, D_OUT), lambda i: (0, 0)),
    ],
    out_specs=pl.BlockSpec((RB, D_OUT), lambda i: (i, 0)),
    out_shape=jax.ShapeDtypeStruct((N, D_OUT), jnp.float32),
)


def _mm3_body(q0, q1, b3, out):
  out[...] = q0[...] + q1[...] + b3[...]


_mm3 = pl.pallas_call(
    _mm3_body,
    grid=(N // RB,),
    in_specs=[
        pl.BlockSpec((RB, D_OUT), lambda i: (i, 0)),
        pl.BlockSpec((RB, D_OUT), lambda i: (i, 0)),
        pl.BlockSpec((1, D_OUT), lambda i: (0, 0)),
    ],
    out_specs=pl.BlockSpec((RB, D_OUT), lambda i: (i, 0)),
    out_shape=jax.ShapeDtypeStruct((N, D_OUT), jnp.float32),
)


@jax.jit
def kernel(x, adj, W1, b1, W2, b2, W3, b3):
  srcs = adj[0].astype(jnp.int32).reshape(NCHUNK, C)
  dsts = adj[1].astype(jnp.int32).reshape(NCHUNK, C)
  npad = TAIL * C - (NCHUNK - MAIN) * C
  tsrc = jnp.concatenate([
      srcs[MAIN:].reshape(-1),
      jnp.arange(npad, dtype=jnp.int32) % N]).reshape(TAIL, C)
  tdst = jnp.concatenate([
      dsts[MAIN:].reshape(-1),
      N + jnp.arange(npad, dtype=jnp.int32) % (ACC_ROWS - N)]).reshape(TAIL, C)

  q0, q1 = _agg_edge_split(x, srcs, dsts, tsrc, tdst)
  ya, yb = _mm1(q0, q1, W1, b1.reshape(1, D_HID))
  a0, a1 = _agg_col_split(ya, yb, srcs, dsts, tsrc, tdst)
  t3 = _mm2(a0, a1, W2[:128], W2[128:], b2.reshape(1, D_HID), W3)
  r0, r1 = _agg_edge_split(t3, srcs, dsts, tsrc, tdst)
  return _mm3(r0, r1, b3.reshape(1, D_OUT))

# --- scband reference (transcript-rebuilt; emitter-appended) ---
"""Pipeline reference for scband-dist-gcn-6545530159142 (READ-ONLY COPY).

The authoritative reference and input builder live on the scoring server;
editing this copy changes nothing except your own understanding.
"""

import jax, jax.numpy as jnp
import numpy as np

N_NODES = 10000
N_EDGES = 320000
D_IN = 128
D_HID = 256
D_OUT = 128


def setup_inputs(seed: int = 0) -> dict:
    key = jax.random.key(seed)
    ks = jax.random.split(key, 9)
    x = jax.random.normal(ks[0], (N_NODES, D_IN), dtype=jnp.float32)
    adj = jax.random.randint(ks[1], (2, N_EDGES), 0, N_NODES, dtype=jnp.int64)
    W1 = jax.random.normal(ks[2], (D_IN, D_HID), dtype=jnp.float32) * (1.0 / np.sqrt(D_IN))
    b1 = jnp.zeros((D_HID,), dtype=jnp.float32)
    W2 = jax.random.normal(ks[3], (D_HID, D_HID), dtype=jnp.float32) * (1.0 / np.sqrt(D_HID))
    b2 = jnp.zeros((D_HID,), dtype=jnp.float32)
    W3 = jax.random.normal(ks[4], (D_HID, D_OUT), dtype=jnp.float32) * (1.0 / np.sqrt(D_HID))
    b3 = jnp.zeros((D_OUT,), dtype=jnp.float32)
    return {"x": x, "adj": adj, "W1": W1, "b1": b1, "W2": W2, "b2": b2, "W3": W3, "b3": b3}


def _dist_gconv(h, src, dst, num_nodes, W, b):
    # DistGConv: aggregate neighbor features (scatter-add over edges), then linear transform.
    msg = jnp.take(h, src, axis=0)
    agg = jax.ops.segment_sum(msg, dst, num_segments=num_nodes)
    return agg @ W + b


def reference(x, adj, W1, b1, W2, b2, W3, b3):
    src = adj[0]
    dst = adj[1]
    n = x.shape[0]
    h = _dist_gconv(x, src, dst, n, W1, b1)
    h = jax.nn.relu(h)
    h = _dist_gconv(h, src, dst, n, W2, b2)
    h = jax.nn.relu(h)
    h = _dist_gconv(h, src, dst, n, W3, b3)
    return h

if __name__ == "__main__":
    import jax
    _d = setup_inputs()
    print(jax.jit(kernel)(*tuple(_d.values())))

</pallas_src>

<mosaic_0001>
#map = affine_map<(d0, d1) -> (0, 0)>
module attributes {stable_mosaic.version = 14 : i64} {
  func.func @_agg_edge_split_body(%arg0: i32, %arg1: i32, %arg2: memref<10000x128xf32, #tpu.memory_space<hbm>>, %arg3: memref<2500x128xi32, #tpu.memory_space<hbm>>, %arg4: memref<2500x128xi32, #tpu.memory_space<hbm>>, %arg5: memref<24x128xi32, #tpu.memory_space<hbm>>, %arg6: memref<24x128xi32, #tpu.memory_space<hbm>>, %arg7: memref<10112x128xf32, #tpu.memory_space<hbm>>, %arg8: memref<10112x128xf32, #tpu.memory_space<hbm>>, %arg9: memref<40x128xi32, #tpu.memory_space<vmem>>, %arg10: memref<40x128xi32, #tpu.memory_space<vmem>>, %arg11: memref<128x128xf32, #tpu.memory_space<vmem>>, %arg12: memref<128x128xf32, #tpu.memory_space<vmem>>, %arg13: memref<10112x128xf32, #tpu.memory_space<vmem_shared>>, %arg14: memref<!tpu.dma_semaphore, #tpu.memory_space<semaphore_mem>>, %arg15: memref<!tpu.dma_semaphore, #tpu.memory_space<semaphore_mem>>, %arg16: memref<!tpu.dma_semaphore, #tpu.memory_space<semaphore_mem>>, %arg17: memref<!tpu.dma_semaphore, #tpu.memory_space<semaphore_mem>>) attributes {dimension_semantics = [#tpu.dimension_semantics<core_parallel>, #tpu.dimension_semantics<subcore_parallel>], iteration_bounds = array<i64: 2, 16>, scalar_prefetch = 0 : i64, scratch_operands = 9 : i64, tpu.core_type = #tpu.core_type<sc_vector_subcore>, window_params = [{transform_indices = #map}, {transform_indices = #map}, {transform_indices = #map}, {transform_indices = #map}, {transform_indices = #map}, {transform_indices = #map}, {transform_indices = #map}]} {
    %mul3A = arith.constant 16 : i32
    %mul3A_0 = arith.muli %arg0, %mul3A : i32
    %add3A = arith.addi %mul3A_0, %arg1 : i32
    %scan3A = arith.constant 0 : i32
    %scan3A_1 = arith.constant 0 : i32
    %scan3A_2 = arith.constant 128 : i32
    %scan3A_3 = arith.addi %scan3A_1, %scan3A_2 : i32
    %scan3A_4 = arith.constant 1 : i32
    scf.for %scan3A_43 = %scan3A_1 to %scan3A_3 step %scan3A_4  : i32 {
      %broadcast_in_dim3A = arith.constant 0.000000e+00 : f32
      %broadcast_in_dim3A_44 = vector.broadcast %broadcast_in_dim3A : f32 to vector<16xf32>
      %swap3A = arith.index_cast %scan3A_43 : i32 to index
      %swap3A_45 = arith.constant 0 : index
      %swap3A_46 = tpu.vector_load %arg11[%swap3A, %swap3A_45] {strides = array<i32>} : memref<128x128xf32, #tpu.memory_space<vmem>>, vector<1x16xf32>,
      %swap3A_47 = vector.shape_cast %swap3A_46 : vector<1x16xf32> to vector<16xf32>
      %swap3A_48 = vector.shape_cast %broadcast_in_dim3A_44 : vector<16xf32> to vector<1x16xf32>
      tpu.vector_store %arg11[%swap3A, %swap3A_45], %swap3A_48 {strides = array<i32>} : memref<128x128xf32, #tpu.memory_space<vmem>>, vector<1x16xf32>,
      %broadcast_in_dim3A_49 = arith.constant 0.000000e+00 : f32
      %broadcast_in_dim3A_50 = vector.broadcast %broadcast_in_dim3A_49 : f32 to vector<16xf32>
      %swap3A_51 = arith.index_cast %scan3A_43 : i32 to index
      %swap3A_52 = arith.constant 16 : index
      %swap3A_53 = tpu.vector_load %arg11[%swap3A_51, %swap3A_52] {strides = array<i32>} : memref<128x128xf32, #tpu.memory_space<vmem>>, vector<1x16xf32>,
      %swap3A_54 = vector.shape_cast %swap3A_53 : vector<1x16xf32> to vector<16xf32>
      %swap3A_55 = vector.shape_cast %broadcast_in_dim3A_50 : vector<16xf32> to vector<1x16xf32>
      tpu.vector_store %arg11[%swap3A_51, %swap3A_52], %swap3A_55 {strides = array<i32>} : memref<128x128xf32, #tpu.memory_space<vmem>>, vector<1x16xf32>,
      %broadcast_in_dim3A_56 = arith.constant 0.000000e+00 : f32
      %broadcast_in_dim3A_57 = vector.broadcast %broadcast_in_dim3A_56 : f32 to vector<16xf32>
      %swap3A_58 = arith.index_cast %scan3A_43 : i32 to index
      %swap3A_59 = arith.constant 32 : index
      %swap3A_60 = tpu.vector_load %arg11[%swap3A_58, %swap3A_59] {strides = array<i32>} : memref<128x128xf32, #tpu.memory_space<vmem>>, vector<1x16xf32>,
      %swap3A_61 = vector.shape_cast %swap3A_60 : vector<1x16xf32> to vector<16xf32>
      %swap3A_62 = vector.shape_cast %broadcast_in_dim3A_57 : vector<16xf32> to vector<1x16xf32>
      tpu.vector_store %arg11[%swap3A_58, %swap3A_59], %swap3A_62 {strides = array<i32>} : memref<128x128xf32, #tpu.memory_space<vmem>>, vector<1x16xf32>,
      %broadcast_in_dim3A_63 = arith.constant 0.000000e+00 : f32
      %broadcast_in_dim3A_64 = vector.broadcast %broadcast_in_dim3A_63 : f32 to vector<16xf32>
      %swap3A_65 = arith.index_cast %scan3A_43 : i32 to index
      %swap3A_66 = arith.constant 48 : index
      %swap3A_67 = tpu.vector_load %arg11[%swap3A_65, %swap3A_66] {strides = array<i32>} : memref<128x128xf32, #tpu.memory_space<vmem>>, vector<1x16xf32>,
      %swap3A_68 = vector.shape_cast %swap3A_67 : vector<1x16xf32> to vector<16xf32>
      %swap3A_69 = vector.shape_cast %broadcast_in_dim3A_64 : vector<16xf32> to vector<1x16xf32>
      tpu.vector_store %arg11[%swap3A_65, %swap3A_66], %swap3A_69 {strides = array<i32>} : memref<128x128xf32, #tpu.memory_space<vmem>>, vector<1x16xf32>,
      %broadcast_in_dim3A_70 = arith.constant 0.000000e+00 : f32
      %broadcast_in_dim3A_71 = vector.broadcast %broadcast_in_dim3A_70 : f32 to vector<16xf32>
      %swap3A_72 = arith.index_cast %scan3A_43 : i32 to index
      %swap3A_73 = arith.constant 64 : index
      %swap3A_74 = tpu.vector_load %arg11[%swap3A_72, %swap3A_73] {strides = array<i32>} : memref<128x128xf32, #tpu.memory_space<vmem>>, vector<1x16xf32>,
      %swap3A_75 = vector.shape_cast %swap3A_74 : vector<1x16xf32> to vector<16xf32>
      %swap3A_76 = vector.shape_cast %broadcast_in_dim3A_71 : vector<16xf32> to vector<1x16xf32>
      tpu.vector_store %arg11[%swap3A_72, %swap3A_73], %swap3A_76 {strides = array<i32>} : memref<128x128xf32, #tpu.memory_space<vmem>>, vector<1x16xf32>,
      %broadcast_in_dim3A_77 = arith.constant 0.000000e+00 : f32
      %broadcast_in_dim3A_78 = vector.broadcast %broadcast_in_dim3A_77 : f32 to vector<16xf32>
      %swap3A_79 = arith.index_cast %scan3A_43 : i32 to index
      %swap3A_80 = arith.constant 80 : index
      %swap3A_81 = tpu.vector_load %arg11[%swap3A_79, %swap3A_80] {strides = array<i32>} : memref<128x128xf32, #tpu.memory_space<vmem>>, vector<1x16xf32>,
      %swap3A_82 = vector.shape_cast %swap3A_81 : vector<1x16xf32> to vector<16xf32>
      %swap3A_83 = vector.shape_cast %broadcast_in_dim3A_78 : vector<16xf32> to vector<1x16xf32>
      tpu.vector_store %arg11[%swap3A_79, %swap3A_80], %swap3A_83 {strides = array<i32>} : memref<128x128xf32, #tpu.memory_space<vmem>>, vector<1x16xf32>,
      %broadcast_in_dim3A_84 = arith.constant 0.000000e+00 : f32
      %broadcast_in_dim3A_85 = vector.broadcast %broadcast_in_dim3A_84 : f32 to vector<16xf32>
      %swap3A_86 = arith.index_cast %scan3A_43 : i32 to index
      %swap3A_87 = arith.constant 96 : index
      %swap3A_88 = tpu.vector_load %arg11[%swap3A_86, %swap3A_87] {strides = array<i32>} : memref<128x128xf32, #tpu.memory_space<vmem>>, vector<1x16xf32>,
      %swap3A_89 = vector.shape_cast %swap3A_88 : vector<1x16xf32> to vector<16xf32>
      %swap3A_90 = vector.shape_cast %broadcast_in_dim3A_85 : vector<16xf32> to vector<1x16xf32>
      tpu.vector_store %arg11[%swap3A_86, %swap3A_87], %swap3A_90 {strides = array<i32>} : memref<128x128xf32, #tpu.memory_space<vmem>>, vector<1x16xf32>,
      %broadcast_in_dim3A_91 = arith.constant 0.000000e+00 : f32
      %broadcast_in_dim3A_92 = vector.broadcast %broadcast_in_dim3A_91 : f32 to vector<16xf32>
      %swap3A_93 = arith.index_cast %scan3A_43 : i32 to index
      %swap3A_94 = arith.constant 112 : index
      %swap3A_95 = tpu.vector_load %arg11[%swap3A_93, %swap3A_94] {strides = array<i32>} : memref<128x128xf32, #tpu.memory_space<vmem>>, vector<1x16xf32>,
      %swap3A_96 = vector.shape_cast %swap3A_95 : vector<1x16xf32> to vector<16xf32>
      %swap3A_97 = vector.shape_cast %broadcast_in_dim3A_92 : vector<16xf32> to vector<1x16xf32>
      tpu.vector_store %arg11[%swap3A_93, %swap3A_94], %swap3A_97 {strides = array<i32>} : memref<128x128xf32, #tpu.memory_space<vmem>>, vector<1x16xf32>,
    }
    %scan3A_5 = arith.constant 128 : i32
    %mul3A_6 = arith.constant 632 : i32
    %mul3A_7 = arith.muli %arg1, %mul3A_6 : i32
    %add3A_8 = arith.constant 0 : i32
    %add3A_9 = arith.addi %mul3A_7, %add3A_8 : i32
    "tpu.region"() ({
      %run_scoped3A = tpu.sem_alloc : memref<!tpu.dma_semaphore, #tpu.memory_space<semaphore_mem>>
      %dma_start3A = arith.constant 0 : i32
      %dma_start3A_43 = tpu.memref_slice %arg13[%add3A_9, %dma_start3A] : memref<10112x128xf32, #tpu.memory_space<vmem_shared>> -> memref<128x128xf32, #tpu.memory_space<vmem_shared>>
      %dma_start3A_44 = arith.constant 0 : i32
      %dma_start3A_45 = tpu.memref_slice %arg13[%add3A_9, %dma_start3A_44] : memref<10112x128xf32, #tpu.memory_space<vmem_shared>> -> memref<128x128xf32, #tpu.memory_space<vmem_shared>>
      tpu.enqueue_dma source(%arg11 : memref<128x128xf32, #tpu.memory_space<vmem>>) target(%dma_start3A_45 : memref<128x128xf32, #tpu.memory_space<vmem_shared>>) target_semaphore(%run_scoped3A : memref<!tpu.dma_semaphore, #tpu.memory_space<semaphore_mem>>)
      %dma_wait3A = arith.constant 0 : i32
      %dma_wait3A_46 = tpu.memref_slice %arg13[%add3A_9, %dma_wait3A] : memref<10112x128xf32, #tpu.memory_space<vmem_shared>> -> memref<128x128xf32, #tpu.memory_space<vmem_shared>>
      %dma_wait3A_47 = arith.constant 0 : i32
      %dma_wait3A_48 = tpu.memref_slice %arg13[%add3A_9, %dma_wait3A_47] : memref<10112x128xf32, #tpu.memory_space<vmem_shared>> -> memref<128x128xf32, #tpu.memory_space<vmem_shared>>
      tpu.wait_dma2 semaphore(%run_scoped3A : memref<!tpu.dma_semaphore, #tpu.memory_space<semaphore_mem>>) src(%arg11 : memref<128x128xf32, #tpu.memory_space<vmem>>) dst(%dma_wait3A_48 : memref<128x128xf32, #tpu.memory_space<vmem_shared>>)
      tpu.yield
    }) : () -> ()
    %mul3A_10 = arith.constant 632 : i32
    %mul3A_11 = arith.muli %arg1, %mul3A_10 : i32
    %add3A_12 = arith.constant 128 : i32
    %add3A_13 = arith.addi %mul3A_11, %add3A_12 : i32
    "tpu.region"() ({
      %run_scoped3A = tpu.sem_alloc : memref<!tpu.dma_semaphore, #tpu.memory_space<semaphore_mem>>
      %dma_start3A = arith.constant 0 : i32
      %dma_start3A_43 = tpu.memref_slice %arg13[%add3A_13, %dma_start3A] : memref<10112x128xf32, #tpu.memory_space<vmem_shared>> -> memref<128x128xf32, #tpu.memory_space<vmem_shared>>
      %dma_start3A_44 = arith.constant 0 : i32
      %dma_start3A_45 = tpu.memref_slice %arg13[%add3A_13, %dma_start3A_44] : memref<10112x128xf32, #tpu.memory_space<vmem_shared>> -> memref<128x128xf32, #tpu.memory_space<vmem_shared>>
      tpu.enqueue_dma source(%arg11 : memref<128x128xf32, #tpu.memory_space<vmem>>) target(%dma_start3A_45 : memref<128x128xf32, #tpu.memory_space<vmem_shared>>) target_semaphore(%run_scoped3A : memref<!tpu.dma_semaphore, #tpu.memory_space<semaphore_mem>>)
      %dma_wait3A = arith.constant 0 : i32
      %dma_wait3A_46 = tpu.memref_slice %arg13[%add3A_13, %dma_wait3A] : memref<10112x128xf32, #tpu.memory_space<vmem_shared>> -> memref<128x128xf32, #tpu.memory_space<vmem_shared>>
      %dma_wait3A_47 = arith.constant 0 : i32
      %dma_wait3A_48 = tpu.memref_slice %arg13[%add3A_13, %dma_wait3A_47] : memref<10112x128xf32, #tpu.memory_space<vmem_shared>> -> memref<128x128xf32, #tpu.memory_space<vmem_shared>>
      tpu.wait_dma2 semaphore(%run_scoped3A : memref<!tpu.dma_semaphore, #tpu.memory_space<semaphore_mem>>) src(%arg11 : memref<128x128xf32, #tpu.memory_space<vmem>>) dst(%dma_wait3A_48 : memref<128x128xf32, #tpu.memory_space<vmem_shared>>)
      tpu.yield
    }) : () -> ()
    %mul3A_14 = arith.constant 632 : i32
    %mul3A_15 = arith.muli %arg1, %mul3A_14 : i32
    %add3A_16 = arith.constant 256 : i32
    %add3A_17 = arith.addi %mul3A_15, %add3A_16 : i32
    "tpu.region"() ({
      %run_scoped3A = tpu.sem_alloc : memref<!tpu.dma_semaphore, #tpu.memory_space<semaphore_mem>>
      %dma_start3A = arith.constant 0 : i32
      %dma_start3A_43 = tpu.memref_slice %arg13[%add3A_17, %dma_start3A] : memref<10112x128xf32, #tpu.memory_space<vmem_shared>> -> memref<128x128xf32, #tpu.memory_space<vmem_shared>>
      %dma_start3A_44 = arith.constant 0 : i32
      %dma_start3A_45 = tpu.memref_slice %arg13[%add3A_17, %dma_start3A_44] : memref<10112x128xf32, #tpu.memory_space<vmem_shared>> -> memref<128x128xf32, #tpu.memory_space<vmem_shared>>
      tpu.enqueue_dma source(%arg11 : memref<128x128xf32, #tpu.memory_space<vmem>>) target(%dma_start3A_45 : memref<128x128xf32, #tpu.memory_space<vmem_shared>>) target_semaphore(%run_scoped3A : memref<!tpu.dma_semaphore, #tpu.memory_space<semaphore_mem>>)
      %dma_wait3A = arith.constant 0 : i32
      %dma_wait3A_46 = tpu.memref_slice %arg13[%add3A_17, %dma_wait3A] : memref<10112x128xf32, #tpu.memory_space<vmem_shared>> -> memref<128x128xf32, #tpu.memory_space<vmem_shared>>
      %dma_wait3A_47 = arith.constant 0 : i32
      %dma_wait3A_48 = tpu.memref_slice %arg13[%add3A_17, %dma_wait3A_47] : memref<10112x128xf32, #tpu.memory_space<vmem_shared>> -> memref<128x128xf32, #tpu.memory_space<vmem_shared>>
      tpu.wait_dma2 semaphore(%run_scoped3A : memref<!tpu.dma_semaphore, #tpu.memory_space<semaphore_mem>>) src(%arg11 : memref<128x128xf32, #tpu.memory_space<vmem>>) dst(%dma_wait3A_48 : memref<128x128xf32, #tpu.memory_space<vmem_shared>>)
      tpu.yield
    }) : () -> ()
    %mul3A_18 = arith.constant 632 : i32
    %mul3A_19 = arith.muli %arg1, %mul3A_18 : i32
    %add3A_20 = arith.constant 384 : i32
    %add3A_21 = arith.addi %mul3A_19, %add3A_20 : i32
    "tpu.region"() ({
      %run_scoped3A = tpu.sem_alloc : memref<!tpu.dma_semaphore, #tpu.memory_space<semaphore_mem>>
      %dma_start3A = arith.constant 0 : i32
      %dma_start3A_43 = tpu.memref_slice %arg13[%add3A_21, %dma_start3A] : memref<10112x128xf32, #tpu.memory_space<vmem_shared>> -> memref<128x128xf32, #tpu.memory_space<vmem_shared>>
      %dma_start3A_44 = arith.constant 0 : i32
      %dma_start3A_45 = tpu.memref_slice %arg13[%add3A_21, %dma_start3A_44] : memref<10112x128xf32, #tpu.memory_space<vmem_shared>> -> memref<128x128xf32, #tpu.memory_space<vmem_shared>>
      tpu.enqueue_dma source(%arg11 : memref<128x128xf32, #tpu.memory_space<vmem>>) target(%dma_start3A_45 : memref<128x128xf32, #tpu.memory_space<vmem_shared>>) target_semaphore(%run_scoped3A : memref<!tpu.dma_semaphore, #tpu.memory_space<semaphore_mem>>)
      %dma_wait3A = arith.constant 0 : i32
      %dma_wait3A_46 = tpu.memref_slice %arg13[%add3A_21, %dma_wait3A] : memref<10112x128xf32, #tpu.memory_space<vmem_shared>> -> memref<128x128xf32, #tpu.memory_space<vmem_shared>>
      %dma_wait3A_47 = arith.constant 0 : i32
      %dma_wait3A_48 = tpu.memref_slice %arg13[%add3A_21, %dma_wait3A_47] : memref<10112x128xf32, #tpu.memory_space<vmem_shared>> -> memref<128x128xf32, #tpu.memory_space<vmem_shared>>
      tpu.wait_dma2 semaphore(%run_scoped3A : memref<!tpu.dma_semaphore, #tpu.memory_space<semaphore_mem>>) src(%arg11 : memref<128x128xf32, #tpu.memory_space<vmem>>) dst(%dma_wait3A_48 : memref<128x128xf32, #tpu.memory_space<vmem_shared>>)
      tpu.yield
    }) : () -> ()
    %mul3A_22 = arith.constant 632 : i32
    %mul3A_23 = arith.muli %arg1, %mul3A_22 : i32
    %add3A_24 = arith.constant 512 : i32
    %add3A_25 = arith.addi %mul3A_23, %add3A_24 : i32
    "tpu.region"() ({
      %run_scoped3A = tpu.sem_alloc : memref<!tpu.dma_semaphore, #tpu.memory_space<semaphore_mem>>
      %dma_start3A = arith.constant 0 : i32
      %dma_start3A_43 = arith.constant 0 : i32
      %dma_start3A_44 = tpu.memref_slice %arg11[%dma_start3A, %dma_start3A_43] : memref<128x128xf32, #tpu.memory_space<vmem>> -> memref<120x128xf32, #tpu.memory_space<vmem>>
      %dma_start3A_45 = arith.constant 0 : i32
      %dma_start3A_46 = tpu.memref_slice %arg13[%add3A_25, %dma_start3A_45] : memref<10112x128xf32, #tpu.memory_space<vmem_shared>> -> memref<120x128xf32, #tpu.memory_space<vmem_shared>>
      %dma_start3A_47 = arith.constant 0 : i32
      %dma_start3A_48 = tpu.memref_slice %arg13[%add3A_25, %dma_start3A_47] : memref<10112x128xf32, #tpu.memory_space<vmem_shared>> -> memref<120x128xf32, #tpu.memory_space<vmem_shared>>
      %dma_start3A_49 = arith.constant 0 : i32
      %dma_start3A_50 = arith.constant 0 : i32
      %dma_start3A_51 = tpu.memref_slice %arg11[%dma_start3A_49, %dma_start3A_50] : memref<128x128xf32, #tpu.memory_space<vmem>> -> memref<120x128xf32, #tpu.memory_space<vmem>>
      tpu.enqueue_dma source(%dma_start3A_51 : memref<120x128xf32, #tpu.memory_space<vmem>>) target(%dma_start3A_48 : memref<120x128xf32, #tpu.memory_space<vmem_shared>>) target_semaphore(%run_scoped3A : memref<!tpu.dma_semaphore, #tpu.memory_space<semaphore_mem>>)
      %dma_wait3A = arith.constant 0 : i32
      %dma_wait3A_52 = arith.constant 0 : i32
      %dma_wait3A_53 = tpu.memref_slice %arg11[%dma_wait3A, %dma_wait3A_52] : memref<128x128xf32, #tpu.memory_space<vmem>> -> memref<120x128xf32, #tpu.memory_space<vmem>>
      %dma_wait3A_54 = arith.constant 0 : i32
      %dma_wait3A_55 = tpu.memref_slice %arg13[%add3A_25, %dma_wait3A_54] : memref<10112x128xf32, #tpu.memory_space<vmem_shared>> -> memref<120x128xf32, #tpu.memory_space<vmem_shared>>
      %dma_wait3A_56 = arith.constant 0 : i32
      %dma_wait3A_57 = tpu.memref_slice %arg13[%add3A_25, %dma_wait3A_56] : memref<10112x128xf32, #tpu.memory_space<vmem_shared>> -> memref<120x128xf32, #tpu.memory_space<vmem_shared>>
      %dma_wait3A_58 = arith.constant 0 : i32
      %dma_wait3A_59 = arith.constant 0 : i32
      %dma_wait3A_60 = tpu.memref_slice %arg11[%dma_wait3A_58, %dma_wait3A_59] : memref<128x128xf32, #tpu.memory_space<vmem>> -> memref<120x128xf32, #tpu.memory_space<vmem>>
      tpu.wait_dma2 semaphore(%run_scoped3A : memref<!tpu.dma_semaphore, #tpu.memory_space<semaphore_mem>>) src(%dma_wait3A_60 : memref<120x128xf32, #tpu.memory_space<vmem>>) dst(%dma_wait3A_57 : memref<120x128xf32, #tpu.memory_space<vmem_shared>>)
      tpu.yield
    }) : () -> ()
    %barrier3A = arith.constant 0 : index
    tpu.barrier barrier_id(%barrier3A)
    %lt3A = arith.constant 31 : i32
    %lt3A_26 = arith.cmpi slt, %add3A, %lt3A : i32
    %convert_element_type3A = arith.extui %lt3A_26 : i1 to i32
    %cond3A = arith.constant 0 : i32
    %cond3A_27 = arith.cmpi ne, %convert_element_type3A, %cond3A : i32
    scf.if %cond3A_27 {
      %mul3A_43 = arith.constant 80 : i32
      %mul3A_44 = arith.muli %add3A, %mul3A_43 : i32
      %scan3A_45 = arith.constant 0 : i32
      %scan3A_46 = arith.constant 0 : i32
      %scan3A_47 = arith.constant 2 : i32
      %scan3A_48 = arith.addi %scan3A_46, %scan3A_47 : i32
      %scan3A_49 = arith.constant 1 : i32
      scf.for %scan3A_51 = %scan3A_46 to %scan3A_48 step %scan3A_49  : i32 {
        %mul3A_52 = arith.constant 40 : i32
        %mul3A_53 = arith.muli %scan3A_51, %mul3A_52 : i32
        %add3A_54 = arith.addi %mul3A_44, %mul3A_53 : i32
        %multiple_of3A = tpu.assume_multiple %add3A_54, 8 : i32
        "tpu.region"() ({
          %run_scoped3A = tpu.sem_alloc : memref<!tpu.dma_semaphore, #tpu.memory_space<semaphore_mem>>
          %dma_start3A_80 = arith.constant 0 : i32
          %dma_start3A_81 = arith.constant 0 : i32
          %dma_start3A_82 = tpu.memref_slice %arg9[%dma_start3A_80, %dma_start3A_81] : memref<40x128xi32, #tpu.memory_space<vmem>> -> memref<40x128xi32, #tpu.memory_space<vmem>>
          %dma_start3A_83 = arith.constant 0 : i32
          %dma_start3A_84 = tpu.memref_slice %arg3[%multiple_of3A, %dma_start3A_83] : memref<2500x128xi32, #tpu.memory_space<hbm>> -> memref<40x128xi32, #tpu.memory_space<hbm>>
          %dma_start3A_85 = arith.constant 0 : i32
          %dma_start3A_86 = arith.constant 0 : i32
          %dma_start3A_87 = tpu.memref_slice %arg9[%dma_start3A_85, %dma_start3A_86] : memref<40x128xi32, #tpu.memory_space<vmem>> -> memref<40x128xi32, #tpu.memory_space<vmem>>
          %dma_start3A_88 = arith.constant 0 : i32
          %dma_start3A_89 = tpu.memref_slice %arg3[%multiple_of3A, %dma_start3A_88] : memref<2500x128xi32, #tpu.memory_space<hbm>> -> memref<40x128xi32, #tpu.memory_space<hbm>>
          tpu.enqueue_dma source(%dma_start3A_89 : memref<40x128xi32, #tpu.memory_space<hbm>>) target(%dma_start3A_87 : memref<40x128xi32, #tpu.memory_space<vmem>>) target_semaphore(%run_scoped3A : memref<!tpu.dma_semaphore, #tpu.memory_space<semaphore_mem>>)
          %dma_wait3A_90 = arith.constant 0 : i32
          %dma_wait3A_91 = arith.constant 0 : i32
          %dma_wait3A_92 = tpu.memref_slice %arg9[%dma_wait3A_90, %dma_wait3A_91] : memref<40x128xi32, #tpu.memory_space<vmem>> -> memref<40x128xi32, #tpu.memory_space<vmem>>
          %dma_wait3A_93 = arith.constant 0 : i32
          %dma_wait3A_94 = tpu.memref_slice %arg3[%multiple_of3A, %dma_wait3A_93] : memref<2500x128xi32, #tpu.memory_space<hbm>> -> memref<40x128xi32, #tpu.memory_space<hbm>>
          %dma_wait3A_95 = arith.constant 0 : i32
          %dma_wait3A_96 = arith.constant 0 : i32
          %dma_wait3A_97 = tpu.memref_slice %arg9[%dma_wait3A_95, %dma_wait3A_96] : memref<40x128xi32, #tpu.memory_space<vmem>> -> memref<40x128xi32, #tpu.memory_space<vmem>>
          %dma_wait3A_98 = arith.constant 0 : i32
          %dma_wait3A_99 = tpu.memref_slice %arg3[%multiple_of3A, %dma_wait3A_98] : memref<2500x128xi32, #tpu.memory_space<hbm>> -> memref<40x128xi32, #tpu.memory_space<hbm>>
          tpu.wait_dma2 semaphore(%run_scoped3A : memref<!tpu.dma_semaphore, #tpu.memory_space<semaphore_mem>>) src(%dma_wait3A_99 : memref<40x128xi32, #tpu.memory_space<hbm>>) dst(%dma_wait3A_97 : memref<40x128xi32, #tpu.memory_space<vmem>>)
          tpu.yield
        }) : () -> ()
        "tpu.region"() ({
          %run_scoped3A = tpu.sem_alloc : memref<!tpu.dma_semaphore, #tpu.memory_space<semaphore_mem>>
          %dma_start3A_80 = arith.constant 0 : i32
          %dma_start3A_81 = arith.constant 0 : i32
          %dma_start3A_82 = tpu.memref_slice %arg10[%dma_start3A_80, %dma_start3A_81] : memref<40x128xi32, #tpu.memory_space<vmem>> -> memref<40x128xi32, #tpu.memory_space<vmem>>
          %dma_start3A_83 = arith.constant 0 : i32
          %dma_start3A_84 = tpu.memref_slice %arg4[%multiple_of3A, %dma_start3A_83] : memref<2500x128xi32, #tpu.memory_space<hbm>> -> memref<40x128xi32, #tpu.memory_space<hbm>>
          %dma_start3A_85 = arith.constant 0 : i32
          %dma_start3A_86 = arith.constant 0 : i32
          %dma_start3A_87 = tpu.memref_slice %arg10[%dma_start3A_85, %dma_start3A_86] : memref<40x128xi32, #tpu.memory_space<vmem>> -> memref<40x128xi32, #tpu.memory_space<vmem>>
          %dma_start3A_88 = arith.constant 0 : i32
          %dma_start3A_89 = tpu.memref_slice %arg4[%multiple_of3A, %dma_start3A_88] : memref<2500x128xi32, #tpu.memory_space<hbm>> -> memref<40x128xi32, #tpu.memory_space<hbm>>
          tpu.enqueue_dma source(%dma_start3A_89 : memref<40x128xi32, #tpu.memory_space<hbm>>) target(%dma_start3A_87 : memref<40x128xi32, #tpu.memory_space<vmem>>) target_semaphore(%run_scoped3A : memref<!tpu.dma_semaphore, #tpu.memory_space<semaphore_mem>>)
          %dma_wait3A_90 = arith.constant 0 : i32
          %dma_wait3A_91 = arith.constant 0 : i32
          %dma_wait3A_92 = tpu.memref_slice %arg10[%dma_wait3A_90, %dma_wait3A_91] : memref<40x128xi32, #tpu.memory_space<vmem>> -> memref<40x128xi32, #tpu.memory_space<vmem>>
          %dma_wait3A_93 = arith.constant 0 : i32
          %dma_wait3A_94 = tpu.memref_slice %arg4[%multiple_of3A, %dma_wait3A_93] : memref<2500x128xi32, #tpu.memory_space<hbm>> -> memref<40x128xi32, #tpu.memory_space<hbm>>
          %dma_wait3A_95 = arith.constant 0 : i32
          %dma_wait3A_96 = arith.constant 0 : i32
          %dma_wait3A_97 = tpu.memref_slice %arg10[%dma_wait3A_95, %dma_wait3A_96] : memref<40x128xi32, #tpu.memory_space<vmem>> -> memref<40x128xi32, #tpu.memory_space<vmem>>
          %dma_wait3A_98 = arith.constant 0 : i32
          %dma_wait3A_99 = tpu.memref_slice %arg4[%multiple_of3A, %dma_wait3A_98] : memref<2500x128xi32, #tpu.memory_space<hbm>> -> memref<40x128xi32, #tpu.memory_space<hbm>>
          tpu.wait_dma2 semaphore(%run_scoped3A : memref<!tpu.dma_semaphore, #tpu.memory_space<semaphore_mem>>) src(%dma_wait3A_99 : memref<40x128xi32, #tpu.memory_space<hbm>>) dst(%dma_wait3A_97 : memref<40x128xi32, #tpu.memory_space<vmem>>)
          tpu.yield
        }) : () -> ()
        %dma_start3A = arith.constant 0 : i32
        %dma_start3A_55 = arith.constant 0 : i32
        %dma_start3A_56 = tpu.memref_slice %arg9[%dma_start3A, %dma_start3A_55] : memref<40x128xi32, #tpu.memory_space<vmem>> -> memref<1x128xi32, #tpu.memory_space<vmem>>
        %dma_start3A_57 = tpu.memref_squeeze %dma_start3A_56 : memref<1x128xi32, #tpu.memory_space<vmem>> -> memref<128xi32, #tpu.memory_space<vmem>>
        %dma_start3A_58 = arith.constant 0 : i32
        %dma_start3A_59 = arith.constant 0 : i32
        %dma_start3A_60 = tpu.memref_slice %arg2[%dma_start3A_58, %dma_start3A_59] : memref<10000x128xf32, #tpu.memory_space<hbm>> -> memref<10000x128xf32, #tpu.memory_space<hbm>>
        tpu.enqueue_indirect_dma source(%dma_start3A_60 : memref<10000x128xf32, #tpu.memory_space<hbm>>) target(%arg11 : memref<128x128xf32, #tpu.memory_space<vmem>>) offsets(%dma_start3A_57 : memref<128xi32, #tpu.memory_space<vmem>>) semaphore(%arg14 : memref<!tpu.dma_semaphore, #tpu.memory_space<semaphore_mem>>)
        %scan3A_61 = arith.constant 0 : i32
        %scan3A_62 = arith.constant 0 : i32
        %scan3A_63 = arith.constant 20 : i32
        %scan3A_64 = arith.addi %scan3A_62, %scan3A_63 : i32
        %scan3A_65 = arith.constant 1 : i32
        scf.for %scan3A_80 = %scan3A_62 to %scan3A_64 step %scan3A_65  : i32 {
          %mul3A_81 = arith.constant 2 : i32
          %mul3A_82 = arith.muli %mul3A_81, %scan3A_80 : i32
          %gt3A = arith.constant 0 : i32
          %gt3A_83 = arith.cmpi sgt, %scan3A_80, %gt3A : i32
          %convert_element_type3A_84 = arith.extui %gt3A_83 : i1 to i32
          %cond3A_85 = arith.constant 0 : i32
          %cond3A_86 = arith.cmpi ne, %convert_element_type3A_84, %cond3A_85 : i32
          scf.if %cond3A_86 {
            %dma_wait3A_128 = arith.constant 0 : i32
            %dma_wait3A_129 = arith.constant 0 : i32
            %dma_wait3A_130 = tpu.memref_slice %arg10[%dma_wait3A_128, %dma_wait3A_129] : memref<40x128xi32, #tpu.memory_space<vmem>> -> memref<1x128xi32, #tpu.memory_space<vmem>>
            %dma_wait3A_131 = tpu.memref_squeeze %dma_wait3A_130 : memref<1x128xi32, #tpu.memory_space<vmem>> -> memref<128xi32, #tpu.memory_space<vmem>>
            %dma_wait3A_132 = arith.constant 0 : i32
            %dma_wait3A_133 = arith.constant 0 : i32
            %dma_wait3A_134 = tpu.memref_slice %arg13[%dma_wait3A_132, %dma_wait3A_133] : memref<10112x128xf32, #tpu.memory_space<vmem_shared>> -> memref<10112x128xf32, #tpu.memory_space<vmem_shared>>
            tpu.wait_indirect_dma semaphore(%arg17 : memref<!tpu.dma_semaphore, #tpu.memory_space<semaphore_mem>>) src(%arg12 : memref<128x128xf32, #tpu.memory_space<vmem>>) dst(%dma_wait3A_134 : memref<10112x128xf32, #tpu.memory_space<vmem_shared>>)
          } else {
          }
          %add3A_87 = arith.constant 1 : i32
          %add3A_88 = arith.addi %mul3A_82, %add3A_87 : i32
          %dma_start3A_89 = arith.constant 0 : i32
          %dma_start3A_90 = tpu.memref_slice %arg9[%add3A_88, %dma_start3A_89] : memref<40x128xi32, #tpu.memory_space<vmem>> -> memref<1x128xi32, #tpu.memory_space<vmem>>
          %dma_start3A_91 = tpu.memref_squeeze %dma_start3A_90 : memref<1x128xi32, #tpu.memory_space<vmem>> -> memref<128xi32, #tpu.memory_space<vmem>>
          %dma_start3A_92 = arith.constant 0 : i32
          %dma_start3A_93 = arith.constant 0 : i32
          %dma_start3A_94 = tpu.memref_slice %arg2[%dma_start3A_92, %dma_start3A_93] : memref<10000x128xf32, #tpu.memory_space<hbm>> -> memref<10000x128xf32, #tpu.memory_space<hbm>>
          tpu.enqueue_indirect_dma source(%dma_start3A_94 : memref<10000x128xf32, #tpu.memory_space<hbm>>) target(%arg12 : memref<128x128xf32, #tpu.memory_space<vmem>>) offsets(%dma_start3A_91 : memref<128xi32, #tpu.memory_space<vmem>>) semaphore(%arg15 : memref<!tpu.dma_semaphore, #tpu.memory_space<semaphore_mem>>)
          %dma_wait3A_95 = arith.constant 0 : i32
          %dma_wait3A_96 = arith.constant 0 : i32
          %dma_wait3A_97 = tpu.memref_slice %arg9[%dma_wait3A_95, %dma_wait3A_96] : memref<40x128xi32, #tpu.memory_space<vmem>> -> memref<1x128xi32, #tpu.memory_space<vmem>>
          %dma_wait3A_98 = tpu.memref_squeeze %dma_wait3A_97 : memref<1x128xi32, #tpu.memory_space<vmem>> -> memref<128xi32, #tpu.memory_space<vmem>>
          %dma_wait3A_99 = arith.constant 0 : i32
          %dma_wait3A_100 = arith.constant 0 : i32
          %dma_wait3A_101 = tpu.memref_slice %arg2[%dma_wait3A_99, %dma_wait3A_100] : memref<10000x128xf32, #tpu.memory_space<hbm>> -> memref<10000x128xf32, #tpu.memory_space<hbm>>
          tpu.wait_indirect_dma semaphore(%arg14 : memref<!tpu.dma_semaphore, #tpu.memory_space<semaphore_mem>>) src(%dma_wait3A_101 : memref<10000x128xf32, #tpu.memory_space<hbm>>) dst(%arg11 : memref<128x128xf32, #tpu.memory_space<vmem>>)
          %dma_start3A_102 = arith.constant 0 : i32
          %dma_start3A_103 = tpu.memref_slice %arg10[%mul3A_82, %dma_start3A_102] : memref<40x128xi32, #tpu.memory_space<vmem>> -> memref<1x128xi32, #tpu.memory_space<vmem>>
          %dma_start3A_104 = tpu.memref_squeeze %dma_start3A_103 : memref<1x128xi32, #tpu.memory_space<vmem>> -> memref<128xi32, #tpu.memory_space<vmem>>
          %dma_start3A_105 = arith.constant 0 : i32
          %dma_start3A_106 = arith.constant 0 : i32
          %dma_start3A_107 = tpu.memref_slice %arg13[%dma_start3A_105, %dma_start3A_106] : memref<10112x128xf32, #tpu.memory_space<vmem_shared>> -> memref<10112x128xf32, #tpu.memory_space<vmem_shared>>
          tpu.enqueue_indirect_dma source(%arg11 : memref<128x128xf32, #tpu.memory_space<vmem>>) target(%dma_start3A_107 : memref<10112x128xf32, #tpu.memory_space<vmem_shared>>) offsets(%dma_start3A_104 : memref<128xi32, #tpu.memory_space<vmem>>) semaphore(%arg16 : memref<!tpu.dma_semaphore, #tpu.memory_space<semaphore_mem>>) {add = true}
          %lt3A_108 = arith.constant 19 : i32
          %lt3A_109 = arith.cmpi slt, %scan3A_80, %lt3A_108 : i32
          %convert_element_type3A_110 = arith.extui %lt3A_109 : i1 to i32
          %cond3A_111 = arith.constant 0 : i32
          %cond3A_112 = arith.cmpi ne, %convert_element_type3A_110, %cond3A_111 : i32
          scf.if %cond3A_112 {
            %dma_wait3A_128 = arith.constant 0 : i32
            %dma_wait3A_129 = arith.constant 0 : i32
            %dma_wait3A_130 = tpu.memref_slice %arg10[%dma_wait3A_128, %dma_wait3A_129] : memref<40x128xi32, #tpu.memory_space<vmem>> -> memref<1x128xi32, #tpu.memory_space<vmem>>
            %dma_wait3A_131 = tpu.memref_squeeze %dma_wait3A_130 : memref<1x128xi32, #tpu.memory_space<vmem>> -> memref<128xi32, #tpu.memory_space<vmem>>
            %dma_wait3A_132 = arith.constant 0 : i32
            %dma_wait3A_133 = arith.constant 0 : i32
            %dma_wait3A_134 = tpu.memref_slice %arg13[%dma_wait3A_132, %dma_wait3A_133] : memref<10112x128xf32, #tpu.memory_space<vmem_shared>> -> memref<10112x128xf32, #tpu.memory_space<vmem_shared>>
            tpu.wait_indirect_dma semaphore(%arg16 : memref<!tpu.dma_semaphore, #tpu.memory_space<semaphore_mem>>) src(%arg11 : memref<128x128xf32, #tpu.memory_space<vmem>>) dst(%dma_wait3A_134 : memref<10112x128xf32, #tpu.memory_space<vmem_shared>>)
            %add3A_135 = arith.constant 2 : i32
            %add3A_136 = arith.addi %mul3A_82, %add3A_135 : i32
            %dma_start3A_137 = arith.constant 0 : i32
            %dma_start3A_138 = tpu.memref_slice %arg9[%add3A_136, %dma_start3A_137] : memref<40x128xi32, #tpu.memory_space<vmem>> -> memref<1x128xi32, #tpu.memory_space<vmem>>
            %dma_start3A_139 = tpu.memref_squeeze %dma_start3A_138 : memref<1x128xi32, #tpu.memory_space<vmem>> -> memref<128xi32, #tpu.memory_space<vmem>>
            %dma_start3A_140 = arith.constant 0 : i32
            %dma_start3A_141 = arith.constant 0 : i32
            %dma_start3A_142 = tpu.memref_slice %arg2[%dma_start3A_140, %dma_start3A_141] : memref<10000x128xf32, #tpu.memory_space<hbm>> -> memref<10000x128xf32, #tpu.memory_space<hbm>>
            tpu.enqueue_indirect_dma source(%dma_start3A_142 : memref<10000x128xf32, #tpu.memory_space<hbm>>) target(%arg11 : memref<128x128xf32, #tpu.memory_space<vmem>>) offsets(%dma_start3A_139 : memref<128xi32, #tpu.memory_space<vmem>>) semaphore(%arg14 : memref<!tpu.dma_semaphore, #tpu.memory_space<semaphore_mem>>)
          } else {
          }
          %dma_wait3A_113 = arith.constant 0 : i32
          %dma_wait3A_114 = arith.constant 0 : i32
          %dma_wait3A_115 = tpu.memref_slice %arg9[%dma_wait3A_113, %dma_wait3A_114] : memref<40x128xi32, #tpu.memory_space<vmem>> -> memref<1x128xi32, #tpu.memory_space<vmem>>
          %dma_wait3A_116 = tpu.memref_squeeze %dma_wait3A_115 : memref<1x128xi32, #tpu.memory_space<vmem>> -> memref<128xi32, #tpu.memory_space<vmem>>
          %dma_wait3A_117 = arith.constant 0 : i32
          %dma_wait3A_118 = arith.constant 0 : i32
          %dma_wait3A_119 = tpu.memref_slice %arg2[%dma_wait3A_117, %dma_wait3A_118] : memref<10000x128xf32, #tpu.memory_space<hbm>> -> memref<10000x128xf32, #tpu.memory_space<hbm>>
          tpu.wait_indirect_dma semaphore(%arg15 : memref<!tpu.dma_semaphore, #tpu.memory_space<semaphore_mem>>) src(%dma_wait3A_119 : memref<10000x128xf32, #tpu.memory_space<hbm>>) dst(%arg12 : memref<128x128xf32, #tpu.memory_space<vmem>>)
          %add3A_120 = arith.constant 1 : i32
          %add3A_121 = arith.addi %mul3A_82, %add3A_120 : i32
          %dma_start3A_122 = arith.constant 0 : i32
          %dma_start3A_123 = tpu.memref_slice %arg10[%add3A_121, %dma_start3A_122] : memref<40x128xi32, #tpu.memory_space<vmem>> -> memref<1x128xi32, #tpu.memory_space<vmem>>
          %dma_start3A_124 = tpu.memref_squeeze %dma_start3A_123 : memref<1x128xi32, #tpu.memory_space<vmem>> -> memref<128xi32, #tpu.memory_space<vmem>>
          %dma_start3A_125 = arith.constant 0 : i32
          %dma_start3A_126 = arith.constant 0 : i32
          %dma_start3A_127 = tpu.memref_slice %arg13[%dma_start3A_125, %dma_start3A_126] : memref<10112x128xf32, #tpu.memory_space<vmem_shared>> -> memref<10112x128xf32, #tpu.memory_space<vmem_shared>>
          tpu.enqueue_indirect_dma source(%arg12 : memref<128x128xf32, #tpu.memory_space<vmem>>) target(%dma_start3A_127 : memref<10112x128xf32, #tpu.memory_space<vmem_shared>>) offsets(%dma_start3A_124 : memref<128xi32, #tpu.memory_space<vmem>>) semaphore(%arg17 : memref<!tpu.dma_semaphore, #tpu.memory_space<semaphore_mem>>) {add = true}
        }
        %scan3A_66 = arith.constant 20 : i32
        %dma_wait3A = arith.constant 0 : i32
        %dma_wait3A_67 = arith.constant 0 : i32
        %dma_wait3A_68 = tpu.memref_slice %arg10[%dma_wait3A, %dma_wait3A_67] : memref<40x128xi32, #tpu.memory_space<vmem>> -> memref<1x128xi32, #tpu.memory_space<vmem>>
        %dma_wait3A_69 = tpu.memref_squeeze %dma_wait3A_68 : memref<1x128xi32, #tpu.memory_space<vmem>> -> memref<128xi32, #tpu.memory_space<vmem>>
        %dma_wait3A_70 = arith.constant 0 : i32
        %dma_wait3A_71 = arith.constant 0 : i32
        %dma_wait3A_72 = tpu.memref_slice %arg13[%dma_wait3A_70, %dma_wait3A_71] : memref<10112x128xf32, #tpu.memory_space<vmem_shared>> -> memref<10112x128xf32, #tpu.memory_space<vmem_shared>>
        tpu.wait_indirect_dma semaphore(%arg16 : memref<!tpu.dma_semaphore, #tpu.memory_space<semaphore_mem>>) src(%arg11 : memref<128x128xf32, #tpu.memory_space<vmem>>) dst(%dma_wait3A_72 : memref<10112x128xf32, #tpu.memory_space<vmem_shared>>)
        %dma_wait3A_73 = arith.constant 0 : i32
        %dma_wait3A_74 = arith.constant 0 : i32
        %dma_wait3A_75 = tpu.memref_slice %arg10[%dma_wait3A_73, %dma_wait3A_74] : memref<40x128xi32, #tpu.memory_space<vmem>> -> memref<1x128xi32, #tpu.memory_space<vmem>>
        %dma_wait3A_76 = tpu.memref_squeeze %dma_wait3A_75 : memref<1x128xi32, #tpu.memory_space<vmem>> -> memref<128xi32, #tpu.memory_space<vmem>>
        %dma_wait3A_77 = arith.constant 0 : i32
        %dma_wait3A_78 = arith.constant 0 : i32
        %dma_wait3A_79 = tpu.memref_slice %arg13[%dma_wait3A_77, %dma_wait3A_78] : memref<10112x128xf32, #tpu.memory_space<vmem_shared>> -> memref<10112x128xf32, #tpu.memory_space<vmem_shared>>
        tpu.wait_indirect_dma semaphore(%arg17 : memref<!tpu.dma_semaphore, #tpu.memory_space<semaphore_mem>>) src(%arg12 : memref<128x128xf32, #tpu.memory_space<vmem>>) dst(%dma_wait3A_79 : memref<10112x128xf32, #tpu.memory_space<vmem_shared>>)
      }
      %scan3A_50 = arith.constant 2 : i32
    } else {
    }
    %eq3A = arith.constant 31 : i32
    %eq3A_28 = arith.cmpi eq, %add3A, %eq3A : i32
    %convert_element_type3A_29 = arith.extui %eq3A_28 : i1 to i32
    %cond3A_30 = arith.constant 0 : i32
    %cond3A_31 = arith.cmpi ne, %convert_element_type3A_29, %cond3A_30 : i32
    scf.if %cond3A_31 {
      %multiple_of3A = arith.constant 0 : i32
      %multiple_of3A_43 = tpu.assume_multiple %multiple_of3A, 8 : i32
      "tpu.region"() ({
        %run_scoped3A = tpu.sem_alloc : memref<!tpu.dma_semaphore, #tpu.memory_space<semaphore_mem>>
        %dma_start3A_69 = arith.constant 0 : i32
        %dma_start3A_70 = arith.constant 0 : i32
        %dma_start3A_71 = tpu.memref_slice %arg9[%dma_start3A_69, %dma_start3A_70] : memref<40x128xi32, #tpu.memory_space<vmem>> -> memref<24x128xi32, #tpu.memory_space<vmem>>
        %dma_start3A_72 = arith.constant 0 : i32
        %dma_start3A_73 = tpu.memref_slice %arg5[%multiple_of3A_43, %dma_start3A_72] : memref<24x128xi32, #tpu.memory_space<hbm>> -> memref<24x128xi32, #tpu.memory_space<hbm>>
        %dma_start3A_74 = arith.constant 0 : i32
        %dma_start3A_75 = arith.constant 0 : i32
        %dma_start3A_76 = tpu.memref_slice %arg9[%dma_start3A_74, %dma_start3A_75] : memref<40x128xi32, #tpu.memory_space<vmem>> -> memref<24x128xi32, #tpu.memory_space<vmem>>
        %dma_start3A_77 = arith.constant 0 : i32
        %dma_start3A_78 = tpu.memref_slice %arg5[%multiple_of3A_43, %dma_start3A_77] : memref<24x128xi32, #tpu.memory_space<hbm>> -> memref<24x128xi32, #tpu.memory_space<hbm>>
        tpu.enqueue_dma source(%dma_start3A_78 : memref<24x128xi32, #tpu.memory_space<hbm>>) target(%dma_start3A_76 : memref<24x128xi32, #tpu.memory_space<vmem>>) target_semaphore(%run_scoped3A : memref<!tpu.dma_semaphore, #tpu.memory_space<semaphore_mem>>)
        %dma_wait3A_79 = arith.constant 0 : i32
        %dma_wait3A_80 = arith.constant 0 : i32
        %dma_wait3A_81 = tpu.memref_slice %arg9[%dma_wait3A_79, %dma_wait3A_80] : memref<40x128xi32, #tpu.memory_space<vmem>> -> memref<24x128xi32, #tpu.memory_space<vmem>>
        %dma_wait3A_82 = arith.constant 0 : i32
        %dma_wait3A_83 = tpu.memref_slice %arg5[%multiple_of3A_43, %dma_wait3A_82] : memref<24x128xi32, #tpu.memory_space<hbm>> -> memref<24x128xi32, #tpu.memory_space<hbm>>
        %dma_wait3A_84 = arith.constant 0 : i32
        %dma_wait3A_85 = arith.constant 0 : i32
        %dma_wait3A_86 = tpu.memref_slice %arg9[%dma_wait3A_84, %dma_wait3A_85] : memref<40x128xi32, #tpu.memory_space<vmem>> -> memref<24x128xi32, #tpu.memory_space<vmem>>
        %dma_wait3A_87 = arith.constant 0 : i32
        %dma_wait3A_88 = tpu.memref_slice %arg5[%multiple_of3A_43, %dma_wait3A_87] : memref<24x128xi32, #tpu.memory_space<hbm>> -> memref<24x128xi32, #tpu.memory_space<hbm>>
        tpu.wait_dma2 semaphore(%run_scoped3A : memref<!tpu.dma_semaphore, #tpu.memory_space<semaphore_mem>>) src(%dma_wait3A_88 : memref<24x128xi32, #tpu.memory_space<hbm>>) dst(%dma_wait3A_86 : memref<24x128xi32, #tpu.memory_space<vmem>>)
        tpu.yield
      }) : () -> ()
      "tpu.region"() ({
        %run_scoped3A = tpu.sem_alloc : memref<!tpu.dma_semaphore, #tpu.memory_space<semaphore_mem>>
        %dma_start3A_69 = arith.constant 0 : i32
        %dma_start3A_70 = arith.constant 0 : i32
        %dma_start3A_71 = tpu.memref_slice %arg10[%dma_start3A_69, %dma_start3A_70] : memref<40x128xi32, #tpu.memory_space<vmem>> -> memref<24x128xi32, #tpu.memory_space<vmem>>
        %dma_start3A_72 = arith.constant 0 : i32
        %dma_start3A_73 = tpu.memref_slice %arg6[%multiple_of3A_43, %dma_start3A_72] : memref<24x128xi32, #tpu.memory_space<hbm>> -> memref<24x128xi32, #tpu.memory_space<hbm>>
        %dma_start3A_74 = arith.constant 0 : i32
        %dma_start3A_75 = arith.constant 0 : i32
        %dma_start3A_76 = tpu.memref_slice %arg10[%dma_start3A_74, %dma_start3A_75] : memref<40x128xi32, #tpu.memory_space<vmem>> -> memref<24x128xi32, #tpu.memory_space<vmem>>
        %dma_start3A_77 = arith.constant 0 : i32
        %dma_start3A_78 = tpu.memref_slice %arg6[%multiple_of3A_43, %dma_start3A_77] : memref<24x128xi32, #tpu.memory_space<hbm>> -> memref<24x128xi32, #tpu.memory_space<hbm>>
        tpu.enqueue_dma source(%dma_start3A_78 : memref<24x128xi32, #tpu.memory_space<hbm>>) target(%dma_start3A_76 : memref<24x128xi32, #tpu.memory_space<vmem>>) target_semaphore(%run_scoped3A : memref<!tpu.dma_semaphore, #tpu.memory_space<semaphore_mem>>)
        %dma_wait3A_79 = arith.constant 0 : i32
        %dma_wait3A_80 = arith.constant 0 : i32
        %dma_wait3A_81 = tpu.memref_slice %arg10[%dma_wait3A_79, %dma_wait3A_80] : memref<40x128xi32, #tpu.memory_space<vmem>> -> memref<24x128xi32, #tpu.memory_space<vmem>>
        %dma_wait3A_82 = arith.constant 0 : i32
        %dma_wait3A_83 = tpu.memref_slice %arg6[%multiple_of3A_43, %dma_wait3A_82] : memref<24x128xi32, #tpu.memory_space<hbm>> -> memref<24x128xi32, #tpu.memory_space<hbm>>
        %dma_wait3A_84 = arith.constant 0 : i32
        %dma_wait3A_85 = arith.constant 0 : i32
        %dma_wait3A_86 = tpu.memref_slice %arg10[%dma_wait3A_84, %dma_wait3A_85] : memref<40x128xi32, #tpu.memory_space<vmem>> -> memref<24x128xi32, #tpu.memory_space<vmem>>
        %dma_wait3A_87 = arith.constant 0 : i32
        %dma_wait3A_88 = tpu.memref_slice %arg6[%multiple_of3A_43, %dma_wait3A_87] : memref<24x128xi32, #tpu.memory_space<hbm>> -> memref<24x128xi32, #tpu.memory_space<hbm>>
        tpu.wait_dma2 semaphore(%run_scoped3A : memref<!tpu.dma_semaphore, #tpu.memory_space<semaphore_mem>>) src(%dma_wait3A_88 : memref<24x128xi32, #tpu.memory_space<hbm>>) dst(%dma_wait3A_86 : memref<24x128xi32, #tpu.memory_space<vmem>>)
        tpu.yield
      }) : () -> ()
      %dma_start3A = arith.constant 0 : i32
      %dma_start3A_44 = arith.constant 0 : i32
      %dma_start3A_45 = tpu.memref_slice %arg9[%dma_start3A, %dma_start3A_44] : memref<40x128xi32, #tpu.memory_space<vmem>> -> memref<1x128xi32, #tpu.memory_space<vmem>>
      %dma_start3A_46 = tpu.memref_squeeze %dma_start3A_45 : memref<1x128xi32, #tpu.memory_space<vmem>> -> memref<128xi32, #tpu.memory_space<vmem>>
      %dma_start3A_47 = arith.constant 0 : i32
      %dma_start3A_48 = arith.constant 0 : i32
      %dma_start3A_49 = tpu.memref_slice %arg2[%dma_start3A_47, %dma_start3A_48] : memref<10000x128xf32, #tpu.memory_space<hbm>> -> memref<10000x128xf32, #tpu.memory_space<hbm>>
      tpu.enqueue_indirect_dma source(%dma_start3A_49 : memref<10000x128xf32, #tpu.memory_space<hbm>>) target(%arg11 : memref<128x128xf32, #tpu.memory_space<vmem>>) offsets(%dma_start3A_46 : memref<128xi32, #tpu.memory_space<vmem>>) semaphore(%arg14 : memref<!tpu.dma_semaphore, #tpu.memory_space<semaphore_mem>>)
      %scan3A_50 = arith.constant 0 : i32
      %scan3A_51 = arith.constant 0 : i32
      %scan3A_52 = arith.constant 12 : i32
      %scan3A_53 = arith.addi %scan3A_51, %scan3A_52 : i32
      %scan3A_54 = arith.constant 1 : i32
      scf.for %scan3A_69 = %scan3A_51 to %scan3A_53 step %scan3A_54  : i32 {
        %mul3A_70 = arith.constant 2 : i32
        %mul3A_71 = arith.muli %mul3A_70, %scan3A_69 : i32
        %gt3A = arith.constant 0 : i32
        %gt3A_72 = arith.cmpi sgt, %scan3A_69, %gt3A : i32
        %convert_element_type3A_73 = arith.extui %gt3A_72 : i1 to i32
        %cond3A_74 = arith.constant 0 : i32
        %cond3A_75 = arith.cmpi ne, %convert_element_type3A_73, %cond3A_74 : i32
        scf.if %cond3A_75 {
          %dma_wait3A_117 = arith.constant 0 : i32
          %dma_wait3A_118 = arith.constant 0 : i32
          %dma_wait3A_119 = tpu.memref_slice %arg10[%dma_wait3A_117, %dma_wait3A_118] : memref<40x128xi32, #tpu.memory_space<vmem>> -> memref<1x128xi32, #tpu.memory_space<vmem>>
          %dma_wait3A_120 = tpu.memref_squeeze %dma_wait3A_119 : memref<1x128xi32, #tpu.memory_space<vmem>> -> memref<128xi32, #tpu.memory_space<vmem>>
          %dma_wait3A_121 = arith.constant 0 : i32
          %dma_wait3A_122 = arith.constant 0 : i32
          %dma_wait3A_123 = tpu.memref_slice %arg13[%dma_wait3A_121, %dma_wait3A_122] : memref<10112x128xf32, #tpu.memory_space<vmem_shared>> -> memref<10112x128xf32, #tpu.memory_space<vmem_shared>>
          tpu.wait_indirect_dma semaphore(%arg17 : memref<!tpu.dma_semaphore, #tpu.memory_space<semaphore_mem>>) src(%arg12 : memref<128x128xf32, #tpu.memory_space<vmem>>) dst(%dma_wait3A_123 : memref<10112x128xf32, #tpu.memory_space<vmem_shared>>)
        } else {
        }
        %add3A_76 = arith.constant 1 : i32
        %add3A_77 = arith.addi %mul3A_71, %add3A_76 : i32
        %dma_start3A_78 = arith.constant 0 : i32
        %dma_start3A_79 = tpu.memref_slice %arg9[%add3A_77, %dma_start3A_78] : memref<40x128xi32, #tpu.memory_space<vmem>> -> memref<1x128xi32, #tpu.memory_space<vmem>>
        %dma_start3A_80 = tpu.memref_squeeze %dma_start3A_79 : memref<1x128xi32, #tpu.memory_space<vmem>> -> memref<128xi32, #tpu.memory_space<vmem>>
        %dma_start3A_81 = arith.constant 0 : i32
        %dma_start3A_82 = arith.constant 0 : i32
        %dma_start3A_83 = tpu.memref_slice %arg2[%dma_start3A_81, %dma_start3A_82] : memref<10000x128xf32, #tpu.memory_space<hbm>> -> memref<10000x128xf32, #tpu.memory_space<hbm>>
        tpu.enqueue_indirect_dma source(%dma_start3A_83 : memref<10000x128xf32, #tpu.memory_space<hbm>>) target(%arg12 : memref<128x128xf32, #tpu.memory_space<vmem>>) offsets(%dma_start3A_80 : memref<128xi32, #tpu.memory_space<vmem>>) semaphore(%arg15 : memref<!tpu.dma_semaphore, #tpu.memory_space<semaphore_mem>>)
        %dma_wait3A_84 = arith.constant 0 : i32
        %dma_wait3A_85 = arith.constant 0 : i32
        %dma_wait3A_86 = tpu.memref_slice %arg9[%dma_wait3A_84, %dma_wait3A_85] : memref<40x128xi32, #tpu.memory_space<vmem>> -> memref<1x128xi32, #tpu.memory_space<vmem>>
        %dma_wait3A_87 = tpu.memref_squeeze %dma_wait3A_86 : memref<1x128xi32, #tpu.memory_space<vmem>> -> memref<128xi32, #tpu.memory_space<vmem>>
        %dma_wait3A_88 = arith.constant 0 : i32
        %dma_wait3A_89 = arith.constant 0 : i32
        %dma_wait3A_90 = tpu.memref_slice %arg2[%dma_wait3A_88, %dma_wait3A_89] : memref<10000x128xf32, #tpu.memory_space<hbm>> -> memref<10000x128xf32, #tpu.memory_space<hbm>>
        tpu.wait_indirect_dma semaphore(%arg14 : memref<!tpu.dma_semaphore, #tpu.memory_space<semaphore_mem>>) src(%dma_wait3A_90 : memref<10000x128xf32, #tpu.memory_space<hbm>>) dst(%arg11 : memref<128x128xf32, #tpu.memory_space<vmem>>)
        %dma_start3A_91 = arith.constant 0 : i32
        %dma_start3A_92 = tpu.memref_slice %arg10[%mul3A_71, %dma_start3A_91] : memref<40x128xi32, #tpu.memory_space<vmem>> -> memref<1x128xi32, #tpu.memory_space<vmem>>
        %dma_start3A_93 = tpu.memref_squeeze %dma_start3A_92 : memref<1x128xi32, #tpu.memory_space<vmem>> -> memref<128xi32, #tpu.memory_space<vmem>>
        %dma_start3A_94 = arith.constant 0 : i32
        %dma_start3A_95 = arith.constant 0 : i32
        %dma_start3A_96 = tpu.memref_slice %arg13[%dma_start3A_94, %dma_start3A_95] : memref<10112x128xf32, #tpu.memory_space<vmem_shared>> -> memref<10112x128xf32, #tpu.memory_space<vmem_shared>>
        tpu.enqueue_indirect_dma source(%arg11 : memref<128x128xf32, #tpu.memory_space<vmem>>) target(%dma_start3A_96 : memref<10112x128xf32, #tpu.memory_space<vmem_shared>>) offsets(%dma_start3A_93 : memref<128xi32, #tpu.memory_space<vmem>>) semaphore(%arg16 : memref<!tpu.dma_semaphore, #tpu.memory_space<semaphore_mem>>) {add = true}
        %lt3A_97 = arith.constant 11 : i32
        %lt3A_98 = arith.cmpi slt, %scan3A_69, %lt3A_97 : i32
        %convert_element_type3A_99 = arith.extui %lt3A_98 : i1 to i32
        %cond3A_100 = arith.constant 0 : i32
        %cond3A_101 = arith.cmpi ne, %convert_element_type3A_99, %cond3A_100 : i32
        scf.if %cond3A_101 {
          %dma_wait3A_117 = arith.constant 0 : i32
          %dma_wait3A_118 = arith.constant 0 : i32
          %dma_wait3A_119 = tpu.memref_slice %arg10[%dma_wait3A_117, %dma_wait3A_118] : memref<40x128xi32, #tpu.memory_space<vmem>> -> memref<1x128xi32, #tpu.memory_space<vmem>>
          %dma_wait3A_120 = tpu.memref_squeeze %dma_wait3A_119 : memref<1x128xi32, #tpu.memory_space<vmem>> -> memref<128xi32, #tpu.memory_space<vmem>>
          %dma_wait3A_121 = arith.constant 0 : i32
          %dma_wait3A_122 = arith.constant 0 : i32
          %dma_wait3A_123 = tpu.memref_slice %arg13[%dma_wait3A_121, %dma_wait3A_122] : memref<10112x128xf32, #tpu.memory_space<vmem_shared>> -> memref<10112x128xf32, #tpu.memory_space<vmem_shared>>
          tpu.wait_indirect_dma semaphore(%arg16 : memref<!tpu.dma_semaphore, #tpu.memory_space<semaphore_mem>>) src(%arg11 : memref<128x128xf32, #tpu.memory_space<vmem>>) dst(%dma_wait3A_123 : memref<10112x128xf32, #tpu.memory_space<vmem_shared>>)
          %add3A_124 = arith.constant 2 : i32
          %add3A_125 = arith.addi %mul3A_71, %add3A_124 : i32
          %dma_start3A_126 = arith.constant 0 : i32
          %dma_start3A_127 = tpu.memref_slice %arg9[%add3A_125, %dma_start3A_126] : memref<40x128xi32, #tpu.memory_space<vmem>> -> memref<1x128xi32, #tpu.memory_space<vmem>>
          %dma_start3A_128 = tpu.memref_squeeze %dma_start3A_127 : memref<1x128xi32, #tpu.memory_space<vmem>> -> memref<128xi32, #tpu.memory_space<vmem>>
          %dma_start3A_129 = arith.constant 0 : i32
          %dma_start3A_130 = arith.constant 0 : i32
          %dma_start3A_131 = tpu.memref_slice %arg2[%dma_start3A_129, %dma_start3A_130] : memref<10000x128xf32, #tpu.memory_space<hbm>> -> memref<10000x128xf32, #tpu.memory_space<hbm>>
          tpu.enqueue_indirect_dma source(%dma_start3A_131 : memref<10000x128xf32, #tpu.memory_space<hbm>>) target(%arg11 : memref<128x128xf32, #tpu.memory_space<vmem>>) offsets(%dma_start3A_128 : memref<128xi32, #tpu.memory_space<vmem>>) semaphore(%arg14 : memref<!tpu.dma_semaphore, #tpu.memory_space<semaphore_mem>>)
        } else {
        }
        %dma_wait3A_102 = arith.constant 0 : i32
        %dma_wait3A_103 = arith.constant 0 : i32
        %dma_wait3A_104 = tpu.memref_slice %arg9[%dma_wait3A_102, %dma_wait3A_103] : memref<40x128xi32, #tpu.memory_space<vmem>> -> memref<1x128xi32, #tpu.memory_space<vmem>>
        %dma_wait3A_105 = tpu.memref_squeeze %dma_wait3A_104 : memref<1x128xi32, #tpu.memory_space<vmem>> -> memref<128xi32, #tpu.memory_space<vmem>>
        %dma_wait3A_106 = arith.constant 0 : i32
        %dma_wait3A_107 = arith.constant 0 : i32
        %dma_wait3A_108 = tpu.memref_slice %arg2[%dma_wait3A_106, %dma_wait3A_107] : memref<10000x128xf32, #tpu.memory_space<hbm>> -> memref<10000x128xf32, #tpu.memory_space<hbm>>
        tpu.wait_indirect_dma semaphore(%arg15 : memref<!tpu.dma_semaphore, #tpu.memory_space<semaphore_mem>>) src(%dma_wait3A_108 : memref<10000x128xf32, #tpu.memory_space<hbm>>) dst(%arg12 : memref<128x128xf32, #tpu.memory_space<vmem>>)
        %add3A_109 = arith.constant 1 : i32
        %add3A_110 = arith.addi %mul3A_71, %add3A_109 : i32
        %dma_start3A_111 = arith.constant 0 : i32
        %dma_start3A_112 = tpu.memref_slice %arg10[%add3A_110, %dma_start3A_111] : memref<40x128xi32, #tpu.memory_space<vmem>> -> memref<1x128xi32, #tpu.memory_space<vmem>>
        %dma_start3A_113 = tpu.memref_squeeze %dma_start3A_112 : memref<1x128xi32, #tpu.memory_space<vmem>> -> memref<128xi32, #tpu.memory_space<vmem>>
        %dma_start3A_114 = arith.constant 0 : i32
        %dma_start3A_115 = arith.constant 0 : i32
        %dma_start3A_116 = tpu.memref_slice %arg13[%dma_start3A_114, %dma_start3A_115] : memref<10112x128xf32, #tpu.memory_space<vmem_shared>> -> memref<10112x128xf32, #tpu.memory_space<vmem_shared>>
        tpu.enqueue_indirect_dma source(%arg12 : memref<128x128xf32, #tpu.memory_space<vmem>>) target(%dma_start3A_116 : memref<10112x128xf32, #tpu.memory_space<vmem_shared>>) offsets(%dma_start3A_113 : memref<128xi32, #tpu.memory_space<vmem>>) semaphore(%arg17 : memref<!tpu.dma_semaphore, #tpu.memory_space<semaphore_mem>>) {add = true}
      }
      %scan3A_55 = arith.constant 12 : i32
      %dma_wait3A = arith.constant 0 : i32
      %dma_wait3A_56 = arith.constant 0 : i32
      %dma_wait3A_57 = tpu.memref_slice %arg10[%dma_wait3A, %dma_wait3A_56] : memref<40x128xi32, #tpu.memory_space<vmem>> -> memref<1x128xi32, #tpu.memory_space<vmem>>
      %dma_wait3A_58 = tpu.memref_squeeze %dma_wait3A_57 : memref<1x128xi32, #tpu.memory_space<vmem>> -> memref<128xi32, #tpu.memory_space<vmem>>
      %dma_wait3A_59 = arith.constant 0 : i32
      %dma_wait3A_60 = arith.constant 0 : i32
      %dma_wait3A_61 = tpu.memref_slice %arg13[%dma_wait3A_59, %dma_wait3A_60] : memref<10112x128xf32, #tpu.memory_space<vmem_shared>> -> memref<10112x128xf32, #tpu.memory_space<vmem_shared>>
      tpu.wait_indirect_dma semaphore(%arg16 : memref<!tpu.dma_semaphore, #tpu.memory_space<semaphore_mem>>) src(%arg11 : memref<128x128xf32, #tpu.memory_space<vmem>>) dst(%dma_wait3A_61 : memref<10112x128xf32, #tpu.memory_space<vmem_shared>>)
      %dma_wait3A_62 = arith.constant 0 : i32
      %dma_wait3A_63 = arith.constant 0 : i32
      %dma_wait3A_64 = tpu.memref_slice %arg10[%dma_wait3A_62, %dma_wait3A_63] : memref<40x128xi32, #tpu.memory_space<vmem>> -> memref<1x128xi32, #tpu.memory_space<vmem>>
      %dma_wait3A_65 = tpu.memref_squeeze %dma_wait3A_64 : memref<1x128xi32, #tpu.memory_space<vmem>> -> memref<128xi32, #tpu.memory_space<vmem>>
      %dma_wait3A_66 = arith.constant 0 : i32
      %dma_wait3A_67 = arith.constant 0 : i32
      %dma_wait3A_68 = tpu.memref_slice %arg13[%dma_wait3A_66, %dma_wait3A_67] : memref<10112x128xf32, #tpu.memory_space<vmem_shared>> -> memref<10112x128xf32, #tpu.memory_space<vmem_shared>>
      tpu.wait_indirect_dma semaphore(%arg17 : memref<!tpu.dma_semaphore, #tpu.memory_space<semaphore_mem>>) src(%arg12 : memref<128x128xf32, #tpu.memory_space<vmem>>) dst(%dma_wait3A_68 : memref<10112x128xf32, #tpu.memory_space<vmem_shared>>)
    } else {
    }
    %barrier3A_32 = arith.constant 0 : index
    tpu.barrier barrier_id(%barrier3A_32)
    %eq3A_33 = arith.constant 0 : i32
    %eq3A_34 = arith.cmpi eq, %arg0, %eq3A_33 : i32
    %convert_element_type3A_35 = arith.extui %eq3A_34 : i1 to i32
    %cond3A_36 = arith.constant 0 : i32
    %cond3A_37 = arith.cmpi ne, %convert_element_type3A_35, %cond3A_36 : i32
    scf.if %cond3A_37 {
      %mul3A_43 = arith.constant 632 : i32
      %mul3A_44 = arith.muli %arg1, %mul3A_43 : i32
      %mul3A_45 = arith.constant 632 : i32
      %mul3A_46 = arith.muli %arg1, %mul3A_45 : i32
      "tpu.region"() ({
        %run_scoped3A = tpu.sem_alloc : memref<!tpu.dma_semaphore, #tpu.memory_space<semaphore_mem>>
        %dma_start3A = arith.constant 0 : i32
        %dma_start3A_47 = tpu.memref_slice %arg7[%mul3A_46, %dma_start3A] : memref<10112x128xf32, #tpu.memory_space<hbm>> -> memref<632x128xf32, #tpu.memory_space<hbm>>
        %dma_start3A_48 = arith.constant 0 : i32
        %dma_start3A_49 = tpu.memref_slice %arg13[%mul3A_44, %dma_start3A_48] : memref<10112x128xf32, #tpu.memory_space<vmem_shared>> -> memref<632x128xf32, #tpu.memory_space<vmem_shared>>
        tpu.enqueue_dma source(%dma_start3A_49 : memref<632x128xf32, #tpu.memory_space<vmem_shared>>) target(%dma_start3A_47 : memref<632x128xf32, #tpu.memory_space<hbm>>) target_semaphore(%run_scoped3A : memref<!tpu.dma_semaphore, #tpu.memory_space<semaphore_mem>>)
        %dma_wait3A = arith.constant 0 : i32
        %dma_wait3A_50 = tpu.memref_slice %arg7[%mul3A_46, %dma_wait3A] : memref<10112x128xf32, #tpu.memory_space<hbm>> -> memref<632x128xf32, #tpu.memory_space<hbm>>
        %dma_wait3A_51 = arith.constant 0 : i32
        %dma_wait3A_52 = tpu.memref_slice %arg13[%mul3A_44, %dma_wait3A_51] : memref<10112x128xf32, #tpu.memory_space<vmem_shared>> -> memref<632x128xf32, #tpu.memory_space<vmem_shared>>
        tpu.wait_dma2 semaphore(%run_scoped3A : memref<!tpu.dma_semaphore, #tpu.memory_space<semaphore_mem>>) src(%dma_wait3A_52 : memref<632x128xf32, #tpu.memory_space<vmem_shared>>) dst(%dma_wait3A_50 : memref<632x128xf32, #tpu.memory_space<hbm>>)
        tpu.yield
      }) : () -> ()
    } else {
    }
    %eq3A_38 = arith.constant 1 : i32
    %eq3A_39 = arith.cmpi eq, %arg0, %eq3A_38 : i32
    %convert_element_type3A_40 = arith.extui %eq3A_39 : i1 to i32
    %cond3A_41 = arith.constant 0 : i32
    %cond3A_42 = arith.cmpi ne, %convert_element_type3A_40, %cond3A_41 : i32
    scf.if %cond3A_42 {
      %mul3A_43 = arith.constant 632 : i32
      %mul3A_44 = arith.muli %arg1, %mul3A_43 : i32
      %mul3A_45 = arith.constant 632 : i32
      %mul3A_46 = arith.muli %arg1, %mul3A_45 : i32
      "tpu.region"() ({
        %run_scoped3A = tpu.sem_alloc : memref<!tpu.dma_semaphore, #tpu.memory_space<semaphore_mem>>
        %dma_start3A = arith.constant 0 : i32
        %dma_start3A_47 = tpu.memref_slice %arg8[%mul3A_46, %dma_start3A] : memref<10112x128xf32, #tpu.memory_space<hbm>> -> memref<632x128xf32, #tpu.memory_space<hbm>>
        %dma_start3A_48 = arith.constant 0 : i32
        %dma_start3A_49 = tpu.memref_slice %arg13[%mul3A_44, %dma_start3A_48] : memref<10112x128xf32, #tpu.memory_space<vmem_shared>> -> memref<632x128xf32, #tpu.memory_space<vmem_shared>>
        tpu.enqueue_dma source(%dma_start3A_49 : memref<632x128xf32, #tpu.memory_space<vmem_shared>>) target(%dma_start3A_47 : memref<632x128xf32, #tpu.memory_space<hbm>>) target_semaphore(%run_scoped3A : memref<!tpu.dma_semaphore, #tpu.memory_space<semaphore_mem>>)
        %dma_wait3A = arith.constant 0 : i32
        %dma_wait3A_50 = tpu.memref_slice %arg8[%mul3A_46, %dma_wait3A] : memref<10112x128xf32, #tpu.memory_space<hbm>> -> memref<632x128xf32, #tpu.memory_space<hbm>>
        %dma_wait3A_51 = arith.constant 0 : i32
        %dma_wait3A_52 = tpu.memref_slice %arg13[%mul3A_44, %dma_wait3A_51] : memref<10112x128xf32, #tpu.memory_space<vmem_shared>> -> memref<632x128xf32, #tpu.memory_space<vmem_shared>>
        tpu.wait_dma2 semaphore(%run_scoped3A : memref<!tpu.dma_semaphore, #tpu.memory_space<semaphore_mem>>) src(%dma_wait3A_52 : memref<632x128xf32, #tpu.memory_space<vmem_shared>>) dst(%dma_wait3A_50 : memref<632x128xf32, #tpu.memory_space<hbm>>)
        tpu.yield
      }) : () -> ()
    } else {
    }
    return
  }
}

#map = affine_map<(d0, d1) -> (0, 0)>
module attributes {stable_mosaic.version = 14 : i64} {
  func.func @_agg_edge_split_body(%arg0: i32, %arg1: i32, %arg2: memref<10000x128xf32, #tpu.memory_space<hbm>>, %arg3: memref<2500x128xi32, #tpu.memory_space<hbm>>, %arg4: memref<2500x128xi32, #tpu.memory_space<hbm>>, %arg5: memref<24x128xi32, #tpu.memory_space<hbm>>, %arg6: memref<24x128xi32, #tpu.memory_space<hbm>>, %arg7: memref<10112x128xf32, #tpu.memory_space<hbm>>, %arg8: memref<10112x128xf32, #tpu.memory_space<hbm>>, %arg9: memref<40x128xi32, #tpu.memory_space<vmem>>, %arg10: memref<40x128xi32, #tpu.memory_space<vmem>>, %arg11: memref<128x128xf32, #tpu.memory_space<vmem>>, %arg12: memref<128x128xf32, #tpu.memory_space<vmem>>, %arg13: memref<10112x128xf32, #tpu.memory_space<vmem_shared>>, %arg14: memref<!tpu.dma_semaphore, #tpu.memory_space<semaphore_mem>>, %arg15: memref<!tpu.dma_semaphore, #tpu.memory_space<semaphore_mem>>, %arg16: memref<!tpu.dma_semaphore, #tpu.memory_space<semaphore_mem>>, %arg17: memref<!tpu.dma_semaphore, #tpu.memory_space<semaphore_mem>>) attributes {dimension_semantics = [#tpu.dimension_semantics<core_parallel>, #tpu.dimension_semantics<subcore_parallel>], iteration_bounds = array<i64: 2, 16>, scalar_prefetch = 0 : i64, scratch_operands = 9 : i64, tpu.core_type = #tpu.core_type<sc_vector_subcore>, window_params = [{transform_indices = #map}, {transform_indices = #map}, {transform_indices = #map}, {transform_indices = #map}, {transform_indices = #map}, {transform_indices = #map}, {transform_indices = #map}]} {
    %mul3A = arith.constant 16 : i32
    %mul3A_0 = arith.muli %arg0, %mul3A : i32
    %add3A = arith.addi %mul3A_0, %arg1 : i32
    %scan3A = arith.constant 0 : i32
    %scan3A_1 = arith.constant 0 : i32
    %scan3A_2 = arith.constant 128 : i32
    %scan3A_3 = arith.addi %scan3A_1, %scan3A_2 : i32
    %scan3A_4 = arith.constant 1 : i32
    scf.for %scan3A_43 = %scan3A_1 to %scan3A_3 step %scan3A_4  : i32 {
      %broadcast_in_dim3A = arith.constant 0.000000e+00 : f32
      %broadcast_in_dim3A_44 = vector.broadcast %broadcast_in_dim3A : f32 to vector<16xf32>
      %swap3A = arith.index_cast %scan3A_43 : i32 to index
      %swap3A_45 = arith.constant 0 : index
      %swap3A_46 = tpu.vector_load %arg11[%swap3A, %swap3A_45] {strides = array<i32>} : memref<128x128xf32, #tpu.memory_space<vmem>>, vector<1x16xf32>,
      %swap3A_47 = vector.shape_cast %swap3A_46 : vector<1x16xf32> to vector<16xf32>
      %swap3A_48 = vector.shape_cast %broadcast_in_dim3A_44 : vector<16xf32> to vector<1x16xf32>
      tpu.vector_store %arg11[%swap3A, %swap3A_45], %swap3A_48 {strides = array<i32>} : memref<128x128xf32, #tpu.memory_space<vmem>>, vector<1x16xf32>,
      %broadcast_in_dim3A_49 = arith.constant 0.000000e+00 : f32
      %broadcast_in_dim3A_50 = vector.broadcast %broadcast_in_dim3A_49 : f32 to vector<16xf32>
      %swap3A_51 = arith.index_cast %scan3A_43 : i32 to index
      %swap3A_52 = arith.constant 16 : index
      %swap3A_53 = tpu.vector_load %arg11[%swap3A_51, %swap3A_52] {strides = array<i32>} : memref<128x128xf32, #tpu.memory_space<vmem>>, vector<1x16xf32>,
      %swap3A_54 = vector.shape_cast %swap3A_53 : vector<1x16xf32> to vector<16xf32>
      %swap3A_55 = vector.shape_cast %broadcast_in_dim3A_50 : vector<16xf32> to vector<1x16xf32>
      tpu.vector_store %arg11[%swap3A_51, %swap3A_52], %swap3A_55 {strides = array<i32>} : memref<128x128xf32, #tpu.memory_space<vmem>>, vector<1x16xf32>,
      %broadcast_in_dim3A_56 = arith.constant 0.000000e+00 : f32
      %broadcast_in_dim3A_57 = vector.broadcast %broadcast_in_dim3A_56 : f32 to vector<16xf32>
      %swap3A_58 = arith.index_cast %scan3A_43 : i32 to index
      %swap3A_59 = arith.constant 32 : index
      %swap3A_60 = tpu.vector_load %arg11[%swap3A_58, %swap3A_59] {strides = array<i32>} : memref<128x128xf32, #tpu.memory_space<vmem>>, vector<1x16xf32>,
      %swap3A_61 = vector.shape_cast %swap3A_60 : vector<1x16xf32> to vector<16xf32>
      %swap3A_62 = vector.shape_cast %broadcast_in_dim3A_57 : vector<16xf32> to vector<1x16xf32>
      tpu.vector_store %arg11[%swap3A_58, %swap3A_59], %swap3A_62 {strides = array<i32>} : memref<128x128xf32, #tpu.memory_space<vmem>>, vector<1x16xf32>,
      %broadcast_in_dim3A_63 = arith.constant 0.000000e+00 : f32
      %broadcast_in_dim3A_64 = vector.broadcast %broadcast_in_dim3A_63 : f32 to vector<16xf32>
      %swap3A_65 = arith.index_cast %scan3A_43 : i32 to index
      %swap3A_66 = arith.constant 48 : index
      %swap3A_67 = tpu.vector_load %arg11[%swap3A_65, %swap3A_66] {strides = array<i32>} : memref<128x128xf32, #tpu.memory_space<vmem>>, vector<1x16xf32>,
      %swap3A_68 = vector.shape_cast %swap3A_67 : vector<1x16xf32> to vector<16xf32>
      %swap3A_69 = vector.shape_cast %broadcast_in_dim3A_64 : vector<16xf32> to vector<1x16xf32>
      tpu.vector_store %arg11[%swap3A_65, %swap3A_66], %swap3A_69 {strides = array<i32>} : memref<128x128xf32, #tpu.memory_space<vmem>>, vector<1x16xf32>,
      %broadcast_in_dim3A_70 = arith.constant 0.000000e+00 : f32
      %broadcast_in_dim3A_71 = vector.broadcast %broadcast_in_dim3A_70 : f32 to vector<16xf32>
      %swap3A_72 = arith.index_cast %scan3A_43 : i32 to index
      %swap3A_73 = arith.constant 64 : index
      %swap3A_74 = tpu.vector_load %arg11[%swap3A_72, %swap3A_73] {strides = array<i32>} : memref<128x128xf32, #tpu.memory_space<vmem>>, vector<1x16xf32>,
      %swap3A_75 = vector.shape_cast %swap3A_74 : vector<1x16xf32> to vector<16xf32>
      %swap3A_76 = vector.shape_cast %broadcast_in_dim3A_71 : vector<16xf32> to vector<1x16xf32>
      tpu.vector_store %arg11[%swap3A_72, %swap3A_73], %swap3A_76 {strides = array<i32>} : memref<128x128xf32, #tpu.memory_space<vmem>>, vector<1x16xf32>,
      %broadcast_in_dim3A_77 = arith.constant 0.000000e+00 : f32
      %broadcast_in_dim3A_78 = vector.broadcast %broadcast_in_dim3A_77 : f32 to vector<16xf32>
      %swap3A_79 = arith.index_cast %scan3A_43 : i32 to index
      %swap3A_80 = arith.constant 80 : index
      %swap3A_81 = tpu.vector_load %arg11[%swap3A_79, %swap3A_80] {strides = array<i32>} : memref<128x128xf32, #tpu.memory_space<vmem>>, vector<1x16xf32>,
      %swap3A_82 = vector.shape_cast %swap3A_81 : vector<1x16xf32> to vector<16xf32>
      %swap3A_83 = vector.shape_cast %broadcast_in_dim3A_78 : vector<16xf32> to vector<1x16xf32>
      tpu.vector_store %arg11[%swap3A_79, %swap3A_80], %swap3A_83 {strides = array<i32>} : memref<128x128xf32, #tpu.memory_space<vmem>>, vector<1x16xf32>,
      %broadcast_in_dim3A_84 = arith.constant 0.000000e+00 : f32
      %broadcast_in_dim3A_85 = vector.broadcast %broadcast_in_dim3A_84 : f32 to vector<16xf32>
      %swap3A_86 = arith.index_cast %scan3A_43 : i32 to index
      %swap3A_87 = arith.constant 96 : index
      %swap3A_88 = tpu.vector_load %arg11[%swap3A_86, %swap3A_87] {strides = array<i32>} : memref<128x128xf32, #tpu.memory_space<vmem>>, vector<1x16xf32>,
      %swap3A_89 = vector.shape_cast %swap3A_88 : vector<1x16xf32> to vector<16xf32>
      %swap3A_90 = vector.shape_cast %broadcast_in_dim3A_85 : vector<16xf32> to vector<1x16xf32>
      tpu.vector_store %arg11[%swap3A_86, %swap3A_87], %swap3A_90 {strides = array<i32>} : memref<128x128xf32, #tpu.memory_space<vmem>>, vector<1x16xf32>,
      %broadcast_in_dim3A_91 = arith.constant 0.000000e+00 : f32
      %broadcast_in_dim3A_92 = vector.broadcast %broadcast_in_dim3A_91 : f32 to vector<16xf32>
      %swap3A_93 = arith.index_cast %scan3A_43 : i32 to index
      %swap3A_94 = arith.constant 112 : index
      %swap3A_95 = tpu.vector_load %arg11[%swap3A_93, %swap3A_94] {strides = array<i32>} : memref<128x128xf32, #tpu.memory_space<vmem>>, vector<1x16xf32>,
      %swap3A_96 = vector.shape_cast %swap3A_95 : vector<1x16xf32> to vector<16xf32>
      %swap3A_97 = vector.shape_cast %broadcast_in_dim3A_92 : vector<16xf32> to vector<1x16xf32>
      tpu.vector_store %arg11[%swap3A_93, %swap3A_94], %swap3A_97 {strides = array<i32>} : memref<128x128xf32, #tpu.memory_space<vmem>>, vector<1x16xf32>,
    }
    %scan3A_5 = arith.constant 128 : i32
    %mul3A_6 = arith.constant 632 : i32
    %mul3A_7 = arith.muli %arg1, %mul3A_6 : i32
    %add3A_8 = arith.constant 0 : i32
    %add3A_9 = arith.addi %mul3A_7, %add3A_8 : i32
    "tpu.region"() ({
      %run_scoped3A = tpu.sem_alloc : memref<!tpu.dma_semaphore, #tpu.memory_space<semaphore_mem>>
      %dma_start3A = arith.constant 0 : i32
      %dma_start3A_43 = tpu.memref_slice %arg13[%add3A_9, %dma_start3A] : memref<10112x128xf32, #tpu.memory_space<vmem_shared>> -> memref<128x128xf32, #tpu.memory_space<vmem_shared>>
      %dma_start3A_44 = arith.constant 0 : i32
      %dma_start3A_45 = tpu.memref_slice %arg13[%add3A_9, %dma_start3A_44] : memref<10112x128xf32, #tpu.memory_space<vmem_shared>> -> memref<128x128xf32, #tpu.memory_space<vmem_shared>>
      tpu.enqueue_dma source(%arg11 : memref<128x128xf32, #tpu.memory_space<vmem>>) target(%dma_start3A_45 : memref<128x128xf32, #tpu.memory_space<vmem_shared>>) target_semaphore(%run_scoped3A : memref<!tpu.dma_semaphore, #tpu.memory_space<semaphore_mem>>)
      %dma_wait3A = arith.constant 0 : i32
      %dma_wait3A_46 = tpu.memref_slice %arg13[%add3A_9, %dma_wait3A] : memref<10112x128xf32, #tpu.memory_space<vmem_shared>> -> memref<128x128xf32, #tpu.memory_space<vmem_shared>>
      %dma_wait3A_47 = arith.constant 0 : i32
      %dma_wait3A_48 = tpu.memref_slice %arg13[%add3A_9, %dma_wait3A_47] : memref<10112x128xf32, #tpu.memory_space<vmem_shared>> -> memref<128x128xf32, #tpu.memory_space<vmem_shared>>
      tpu.wait_dma2 semaphore(%run_scoped3A : memref<!tpu.dma_semaphore, #tpu.memory_space<semaphore_mem>>) src(%arg11 : memref<128x128xf32, #tpu.memory_space<vmem>>) dst(%dma_wait3A_48 : memref<128x128xf32, #tpu.memory_space<vmem_shared>>)
      tpu.yield
    }) : () -> ()
    %mul3A_10 = arith.constant 632 : i32
    %mul3A_11 = arith.muli %arg1, %mul3A_10 : i32
    %add3A_12 = arith.constant 128 : i32
    %add3A_13 = arith.addi %mul3A_11, %add3A_12 : i32
    "tpu.region"() ({
      %run_scoped3A = tpu.sem_alloc : memref<!tpu.dma_semaphore, #tpu.memory_space<semaphore_mem>>
      %dma_start3A = arith.constant 0 : i32
      %dma_start3A_43 = tpu.memref_slice %arg13[%add3A_13, %dma_start3A] : memref<10112x128xf32, #tpu.memory_space<vmem_shared>> -> memref<128x128xf32, #tpu.memory_space<vmem_shared>>
      %dma_start3A_44 = arith.constant 0 : i32
      %dma_start3A_45 = tpu.memref_slice %arg13[%add3A_13, %dma_start3A_44] : memref<10112x128xf32, #tpu.memory_space<vmem_shared>> -> memref<128x128xf32, #tpu.memory_space<vmem_shared>>
      tpu.enqueue_dma source(%arg11 : memref<128x128xf32, #tpu.memory_space<vmem>>) target(%dma_start3A_45 : memref<128x128xf32, #tpu.memory_space<vmem_shared>>) target_semaphore(%run_scoped3A : memref<!tpu.dma_semaphore, #tpu.memory_space<semaphore_mem>>)
      %dma_wait3A = arith.constant 0 : i32
      %dma_wait3A_46 = tpu.memref_slice %arg13[%add3A_13, %dma_wait3A] : memref<10112x128xf32, #tpu.memory_space<vmem_shared>> -> memref<128x128xf32, #tpu.memory_space<vmem_shared>>
      %dma_wait3A_47 = arith.constant 0 : i32
      %dma_wait3A_48 = tpu.memref_slice %arg13[%add3A_13, %dma_wait3A_47] : memref<10112x128xf32, #tpu.memory_space<vmem_shared>> -> memref<128x128xf32, #tpu.memory_space<vmem_shared>>
      tpu.wait_dma2 semaphore(%run_scoped3A : memref<!tpu.dma_semaphore, #tpu.memory_space<semaphore_mem>>) src(%arg11 : memref<128x128xf32, #tpu.memory_space<vmem>>) dst(%dma_wait3A_48 : memref<128x128xf32, #tpu.memory_space<vmem_shared>>)
      tpu.yield
    }) : () -> ()
    %mul3A_14 = arith.constant 632 : i32
    %mul3A_15 = arith.muli %arg1, %mul3A_14 : i32
    %add3A_16 = arith.constant 256 : i32
    %add3A_17 = arith.addi %mul3A_15, %add3A_16 : i32
    "tpu.region"() ({
      %run_scoped3A = tpu.sem_alloc : memref<!tpu.dma_semaphore, #tpu.memory_space<semaphore_mem>>
      %dma_start3A = arith.constant 0 : i32
      %dma_start3A_43 = tpu.memref_slice %arg13[%add3A_17, %dma_start3A] : memref<10112x128xf32, #tpu.memory_space<vmem_shared>> -> memref<128x128xf32, #tpu.memory_space<vmem_shared>>
      %dma_start3A_44 = arith.constant 0 : i32
      %dma_start3A_45 = tpu.memref_slice %arg13[%add3A_17, %dma_start3A_44] : memref<10112x128xf32, #tpu.memory_space<vmem_shared>> -> memref<128x128xf32, #tpu.memory_space<vmem_shared>>
      tpu.enqueue_dma source(%arg11 : memref<128x128xf32, #tpu.memory_space<vmem>>) target(%dma_start3A_45 : memref<128x128xf32, #tpu.memory_space<vmem_shared>>) target_semaphore(%run_scoped3A : memref<!tpu.dma_semaphore, #tpu.memory_space<semaphore_mem>>)
      %dma_wait3A = arith.constant 0 : i32
      %dma_wait3A_46 = tpu.memref_slice %arg13[%add3A_17, %dma_wait3A] : memref<10112x128xf32, #tpu.memory_space<vmem_shared>> -> memref<128x128xf32, #tpu.memory_space<vmem_shared>>
      %dma_wait3A_47 = arith.constant 0 : i32
      %dma_wait3A_48 = tpu.memref_slice %arg13[%add3A_17, %dma_wait3A_47] : memref<10112x128xf32, #tpu.memory_space<vmem_shared>> -> memref<128x128xf32, #tpu.memory_space<vmem_shared>>
      tpu.wait_dma2 semaphore(%run_scoped3A : memref<!tpu.dma_semaphore, #tpu.memory_space<semaphore_mem>>) src(%arg11 : memref<128x128xf32, #tpu.memory_space<vmem>>) dst(%dma_wait3A_48 : memref<128x128xf32, #tpu.memory_space<vmem_shared>>)
      tpu.yield
    }) : () -> ()
    %mul3A_18 = arith.constant 632 : i32
    %mul3A_19 = arith.muli %arg1, %mul3A_18 : i32
    %add3A_20 = arith.constant 384 : i32
    %add3A_21 = arith.addi %mul3A_19, %add3A_20 : i32
    "tpu.region"() ({
      %run_scoped3A = tpu.sem_alloc : memref<!tpu.dma_semaphore, #tpu.memory_space<semaphore_mem>>
      %dma_start3A = arith.constant 0 : i32
      %dma_start3A_43 = tpu.memref_slice %arg13[%add3A_21, %dma_start3A] : memref<10112x128xf32, #tpu.memory_space<vmem_shared>> -> memref<128x128xf32, #tpu.memory_space<vmem_shared>>
      %dma_start3A_44 = arith.constant 0 : i32
      %dma_start3A_45 = tpu.memref_slice %arg13[%add3A_21, %dma_start3A_44] : memref<10112x128xf32, #tpu.memory_space<vmem_shared>> -> memref<128x128xf32, #tpu.memory_space<vmem_shared>>
      tpu.enqueue_dma source(%arg11 : memref<128x128xf32, #tpu.memory_space<vmem>>) target(%dma_start3A_45 : memref<128x128xf32, #tpu.memory_space<vmem_shared>>) target_semaphore(%run_scoped3A : memref<!tpu.dma_semaphore, #tpu.memory_space<semaphore_mem>>)
      %dma_wait3A = arith.constant 0 : i32
      %dma_wait3A_46 = tpu.memref_slice %arg13[%add3A_21, %dma_wait3A] : memref<10112x128xf32, #tpu.memory_space<vmem_shared>> -> memref<128x128xf32, #tpu.memory_space<vmem_shared>>
      %dma_wait3A_47 = arith.constant 0 : i32
      %dma_wait3A_48 = tpu.memref_slice %arg13[%add3A_21, %dma_wait3A_47] : memref<10112x128xf32, #tpu.memory_space<vmem_shared>> -> memref<128x128xf32, #tpu.memory_space<vmem_shared>>
      tpu.wait_dma2 semaphore(%run_scoped3A : memref<!tpu.dma_semaphore, #tpu.memory_space<semaphore_mem>>) src(%arg11 : memref<128x128xf32, #tpu.memory_space<vmem>>) dst(%dma_wait3A_48 : memref<128x128xf32, #tpu.memory_space<vmem_shared>>)
      tpu.yield
    }) : () -> ()
    %mul3A_22 = arith.constant 632 : i32
    %mul3A_23 = arith.muli %arg1, %mul3A_22 : i32
    %add3A_24 = arith.constant 512 : i32
    %add3A_25 = arith.addi %mul3A_23, %add3A_24 : i32
    "tpu.region"() ({
      %run_scoped3A = tpu.sem_alloc : memref<!tpu.dma_semaphore, #tpu.memory_space<semaphore_mem>>
      %dma_start3A = arith.constant 0 : i32
      %dma_start3A_43 = arith.constant 0 : i32
      %dma_start3A_44 = tpu.memref_slice %arg11[%dma_start3A, %dma_start3A_43] : memref<128x128xf32, #tpu.memory_space<vmem>> -> memref<120x128xf32, #tpu.memory_space<vmem>>
      %dma_start3A_45 = arith.constant 0 : i32
      %dma_start3A_46 = tpu.memref_slice %arg13[%add3A_25, %dma_start3A_45] : memref<10112x128xf32, #tpu.memory_space<vmem_shared>> -> memref<120x128xf32, #tpu.memory_space<vmem_shared>>
      %dma_start3A_47 = arith.constant 0 : i32
      %dma_start3A_48 = tpu.memref_slice %arg13[%add3A_25, %dma_start3A_47] : memref<10112x128xf32, #tpu.memory_space<vmem_shared>> -> memref<120x128xf32, #tpu.memory_space<vmem_shared>>
      %dma_start3A_49 = arith.constant 0 : i32
      %dma_start3A_50 = arith.constant 0 : i32
      %dma_start3A_51 = tpu.memref_slice %arg11[%dma_start3A_49, %dma_start3A_50] : memref<128x128xf32, #tpu.memory_space<vmem>> -> memref<120x128xf32, #tpu.memory_space<vmem>>
      tpu.enqueue_dma source(%dma_start3A_51 : memref<120x128xf32, #tpu.memory_space<vmem>>) target(%dma_start3A_48 : memref<120x128xf32, #tpu.memory_space<vmem_shared>>) target_semaphore(%run_scoped3A : memref<!tpu.dma_semaphore, #tpu.memory_space<semaphore_mem>>)
      %dma_wait3A = arith.constant 0 : i32
      %dma_wait3A_52 = arith.constant 0 : i32
      %dma_wait3A_53 = tpu.memref_slice %arg11[%dma_wait3A, %dma_wait3A_52] : memref<128x128xf32, #tpu.memory_space<vmem>> -> memref<120x128xf32, #tpu.memory_space<vmem>>
      %dma_wait3A_54 = arith.constant 0 : i32
      %dma_wait3A_55 = tpu.memref_slice %arg13[%add3A_25, %dma_wait3A_54] : memref<10112x128xf32, #tpu.memory_space<vmem_shared>> -> memref<120x128xf32, #tpu.memory_space<vmem_shared>>
      %dma_wait3A_56 = arith.constant 0 : i32
      %dma_wait3A_57 = tpu.memref_slice %arg13[%add3A_25, %dma_wait3A_56] : memref<10112x128xf32, #tpu.memory_space<vmem_shared>> -> memref<120x128xf32, #tpu.memory_space<vmem_shared>>
      %dma_wait3A_58 = arith.constant 0 : i32
      %dma_wait3A_59 = arith.constant 0 : i32
      %dma_wait3A_60 = tpu.memref_slice %arg11[%dma_wait3A_58, %dma_wait3A_59] : memref<128x128xf32, #tpu.memory_space<vmem>> -> memref<120x128xf32, #tpu.memory_space<vmem>>
      tpu.wait_dma2 semaphore(%run_scoped3A : memref<!tpu.dma_semaphore, #tpu.memory_space<semaphore_mem>>) src(%dma_wait3A_60 : memref<120x128xf32, #tpu.memory_space<vmem>>) dst(%dma_wait3A_57 : memref<120x128xf32, #tpu.memory_space<vmem_shared>>)
      tpu.yield
    }) : () -> ()
    %barrier3A = arith.constant 0 : index
    tpu.barrier barrier_id(%barrier3A)
    %lt3A = arith.constant 31 : i32
    %lt3A_26 = arith.cmpi slt, %add3A, %lt3A : i32
    %convert_element_type3A = arith.extui %lt3A_26 : i1 to i32
    %cond3A = arith.constant 0 : i32
    %cond3A_27 = arith.cmpi ne, %convert_element_type3A, %cond3A : i32
    scf.if %cond3A_27 {
      %mul3A_43 = arith.constant 80 : i32
      %mul3A_44 = arith.muli %add3A, %mul3A_43 : i32
      %scan3A_45 = arith.constant 0 : i32
      %scan3A_46 = arith.constant 0 : i32
      %scan3A_47 = arith.constant 2 : i32
      %scan3A_48 = arith.addi %scan3A_46, %scan3A_47 : i32
      %scan3A_49 = arith.constant 1 : i32
      scf.for %scan3A_51 = %scan3A_46 to %scan3A_48 step %scan3A_49  : i32 {
        %mul3A_52 = arith.constant 40 : i32
        %mul3A_53 = arith.muli %scan3A_51, %mul3A_52 : i32
        %add3A_54 = arith.addi %mul3A_44, %mul3A_53 : i32
        %multiple_of3A = tpu.assume_multiple %add3A_54, 8 : i32
        "tpu.region"() ({
          %run_scoped3A = tpu.sem_alloc : memref<!tpu.dma_semaphore, #tpu.memory_space<semaphore_mem>>
          %dma_start3A_80 = arith.constant 0 : i32
          %dma_start3A_81 = arith.constant 0 : i32
          %dma_start3A_82 = tpu.memref_slice %arg9[%dma_start3A_80, %dma_start3A_81] : memref<40x128xi32, #tpu.memory_space<vmem>> -> memref<40x128xi32, #tpu.memory_space<vmem>>
          %dma_start3A_83 = arith.constant 0 : i32
          %dma_start3A_84 = tpu.memref_slice %arg3[%multiple_of3A, %dma_start3A_83] : memref<2500x128xi32, #tpu.memory_space<hbm>> -> memref<40x128xi32, #tpu.memory_space<hbm>>
          %dma_start3A_85 = arith.constant 0 : i32
          %dma_start3A_86 = arith.constant 0 : i32
          %dma_start3A_87 = tpu.memref_slice %arg9[%dma_start3A_85, %dma_start3A_86] : memref<40x128xi32, #tpu.memory_space<vmem>> -> memref<40x128xi32, #tpu.memory_space<vmem>>
          %dma_start3A_88 = arith.constant 0 : i32
          %dma_start3A_89 = tpu.memref_slice %arg3[%multiple_of3A, %dma_start3A_88] : memref<2500x128xi32, #tpu.memory_space<hbm>> -> memref<40x128xi32, #tpu.memory_space<hbm>>
          tpu.enqueue_dma source(%dma_start3A_89 : memref<40x128xi32, #tpu.memory_space<hbm>>) target(%dma_start3A_87 : memref<40x128xi32, #tpu.memory_space<vmem>>) target_semaphore(%run_scoped3A : memref<!tpu.dma_semaphore, #tpu.memory_space<semaphore_mem>>)
          %dma_wait3A_90 = arith.constant 0 : i32
          %dma_wait3A_91 = arith.constant 0 : i32
          %dma_wait3A_92 = tpu.memref_slice %arg9[%dma_wait3A_90, %dma_wait3A_91] : memref<40x128xi32, #tpu.memory_space<vmem>> -> memref<40x128xi32, #tpu.memory_space<vmem>>
          %dma_wait3A_93 = arith.constant 0 : i32
          %dma_wait3A_94 = tpu.memref_slice %arg3[%multiple_of3A, %dma_wait3A_93] : memref<2500x128xi32, #tpu.memory_space<hbm>> -> memref<40x128xi32, #tpu.memory_space<hbm>>
          %dma_wait3A_95 = arith.constant 0 : i32
          %dma_wait3A_96 = arith.constant 0 : i32
          %dma_wait3A_97 = tpu.memref_slice %arg9[%dma_wait3A_95, %dma_wait3A_96] : memref<40x128xi32, #tpu.memory_space<vmem>> -> memref<40x128xi32, #tpu.memory_space<vmem>>
          %dma_wait3A_98 = arith.constant 0 : i32
          %dma_wait3A_99 = tpu.memref_slice %arg3[%multiple_of3A, %dma_wait3A_98] : memref<2500x128xi32, #tpu.memory_space<hbm>> -> memref<40x128xi32, #tpu.memory_space<hbm>>
          tpu.wait_dma2 semaphore(%run_scoped3A : memref<!tpu.dma_semaphore, #tpu.memory_space<semaphore_mem>>) src(%dma_wait3A_99 : memref<40x128xi32, #tpu.memory_space<hbm>>) dst(%dma_wait3A_97 : memref<40x128xi32, #tpu.memory_space<vmem>>)
          tpu.yield
        }) : () -> ()
        "tpu.region"() ({
          %run_scoped3A = tpu.sem_alloc : memref<!tpu.dma_semaphore, #tpu.memory_space<semaphore_mem>>
          %dma_start3A_80 = arith.constant 0 : i32
          %dma_start3A_81 = arith.constant 0 : i32
          %dma_start3A_82 = tpu.memref_slice %arg10[%dma_start3A_80, %dma_start3A_81] : memref<40x128xi32, #tpu.memory_space<vmem>> -> memref<40x128xi32, #tpu.memory_space<vmem>>
          %dma_start3A_83 = arith.constant 0 : i32
          %dma_start3A_84 = tpu.memref_slice %arg4[%multiple_of3A, %dma_start3A_83] : memref<2500x128xi32, #tpu.memory_space<hbm>> -> memref<40x128xi32, #tpu.memory_space<hbm>>
          %dma_start3A_85 = arith.constant 0 : i32
          %dma_start3A_86 = arith.constant 0 : i32
          %dma_start3A_87 = tpu.memref_slice %arg10[%dma_start3A_85, %dma_start3A_86] : memref<40x128xi32, #tpu.memory_space<vmem>> -> memref<40x128xi32, #tpu.memory_space<vmem>>
          %dma_start3A_88 = arith.constant 0 : i32
          %dma_start3A_89 = tpu.memref_slice %arg4[%multiple_of3A, %dma_start3A_88] : memref<2500x128xi32, #tpu.memory_space<hbm>> -> memref<40x128xi32, #tpu.memory_space<hbm>>
          tpu.enqueue_dma source(%dma_start3A_89 : memref<40x128xi32, #tpu.memory_space<hbm>>) target(%dma_start3A_87 : memref<40x128xi32, #tpu.memory_space<vmem>>) target_semaphore(%run_scoped3A : memref<!tpu.dma_semaphore, #tpu.memory_space<semaphore_mem>>)
          %dma_wait3A_90 = arith.constant 0 : i32
          %dma_wait3A_91 = arith.constant 0 : i32
          %dma_wait3A_92 = tpu.memref_slice %arg10[%dma_wait3A_90, %dma_wait3A_91] : memref<40x128xi32, #tpu.memory_space<vmem>> -> memref<40x128xi32, #tpu.memory_space<vmem>>
          %dma_wait3A_93 = arith.constant 0 : i32
          %dma_wait3A_94 = tpu.memref_slice %arg4[%multiple_of3A, %dma_wait3A_93] : memref<2500x128xi32, #tpu.memory_space<hbm>> -> memref<40x128xi32, #tpu.memory_space<hbm>>
          %dma_wait3A_95 = arith.constant 0 : i32
          %dma_wait3A_96 = arith.constant 0 : i32
          %dma_wait3A_97 = tpu.memref_slice %arg10[%dma_wait3A_95, %dma_wait3A_96] : memref<40x128xi32, #tpu.memory_space<vmem>> -> memref<40x128xi32, #tpu.memory_space<vmem>>
          %dma_wait3A_98 = arith.constant 0 : i32
          %dma_wait3A_99 = tpu.memref_slice %arg4[%multiple_of3A, %dma_wait3A_98] : memref<2500x128xi32, #tpu.memory_space<hbm>> -> memref<40x128xi32, #tpu.memory_space<hbm>>
          tpu.wait_dma2 semaphore(%run_scoped3A : memref<!tpu.dma_semaphore, #tpu.memory_space<semaphore_mem>>) src(%dma_wait3A_99 : memref<40x128xi32, #tpu.memory_space<hbm>>) dst(%dma_wait3A_97 : memref<40x128xi32, #tpu.memory_space<vmem>>)
          tpu.yield
        }) : () -> ()
        %dma_start3A = arith.constant 0 : i32
        %dma_start3A_55 = arith.constant 0 : i32
        %dma_start3A_56 = tpu.memref_slice %arg9[%dma_start3A, %dma_start3A_55] : memref<40x128xi32, #tpu.memory_space<vmem>> -> memref<1x128xi32, #tpu.memory_space<vmem>>
        %dma_start3A_57 = tpu.memref_squeeze %dma_start3A_56 : memref<1x128xi32, #tpu.memory_space<vmem>> -> memref<128xi32, #tpu.memory_space<vmem>>
        %dma_start3A_58 = arith.constant 0 : i32
        %dma_start3A_59 = arith.constant 0 : i32
        %dma_start3A_60 = tpu.memref_slice %arg2[%dma_start3A_58, %dma_start3A_59] : memref<10000x128xf32, #tpu.memory_space<hbm>> -> memref<10000x128xf32, #tpu.memory_space<hbm>>
        tpu.enqueue_indirect_dma source(%dma_start3A_60 : memref<10000x128xf32, #tpu.memory_space<hbm>>) target(%arg11 : memref<128x128xf32, #tpu.memory_space<vmem>>) offsets(%dma_start3A_57 : memref<128xi32, #tpu.memory_space<vmem>>) semaphore(%arg14 : memref<!tpu.dma_semaphore, #tpu.memory_space<semaphore_mem>>)
        %scan3A_61 = arith.constant 0 : i32
        %scan3A_62 = arith.constant 0 : i32
        %scan3A_63 = arith.constant 20 : i32
        %scan3A_64 = arith.addi %scan3A_62, %scan3A_63 : i32
        %scan3A_65 = arith.constant 1 : i32
        scf.for %scan3A_80 = %scan3A_62 to %scan3A_64 step %scan3A_65  : i32 {
          %mul3A_81 = arith.constant 2 : i32
          %mul3A_82 = arith.muli %mul3A_81, %scan3A_80 : i32
          %gt3A = arith.constant 0 : i32
          %gt3A_83 = arith.cmpi sgt, %scan3A_80, %gt3A : i32
          %convert_element_type3A_84 = arith.extui %gt3A_83 : i1 to i32
          %cond3A_85 = arith.constant 0 : i32
          %cond3A_86 = arith.cmpi ne, %convert_element_type3A_84, %cond3A_85 : i32
          scf.if %cond3A_86 {
            %dma_wait3A_128 = arith.constant 0 : i32
            %dma_wait3A_129 = arith.constant 0 : i32
            %dma_wait3A_130 = tpu.memref_slice %arg10[%dma_wait3A_128, %dma_wait3A_129] : memref<40x128xi32, #tpu.memory_space<vmem>> -> memref<1x128xi32, #tpu.memory_space<vmem>>
            %dma_wait3A_131 = tpu.memref_squeeze %dma_wait3A_130 : memref<1x128xi32, #tpu.memory_space<vmem>> -> memref<128xi32, #tpu.memory_space<vmem>>
            %dma_wait3A_132 = arith.constant 0 : i32
            %dma_wait3A_133 = arith.constant 0 : i32
            %dma_wait3A_134 = tpu.memref_slice %arg13[%dma_wait3A_132, %dma_wait3A_133] : memref<10112x128xf32, #tpu.memory_space<vmem_shared>> -> memref<10112x128xf32, #tpu.memory_space<vmem_shared>>
            tpu.wait_indirect_dma semaphore(%arg17 : memref<!tpu.dma_semaphore, #tpu.memory_space<semaphore_mem>>) src(%arg12 : memref<128x128xf32, #tpu.memory_space<vmem>>) dst(%dma_wait3A_134 : memref<10112x128xf32, #tpu.memory_space<vmem_shared>>)
          } else {
          }
          %add3A_87 = arith.constant 1 : i32
          %add3A_88 = arith.addi %mul3A_82, %add3A_87 : i32
          %dma_start3A_89 = arith.constant 0 : i32
          %dma_start3A_90 = tpu.memref_slice %arg9[%add3A_88, %dma_start3A_89] : memref<40x128xi32, #tpu.memory_space<vmem>> -> memref<1x128xi32, #tpu.memory_space<vmem>>
          %dma_start3A_91 = tpu.memref_squeeze %dma_start3A_90 : memref<1x128xi32, #tpu.memory_space<vmem>> -> memref<128xi32, #tpu.memory_space<vmem>>
          %dma_start3A_92 = arith.constant 0 : i32
          %dma_start3A_93 = arith.constant 0 : i32
          %dma_start3A_94 = tpu.memref_slice %arg2[%dma_start3A_92, %dma_start3A_93] : memref<10000x128xf32, #tpu.memory_space<hbm>> -> memref<10000x128xf32, #tpu.memory_space<hbm>>
          tpu.enqueue_indirect_dma source(%dma_start3A_94 : memref<10000x128xf32, #tpu.memory_space<hbm>>) target(%arg12 : memref<128x128xf32, #tpu.memory_space<vmem>>) offsets(%dma_start3A_91 : memref<128xi32, #tpu.memory_space<vmem>>) semaphore(%arg15 : memref<!tpu.dma_semaphore, #tpu.memory_space<semaphore_mem>>)
          %dma_wait3A_95 = arith.constant 0 : i32
          %dma_wait3A_96 = arith.constant 0 : i32
          %dma_wait3A_97 = tpu.memref_slice %arg9[%dma_wait3A_95, %dma_wait3A_96] : memref<40x128xi32, #tpu.memory_space<vmem>> -> memref<1x128xi32, #tpu.memory_space<vmem>>
          %dma_wait3A_98 = tpu.memref_squeeze %dma_wait3A_97 : memref<1x128xi32, #tpu.memory_space<vmem>> -> memref<128xi32, #tpu.memory_space<vmem>>
          %dma_wait3A_99 = arith.constant 0 : i32
          %dma_wait3A_100 = arith.constant 0 : i32
          %dma_wait3A_101 = tpu.memref_slice %arg2[%dma_wait3A_99, %dma_wait3A_100] : memref<10000x128xf32, #tpu.memory_space<hbm>> -> memref<10000x128xf32, #tpu.memory_space<hbm>>
          tpu.wait_indirect_dma semaphore(%arg14 : memref<!tpu.dma_semaphore, #tpu.memory_space<semaphore_mem>>) src(%dma_wait3A_101 : memref<10000x128xf32, #tpu.memory_space<hbm>>) dst(%arg11 : memref<128x128xf32, #tpu.memory_space<vmem>>)
          %dma_start3A_102 = arith.constant 0 : i32
          %dma_start3A_103 = tpu.memref_slice %arg10[%mul3A_82, %dma_start3A_102] : memref<40x128xi32, #tpu.memory_space<vmem>> -> memref<1x128xi32, #tpu.memory_space<vmem>>
          %dma_start3A_104 = tpu.memref_squeeze %dma_start3A_103 : memref<1x128xi32, #tpu.memory_space<vmem>> -> memref<128xi32, #tpu.memory_space<vmem>>
          %dma_start3A_105 = arith.constant 0 : i32
          %dma_start3A_106 = arith.constant 0 : i32
          %dma_start3A_107 = tpu.memref_slice %arg13[%dma_start3A_105, %dma_start3A_106] : memref<10112x128xf32, #tpu.memory_space<vmem_shared>> -> memref<10112x128xf32, #tpu.memory_space<vmem_shared>>
          tpu.enqueue_indirect_dma source(%arg11 : memref<128x128xf32, #tpu.memory_space<vmem>>) target(%dma_start3A_107 : memref<10112x128xf32, #tpu.memory_space<vmem_shared>>) offsets(%dma_start3A_104 : memref<128xi32, #tpu.memory_space<vmem>>) semaphore(%arg16 : memref<!tpu.dma_semaphore, #tpu.memory_space<semaphore_mem>>) {add = true}
          %lt3A_108 = arith.constant 19 : i32
          %lt3A_109 = arith.cmpi slt, %scan3A_80, %lt3A_108 : i32
          %convert_element_type3A_110 = arith.extui %lt3A_109 : i1 to i32
          %cond3A_111 = arith.constant 0 : i32
          %cond3A_112 = arith.cmpi ne, %convert_element_type3A_110, %cond3A_111 : i32
          scf.if %cond3A_112 {
            %dma_wait3A_128 = arith.constant 0 : i32
            %dma_wait3A_129 = arith.constant 0 : i32
            %dma_wait3A_130 = tpu.memref_slice %arg10[%dma_wait3A_128, %dma_wait3A_129] : memref<40x128xi32, #tpu.memory_space<vmem>> -> memref<1x128xi32, #tpu.memory_space<vmem>>
            %dma_wait3A_131 = tpu.memref_squeeze %dma_wait3A_130 : memref<1x128xi32, #tpu.memory_space<vmem>> -> memref<128xi32, #tpu.memory_space<vmem>>
            %dma_wait3A_132 = arith.constant 0 : i32
            %dma_wait3A_133 = arith.constant 0 : i32
            %dma_wait3A_134 = tpu.memref_slice %arg13[%dma_wait3A_132, %dma_wait3A_133] : memref<10112x128xf32, #tpu.memory_space<vmem_shared>> -> memref<10112x128xf32, #tpu.memory_space<vmem_shared>>
            tpu.wait_indirect_dma semaphore(%arg16 : memref<!tpu.dma_semaphore, #tpu.memory_space<semaphore_mem>>) src(%arg11 : memref<128x128xf32, #tpu.memory_space<vmem>>) dst(%dma_wait3A_134 : memref<10112x128xf32, #tpu.memory_space<vmem_shared>>)
            %add3A_135 = arith.constant 2 : i32
            %add3A_136 = arith.addi %mul3A_82, %add3A_135 : i32
            %dma_start3A_137 = arith.constant 0 : i32
            %dma_start3A_138 = tpu.memref_slice %arg9[%add3A_136, %dma_start3A_137] : memref<40x128xi32, #tpu.memory_space<vmem>> -> memref<1x128xi32, #tpu.memory_space<vmem>>
            %dma_start3A_139 = tpu.memref_squeeze %dma_start3A_138 : memref<1x128xi32, #tpu.memory_space<vmem>> -> memref<128xi32, #tpu.memory_space<vmem>>
            %dma_start3A_140 = arith.constant 0 : i32
            %dma_start3A_141 = arith.constant 0 : i32
            %dma_start3A_142 = tpu.memref_slice %arg2[%dma_start3A_140, %dma_start3A_141] : memref<10000x128xf32, #tpu.memory_space<hbm>> -> memref<10000x128xf32, #tpu.memory_space<hbm>>
            tpu.enqueue_indirect_dma source(%dma_start3A_142 : memref<10000x128xf32, #tpu.memory_space<hbm>>) target(%arg11 : memref<128x128xf32, #tpu.memory_space<vmem>>) offsets(%dma_start3A_139 : memref<128xi32, #tpu.memory_space<vmem>>) semaphore(%arg14 : memref<!tpu.dma_semaphore, #tpu.memory_space<semaphore_mem>>)
          } else {
          }
          %dma_wait3A_113 = arith.constant 0 : i32
          %dma_wait3A_114 = arith.constant 0 : i32
          %dma_wait3A_115 = tpu.memref_slice %arg9[%dma_wait3A_113, %dma_wait3A_114] : memref<40x128xi32, #tpu.memory_space<vmem>> -> memref<1x128xi32, #tpu.memory_space<vmem>>
          %dma_wait3A_116 = tpu.memref_squeeze %dma_wait3A_115 : memref<1x128xi32, #tpu.memory_space<vmem>> -> memref<128xi32, #tpu.memory_space<vmem>>
          %dma_wait3A_117 = arith.constant 0 : i32
          %dma_wait3A_118 = arith.constant 0 : i32
          %dma_wait3A_119 = tpu.memref_slice %arg2[%dma_wait3A_117, %dma_wait3A_118] : memref<10000x128xf32, #tpu.memory_space<hbm>> -> memref<10000x128xf32, #tpu.memory_space<hbm>>
          tpu.wait_indirect_dma semaphore(%arg15 : memref<!tpu.dma_semaphore, #tpu.memory_space<semaphore_mem>>) src(%dma_wait3A_119 : memref<10000x128xf32, #tpu.memory_space<hbm>>) dst(%arg12 : memref<128x128xf32, #tpu.memory_space<vmem>>)
          %add3A_120 = arith.constant 1 : i32
          %add3A_121 = arith.addi %mul3A_82, %add3A_120 : i32
          %dma_start3A_122 = arith.constant 0 : i32
          %dma_start3A_123 = tpu.memref_slice %arg10[%add3A_121, %dma_start3A_122] : memref<40x128xi32, #tpu.memory_space<vmem>> -> memref<1x128xi32, #tpu.memory_space<vmem>>
          %dma_start3A_124 = tpu.memref_squeeze %dma_start3A_123 : memref<1x128xi32, #tpu.memory_space<vmem>> -> memref<128xi32, #tpu.memory_space<vmem>>
          %dma_start3A_125 = arith.constant 0 : i32
          %dma_start3A_126 = arith.constant 0 : i32
          %dma_start3A_127 = tpu.memref_slice %arg13[%dma_start3A_125, %dma_start3A_126] : memref<10112x128xf32, #tpu.memory_space<vmem_shared>> -> memref<10112x128xf32, #tpu.memory_space<vmem_shared>>
          tpu.enqueue_indirect_dma source(%arg12 : memref<128x128xf32, #tpu.memory_space<vmem>>) target(%dma_start3A_127 : memref<10112x128xf32, #tpu.memory_space<vmem_shared>>) offsets(%dma_start3A_124 : memref<128xi32, #tpu.memory_space<vmem>>) semaphore(%arg17 : memref<!tpu.dma_semaphore, #tpu.memory_space<semaphore_mem>>) {add = true}
        }
        %scan3A_66 = arith.constant 20 : i32
        %dma_wait3A = arith.constant 0 : i32
        %dma_wait3A_67 = arith.constant 0 : i32
        %dma_wait3A_68 = tpu.memref_slice %arg10[%dma_wait3A, %dma_wait3A_67] : memref<40x128xi32, #tpu.memory_space<vmem>> -> memref<1x128xi32, #tpu.memory_space<vmem>>
        %dma_wait3A_69 = tpu.memref_squeeze %dma_wait3A_68 : memref<1x128xi32, #tpu.memory_space<vmem>> -> memref<128xi32, #tpu.memory_space<vmem>>
        %dma_wait3A_70 = arith.constant 0 : i32
        %dma_wait3A_71 = arith.constant 0 : i32
        %dma_wait3A_72 = tpu.memref_slice %arg13[%dma_wait3A_70, %dma_wait3A_71] : memref<10112x128xf32, #tpu.memory_space<vmem_shared>> -> memref<10112x128xf32, #tpu.memory_space<vmem_shared>>
        tpu.wait_indirect_dma semaphore(%arg16 : memref<!tpu.dma_semaphore, #tpu.memory_space<semaphore_mem>>) src(%arg11 : memref<128x128xf32, #tpu.memory_space<vmem>>) dst(%dma_wait3A_72 : memref<10112x128xf32, #tpu.memory_space<vmem_shared>>)
        %dma_wait3A_73 = arith.constant 0 : i32
        %dma_wait3A_74 = arith.constant 0 : i32
        %dma_wait3A_75 = tpu.memref_slice %arg10[%dma_wait3A_73, %dma_wait3A_74] : memref<40x128xi32, #tpu.memory_space<vmem>> -> memref<1x128xi32, #tpu.memory_space<vmem>>
        %dma_wait3A_76 = tpu.memref_squeeze %dma_wait3A_75 : memref<1x128xi32, #tpu.memory_space<vmem>> -> memref<128xi32, #tpu.memory_space<vmem>>
        %dma_wait3A_77 = arith.constant 0 : i32
        %dma_wait3A_78 = arith.constant 0 : i32
        %dma_wait3A_79 = tpu.memref_slice %arg13[%dma_wait3A_77, %dma_wait3A_78] : memref<10112x128xf32, #tpu.memory_space<vmem_shared>> -> memref<10112x128xf32, #tpu.memory_space<vmem_shared>>
        tpu.wait_indirect_dma semaphore(%arg17 : memref<!tpu.dma_semaphore, #tpu.memory_space<semaphore_mem>>) src(%arg12 : memref<128x128xf32, #tpu.memory_space<vmem>>) dst(%dma_wait3A_79 : memref<10112x128xf32, #tpu.memory_space<vmem_shared>>)
      }
      %scan3A_50 = arith.constant 2 : i32
    } else {
    }
    %eq3A = arith.constant 31 : i32
    %eq3A_28 = arith.cmpi eq, %add3A, %eq3A : i32
    %convert_element_type3A_29 = arith.extui %eq3A_28 : i1 to i32
    %cond3A_30 = arith.constant 0 : i32
    %cond3A_31 = arith.cmpi ne, %convert_element_type3A_29, %cond3A_30 : i32
    scf.if %cond3A_31 {
      %multiple_of3A = arith.constant 0 : i32
      %multiple_of3A_43 = tpu.assume_multiple %multiple_of3A, 8 : i32
      "tpu.region"() ({
        %run_scoped3A = tpu.sem_alloc : memref<!tpu.dma_semaphore, #tpu.memory_space<semaphore_mem>>
        %dma_start3A_69 = arith.constant 0 : i32
        %dma_start3A_70 = arith.constant 0 : i32
        %dma_start3A_71 = tpu.memref_slice %arg9[%dma_start3A_69, %dma_start3A_70] : memref<40x128xi32, #tpu.memory_space<vmem>> -> memref<24x128xi32, #tpu.memory_space<vmem>>
        %dma_start3A_72 = arith.constant 0 : i32
        %dma_start3A_73 = tpu.memref_slice %arg5[%multiple_of3A_43, %dma_start3A_72] : memref<24x128xi32, #tpu.memory_space<hbm>> -> memref<24x128xi32, #tpu.memory_space<hbm>>
        %dma_start3A_74 = arith.constant 0 : i32
        %dma_start3A_75 = arith.constant 0 : i32
        %dma_start3A_76 = tpu.memref_slice %arg9[%dma_start3A_74, %dma_start3A_75] : memref<40x128xi32, #tpu.memory_space<vmem>> -> memref<24x128xi32, #tpu.memory_space<vmem>>
        %dma_start3A_77 = arith.constant 0 : i32
        %dma_start3A_78 = tpu.memref_slice %arg5[%multiple_of3A_43, %dma_start3A_77] : memref<24x128xi32, #tpu.memory_space<hbm>> -> memref<24x128xi32, #tpu.memory_space<hbm>>
        tpu.enqueue_dma source(%dma_start3A_78 : memref<24x128xi32, #tpu.memory_space<hbm>>) target(%dma_start3A_76 : memref<24x128xi32, #tpu.memory_space<vmem>>) target_semaphore(%run_scoped3A : memref<!tpu.dma_semaphore, #tpu.memory_space<semaphore_mem>>)
        %dma_wait3A_79 = arith.constant 0 : i32
        %dma_wait3A_80 = arith.constant 0 : i32
        %dma_wait3A_81 = tpu.memref_slice %arg9[%dma_wait3A_79, %dma_wait3A_80] : memref<40x128xi32, #tpu.memory_space<vmem>> -> memref<24x128xi32, #tpu.memory_space<vmem>>
        %dma_wait3A_82 = arith.constant 0 : i32
        %dma_wait3A_83 = tpu.memref_slice %arg5[%multiple_of3A_43, %dma_wait3A_82] : memref<24x128xi32, #tpu.memory_space<hbm>> -> memref<24x128xi32, #tpu.memory_space<hbm>>
        %dma_wait3A_84 = arith.constant 0 : i32
        %dma_wait3A_85 = arith.constant 0 : i32
        %dma_wait3A_86 = tpu.memref_slice %arg9[%dma_wait3A_84, %dma_wait3A_85] : memref<40x128xi32, #tpu.memory_space<vmem>> -> memref<24x128xi32, #tpu.memory_space<vmem>>
        %dma_wait3A_87 = arith.constant 0 : i32
        %dma_wait3A_88 = tpu.memref_slice %arg5[%multiple_of3A_43, %dma_wait3A_87] : memref<24x128xi32, #tpu.memory_space<hbm>> -> memref<24x128xi32, #tpu.memory_space<hbm>>
        tpu.wait_dma2 semaphore(%run_scoped3A : memref<!tpu.dma_semaphore, #tpu.memory_space<semaphore_mem>>) src(%dma_wait3A_88 : memref<24x128xi32, #tpu.memory_space<hbm>>) dst(%dma_wait3A_86 : memref<24x128xi32, #tpu.memory_space<vmem>>)
        tpu.yield
      }) : () -> ()
      "tpu.region"() ({
        %run_scoped3A = tpu.sem_alloc : memref<!tpu.dma_semaphore, #tpu.memory_space<semaphore_mem>>
        %dma_start3A_69 = arith.constant 0 : i32
        %dma_start3A_70 = arith.constant 0 : i32
        %dma_start3A_71 = tpu.memref_slice %arg10[%dma_start3A_69, %dma_start3A_70] : memref<40x128xi32, #tpu.memory_space<vmem>> -> memref<24x128xi32, #tpu.memory_space<vmem>>
        %dma_start3A_72 = arith.constant 0 : i32
        %dma_start3A_73 = tpu.memref_slice %arg6[%multiple_of3A_43, %dma_start3A_72] : memref<24x128xi32, #tpu.memory_space<hbm>> -> memref<24x128xi32, #tpu.memory_space<hbm>>
        %dma_start3A_74 = arith.constant 0 : i32
        %dma_start3A_75 = arith.constant 0 : i32
        %dma_start3A_76 = tpu.memref_slice %arg10[%dma_start3A_74, %dma_start3A_75] : memref<40x128xi32, #tpu.memory_space<vmem>> -> memref<24x128xi32, #tpu.memory_space<vmem>>
        %dma_start3A_77 = arith.constant 0 : i32
        %dma_start3A_78 = tpu.memref_slice %arg6[%multiple_of3A_43, %dma_start3A_77] : memref<24x128xi32, #tpu.memory_space<hbm>> -> memref<24x128xi32, #tpu.memory_space<hbm>>
        tpu.enqueue_dma source(%dma_start3A_78 : memref<24x128xi32, #tpu.memory_space<hbm>>) target(%dma_start3A_76 : memref<24x128xi32, #tpu.memory_space<vmem>>) target_semaphore(%run_scoped3A : memref<!tpu.dma_semaphore, #tpu.memory_space<semaphore_mem>>)
        %dma_wait3A_79 = arith.constant 0 : i32
        %dma_wait3A_80 = arith.constant 0 : i32
        %dma_wait3A_81 = tpu.memref_slice %arg10[%dma_wait3A_79, %dma_wait3A_80] : memref<40x128xi32, #tpu.memory_space<vmem>> -> memref<24x128xi32, #tpu.memory_space<vmem>>
        %dma_wait3A_82 = arith.constant 0 : i32
        %dma_wait3A_83 = tpu.memref_slice %arg6[%multiple_of3A_43, %dma_wait3A_82] : memref<24x128xi32, #tpu.memory_space<hbm>> -> memref<24x128xi32, #tpu.memory_space<hbm>>
        %dma_wait3A_84 = arith.constant 0 : i32
        %dma_wait3A_85 = arith.constant 0 : i32
        %dma_wait3A_86 = tpu.memref_slice %arg10[%dma_wait3A_84, %dma_wait3A_85] : memref<40x128xi32, #tpu.memory_space<vmem>> -> memref<24x128xi32, #tpu.memory_space<vmem>>
        %dma_wait3A_87 = arith.constant 0 : i32
        %dma_wait3A_88 = tpu.memref_slice %arg6[%multiple_of3A_43, %dma_wait3A_87] : memref<24x128xi32, #tpu.memory_space<hbm>> -> memref<24x128xi32, #tpu.memory_space<hbm>>
        tpu.wait_dma2 semaphore(%run_scoped3A : memref<!tpu.dma_semaphore, #tpu.memory_space<semaphore_mem>>) src(%dma_wait3A_88 : memref<24x128xi32, #tpu.memory_space<hbm>>) dst(%dma_wait3A_86 : memref<24x128xi32, #tpu.memory_space<vmem>>)
        tpu.yield
      }) : () -> ()
      %dma_start3A = arith.constant 0 : i32
      %dma_start3A_44 = arith.constant 0 : i32
      %dma_start3A_45 = tpu.memref_slice %arg9[%dma_start3A, %dma_start3A_44] : memref<40x128xi32, #tpu.memory_space<vmem>> -> memref<1x128xi32, #tpu.memory_space<vmem>>
      %dma_start3A_46 = tpu.memref_squeeze %dma_start3A_45 : memref<1x128xi32, #tpu.memory_space<vmem>> -> memref<128xi32, #tpu.memory_space<vmem>>
      %dma_start3A_47 = arith.constant 0 : i32
      %dma_start3A_48 = arith.constant 0 : i32
      %dma_start3A_49 = tpu.memref_slice %arg2[%dma_start3A_47, %dma_start3A_48] : memref<10000x128xf32, #tpu.memory_space<hbm>> -> memref<10000x128xf32, #tpu.memory_space<hbm>>
      tpu.enqueue_indirect_dma source(%dma_start3A_49 : memref<10000x128xf32, #tpu.memory_space<hbm>>) target(%arg11 : memref<128x128xf32, #tpu.memory_space<vmem>>) offsets(%dma_start3A_46 : memref<128xi32, #tpu.memory_space<vmem>>) semaphore(%arg14 : memref<!tpu.dma_semaphore, #tpu.memory_space<semaphore_mem>>)
      %scan3A_50 = arith.constant 0 : i32
      %scan3A_51 = arith.constant 0 : i32
      %scan3A_52 = arith.constant 12 : i32
      %scan3A_53 = arith.addi %scan3A_51, %scan3A_52 : i32
      %scan3A_54 = arith.constant 1 : i32
      scf.for %scan3A_69 = %scan3A_51 to %scan3A_53 step %scan3A_54  : i32 {
        %mul3A_70 = arith.constant 2 : i32
        %mul3A_71 = arith.muli %mul3A_70, %scan3A_69 : i32
        %gt3A = arith.constant 0 : i32
        %gt3A_72 = arith.cmpi sgt, %scan3A_69, %gt3A : i32
        %convert_element_type3A_73 = arith.extui %gt3A_72 : i1 to i32
        %cond3A_74 = arith.constant 0 : i32
        %cond3A_75 = arith.cmpi ne, %convert_element_type3A_73, %cond3A_74 : i32
        scf.if %cond3A_75 {
          %dma_wait3A_117 = arith.constant 0 : i32
          %dma_wait3A_118 = arith.constant 0 : i32
          %dma_wait3A_119 = tpu.memref_slice %arg10[%dma_wait3A_117, %dma_wait3A_118] : memref<40x128xi32, #tpu.memory_space<vmem>> -> memref<1x128xi32, #tpu.memory_space<vmem>>
          %dma_wait3A_120 = tpu.memref_squeeze %dma_wait3A_119 : memref<1x128xi32, #tpu.memory_space<vmem>> -> memref<128xi32, #tpu.memory_space<vmem>>
          %dma_wait3A_121 = arith.constant 0 : i32
          %dma_wait3A_122 = arith.constant 0 : i32
          %dma_wait3A_123 = tpu.memref_slice %arg13[%dma_wait3A_121, %dma_wait3A_122] : memref<10112x128xf32, #tpu.memory_space<vmem_shared>> -> memref<10112x128xf32, #tpu.memory_space<vmem_shared>>
          tpu.wait_indirect_dma semaphore(%arg17 : memref<!tpu.dma_semaphore, #tpu.memory_space<semaphore_mem>>) src(%arg12 : memref<128x128xf32, #tpu.memory_space<vmem>>) dst(%dma_wait3A_123 : memref<10112x128xf32, #tpu.memory_space<vmem_shared>>)
        } else {
        }
        %add3A_76 = arith.constant 1 : i32
        %add3A_77 = arith.addi %mul3A_71, %add3A_76 : i32
        %dma_start3A_78 = arith.constant 0 : i32
        %dma_start3A_79 = tpu.memref_slice %arg9[%add3A_77, %dma_start3A_78] : memref<40x128xi32, #tpu.memory_space<vmem>> -> memref<1x128xi32, #tpu.memory_space<vmem>>
        %dma_start3A_80 = tpu.memref_squeeze %dma_start3A_79 : memref<1x128xi32, #tpu.memory_space<vmem>> -> memref<128xi32, #tpu.memory_space<vmem>>
        %dma_start3A_81 = arith.constant 0 : i32
        %dma_start3A_82 = arith.constant 0 : i32
        %dma_start3A_83 = tpu.memref_slice %arg2[%dma_start3A_81, %dma_start3A_82] : memref<10000x128xf32, #tpu.memory_space<hbm>> -> memref<10000x128xf32, #tpu.memory_space<hbm>>
        tpu.enqueue_indirect_dma source(%dma_start3A_83 : memref<10000x128xf32, #tpu.memory_space<hbm>>) target(%arg12 : memref<128x128xf32, #tpu.memory_space<vmem>>) offsets(%dma_start3A_80 : memref<128xi32, #tpu.memory_space<vmem>>) semaphore(%arg15 : memref<!tpu.dma_semaphore, #tpu.memory_space<semaphore_mem>>)
        %dma_wait3A_84 = arith.constant 0 : i32
        %dma_wait3A_85 = arith.constant 0 : i32
        %dma_wait3A_86 = tpu.memref_slice %arg9[%dma_wait3A_84, %dma_wait3A_85] : memref<40x128xi32, #tpu.memory_space<vmem>> -> memref<1x128xi32, #tpu.memory_space<vmem>>
        %dma_wait3A_87 = tpu.memref_squeeze %dma_wait3A_86 : memref<1x128xi32, #tpu.memory_space<vmem>> -> memref<128xi32, #tpu.memory_space<vmem>>
        %dma_wait3A_88 = arith.constant 0 : i32
        %dma_wait3A_89 = arith.constant 0 : i32
        %dma_wait3A_90 = tpu.memref_slice %arg2[%dma_wait3A_88, %dma_wait3A_89] : memref<10000x128xf32, #tpu.memory_space<hbm>> -> memref<10000x128xf32, #tpu.memory_space<hbm>>
        tpu.wait_indirect_dma semaphore(%arg14 : memref<!tpu.dma_semaphore, #tpu.memory_space<semaphore_mem>>) src(%dma_wait3A_90 : memref<10000x128xf32, #tpu.memory_space<hbm>>) dst(%arg11 : memref<128x128xf32, #tpu.memory_space<vmem>>)
        %dma_start3A_91 = arith.constant 0 : i32
        %dma_start3A_92 = tpu.memref_slice %arg10[%mul3A_71, %dma_start3A_91] : memref<40x128xi32, #tpu.memory_space<vmem>> -> memref<1x128xi32, #tpu.memory_space<vmem>>
        %dma_start3A_93 = tpu.memref_squeeze %dma_start3A_92 : memref<1x128xi32, #tpu.memory_space<vmem>> -> memref<128xi32, #tpu.memory_space<vmem>>
        %dma_start3A_94 = arith.constant 0 : i32
        %dma_start3A_95 = arith.constant 0 : i32
        %dma_start3A_96 = tpu.memref_slice %arg13[%dma_start3A_94, %dma_start3A_95] : memref<10112x128xf32, #tpu.memory_space<vmem_shared>> -> memref<10112x128xf32, #tpu.memory_space<vmem_shared>>
        tpu.enqueue_indirect_dma source(%arg11 : memref<128x128xf32, #tpu.memory_space<vmem>>) target(%dma_start3A_96 : memref<10112x128xf32, #tpu.memory_space<vmem_shared>>) offsets(%dma_start3A_93 : memref<128xi32, #tpu.memory_space<vmem>>) semaphore(%arg16 : memref<!tpu.dma_semaphore, #tpu.memory_space<semaphore_mem>>) {add = true}
        %lt3A_97 = arith.constant 11 : i32
        %lt3A_98 = arith.cmpi slt, %scan3A_69, %lt3A_97 : i32
        %convert_element_type3A_99 = arith.extui %lt3A_98 : i1 to i32
        %cond3A_100 = arith.constant 0 : i32
        %cond3A_101 = arith.cmpi ne, %convert_element_type3A_99, %cond3A_100 : i32
        scf.if %cond3A_101 {
          %dma_wait3A_117 = arith.constant 0 : i32
          %dma_wait3A_118 = arith.constant 0 : i32
          %dma_wait3A_119 = tpu.memref_slice %arg10[%dma_wait3A_117, %dma_wait3A_118] : memref<40x128xi32, #tpu.memory_space<vmem>> -> memref<1x128xi32, #tpu.memory_space<vmem>>
          %dma_wait3A_120 = tpu.memref_squeeze %dma_wait3A_119 : memref<1x128xi32, #tpu.memory_space<vmem>> -> memref<128xi32, #tpu.memory_space<vmem>>
          %dma_wait3A_121 = arith.constant 0 : i32
          %dma_wait3A_122 = arith.constant 0 : i32
          %dma_wait3A_123 = tpu.memref_slice %arg13[%dma_wait3A_121, %dma_wait3A_122] : memref<10112x128xf32, #tpu.memory_space<vmem_shared>> -> memref<10112x128xf32, #tpu.memory_space<vmem_shared>>
          tpu.wait_indirect_dma semaphore(%arg16 : memref<!tpu.dma_semaphore, #tpu.memory_space<semaphore_mem>>) src(%arg11 : memref<128x128xf32, #tpu.memory_space<vmem>>) dst(%dma_wait3A_123 : memref<10112x128xf32, #tpu.memory_space<vmem_shared>>)
          %add3A_124 = arith.constant 2 : i32
          %add3A_125 = arith.addi %mul3A_71, %add3A_124 : i32
          %dma_start3A_126 = arith.constant 0 : i32
          %dma_start3A_127 = tpu.memref_slice %arg9[%add3A_125, %dma_start3A_126] : memref<40x128xi32, #tpu.memory_space<vmem>> -> memref<1x128xi32, #tpu.memory_space<vmem>>
          %dma_start3A_128 = tpu.memref_squeeze %dma_start3A_127 : memref<1x128xi32, #tpu.memory_space<vmem>> -> memref<128xi32, #tpu.memory_space<vmem>>
          %dma_start3A_129 = arith.constant 0 : i32
          %dma_start3A_130 = arith.constant 0 : i32
          %dma_start3A_131 = tpu.memref_slice %arg2[%dma_start3A_129, %dma_start3A_130] : memref<10000x128xf32, #tpu.memory_space<hbm>> -> memref<10000x128xf32, #tpu.memory_space<hbm>>
          tpu.enqueue_indirect_dma source(%dma_start3A_131 : memref<10000x128xf32, #tpu.memory_space<hbm>>) target(%arg11 : memref<128x128xf32, #tpu.memory_space<vmem>>) offsets(%dma_start3A_128 : memref<128xi32, #tpu.memory_space<vmem>>) semaphore(%arg14 : memref<!tpu.dma_semaphore, #tpu.memory_space<semaphore_mem>>)
        } else {
        }
        %dma_wait3A_102 = arith.constant 0 : i32
        %dma_wait3A_103 = arith.constant 0 : i32
        %dma_wait3A_104 = tpu.memref_slice %arg9[%dma_wait3A_102, %dma_wait3A_103] : memref<40x128xi32, #tpu.memory_space<vmem>> -> memref<1x128xi32, #tpu.memory_space<vmem>>
        %dma_wait3A_105 = tpu.memref_squeeze %dma_wait3A_104 : memref<1x128xi32, #tpu.memory_space<vmem>> -> memref<128xi32, #tpu.memory_space<vmem>>
        %dma_wait3A_106 = arith.constant 0 : i32
        %dma_wait3A_107 = arith.constant 0 : i32
        %dma_wait3A_108 = tpu.memref_slice %arg2[%dma_wait3A_106, %dma_wait3A_107] : memref<10000x128xf32, #tpu.memory_space<hbm>> -> memref<10000x128xf32, #tpu.memory_space<hbm>>
        tpu.wait_indirect_dma semaphore(%arg15 : memref<!tpu.dma_semaphore, #tpu.memory_space<semaphore_mem>>) src(%dma_wait3A_108 : memref<10000x128xf32, #tpu.memory_space<hbm>>) dst(%arg12 : memref<128x128xf32, #tpu.memory_space<vmem>>)
        %add3A_109 = arith.constant 1 : i32
        %add3A_110 = arith.addi %mul3A_71, %add3A_109 : i32
        %dma_start3A_111 = arith.constant 0 : i32
        %dma_start3A_112 = tpu.memref_slice %arg10[%add3A_110, %dma_start3A_111] : memref<40x128xi32, #tpu.memory_space<vmem>> -> memref<1x128xi32, #tpu.memory_space<vmem>>
        %dma_start3A_113 = tpu.memref_squeeze %dma_start3A_112 : memref<1x128xi32, #tpu.memory_space<vmem>> -> memref<128xi32, #tpu.memory_space<vmem>>
        %dma_start3A_114 = arith.constant 0 : i32
        %dma_start3A_115 = arith.constant 0 : i32
        %dma_start3A_116 = tpu.memref_slice %arg13[%dma_start3A_114, %dma_start3A_115] : memref<10112x128xf32, #tpu.memory_space<vmem_shared>> -> memref<10112x128xf32, #tpu.memory_space<vmem_shared>>
        tpu.enqueue_indirect_dma source(%arg12 : memref<128x128xf32, #tpu.memory_space<vmem>>) target(%dma_start3A_116 : memref<10112x128xf32, #tpu.memory_space<vmem_shared>>) offsets(%dma_start3A_113 : memref<128xi32, #tpu.memory_space<vmem>>) semaphore(%arg17 : memref<!tpu.dma_semaphore, #tpu.memory_space<semaphore_mem>>) {add = true}
      }
      %scan3A_55 = arith.constant 12 : i32
      %dma_wait3A = arith.constant 0 : i32
      %dma_wait3A_56 = arith.constant 0 : i32
      %dma_wait3A_57 = tpu.memref_slice %arg10[%dma_wait3A, %dma_wait3A_56] : memref<40x128xi32, #tpu.memory_space<vmem>> -> memref<1x128xi32, #tpu.memory_space<vmem>>
      %dma_wait3A_58 = tpu.memref_squeeze %dma_wait3A_57 : memref<1x128xi32, #tpu.memory_space<vmem>> -> memref<128xi32, #tpu.memory_space<vmem>>
      %dma_wait3A_59 = arith.constant 0 : i32
      %dma_wait3A_60 = arith.constant 0 : i32
      %dma_wait3A_61 = tpu.memref_slice %arg13[%dma_wait3A_59, %dma_wait3A_60] : memref<10112x128xf32, #tpu.memory_space<vmem_shared>> -> memref<10112x128xf32, #tpu.memory_space<vmem_shared>>
      tpu.wait_indirect_dma semaphore(%arg16 : memref<!tpu.dma_semaphore, #tpu.memory_space<semaphore_mem>>) src(%arg11 : memref<128x128xf32, #tpu.memory_space<vmem>>) dst(%dma_wait3A_61 : memref<10112x128xf32, #tpu.memory_space<vmem_shared>>)
      %dma_wait3A_62 = arith.constant 0 : i32
      %dma_wait3A_63 = arith.constant 0 : i32
      %dma_wait3A_64 = tpu.memref_slice %arg10[%dma_wait3A_62, %dma_wait3A_63] : memref<40x128xi32, #tpu.memory_space<vmem>> -> memref<1x128xi32, #tpu.memory_space<vmem>>
      %dma_wait3A_65 = tpu.memref_squeeze %dma_wait3A_64 : memref<1x128xi32, #tpu.memory_space<vmem>> -> memref<128xi32, #tpu.memory_space<vmem>>
      %dma_wait3A_66 = arith.constant 0 : i32
      %dma_wait3A_67 = arith.constant 0 : i32
      %dma_wait3A_68 = tpu.memref_slice %arg13[%dma_wait3A_66, %dma_wait3A_67] : memref<10112x128xf32, #tpu.memory_space<vmem_shared>> -> memref<10112x128xf32, #tpu.memory_space<vmem_shared>>
      tpu.wait_indirect_dma semaphore(%arg17 : memref<!tpu.dma_semaphore, #tpu.memory_space<semaphore_mem>>) src(%arg12 : memref<128x128xf32, #tpu.memory_space<vmem>>) dst(%dma_wait3A_68 : memref<10112x128xf32, #tpu.memory_space<vmem_shared>>)
    } else {
    }
    %barrier3A_32 = arith.constant 0 : index
    tpu.barrier barrier_id(%barrier3A_32)
    %eq3A_33 = arith.constant 0 : i32
    %eq3A_34 = arith.cmpi eq, %arg0, %eq3A_33 : i32
    %convert_element_type3A_35 = arith.extui %eq3A_34 : i1 to i32
    %cond3A_36 = arith.constant 0 : i32
    %cond3A_37 = arith.cmpi ne, %convert_element_type3A_35, %cond3A_36 : i32
    scf.if %cond3A_37 {
      %mul3A_43 = arith.constant 632 : i32
      %mul3A_44 = arith.muli %arg1, %mul3A_43 : i32
      %mul3A_45 = arith.constant 632 : i32
      %mul3A_46 = arith.muli %arg1, %mul3A_45 : i32
      "tpu.region"() ({
        %run_scoped3A = tpu.sem_alloc : memref<!tpu.dma_semaphore, #tpu.memory_space<semaphore_mem>>
        %dma_start3A = arith.constant 0 : i32
        %dma_start3A_47 = tpu.memref_slice %arg7[%mul3A_46, %dma_start3A] : memref<10112x128xf32, #tpu.memory_space<hbm>> -> memref<632x128xf32, #tpu.memory_space<hbm>>
        %dma_start3A_48 = arith.constant 0 : i32
        %dma_start3A_49 = tpu.memref_slice %arg13[%mul3A_44, %dma_start3A_48] : memref<10112x128xf32, #tpu.memory_space<vmem_shared>> -> memref<632x128xf32, #tpu.memory_space<vmem_shared>>
        tpu.enqueue_dma source(%dma_start3A_49 : memref<632x128xf32, #tpu.memory_space<vmem_shared>>) target(%dma_start3A_47 : memref<632x128xf32, #tpu.memory_space<hbm>>) target_semaphore(%run_scoped3A : memref<!tpu.dma_semaphore, #tpu.memory_space<semaphore_mem>>)
        %dma_wait3A = arith.constant 0 : i32
        %dma_wait3A_50 = tpu.memref_slice %arg7[%mul3A_46, %dma_wait3A] : memref<10112x128xf32, #tpu.memory_space<hbm>> -> memref<632x128xf32, #tpu.memory_space<hbm>>
        %dma_wait3A_51 = arith.constant 0 : i32
        %dma_wait3A_52 = tpu.memref_slice %arg13[%mul3A_44, %dma_wait3A_51] : memref<10112x128xf32, #tpu.memory_space<vmem_shared>> -> memref<632x128xf32, #tpu.memory_space<vmem_shared>>
        tpu.wait_dma2 semaphore(%run_scoped3A : memref<!tpu.dma_semaphore, #tpu.memory_space<semaphore_mem>>) src(%dma_wait3A_52 : memref<632x128xf32, #tpu.memory_space<vmem_shared>>) dst(%dma_wait3A_50 : memref<632x128xf32, #tpu.memory_space<hbm>>)
        tpu.yield
      }) : () -> ()
    } else {
    }
    %eq3A_38 = arith.constant 1 : i32
    %eq3A_39 = arith.cmpi eq, %arg0, %eq3A_38 : i32
    %convert_element_type3A_40 = arith.extui %eq3A_39 : i1 to i32
    %cond3A_41 = arith.constant 0 : i32
    %cond3A_42 = arith.cmpi ne, %convert_element_type3A_40, %cond3A_41 : i32
    scf.if %cond3A_42 {
      %mul3A_43 = arith.constant 632 : i32
      %mul3A_44 = arith.muli %arg1, %mul3A_43 : i32
      %mul3A_45 = arith.constant 632 : i32
      %mul3A_46 = arith.muli %arg1, %mul3A_45 : i32
      "tpu.region"() ({
        %run_scoped3A = tpu.sem_alloc : memref<!tpu.dma_semaphore, #tpu.memory_space<semaphore_mem>>
        %dma_start3A = arith.constant 0 : i32
        %dma_start3A_47 = tpu.memref_slice %arg8[%mul3A_46, %dma_start3A] : memref<10112x128xf32, #tpu.memory_space<hbm>> -> memref<632x128xf32, #tpu.memory_space<hbm>>
        %dma_start3A_48 = arith.constant 0 : i32
        %dma_start3A_49 = tpu.memref_slice %arg13[%mul3A_44, %dma_start3A_48] : memref<10112x128xf32, #tpu.memory_space<vmem_shared>> -> memref<632x128xf32, #tpu.memory_space<vmem_shared>>
        tpu.enqueue_dma source(%dma_start3A_49 : memref<632x128xf32, #tpu.memory_space<vmem_shared>>) target(%dma_start3A_47 : memref<632x128xf32, #tpu.memory_space<hbm>>) target_semaphore(%run_scoped3A : memref<!tpu.dma_semaphore, #tpu.memory_space<semaphore_mem>>)
        %dma_wait3A = arith.constant 0 : i32
        %dma_wait3A_50 = tpu.memref_slice %arg8[%mul3A_46, %dma_wait3A] : memref<10112x128xf32, #tpu.memory_space<hbm>> -> memref<632x128xf32, #tpu.memory_space<hbm>>
        %dma_wait3A_51 = arith.constant 0 : i32
        %dma_wait3A_52 = tpu.memref_slice %arg13[%mul3A_44, %dma_wait3A_51] : memref<10112x128xf32, #tpu.memory_space<vmem_shared>> -> memref<632x128xf32, #tpu.memory_space<vmem_shared>>
        tpu.wait_dma2 semaphore(%run_scoped3A : memref<!tpu.dma_semaphore, #tpu.memory_space<semaphore_mem>>) src(%dma_wait3A_52 : memref<632x128xf32, #tpu.memory_space<vmem_shared>>) dst(%dma_wait3A_50 : memref<632x128xf32, #tpu.memory_space<hbm>>)
        tpu.yield
      }) : () -> ()
    } else {
    }
    return
  }
}

#map = affine_map<(d0, d1) -> (0, 0)>
module attributes {stable_mosaic.version = 14 : i64} {
  func.func @_agg_col_split_body(%arg0: i32, %arg1: i32, %arg2: memref<10000x128xf32, #tpu.memory_space<hbm>>, %arg3: memref<10000x128xf32, #tpu.memory_space<hbm>>, %arg4: memref<2500x128xi32, #tpu.memory_space<hbm>>, %arg5: memref<2500x128xi32, #tpu.memory_space<hbm>>, %arg6: memref<24x128xi32, #tpu.memory_space<hbm>>, %arg7: memref<24x128xi32, #tpu.memory_space<hbm>>, %arg8: memref<10112x128xf32, #tpu.memory_space<hbm>>, %arg9: memref<10112x128xf32, #tpu.memory_space<hbm>>, %arg10: memref<40x128xi32, #tpu.memory_space<vmem>>, %arg11: memref<40x128xi32, #tpu.memory_space<vmem>>, %arg12: memref<128x128xf32, #tpu.memory_space<vmem>>, %arg13: memref<128x128xf32, #tpu.memory_space<vmem>>, %arg14: memref<10112x128xf32, #tpu.memory_space<vmem_shared>>, %arg15: memref<!tpu.dma_semaphore, #tpu.memory_space<semaphore_mem>>, %arg16: memref<!tpu.dma_semaphore, #tpu.memory_space<semaphore_mem>>, %arg17: memref<!tpu.dma_semaphore, #tpu.memory_space<semaphore_mem>>, %arg18: memref<!tpu.dma_semaphore, #tpu.memory_space<semaphore_mem>>) attributes {dimension_semantics = [#tpu.dimension_semantics<core_parallel>, #tpu.dimension_semantics<subcore_parallel>], iteration_bounds = array<i64: 2, 16>, scalar_prefetch = 0 : i64, scratch_operands = 9 : i64, tpu.core_type = #tpu.core_type<sc_vector_subcore>, window_params = [{transform_indices = #map}, {transform_indices = #map}, {transform_indices = #map}, {transform_indices = #map}, {transform_indices = #map}, {transform_indices = #map}, {transform_indices = #map}, {transform_indices = #map}]} {
    %scan3A = arith.constant 0 : i32
    %scan3A_0 = arith.constant 0 : i32
    %scan3A_1 = arith.constant 128 : i32
    %scan3A_2 = arith.addi %scan3A_0, %scan3A_1 : i32
    %scan3A_3 = arith.constant 1 : i32
    scf.for %scan3A_41 = %scan3A_0 to %scan3A_2 step %scan3A_3  : i32 {
      %broadcast_in_dim3A = arith.constant 0.000000e+00 : f32
      %broadcast_in_dim3A_42 = vector.broadcast %broadcast_in_dim3A : f32 to vector<16xf32>
      %swap3A = arith.index_cast %scan3A_41 : i32 to index
      %swap3A_43 = arith.constant 0 : index
      %swap3A_44 = tpu.vector_load %arg12[%swap3A, %swap3A_43] {strides = array<i32>} : memref<128x128xf32, #tpu.memory_space<vmem>>, vector<1x16xf32>,
      %swap3A_45 = vector.shape_cast %swap3A_44 : vector<1x16xf32> to vector<16xf32>
      %swap3A_46 = vector.shape_cast %broadcast_in_dim3A_42 : vector<16xf32> to vector<1x16xf32>
      tpu.vector_store %arg12[%swap3A, %swap3A_43], %swap3A_46 {strides = array<i32>} : memref<128x128xf32, #tpu.memory_space<vmem>>, vector<1x16xf32>,
      %broadcast_in_dim3A_47 = arith.constant 0.000000e+00 : f32
      %broadcast_in_dim3A_48 = vector.broadcast %broadcast_in_dim3A_47 : f32 to vector<16xf32>
      %swap3A_49 = arith.index_cast %scan3A_41 : i32 to index
      %swap3A_50 = arith.constant 16 : index
      %swap3A_51 = tpu.vector_load %arg12[%swap3A_49, %swap3A_50] {strides = array<i32>} : memref<128x128xf32, #tpu.memory_space<vmem>>, vector<1x16xf32>,
      %swap3A_52 = vector.shape_cast %swap3A_51 : vector<1x16xf32> to vector<16xf32>
      %swap3A_53 = vector.shape_cast %broadcast_in_dim3A_48 : vector<16xf32> to vector<1x16xf32>
      tpu.vector_store %arg12[%swap3A_49, %swap3A_50], %swap3A_53 {strides = array<i32>} : memref<128x128xf32, #tpu.memory_space<vmem>>, vector<1x16xf32>,
      %broadcast_in_dim3A_54 = arith.constant 0.000000e+00 : f32
      %broadcast_in_dim3A_55 = vector.broadcast %broadcast_in_dim3A_54 : f32 to vector<16xf32>
      %swap3A_56 = arith.index_cast %scan3A_41 : i32 to index
      %swap3A_57 = arith.constant 32 : index
      %swap3A_58 = tpu.vector_load %arg12[%swap3A_56, %swap3A_57] {strides = array<i32>} : memref<128x128xf32, #tpu.memory_space<vmem>>, vector<1x16xf32>,
      %swap3A_59 = vector.shape_cast %swap3A_58 : vector<1x16xf32> to vector<16xf32>
      %swap3A_60 = vector.shape_cast %broadcast_in_dim3A_55 : vector<16xf32> to vector<1x16xf32>
      tpu.vector_store %arg12[%swap3A_56, %swap3A_57], %swap3A_60 {strides = array<i32>} : memref<128x128xf32, #tpu.memory_space<vmem>>, vector<1x16xf32>,
      %broadcast_in_dim3A_61 = arith.constant 0.000000e+00 : f32
      %broadcast_in_dim3A_62 = vector.broadcast %broadcast_in_dim3A_61 : f32 to vector<16xf32>
      %swap3A_63 = arith.index_cast %scan3A_41 : i32 to index
      %swap3A_64 = arith.constant 48 : index
      %swap3A_65 = tpu.vector_load %arg12[%swap3A_63, %swap3A_64] {strides = array<i32>} : memref<128x128xf32, #tpu.memory_space<vmem>>, vector<1x16xf32>,
      %swap3A_66 = vector.shape_cast %swap3A_65 : vector<1x16xf32> to vector<16xf32>
      %swap3A_67 = vector.shape_cast %broadcast_in_dim3A_62 : vector<16xf32> to vector<1x16xf32>
      tpu.vector_store %arg12[%swap3A_63, %swap3A_64], %swap3A_67 {strides = array<i32>} : memref<128x128xf32, #tpu.memory_space<vmem>>, vector<1x16xf32>,
      %broadcast_in_dim3A_68 = arith.constant 0.000000e+00 : f32
      %broadcast_in_dim3A_69 = vector.broadcast %broadcast_in_dim3A_68 : f32 to vector<16xf32>
      %swap3A_70 = arith.index_cast %scan3A_41 : i32 to index
      %swap3A_71 = arith.constant 64 : index
      %swap3A_72 = tpu.vector_load %arg12[%swap3A_70, %swap3A_71] {strides = array<i32>} : memref<128x128xf32, #tpu.memory_space<vmem>>, vector<1x16xf32>,
      %swap3A_73 = vector.shape_cast %swap3A_72 : vector<1x16xf32> to vector<16xf32>
      %swap3A_74 = vector.shape_cast %broadcast_in_dim3A_69 : vector<16xf32> to vector<1x16xf32>
      tpu.vector_store %arg12[%swap3A_70, %swap3A_71], %swap3A_74 {strides = array<i32>} : memref<128x128xf32, #tpu.memory_space<vmem>>, vector<1x16xf32>,
      %broadcast_in_dim3A_75 = arith.constant 0.000000e+00 : f32
      %broadcast_in_dim3A_76 = vector.broadcast %broadcast_in_dim3A_75 : f32 to vector<16xf32>
      %swap3A_77 = arith.index_cast %scan3A_41 : i32 to index
      %swap3A_78 = arith.constant 80 : index
      %swap3A_79 = tpu.vector_load %arg12[%swap3A_77, %swap3A_78] {strides = array<i32>} : memref<128x128xf32, #tpu.memory_space<vmem>>, vector<1x16xf32>,
      %swap3A_80 = vector.shape_cast %swap3A_79 : vector<1x16xf32> to vector<16xf32>
      %swap3A_81 = vector.shape_cast %broadcast_in_dim3A_76 : vector<16xf32> to vector<1x16xf32>
      tpu.vector_store %arg12[%swap3A_77, %swap3A_78], %swap3A_81 {strides = array<i32>} : memref<128x128xf32, #tpu.memory_space<vmem>>, vector<1x16xf32>,
      %broadcast_in_dim3A_82 = arith.constant 0.000000e+00 : f32
      %broadcast_in_dim3A_83 = vector.broadcast %broadcast_in_dim3A_82 : f32 to vector<16xf32>
      %swap3A_84 = arith.index_cast %scan3A_41 : i32 to index
      %swap3A_85 = arith.constant 96 : index
      %swap3A_86 = tpu.vector_load %arg12[%swap3A_84, %swap3A_85] {strides = array<i32>} : memref<128x128xf32, #tpu.memory_space<vmem>>, vector<1x16xf32>,
      %swap3A_87 = vector.shape_cast %swap3A_86 : vector<1x16xf32> to vector<16xf32>
      %swap3A_88 = vector.shape_cast %broadcast_in_dim3A_83 : vector<16xf32> to vector<1x16xf32>
      tpu.vector_store %arg12[%swap3A_84, %swap3A_85], %swap3A_88 {strides = array<i32>} : memref<128x128xf32, #tpu.memory_space<vmem>>, vector<1x16xf32>,
      %broadcast_in_dim3A_89 = arith.constant 0.000000e+00 : f32
      %broadcast_in_dim3A_90 = vector.broadcast %broadcast_in_dim3A_89 : f32 to vector<16xf32>
      %swap3A_91 = arith.index_cast %scan3A_41 : i32 to index
      %swap3A_92 = arith.constant 112 : index
      %swap3A_93 = tpu.vector_load %arg12[%swap3A_91, %swap3A_92] {strides = array<i32>} : memref<128x128xf32, #tpu.memory_space<vmem>>, vector<1x16xf32>,
      %swap3A_94 = vector.shape_cast %swap3A_93 : vector<1x16xf32> to vector<16xf32>
      %swap3A_95 = vector.shape_cast %broadcast_in_dim3A_90 : vector<16xf32> to vector<1x16xf32>
      tpu.vector_store %arg12[%swap3A_91, %swap3A_92], %swap3A_95 {strides = array<i32>} : memref<128x128xf32, #tpu.memory_space<vmem>>, vector<1x16xf32>,
    }
    %scan3A_4 = arith.constant 128 : i32
    %mul3A = arith.constant 632 : i32
    %mul3A_5 = arith.muli %arg1, %mul3A : i32
    %add3A = arith.constant 0 : i32
    %add3A_6 = arith.addi %mul3A_5, %add3A : i32
    "tpu.region"() ({
      %run_scoped3A = tpu.sem_alloc : memref<!tpu.dma_semaphore, #tpu.memory_space<semaphore_mem>>
      %dma_start3A = arith.constant 0 : i32
      %dma_start3A_41 = tpu.memref_slice %arg14[%add3A_6, %dma_start3A] : memref<10112x128xf32, #tpu.memory_space<vmem_shared>> -> memref<128x128xf32, #tpu.memory_space<vmem_shared>>
      %dma_start3A_42 = arith.constant 0 : i32
      %dma_start3A_43 = tpu.memref_slice %arg14[%add3A_6, %dma_start3A_42] : memref<10112x128xf32, #tpu.memory_space<vmem_shared>> -> memref<128x128xf32, #tpu.memory_space<vmem_shared>>
      tpu.enqueue_dma source(%arg12 : memref<128x128xf32, #tpu.memory_space<vmem>>) target(%dma_start3A_43 : memref<128x128xf32, #tpu.memory_space<vmem_shared>>) target_semaphore(%run_scoped3A : memref<!tpu.dma_semaphore, #tpu.memory_space<semaphore_mem>>)
      %dma_wait3A = arith.constant 0 : i32
      %dma_wait3A_44 = tpu.memref_slice %arg14[%add3A_6, %dma_wait3A] : memref<10112x128xf32, #tpu.memory_space<vmem_shared>> -> memref<128x128xf32, #tpu.memory_space<vmem_shared>>
      %dma_wait3A_45 = arith.constant 0 : i32
      %dma_wait3A_46 = tpu.memref_slice %arg14[%add3A_6, %dma_wait3A_45] : memref<10112x128xf32, #tpu.memory_space<vmem_shared>> -> memref<128x128xf32, #tpu.memory_space<vmem_shared>>
      tpu.wait_dma2 semaphore(%run_scoped3A : memref<!tpu.dma_semaphore, #tpu.memory_space<semaphore_mem>>) src(%arg12 : memref<128x128xf32, #tpu.memory_space<vmem>>) dst(%dma_wait3A_46 : memref<128x128xf32, #tpu.memory_space<vmem_shared>>)
      tpu.yield
    }) : () -> ()
    %mul3A_7 = arith.constant 632 : i32
    %mul3A_8 = arith.muli %arg1, %mul3A_7 : i32
    %add3A_9 = arith.constant 128 : i32
    %add3A_10 = arith.addi %mul3A_8, %add3A_9 : i32
    "tpu.region"() ({
      %run_scoped3A = tpu.sem_alloc : memref<!tpu.dma_semaphore, #tpu.memory_space<semaphore_mem>>
      %dma_start3A = arith.constant 0 : i32
      %dma_start3A_41 = tpu.memref_slice %arg14[%add3A_10, %dma_start3A] : memref<10112x128xf32, #tpu.memory_space<vmem_shared>> -> memref<128x128xf32, #tpu.memory_space<vmem_shared>>
      %dma_start3A_42 = arith.constant 0 : i32
      %dma_start3A_43 = tpu.memref_slice %arg14[%add3A_10, %dma_start3A_42] : memref<10112x128xf32, #tpu.memory_space<vmem_shared>> -> memref<128x128xf32, #tpu.memory_space<vmem_shared>>
      tpu.enqueue_dma source(%arg12 : memref<128x128xf32, #tpu.memory_space<vmem>>) target(%dma_start3A_43 : memref<128x128xf32, #tpu.memory_space<vmem_shared>>) target_semaphore(%run_scoped3A : memref<!tpu.dma_semaphore, #tpu.memory_space<semaphore_mem>>)
      %dma_wait3A = arith.constant 0 : i32
      %dma_wait3A_44 = tpu.memref_slice %arg14[%add3A_10, %dma_wait3A] : memref<10112x128xf32, #tpu.memory_space<vmem_shared>> -> memref<128x128xf32, #tpu.memory_space<vmem_shared>>
      %dma_wait3A_45 = arith.constant 0 : i32
      %dma_wait3A_46 = tpu.memref_slice %arg14[%add3A_10, %dma_wait3A_45] : memref<10112x128xf32, #tpu.memory_space<vmem_shared>> -> memref<128x128xf32, #tpu.memory_space<vmem_shared>>
      tpu.wait_dma2 semaphore(%run_scoped3A : memref<!tpu.dma_semaphore, #tpu.memory_space<semaphore_mem>>) src(%arg12 : memref<128x128xf32, #tpu.memory_space<vmem>>) dst(%dma_wait3A_46 : memref<128x128xf32, #tpu.memory_space<vmem_shared>>)
      tpu.yield
    }) : () -> ()
    %mul3A_11 = arith.constant 632 : i32
    %mul3A_12 = arith.muli %arg1, %mul3A_11 : i32
    %add3A_13 = arith.constant 256 : i32
    %add3A_14 = arith.addi %mul3A_12, %add3A_13 : i32
    "tpu.region"() ({
      %run_scoped3A = tpu.sem_alloc : memref<!tpu.dma_semaphore, #tpu.memory_space<semaphore_mem>>
      %dma_start3A = arith.constant 0 : i32
      %dma_start3A_41 = tpu.memref_slice %arg14[%add3A_14, %dma_start3A] : memref<10112x128xf32, #tpu.memory_space<vmem_shared>> -> memref<128x128xf32, #tpu.memory_space<vmem_shared>>
      %dma_start3A_42 = arith.constant 0 : i32
      %dma_start3A_43 = tpu.memref_slice %arg14[%add3A_14, %dma_start3A_42] : memref<10112x128xf32, #tpu.memory_space<vmem_shared>> -> memref<128x128xf32, #tpu.memory_space<vmem_shared>>
      tpu.enqueue_dma source(%arg12 : memref<128x128xf32, #tpu.memory_space<vmem>>) target(%dma_start3A_43 : memref<128x128xf32, #tpu.memory_space<vmem_shared>>) target_semaphore(%run_scoped3A : memref<!tpu.dma_semaphore, #tpu.memory_space<semaphore_mem>>)
      %dma_wait3A = arith.constant 0 : i32
      %dma_wait3A_44 = tpu.memref_slice %arg14[%add3A_14, %dma_wait3A] : memref<10112x128xf32, #tpu.memory_space<vmem_shared>> -> memref<128x128xf32, #tpu.memory_space<vmem_shared>>
      %dma_wait3A_45 = arith.constant 0 : i32
      %dma_wait3A_46 = tpu.memref_slice %arg14[%add3A_14, %dma_wait3A_45] : memref<10112x128xf32, #tpu.memory_space<vmem_shared>> -> memref<128x128xf32, #tpu.memory_space<vmem_shared>>
      tpu.wait_dma2 semaphore(%run_scoped3A : memref<!tpu.dma_semaphore, #tpu.memory_space<semaphore_mem>>) src(%arg12 : memref<128x128xf32, #tpu.memory_space<vmem>>) dst(%dma_wait3A_46 : memref<128x128xf32, #tpu.memory_space<vmem_shared>>)
      tpu.yield
    }) : () -> ()
    %mul3A_15 = arith.constant 632 : i32
    %mul3A_16 = arith.muli %arg1, %mul3A_15 : i32
    %add3A_17 = arith.constant 384 : i32
    %add3A_18 = arith.addi %mul3A_16, %add3A_17 : i32
    "tpu.region"() ({
      %run_scoped3A = tpu.sem_alloc : memref<!tpu.dma_semaphore, #tpu.memory_space<semaphore_mem>>
      %dma_start3A = arith.constant 0 : i32
      %dma_start3A_41 = tpu.memref_slice %arg14[%add3A_18, %dma_start3A] : memref<10112x128xf32, #tpu.memory_space<vmem_shared>> -> memref<128x128xf32, #tpu.memory_space<vmem_shared>>
      %dma_start3A_42 = arith.constant 0 : i32
      %dma_start3A_43 = tpu.memref_slice %arg14[%add3A_18, %dma_start3A_42] : memref<10112x128xf32, #tpu.memory_space<vmem_shared>> -> memref<128x128xf32, #tpu.memory_space<vmem_shared>>
      tpu.enqueue_dma source(%arg12 : memref<128x128xf32, #tpu.memory_space<vmem>>) target(%dma_start3A_43 : memref<128x128xf32, #tpu.memory_space<vmem_shared>>) target_semaphore(%run_scoped3A : memref<!tpu.dma_semaphore, #tpu.memory_space<semaphore_mem>>)
      %dma_wait3A = arith.constant 0 : i32
      %dma_wait3A_44 = tpu.memref_slice %arg14[%add3A_18, %dma_wait3A] : memref<10112x128xf32, #tpu.memory_space<vmem_shared>> -> memref<128x128xf32, #tpu.memory_space<vmem_shared>>
      %dma_wait3A_45 = arith.constant 0 : i32
      %dma_wait3A_46 = tpu.memref_slice %arg14[%add3A_18, %dma_wait3A_45] : memref<10112x128xf32, #tpu.memory_space<vmem_shared>> -> memref<128x128xf32, #tpu.memory_space<vmem_shared>>
      tpu.wait_dma2 semaphore(%run_scoped3A : memref<!tpu.dma_semaphore, #tpu.memory_space<semaphore_mem>>) src(%arg12 : memref<128x128xf32, #tpu.memory_space<vmem>>) dst(%dma_wait3A_46 : memref<128x128xf32, #tpu.memory_space<vmem_shared>>)
      tpu.yield
    }) : () -> ()
    %mul3A_19 = arith.constant 632 : i32
    %mul3A_20 = arith.muli %arg1, %mul3A_19 : i32
    %add3A_21 = arith.constant 512 : i32
    %add3A_22 = arith.addi %mul3A_20, %add3A_21 : i32
    "tpu.region"() ({
      %run_scoped3A = tpu.sem_alloc : memref<!tpu.dma_semaphore, #tpu.memory_space<semaphore_mem>>
      %dma_start3A = arith.constant 0 : i32
      %dma_start3A_41 = arith.constant 0 : i32
      %dma_start3A_42 = tpu.memref_slice %arg12[%dma_start3A, %dma_start3A_41] : memref<128x128xf32, #tpu.memory_space<vmem>> -> memref<120x128xf32, #tpu.memory_space<vmem>>
      %dma_start3A_43 = arith.constant 0 : i32
      %dma_start3A_44 = tpu.memref_slice %arg14[%add3A_22, %dma_start3A_43] : memref<10112x128xf32, #tpu.memory_space<vmem_shared>> -> memref<120x128xf32, #tpu.memory_space<vmem_shared>>
      %dma_start3A_45 = arith.constant 0 : i32
      %dma_start3A_46 = tpu.memref_slice %arg14[%add3A_22, %dma_start3A_45] : memref<10112x128xf32, #tpu.memory_space<vmem_shared>> -> memref<120x128xf32, #tpu.memory_space<vmem_shared>>
      %dma_start3A_47 = arith.constant 0 : i32
      %dma_start3A_48 = arith.constant 0 : i32
      %dma_start3A_49 = tpu.memref_slice %arg12[%dma_start3A_47, %dma_start3A_48] : memref<128x128xf32, #tpu.memory_space<vmem>> -> memref<120x128xf32, #tpu.memory_space<vmem>>
      tpu.enqueue_dma source(%dma_start3A_49 : memref<120x128xf32, #tpu.memory_space<vmem>>) target(%dma_start3A_46 : memref<120x128xf32, #tpu.memory_space<vmem_shared>>) target_semaphore(%run_scoped3A : memref<!tpu.dma_semaphore, #tpu.memory_space<semaphore_mem>>)
      %dma_wait3A = arith.constant 0 : i32
      %dma_wait3A_50 = arith.constant 0 : i32
      %dma_wait3A_51 = tpu.memref_slice %arg12[%dma_wait3A, %dma_wait3A_50] : memref<128x128xf32, #tpu.memory_space<vmem>> -> memref<120x128xf32, #tpu.memory_space<vmem>>
      %dma_wait3A_52 = arith.constant 0 : i32
      %dma_wait3A_53 = tpu.memref_slice %arg14[%add3A_22, %dma_wait3A_52] : memref<10112x128xf32, #tpu.memory_space<vmem_shared>> -> memref<120x128xf32, #tpu.memory_space<vmem_shared>>
      %dma_wait3A_54 = arith.constant 0 : i32
      %dma_wait3A_55 = tpu.memref_slice %arg14[%add3A_22, %dma_wait3A_54] : memref<10112x128xf32, #tpu.memory_space<vmem_shared>> -> memref<120x128xf32, #tpu.memory_space<vmem_shared>>
      %dma_wait3A_56 = arith.constant 0 : i32
      %dma_wait3A_57 = arith.constant 0 : i32
      %dma_wait3A_58 = tpu.memref_slice %arg12[%dma_wait3A_56, %dma_wait3A_57] : memref<128x128xf32, #tpu.memory_space<vmem>> -> memref<120x128xf32, #tpu.memory_space<vmem>>
      tpu.wait_dma2 semaphore(%run_scoped3A : memref<!tpu.dma_semaphore, #tpu.memory_space<semaphore_mem>>) src(%dma_wait3A_58 : memref<120x128xf32, #tpu.memory_space<vmem>>) dst(%dma_wait3A_55 : memref<120x128xf32, #tpu.memory_space<vmem_shared>>)
      tpu.yield
    }) : () -> ()
    %barrier3A = arith.constant 0 : index
    tpu.barrier barrier_id(%barrier3A)
    %eq3A = arith.constant 0 : i32
    %eq3A_23 = arith.cmpi eq, %arg0, %eq3A : i32
    %convert_element_type3A = arith.extui %eq3A_23 : i1 to i32
    %cond3A = arith.constant 0 : i32
    %cond3A_24 = arith.cmpi ne, %convert_element_type3A, %cond3A : i32
    scf.if %cond3A_24 {
      %lt3A = arith.constant 15 : i32
      %lt3A_41 = arith.cmpi slt, %arg1, %lt3A : i32
      %convert_element_type3A_42 = arith.extui %lt3A_41 : i1 to i32
      %cond3A_43 = arith.constant 0 : i32
      %cond3A_44 = arith.cmpi ne, %convert_element_type3A_42, %cond3A_43 : i32
      scf.if %cond3A_44 {
        %mul3A_50 = arith.constant 160 : i32
        %mul3A_51 = arith.muli %arg1, %mul3A_50 : i32
        %scan3A_52 = arith.constant 0 : i32
        %scan3A_53 = arith.constant 0 : i32
        %scan3A_54 = arith.constant 4 : i32
        %scan3A_55 = arith.addi %scan3A_53, %scan3A_54 : i32
        %scan3A_56 = arith.constant 1 : i32
        scf.for %scan3A_58 = %scan3A_53 to %scan3A_55 step %scan3A_56  : i32 {
          %mul3A_59 = arith.constant 40 : i32
          %mul3A_60 = arith.muli %scan3A_58, %mul3A_59 : i32
          %add3A_61 = arith.addi %mul3A_51, %mul3A_60 : i32
          %multiple_of3A = tpu.assume_multiple %add3A_61, 8 : i32
          "tpu.region"() ({
            %run_scoped3A = tpu.sem_alloc : memref<!tpu.dma_semaphore, #tpu.memory_space<semaphore_mem>>
            %dma_start3A_87 = arith.constant 0 : i32
            %dma_start3A_88 = arith.constant 0 : i32
            %dma_start3A_89 = tpu.memref_slice %arg10[%dma_start3A_87, %dma_start3A_88] : memref<40x128xi32, #tpu.memory_space<vmem>> -> memref<40x128xi32, #tpu.memory_space<vmem>>
            %dma_start3A_90 = arith.constant 0 : i32
            %dma_start3A_91 = tpu.memref_slice %arg4[%multiple_of3A, %dma_start3A_90] : memref<2500x128xi32, #tpu.memory_space<hbm>> -> memref<40x128xi32, #tpu.memory_space<hbm>>
            %dma_start3A_92 = arith.constant 0 : i32
            %dma_start3A_93 = arith.constant 0 : i32
            %dma_start3A_94 = tpu.memref_slice %arg10[%dma_start3A_92, %dma_start3A_93] : memref<40x128xi32, #tpu.memory_space<vmem>> -> memref<40x128xi32, #tpu.memory_space<vmem>>
            %dma_start3A_95 = arith.constant 0 : i32
            %dma_start3A_96 = tpu.memref_slice %arg4[%multiple_of3A, %dma_start3A_95] : memref<2500x128xi32, #tpu.memory_space<hbm>> -> memref<40x128xi32, #tpu.memory_space<hbm>>
            tpu.enqueue_dma source(%dma_start3A_96 : memref<40x128xi32, #tpu.memory_space<hbm>>) target(%dma_start3A_94 : memref<40x128xi32, #tpu.memory_space<vmem>>) target_semaphore(%run_scoped3A : memref<!tpu.dma_semaphore, #tpu.memory_space<semaphore_mem>>)
            %dma_wait3A_97 = arith.constant 0 : i32
            %dma_wait3A_98 = arith.constant 0 : i32
            %dma_wait3A_99 = tpu.memref_slice %arg10[%dma_wait3A_97, %dma_wait3A_98] : memref<40x128xi32, #tpu.memory_space<vmem>> -> memref<40x128xi32, #tpu.memory_space<vmem>>
            %dma_wait3A_100 = arith.constant 0 : i32
            %dma_wait3A_101 = tpu.memref_slice %arg4[%multiple_of3A, %dma_wait3A_100] : memref<2500x128xi32, #tpu.memory_space<hbm>> -> memref<40x128xi32, #tpu.memory_space<hbm>>
            %dma_wait3A_102 = arith.constant 0 : i32
            %dma_wait3A_103 = arith.constant 0 : i32
            %dma_wait3A_104 = tpu.memref_slice %arg10[%dma_wait3A_102, %dma_wait3A_103] : memref<40x128xi32, #tpu.memory_space<vmem>> -> memref<40x128xi32, #tpu.memory_space<vmem>>
            %dma_wait3A_105 = arith.constant 0 : i32
            %dma_wait3A_106 = tpu.memref_slice %arg4[%multiple_of3A, %dma_wait3A_105] : memref<2500x128xi32, #tpu.memory_space<hbm>> -> memref<40x128xi32, #tpu.memory_space<hbm>>
            tpu.wait_dma2 semaphore(%run_scoped3A : memref<!tpu.dma_semaphore, #tpu.memory_space<semaphore_mem>>) src(%dma_wait3A_106 : memref<40x128xi32, #tpu.memory_space<hbm>>) dst(%dma_wait3A_104 : memref<40x128xi32, #tpu.memory_space<vmem>>)
            tpu.yield
          }) : () -> ()
          "tpu.region"() ({
            %run_scoped3A = tpu.sem_alloc : memref<!tpu.dma_semaphore, #tpu.memory_space<semaphore_mem>>
            %dma_start3A_87 = arith.constant 0 : i32
            %dma_start3A_88 = arith.constant 0 : i32
            %dma_start3A_89 = tpu.memref_slice %arg11[%dma_start3A_87, %dma_start3A_88] : memref<40x128xi32, #tpu.memory_space<vmem>> -> memref<40x128xi32, #tpu.memory_space<vmem>>
            %dma_start3A_90 = arith.constant 0 : i32
            %dma_start3A_91 = tpu.memref_slice %arg5[%multiple_of3A, %dma_start3A_90] : memref<2500x128xi32, #tpu.memory_space<hbm>> -> memref<40x128xi32, #tpu.memory_space<hbm>>
            %dma_start3A_92 = arith.constant 0 : i32
            %dma_start3A_93 = arith.constant 0 : i32
            %dma_start3A_94 = tpu.memref_slice %arg11[%dma_start3A_92, %dma_start3A_93] : memref<40x128xi32, #tpu.memory_space<vmem>> -> memref<40x128xi32, #tpu.memory_space<vmem>>
            %dma_start3A_95 = arith.constant 0 : i32
            %dma_start3A_96 = tpu.memref_slice %arg5[%multiple_of3A, %dma_start3A_95] : memref<2500x128xi32, #tpu.memory_space<hbm>> -> memref<40x128xi32, #tpu.memory_space<hbm>>
            tpu.enqueue_dma source(%dma_start3A_96 : memref<40x128xi32, #tpu.memory_space<hbm>>) target(%dma_start3A_94 : memref<40x128xi32, #tpu.memory_space<vmem>>) target_semaphore(%run_scoped3A : memref<!tpu.dma_semaphore, #tpu.memory_space<semaphore_mem>>)
            %dma_wait3A_97 = arith.constant 0 : i32
            %dma_wait3A_98 = arith.constant 0 : i32
            %dma_wait3A_99 = tpu.memref_slice %arg11[%dma_wait3A_97, %dma_wait3A_98] : memref<40x128xi32, #tpu.memory_space<vmem>> -> memref<40x128xi32, #tpu.memory_space<vmem>>
            %dma_wait3A_100 = arith.constant 0 : i32
            %dma_wait3A_101 = tpu.memref_slice %arg5[%multiple_of3A, %dma_wait3A_100] : memref<2500x128xi32, #tpu.memory_space<hbm>> -> memref<40x128xi32, #tpu.memory_space<hbm>>
            %dma_wait3A_102 = arith.constant 0 : i32
            %dma_wait3A_103 = arith.constant 0 : i32
            %dma_wait3A_104 = tpu.memref_slice %arg11[%dma_wait3A_102, %dma_wait3A_103] : memref<40x128xi32, #tpu.memory_space<vmem>> -> memref<40x128xi32, #tpu.memory_space<vmem>>
            %dma_wait3A_105 = arith.constant 0 : i32
            %dma_wait3A_106 = tpu.memref_slice %arg5[%multiple_of3A, %dma_wait3A_105] : memref<2500x128xi32, #tpu.memory_space<hbm>> -> memref<40x128xi32, #tpu.memory_space<hbm>>
            tpu.wait_dma2 semaphore(%run_scoped3A : memref<!tpu.dma_semaphore, #tpu.memory_space<semaphore_mem>>) src(%dma_wait3A_106 : memref<40x128xi32, #tpu.memory_space<hbm>>) dst(%dma_wait3A_104 : memref<40x128xi32, #tpu.memory_space<vmem>>)
            tpu.yield
          }) : () -> ()
          %dma_start3A = arith.constant 0 : i32
          %dma_start3A_62 = arith.constant 0 : i32
          %dma_start3A_63 = tpu.memref_slice %arg10[%dma_start3A, %dma_start3A_62] : memref<40x128xi32, #tpu.memory_space<vmem>> -> memref<1x128xi32, #tpu.memory_space<vmem>>
          %dma_start3A_64 = tpu.memref_squeeze %dma_start3A_63 : memref<1x128xi32, #tpu.memory_space<vmem>> -> memref<128xi32, #tpu.memory_space<vmem>>
          %dma_start3A_65 = arith.constant 0 : i32
          %dma_start3A_66 = arith.constant 0 : i32
          %dma_start3A_67 = tpu.memref_slice %arg2[%dma_start3A_65, %dma_start3A_66] : memref<10000x128xf32, #tpu.memory_space<hbm>> -> memref<10000x128xf32, #tpu.memory_space<hbm>>
          tpu.enqueue_indirect_dma source(%dma_start3A_67 : memref<10000x128xf32, #tpu.memory_space<hbm>>) target(%arg12 : memref<128x128xf32, #tpu.memory_space<vmem>>) offsets(%dma_start3A_64 : memref<128xi32, #tpu.memory_space<vmem>>) semaphore(%arg15 : memref<!tpu.dma_semaphore, #tpu.memory_space<semaphore_mem>>)
          %scan3A_68 = arith.constant 0 : i32
          %scan3A_69 = arith.constant 0 : i32
          %scan3A_70 = arith.constant 20 : i32
          %scan3A_71 = arith.addi %scan3A_69, %scan3A_70 : i32
          %scan3A_72 = arith.constant 1 : i32
          scf.for %scan3A_87 = %scan3A_69 to %scan3A_71 step %scan3A_72  : i32 {
            %mul3A_88 = arith.constant 2 : i32
            %mul3A_89 = arith.muli %mul3A_88, %scan3A_87 : i32
            %gt3A = arith.constant 0 : i32
            %gt3A_90 = arith.cmpi sgt, %scan3A_87, %gt3A : i32
            %convert_element_type3A_91 = arith.extui %gt3A_90 : i1 to i32
            %cond3A_92 = arith.constant 0 : i32
            %cond3A_93 = arith.cmpi ne, %convert_element_type3A_91, %cond3A_92 : i32
            scf.if %cond3A_93 {
              %dma_wait3A_135 = arith.constant 0 : i32
              %dma_wait3A_136 = arith.constant 0 : i32
              %dma_wait3A_137 = tpu.memref_slice %arg11[%dma_wait3A_135, %dma_wait3A_136] : memref<40x128xi32, #tpu.memory_space<vmem>> -> memref<1x128xi32, #tpu.memory_space<vmem>>
              %dma_wait3A_138 = tpu.memref_squeeze %dma_wait3A_137 : memref<1x128xi32, #tpu.memory_space<vmem>> -> memref<128xi32, #tpu.memory_space<vmem>>
              %dma_wait3A_139 = arith.constant 0 : i32
              %dma_wait3A_140 = arith.constant 0 : i32
              %dma_wait3A_141 = tpu.memref_slice %arg14[%dma_wait3A_139, %dma_wait3A_140] : memref<10112x128xf32, #tpu.memory_space<vmem_shared>> -> memref<10112x128xf32, #tpu.memory_space<vmem_shared>>
              tpu.wait_indirect_dma semaphore(%arg18 : memref<!tpu.dma_semaphore, #tpu.memory_space<semaphore_mem>>) src(%arg13 : memref<128x128xf32, #tpu.memory_space<vmem>>) dst(%dma_wait3A_141 : memref<10112x128xf32, #tpu.memory_space<vmem_shared>>)
            } else {
            }
            %add3A_94 = arith.constant 1 : i32
            %add3A_95 = arith.addi %mul3A_89, %add3A_94 : i32
            %dma_start3A_96 = arith.constant 0 : i32
            %dma_start3A_97 = tpu.memref_slice %arg10[%add3A_95, %dma_start3A_96] : memref<40x128xi32, #tpu.memory_space<vmem>> -> memref<1x128xi32, #tpu.memory_space<vmem>>
            %dma_start3A_98 = tpu.memref_squeeze %dma_start3A_97 : memref<1x128xi32, #tpu.memory_space<vmem>> -> memref<128xi32, #tpu.memory_space<vmem>>
            %dma_start3A_99 = arith.constant 0 : i32
            %dma_start3A_100 = arith.constant 0 : i32
            %dma_start3A_101 = tpu.memref_slice %arg2[%dma_start3A_99, %dma_start3A_100] : memref<10000x128xf32, #tpu.memory_space<hbm>> -> memref<10000x128xf32, #tpu.memory_space<hbm>>
            tpu.enqueue_indirect_dma source(%dma_start3A_101 : memref<10000x128xf32, #tpu.memory_space<hbm>>) target(%arg13 : memref<128x128xf32, #tpu.memory_space<vmem>>) offsets(%dma_start3A_98 : memref<128xi32, #tpu.memory_space<vmem>>) semaphore(%arg16 : memref<!tpu.dma_semaphore, #tpu.memory_space<semaphore_mem>>)
            %dma_wait3A_102 = arith.constant 0 : i32
            %dma_wait3A_103 = arith.constant 0 : i32
            %dma_wait3A_104 = tpu.memref_slice %arg10[%dma_wait3A_102, %dma_wait3A_103] : memref<40x128xi32, #tpu.memory_space<vmem>> -> memref<1x128xi32, #tpu.memory_space<vmem>>
            %dma_wait3A_105 = tpu.memref_squeeze %dma_wait3A_104 : memref<1x128xi32, #tpu.memory_space<vmem>> -> memref<128xi32, #tpu.memory_space<vmem>>
            %dma_wait3A_106 = arith.constant 0 : i32
            %dma_wait3A_107 = arith.constant 0 : i32
            %dma_wait3A_108 = tpu.memref_slice %arg2[%dma_wait3A_106, %dma_wait3A_107] : memref<10000x128xf32, #tpu.memory_space<hbm>> -> memref<10000x128xf32, #tpu.memory_space<hbm>>
            tpu.wait_indirect_dma semaphore(%arg15 : memref<!tpu.dma_semaphore, #tpu.memory_space<semaphore_mem>>) src(%dma_wait3A_108 : memref<10000x128xf32, #tpu.memory_space<hbm>>) dst(%arg12 : memref<128x128xf32, #tpu.memory_space<vmem>>)
            %dma_start3A_109 = arith.constant 0 : i32
            %dma_start3A_110 = tpu.memref_slice %arg11[%mul3A_89, %dma_start3A_109] : memref<40x128xi32, #tpu.memory_space<vmem>> -> memref<1x128xi32, #tpu.memory_space<vmem>>
            %dma_start3A_111 = tpu.memref_squeeze %dma_start3A_110 : memref<1x128xi32, #tpu.memory_space<vmem>> -> memref<128xi32, #tpu.memory_space<vmem>>
            %dma_start3A_112 = arith.constant 0 : i32
            %dma_start3A_113 = arith.constant 0 : i32
            %dma_start3A_114 = tpu.memref_slice %arg14[%dma_start3A_112, %dma_start3A_113] : memref<10112x128xf32, #tpu.memory_space<vmem_shared>> -> memref<10112x128xf32, #tpu.memory_space<vmem_shared>>
            tpu.enqueue_indirect_dma source(%arg12 : memref<128x128xf32, #tpu.memory_space<vmem>>) target(%dma_start3A_114 : memref<10112x128xf32, #tpu.memory_space<vmem_shared>>) offsets(%dma_start3A_111 : memref<128xi32, #tpu.memory_space<vmem>>) semaphore(%arg17 : memref<!tpu.dma_semaphore, #tpu.memory_space<semaphore_mem>>) {add = true}
            %lt3A_115 = arith.constant 19 : i32
            %lt3A_116 = arith.cmpi slt, %scan3A_87, %lt3A_115 : i32
            %convert_element_type3A_117 = arith.extui %lt3A_116 : i1 to i32
            %cond3A_118 = arith.constant 0 : i32
            %cond3A_119 = arith.cmpi ne, %convert_element_type3A_117, %cond3A_118 : i32
            scf.if %cond3A_119 {
              %dma_wait3A_135 = arith.constant 0 : i32
              %dma_wait3A_136 = arith.constant 0 : i32
              %dma_wait3A_137 = tpu.memref_slice %arg11[%dma_wait3A_135, %dma_wait3A_136] : memref<40x128xi32, #tpu.memory_space<vmem>> -> memref<1x128xi32, #tpu.memory_space<vmem>>
              %dma_wait3A_138 = tpu.memref_squeeze %dma_wait3A_137 : memref<1x128xi32, #tpu.memory_space<vmem>> -> memref<128xi32, #tpu.memory_space<vmem>>
              %dma_wait3A_139 = arith.constant 0 : i32
              %dma_wait3A_140 = arith.constant 0 : i32
              %dma_wait3A_141 = tpu.memref_slice %arg14[%dma_wait3A_139, %dma_wait3A_140] : memref<10112x128xf32, #tpu.memory_space<vmem_shared>> -> memref<10112x128xf32, #tpu.memory_space<vmem_shared>>
              tpu.wait_indirect_dma semaphore(%arg17 : memref<!tpu.dma_semaphore, #tpu.memory_space<semaphore_mem>>) src(%arg12 : memref<128x128xf32, #tpu.memory_space<vmem>>) dst(%dma_wait3A_141 : memref<10112x128xf32, #tpu.memory_space<vmem_shared>>)
              %add3A_142 = arith.constant 2 : i32
              %add3A_143 = arith.addi %mul3A_89, %add3A_142 : i32
              %dma_start3A_144 = arith.constant 0 : i32
              %dma_start3A_145 = tpu.memref_slice %arg10[%add3A_143, %dma_start3A_144] : memref<40x128xi32, #tpu.memory_space<vmem>> -> memref<1x128xi32, #tpu.memory_space<vmem>>
              %dma_start3A_146 = tpu.memref_squeeze %dma_start3A_145 : memref<1x128xi32, #tpu.memory_space<vmem>> -> memref<128xi32, #tpu.memory_space<vmem>>
              %dma_start3A_147 = arith.constant 0 : i32
              %dma_start3A_148 = arith.constant 0 : i32
              %dma_start3A_149 = tpu.memref_slice %arg2[%dma_start3A_147, %dma_start3A_148] : memref<10000x128xf32, #tpu.memory_space<hbm>> -> memref<10000x128xf32, #tpu.memory_space<hbm>>
              tpu.enqueue_indirect_dma source(%dma_start3A_149 : memref<10000x128xf32, #tpu.memory_space<hbm>>) target(%arg12 : memref<128x128xf32, #tpu.memory_space<vmem>>) offsets(%dma_start3A_146 : memref<128xi32, #tpu.memory_space<vmem>>) semaphore(%arg15 : memref<!tpu.dma_semaphore, #tpu.memory_space<semaphore_mem>>)
            } else {
            }
            %dma_wait3A_120 = arith.constant 0 : i32
            %dma_wait3A_121 = arith.constant 0 : i32
            %dma_wait3A_122 = tpu.memref_slice %arg10[%dma_wait3A_120, %dma_wait3A_121] : memref<40x128xi32, #tpu.memory_space<vmem>> -> memref<1x128xi32, #tpu.memory_space<vmem>>
            %dma_wait3A_123 = tpu.memref_squeeze %dma_wait3A_122 : memref<1x128xi32, #tpu.memory_space<vmem>> -> memref<128xi32, #tpu.memory_space<vmem>>
            %dma_wait3A_124 = arith.constant 0 : i32
            %dma_wait3A_125 = arith.constant 0 : i32
            %dma_wait3A_126 = tpu.memref_slice %arg2[%dma_wait3A_124, %dma_wait3A_125] : memref<10000x128xf32, #tpu.memory_space<hbm>> -> memref<10000x128xf32, #tpu.memory_space<hbm>>
            tpu.wait_indirect_dma semaphore(%arg16 : memref<!tpu.dma_semaphore, #tpu.memory_space<semaphore_mem>>) src(%dma_wait3A_126 : memref<10000x128xf32, #tpu.memory_space<hbm>>) dst(%arg13 : memref<128x128xf32, #tpu.memory_space<vmem>>)
            %add3A_127 = arith.constant 1 : i32
            %add3A_128 = arith.addi %mul3A_89, %add3A_127 : i32
            %dma_start3A_129 = arith.constant 0 : i32
            %dma_start3A_130 = tpu.memref_slice %arg11[%add3A_128, %dma_start3A_129] : memref<40x128xi32, #tpu.memory_space<vmem>> -> memref<1x128xi32, #tpu.memory_space<vmem>>
            %dma_start3A_131 = tpu.memref_squeeze %dma_start3A_130 : memref<1x128xi32, #tpu.memory_space<vmem>> -> memref<128xi32, #tpu.memory_space<vmem>>
            %dma_start3A_132 = arith.constant 0 : i32
            %dma_start3A_133 = arith.constant 0 : i32
            %dma_start3A_134 = tpu.memref_slice %arg14[%dma_start3A_132, %dma_start3A_133] : memref<10112x128xf32, #tpu.memory_space<vmem_shared>> -> memref<10112x128xf32, #tpu.memory_space<vmem_shared>>
            tpu.enqueue_indirect_dma source(%arg13 : memref<128x128xf32, #tpu.memory_space<vmem>>) target(%dma_start3A_134 : memref<10112x128xf32, #tpu.memory_space<vmem_shared>>) offsets(%dma_start3A_131 : memref<128xi32, #tpu.memory_space<vmem>>) semaphore(%arg18 : memref<!tpu.dma_semaphore, #tpu.memory_space<semaphore_mem>>) {add = true}
          }
          %scan3A_73 = arith.constant 20 : i32
          %dma_wait3A = arith.constant 0 : i32
          %dma_wait3A_74 = arith.constant 0 : i32
          %dma_wait3A_75 = tpu.memref_slice %arg11[%dma_wait3A, %dma_wait3A_74] : memref<40x128xi32, #tpu.memory_space<vmem>> -> memref<1x128xi32, #tpu.memory_space<vmem>>
          %dma_wait3A_76 = tpu.memref_squeeze %dma_wait3A_75 : memref<1x128xi32, #tpu.memory_space<vmem>> -> memref<128xi32, #tpu.memory_space<vmem>>
          %dma_wait3A_77 = arith.constant 0 : i32
          %dma_wait3A_78 = arith.constant 0 : i32
          %dma_wait3A_79 = tpu.memref_slice %arg14[%dma_wait3A_77, %dma_wait3A_78] : memref<10112x128xf32, #tpu.memory_space<vmem_shared>> -> memref<10112x128xf32, #tpu.memory_space<vmem_shared>>
          tpu.wait_indirect_dma semaphore(%arg17 : memref<!tpu.dma_semaphore, #tpu.memory_space<semaphore_mem>>) src(%arg12 : memref<128x128xf32, #tpu.memory_space<vmem>>) dst(%dma_wait3A_79 : memref<10112x128xf32, #tpu.memory_space<vmem_shared>>)
          %dma_wait3A_80 = arith.constant 0 : i32
          %dma_wait3A_81 = arith.constant 0 : i32
          %dma_wait3A_82 = tpu.memref_slice %arg11[%dma_wait3A_80, %dma_wait3A_81] : memref<40x128xi32, #tpu.memory_space<vmem>> -> memref<1x128xi32, #tpu.memory_space<vmem>>
          %dma_wait3A_83 = tpu.memref_squeeze %dma_wait3A_82 : memref<1x128xi32, #tpu.memory_space<vmem>> -> memref<128xi32, #tpu.memory_space<vmem>>
          %dma_wait3A_84 = arith.constant 0 : i32
          %dma_wait3A_85 = arith.constant 0 : i32
          %dma_wait3A_86 = tpu.memref_slice %arg14[%dma_wait3A_84, %dma_wait3A_85] : memref<10112x128xf32, #tpu.memory_space<vmem_shared>> -> memref<10112x128xf32, #tpu.memory_space<vmem_shared>>
          tpu.wait_indirect_dma semaphore(%arg18 : memref<!tpu.dma_semaphore, #tpu.memory_space<semaphore_mem>>) src(%arg13 : memref<128x128xf32, #tpu.memory_space<vmem>>) dst(%dma_wait3A_86 : memref<10112x128xf32, #tpu.memory_space<vmem_shared>>)
        }
        %scan3A_57 = arith.constant 4 : i32
      } else {
      }
      %eq3A_45 = arith.constant 15 : i32
      %eq3A_46 = arith.cmpi eq, %arg1, %eq3A_45 : i32
      %convert_element_type3A_47 = arith.extui %eq3A_46 : i1 to i32
      %cond3A_48 = arith.constant 0 : i32
      %cond3A_49 = arith.cmpi ne, %convert_element_type3A_47, %cond3A_48 : i32
      scf.if %cond3A_49 {
        %scan3A_50 = arith.constant 0 : i32
        %scan3A_51 = arith.constant 0 : i32
        %scan3A_52 = arith.constant 2 : i32
        %scan3A_53 = arith.addi %scan3A_51, %scan3A_52 : i32
        %scan3A_54 = arith.constant 1 : i32
        scf.for %scan3A_82 = %scan3A_51 to %scan3A_53 step %scan3A_54  : i32 {
          %mul3A_83 = arith.constant 40 : i32
          %mul3A_84 = arith.muli %scan3A_82, %mul3A_83 : i32
          %add3A_85 = arith.constant 2400 : i32
          %add3A_86 = arith.addi %add3A_85, %mul3A_84 : i32
          %multiple_of3A_87 = tpu.assume_multiple %add3A_86, 8 : i32
          "tpu.region"() ({
            %run_scoped3A = tpu.sem_alloc : memref<!tpu.dma_semaphore, #tpu.memory_space<semaphore_mem>>
            %dma_start3A_115 = arith.constant 0 : i32
            %dma_start3A_116 = arith.constant 0 : i32
            %dma_start3A_117 = tpu.memref_slice %arg10[%dma_start3A_115, %dma_start3A_116] : memref<40x128xi32, #tpu.memory_space<vmem>> -> memref<40x128xi32, #tpu.memory_space<vmem>>
            %dma_start3A_118 = arith.constant 0 : i32
            %dma_start3A_119 = tpu.memref_slice %arg4[%multiple_of3A_87, %dma_start3A_118] : memref<2500x128xi32, #tpu.memory_space<hbm>> -> memref<40x128xi32, #tpu.memory_space<hbm>>
            %dma_start3A_120 = arith.constant 0 : i32
            %dma_start3A_121 = arith.constant 0 : i32
            %dma_start3A_122 = tpu.memref_slice %arg10[%dma_start3A_120, %dma_start3A_121] : memref<40x128xi32, #tpu.memory_space<vmem>> -> memref<40x128xi32, #tpu.memory_space<vmem>>
            %dma_start3A_123 = arith.constant 0 : i32
            %dma_start3A_124 = tpu.memref_slice %arg4[%multiple_of3A_87, %dma_start3A_123] : memref<2500x128xi32, #tpu.memory_space<hbm>> -> memref<40x128xi32, #tpu.memory_space<hbm>>
            tpu.enqueue_dma source(%dma_start3A_124 : memref<40x128xi32, #tpu.memory_space<hbm>>) target(%dma_start3A_122 : memref<40x128xi32, #tpu.memory_space<vmem>>) target_semaphore(%run_scoped3A : memref<!tpu.dma_semaphore, #tpu.memory_space<semaphore_mem>>)
            %dma_wait3A_125 = arith.constant 0 : i32
            %dma_wait3A_126 = arith.constant 0 : i32
            %dma_wait3A_127 = tpu.memref_slice %arg10[%dma_wait3A_125, %dma_wait3A_126] : memref<40x128xi32, #tpu.memory_space<vmem>> -> memref<40x128xi32, #tpu.memory_space<vmem>>
            %dma_wait3A_128 = arith.constant 0 : i32
            %dma_wait3A_129 = tpu.memref_slice %arg4[%multiple_of3A_87, %dma_wait3A_128] : memref<2500x128xi32, #tpu.memory_space<hbm>> -> memref<40x128xi32, #tpu.memory_space<hbm>>
            %dma_wait3A_130 = arith.constant 0 : i32
            %dma_wait3A_131 = arith.constant 0 : i32
            %dma_wait3A_132 = tpu.memref_slice %arg10[%dma_wait3A_130, %dma_wait3A_131] : memref<40x128xi32, #tpu.memory_space<vmem>> -> memref<40x128xi32, #tpu.memory_space<vmem>>
            %dma_wait3A_133 = arith.constant 0 : i32
            %dma_wait3A_134 = tpu.memref_slice %arg4[%multiple_of3A_87, %dma_wait3A_133] : memref<2500x128xi32, #tpu.memory_space<hbm>> -> memref<40x128xi32, #tpu.memory_space<hbm>>
            tpu.wait_dma2 semaphore(%run_scoped3A : memref<!tpu.dma_semaphore, #tpu.memory_space<semaphore_mem>>) src(%dma_wait3A_134 : memref<40x128xi32, #tpu.memory_space<hbm>>) dst(%dma_wait3A_132 : memref<40x128xi32, #tpu.memory_space<vmem>>)
            tpu.yield
          }) : () -> ()
          "tpu.region"() ({
            %run_scoped3A = tpu.sem_alloc : memref<!tpu.dma_semaphore, #tpu.memory_space<semaphore_mem>>
            %dma_start3A_115 = arith.constant 0 : i32
            %dma_start3A_116 = arith.constant 0 : i32
            %dma_start3A_117 = tpu.memref_slice %arg11[%dma_start3A_115, %dma_start3A_116] : memref<40x128xi32, #tpu.memory_space<vmem>> -> memref<40x128xi32, #tpu.memory_space<vmem>>
            %dma_start3A_118 = arith.constant 0 : i32
            %dma_start3A_119 = tpu.memref_slice %arg5[%multiple_of3A_87, %dma_start3A_118] : memref<2500x128xi32, #tpu.memory_space<hbm>> -> memref<40x128xi32, #tpu.memory_space<hbm>>
            %dma_start3A_120 = arith.constant 0 : i32
            %dma_start3A_121 = arith.constant 0 : i32
            %dma_start3A_122 = tpu.memref_slice %arg11[%dma_start3A_120, %dma_start3A_121] : memref<40x128xi32, #tpu.memory_space<vmem>> -> memref<40x128xi32, #tpu.memory_space<vmem>>
            %dma_start3A_123 = arith.constant 0 : i32
            %dma_start3A_124 = tpu.memref_slice %arg5[%multiple_of3A_87, %dma_start3A_123] : memref<2500x128xi32, #tpu.memory_space<hbm>> -> memref<40x128xi32, #tpu.memory_space<hbm>>
            tpu.enqueue_dma source(%dma_start3A_124 : memref<40x128xi32, #tpu.memory_space<hbm>>) target(%dma_start3A_122 : memref<40x128xi32, #tpu.memory_space<vmem>>) target_semaphore(%run_scoped3A : memref<!tpu.dma_semaphore, #tpu.memory_space<semaphore_mem>>)
            %dma_wait3A_125 = arith.constant 0 : i32
            %dma_wait3A_126 = arith.constant 0 : i32
            %dma_wait3A_127 = tpu.memref_slice %arg11[%dma_wait3A_125, %dma_wait3A_126] : memref<40x128xi32, #tpu.memory_space<vmem>> -> memref<40x128xi32, #tpu.memory_space<vmem>>
            %dma_wait3A_128 = arith.constant 0 : i32
            %dma_wait3A_129 = tpu.memref_slice %arg5[%multiple_of3A_87, %dma_wait3A_128] : memref<2500x128xi32, #tpu.memory_space<hbm>> -> memref<40x128xi32, #tpu.memory_space<hbm>>
            %dma_wait3A_130 = arith.constant 0 : i32
            %dma_wait3A_131 = arith.constant 0 : i32
            %dma_wait3A_132 = tpu.memref_slice %arg11[%dma_wait3A_130, %dma_wait3A_131] : memref<40x128xi32, #tpu.memory_space<vmem>> -> memref<40x128xi32, #tpu.memory_space<vmem>>
            %dma_wait3A_133 = arith.constant 0 : i32
            %dma_wait3A_134 = tpu.memref_slice %arg5[%multiple_of3A_87, %dma_wait3A_133] : memref<2500x128xi32, #tpu.memory_space<hbm>> -> memref<40x128xi32, #tpu.memory_space<hbm>>
            tpu.wait_dma2 semaphore(%run_scoped3A : memref<!tpu.dma_semaphore, #tpu.memory_space<semaphore_mem>>) src(%dma_wait3A_134 : memref<40x128xi32, #tpu.memory_space<hbm>>) dst(%dma_wait3A_132 : memref<40x128xi32, #tpu.memory_space<vmem>>)
            tpu.yield
          }) : () -> ()
          %dma_start3A_88 = arith.constant 0 : i32
          %dma_start3A_89 = arith.constant 0 : i32
          %dma_start3A_90 = tpu.memref_slice %arg10[%dma_start3A_88, %dma_start3A_89] : memref<40x128xi32, #tpu.memory_space<vmem>> -> memref<1x128xi32, #tpu.memory_space<vmem>>
          %dma_start3A_91 = tpu.memref_squeeze %dma_start3A_90 : memref<1x128xi32, #tpu.memory_space<vmem>> -> memref<128xi32, #tpu.memory_space<vmem>>
          %dma_start3A_92 = arith.constant 0 : i32
          %dma_start3A_93 = arith.constant 0 : i32
          %dma_start3A_94 = tpu.memref_slice %arg2[%dma_start3A_92, %dma_start3A_93] : memref<10000x128xf32, #tpu.memory_space<hbm>> -> memref<10000x128xf32, #tpu.memory_space<hbm>>
          tpu.enqueue_indirect_dma source(%dma_start3A_94 : memref<10000x128xf32, #tpu.memory_space<hbm>>) target(%arg12 : memref<128x128xf32, #tpu.memory_space<vmem>>) offsets(%dma_start3A_91 : memref<128xi32, #tpu.memory_space<vmem>>) semaphore(%arg15 : memref<!tpu.dma_semaphore, #tpu.memory_space<semaphore_mem>>)
          %scan3A_95 = arith.constant 0 : i32
          %scan3A_96 = arith.constant 0 : i32
          %scan3A_97 = arith.constant 20 : i32
          %scan3A_98 = arith.addi %scan3A_96, %scan3A_97 : i32
          %scan3A_99 = arith.constant 1 : i32
          scf.for %scan3A_115 = %scan3A_96 to %scan3A_98 step %scan3A_99  : i32 {
            %mul3A_116 = arith.constant 2 : i32
            %mul3A_117 = arith.muli %mul3A_116, %scan3A_115 : i32
            %gt3A = arith.constant 0 : i32
            %gt3A_118 = arith.cmpi sgt, %scan3A_115, %gt3A : i32
            %convert_element_type3A_119 = arith.extui %gt3A_118 : i1 to i32
            %cond3A_120 = arith.constant 0 : i32
            %cond3A_121 = arith.cmpi ne, %convert_element_type3A_119, %cond3A_120 : i32
            scf.if %cond3A_121 {
              %dma_wait3A_163 = arith.constant 0 : i32
              %dma_wait3A_164 = arith.constant 0 : i32
              %dma_wait3A_165 = tpu.memref_slice %arg11[%dma_wait3A_163, %dma_wait3A_164] : memref<40x128xi32, #tpu.memory_space<vmem>> -> memref<1x128xi32, #tpu.memory_space<vmem>>
              %dma_wait3A_166 = tpu.memref_squeeze %dma_wait3A_165 : memref<1x128xi32, #tpu.memory_space<vmem>> -> memref<128xi32, #tpu.memory_space<vmem>>
              %dma_wait3A_167 = arith.constant 0 : i32
              %dma_wait3A_168 = arith.constant 0 : i32
              %dma_wait3A_169 = tpu.memref_slice %arg14[%dma_wait3A_167, %dma_wait3A_168] : memref<10112x128xf32, #tpu.memory_space<vmem_shared>> -> memref<10112x128xf32, #tpu.memory_space<vmem_shared>>
              tpu.wait_indirect_dma semaphore(%arg18 : memref<!tpu.dma_semaphore, #tpu.memory_space<semaphore_mem>>) src(%arg13 : memref<128x128xf32, #tpu.memory_space<vmem>>) dst(%dma_wait3A_169 : memref<10112x128xf32, #tpu.memory_space<vmem_shared>>)
            } else {
            }
            %add3A_122 = arith.constant 1 : i32
            %add3A_123 = arith.addi %mul3A_117, %add3A_122 : i32
            %dma_start3A_124 = arith.constant 0 : i32
            %dma_start3A_125 = tpu.memref_slice %arg10[%add3A_123, %dma_start3A_124] : memref<40x128xi32, #tpu.memory_space<vmem>> -> memref<1x128xi32, #tpu.memory_space<vmem>>
            %dma_start3A_126 = tpu.memref_squeeze %dma_start3A_125 : memref<1x128xi32, #tpu.memory_space<vmem>> -> memref<128xi32, #tpu.memory_space<vmem>>
            %dma_start3A_127 = arith.constant 0 : i32
            %dma_start3A_128 = arith.constant 0 : i32
            %dma_start3A_129 = tpu.memref_slice %arg2[%dma_start3A_127, %dma_start3A_128] : memref<10000x128xf32, #tpu.memory_space<hbm>> -> memref<10000x128xf32, #tpu.memory_space<hbm>>
            tpu.enqueue_indirect_dma source(%dma_start3A_129 : memref<10000x128xf32, #tpu.memory_space<hbm>>) target(%arg13 : memref<128x128xf32, #tpu.memory_space<vmem>>) offsets(%dma_start3A_126 : memref<128xi32, #tpu.memory_space<vmem>>) semaphore(%arg16 : memref<!tpu.dma_semaphore, #tpu.memory_space<semaphore_mem>>)
            %dma_wait3A_130 = arith.constant 0 : i32
            %dma_wait3A_131 = arith.constant 0 : i32
            %dma_wait3A_132 = tpu.memref_slice %arg10[%dma_wait3A_130, %dma_wait3A_131] : memref<40x128xi32, #tpu.memory_space<vmem>> -> memref<1x128xi32, #tpu.memory_space<vmem>>
            %dma_wait3A_133 = tpu.memref_squeeze %dma_wait3A_132 : memref<1x128xi32, #tpu.memory_space<vmem>> -> memref<128xi32, #tpu.memory_space<vmem>>
            %dma_wait3A_134 = arith.constant 0 : i32
            %dma_wait3A_135 = arith.constant 0 : i32
            %dma_wait3A_136 = tpu.memref_slice %arg2[%dma_wait3A_134, %dma_wait3A_135] : memref<10000x128xf32, #tpu.memory_space<hbm>> -> memref<10000x128xf32, #tpu.memory_space<hbm>>
            tpu.wait_indirect_dma semaphore(%arg15 : memref<!tpu.dma_semaphore, #tpu.memory_space<semaphore_mem>>) src(%dma_wait3A_136 : memref<10000x128xf32, #tpu.memory_space<hbm>>) dst(%arg12 : memref<128x128xf32, #tpu.memory_space<vmem>>)
            %dma_start3A_137 = arith.constant 0 : i32
            %dma_start3A_138 = tpu.memref_slice %arg11[%mul3A_117, %dma_start3A_137] : memref<40x128xi32, #tpu.memory_space<vmem>> -> memref<1x128xi32, #tpu.memory_space<vmem>>
            %dma_start3A_139 = tpu.memref_squeeze %dma_start3A_138 : memref<1x128xi32, #tpu.memory_space<vmem>> -> memref<128xi32, #tpu.memory_space<vmem>>
            %dma_start3A_140 = arith.constant 0 : i32
            %dma_start3A_141 = arith.constant 0 : i32
            %dma_start3A_142 = tpu.memref_slice %arg14[%dma_start3A_140, %dma_start3A_141] : memref<10112x128xf32, #tpu.memory_space<vmem_shared>> -> memref<10112x128xf32, #tpu.memory_space<vmem_shared>>
            tpu.enqueue_indirect_dma source(%arg12 : memref<128x128xf32, #tpu.memory_space<vmem>>) target(%dma_start3A_142 : memref<10112x128xf32, #tpu.memory_space<vmem_shared>>) offsets(%dma_start3A_139 : memref<128xi32, #tpu.memory_space<vmem>>) semaphore(%arg17 : memref<!tpu.dma_semaphore, #tpu.memory_space<semaphore_mem>>) {add = true}
            %lt3A_143 = arith.constant 19 : i32
            %lt3A_144 = arith.cmpi slt, %scan3A_115, %lt3A_143 : i32
            %convert_element_type3A_145 = arith.extui %lt3A_144 : i1 to i32
            %cond3A_146 = arith.constant 0 : i32
            %cond3A_147 = arith.cmpi ne, %convert_element_type3A_145, %cond3A_146 : i32
            scf.if %cond3A_147 {
              %dma_wait3A_163 = arith.constant 0 : i32
              %dma_wait3A_164 = arith.constant 0 : i32
              %dma_wait3A_165 = tpu.memref_slice %arg11[%dma_wait3A_163, %dma_wait3A_164] : memref<40x128xi32, #tpu.memory_space<vmem>> -> memref<1x128xi32, #tpu.memory_space<vmem>>
              %dma_wait3A_166 = tpu.memref_squeeze %dma_wait3A_165 : memref<1x128xi32, #tpu.memory_space<vmem>> -> memref<128xi32, #tpu.memory_space<vmem>>
              %dma_wait3A_167 = arith.constant 0 : i32
              %dma_wait3A_168 = arith.constant 0 : i32
              %dma_wait3A_169 = tpu.memref_slice %arg14[%dma_wait3A_167, %dma_wait3A_168] : memref<10112x128xf32, #tpu.memory_space<vmem_shared>> -> memref<10112x128xf32, #tpu.memory_space<vmem_shared>>
              tpu.wait_indirect_dma semaphore(%arg17 : memref<!tpu.dma_semaphore, #tpu.memory_space<semaphore_mem>>) src(%arg12 : memref<128x128xf32, #tpu.memory_space<vmem>>) dst(%dma_wait3A_169 : memref<10112x128xf32, #tpu.memory_space<vmem_shared>>)
              %add3A_170 = arith.constant 2 : i32
              %add3A_171 = arith.addi %mul3A_117, %add3A_170 : i32
              %dma_start3A_172 = arith.constant 0 : i32
              %dma_start3A_173 = tpu.memref_slice %arg10[%add3A_171, %dma_start3A_172] : memref<40x128xi32, #tpu.memory_space<vmem>> -> memref<1x128xi32, #tpu.memory_space<vmem>>
              %dma_start3A_174 = tpu.memref_squeeze %dma_start3A_173 : memref<1x128xi32, #tpu.memory_space<vmem>> -> memref<128xi32, #tpu.memory_space<vmem>>
              %dma_start3A_175 = arith.constant 0 : i32
              %dma_start3A_176 = arith.constant 0 : i32
              %dma_start3A_177 = tpu.memref_slice %arg2[%dma_start3A_175, %dma_start3A_176] : memref<10000x128xf32, #tpu.memory_space<hbm>> -> memref<10000x128xf32, #tpu.memory_space<hbm>>
              tpu.enqueue_indirect_dma source(%dma_start3A_177 : memref<10000x128xf32, #tpu.memory_space<hbm>>) target(%arg12 : memref<128x128xf32, #tpu.memory_space<vmem>>) offsets(%dma_start3A_174 : memref<128xi32, #tpu.memory_space<vmem>>) semaphore(%arg15 : memref<!tpu.dma_semaphore, #tpu.memory_space<semaphore_mem>>)
            } else {
            }
            %dma_wait3A_148 = arith.constant 0 : i32
            %dma_wait3A_149 = arith.constant 0 : i32
            %dma_wait3A_150 = tpu.memref_slice %arg10[%dma_wait3A_148, %dma_wait3A_149] : memref<40x128xi32, #tpu.memory_space<vmem>> -> memref<1x128xi32, #tpu.memory_space<vmem>>
            %dma_wait3A_151 = tpu.memref_squeeze %dma_wait3A_150 : memref<1x128xi32, #tpu.memory_space<vmem>> -> memref<128xi32, #tpu.memory_space<vmem>>
            %dma_wait3A_152 = arith.constant 0 : i32
            %dma_wait3A_153 = arith.constant 0 : i32
            %dma_wait3A_154 = tpu.memref_slice %arg2[%dma_wait3A_152, %dma_wait3A_153] : memref<10000x128xf32, #tpu.memory_space<hbm>> -> memref<10000x128xf32, #tpu.memory_space<hbm>>
            tpu.wait_indirect_dma semaphore(%arg16 : memref<!tpu.dma_semaphore, #tpu.memory_space<semaphore_mem>>) src(%dma_wait3A_154 : memref<10000x128xf32, #tpu.memory_space<hbm>>) dst(%arg13 : memref<128x128xf32, #tpu.memory_space<vmem>>)
            %add3A_155 = arith.constant 1 : i32
            %add3A_156 = arith.addi %mul3A_117, %add3A_155 : i32
            %dma_start3A_157 = arith.constant 0 : i32
            %dma_start3A_158 = tpu.memref_slice %arg11[%add3A_156, %dma_start3A_157] : memref<40x128xi32, #tpu.memory_space<vmem>> -> memref<1x128xi32, #tpu.memory_space<vmem>>
            %dma_start3A_159 = tpu.memref_squeeze %dma_start3A_158 : memref<1x128xi32, #tpu.memory_space<vmem>> -> memref<128xi32, #tpu.memory_space<vmem>>
            %dma_start3A_160 = arith.constant 0 : i32
            %dma_start3A_161 = arith.constant 0 : i32
            %dma_start3A_162 = tpu.memref_slice %arg14[%dma_start3A_160, %dma_start3A_161] : memref<10112x128xf32, #tpu.memory_space<vmem_shared>> -> memref<10112x128xf32, #tpu.memory_space<vmem_shared>>
            tpu.enqueue_indirect_dma source(%arg13 : memref<128x128xf32, #tpu.memory_space<vmem>>) target(%dma_start3A_162 : memref<10112x128xf32, #tpu.memory_space<vmem_shared>>) offsets(%dma_start3A_159 : memref<128xi32, #tpu.memory_space<vmem>>) semaphore(%arg18 : memref<!tpu.dma_semaphore, #tpu.memory_space<semaphore_mem>>) {add = true}
          }
          %scan3A_100 = arith.constant 20 : i32
          %dma_wait3A_101 = arith.constant 0 : i32
          %dma_wait3A_102 = arith.constant 0 : i32
          %dma_wait3A_103 = tpu.memref_slice %arg11[%dma_wait3A_101, %dma_wait3A_102] : memref<40x128xi32, #tpu.memory_space<vmem>> -> memref<1x128xi32, #tpu.memory_space<vmem>>
          %dma_wait3A_104 = tpu.memref_squeeze %dma_wait3A_103 : memref<1x128xi32, #tpu.memory_space<vmem>> -> memref<128xi32, #tpu.memory_space<vmem>>
          %dma_wait3A_105 = arith.constant 0 : i32
          %dma_wait3A_106 = arith.constant 0 : i32
          %dma_wait3A_107 = tpu.memref_slice %arg14[%dma_wait3A_105, %dma_wait3A_106] : memref<10112x128xf32, #tpu.memory_space<vmem_shared>> -> memref<10112x128xf32, #tpu.memory_space<vmem_shared>>
          tpu.wait_indirect_dma semaphore(%arg17 : memref<!tpu.dma_semaphore, #tpu.memory_space<semaphore_mem>>) src(%arg12 : memref<128x128xf32, #tpu.memory_space<vmem>>) dst(%dma_wait3A_107 : memref<10112x128xf32, #tpu.memory_space<vmem_shared>>)
          %dma_wait3A_108 = arith.constant 0 : i32
          %dma_wait3A_109 = arith.constant 0 : i32
          %dma_wait3A_110 = tpu.memref_slice %arg11[%dma_wait3A_108, %dma_wait3A_109] : memref<40x128xi32, #tpu.memory_space<vmem>> -> memref<1x128xi32, #tpu.memory_space<vmem>>
          %dma_wait3A_111 = tpu.memref_squeeze %dma_wait3A_110 : memref<1x128xi32, #tpu.memory_space<vmem>> -> memref<128xi32, #tpu.memory_space<vmem>>
          %dma_wait3A_112 = arith.constant 0 : i32
          %dma_wait3A_113 = arith.constant 0 : i32
          %dma_wait3A_114 = tpu.memref_slice %arg14[%dma_wait3A_112, %dma_wait3A_113] : memref<10112x128xf32, #tpu.memory_space<vmem_shared>> -> memref<10112x128xf32, #tpu.memory_space<vmem_shared>>
          tpu.wait_indirect_dma semaphore(%arg18 : memref<!tpu.dma_semaphore, #tpu.memory_space<semaphore_mem>>) src(%arg13 : memref<128x128xf32, #tpu.memory_space<vmem>>) dst(%dma_wait3A_114 : memref<10112x128xf32, #tpu.memory_space<vmem_shared>>)
        }
        %scan3A_55 = arith.constant 2 : i32
        %multiple_of3A = arith.constant 0 : i32
        %multiple_of3A_56 = tpu.assume_multiple %multiple_of3A, 8 : i32
        "tpu.region"() ({
          %run_scoped3A = tpu.sem_alloc : memref<!tpu.dma_semaphore, #tpu.memory_space<semaphore_mem>>
          %dma_start3A_82 = arith.constant 0 : i32
          %dma_start3A_83 = arith.constant 0 : i32
          %dma_start3A_84 = tpu.memref_slice %arg10[%dma_start3A_82, %dma_start3A_83] : memref<40x128xi32, #tpu.memory_space<vmem>> -> memref<24x128xi32, #tpu.memory_space<vmem>>
          %dma_start3A_85 = arith.constant 0 : i32
          %dma_start3A_86 = tpu.memref_slice %arg6[%multiple_of3A_56, %dma_start3A_85] : memref<24x128xi32, #tpu.memory_space<hbm>> -> memref<24x128xi32, #tpu.memory_space<hbm>>
          %dma_start3A_87 = arith.constant 0 : i32
          %dma_start3A_88 = arith.constant 0 : i32
          %dma_start3A_89 = tpu.memref_slice %arg10[%dma_start3A_87, %dma_start3A_88] : memref<40x128xi32, #tpu.memory_space<vmem>> -> memref<24x128xi32, #tpu.memory_space<vmem>>
          %dma_start3A_90 = arith.constant 0 : i32
          %dma_start3A_91 = tpu.memref_slice %arg6[%multiple_of3A_56, %dma_start3A_90] : memref<24x128xi32, #tpu.memory_space<hbm>> -> memref<24x128xi32, #tpu.memory_space<hbm>>
          tpu.enqueue_dma source(%dma_start3A_91 : memref<24x128xi32, #tpu.memory_space<hbm>>) target(%dma_start3A_89 : memref<24x128xi32, #tpu.memory_space<vmem>>) target_semaphore(%run_scoped3A : memref<!tpu.dma_semaphore, #tpu.memory_space<semaphore_mem>>)
          %dma_wait3A_92 = arith.constant 0 : i32
          %dma_wait3A_93 = arith.constant 0 : i32
          %dma_wait3A_94 = tpu.memref_slice %arg10[%dma_wait3A_92, %dma_wait3A_93] : memref<40x128xi32, #tpu.memory_space<vmem>> -> memref<24x128xi32, #tpu.memory_space<vmem>>
          %dma_wait3A_95 = arith.constant 0 : i32
          %dma_wait3A_96 = tpu.memref_slice %arg6[%multiple_of3A_56, %dma_wait3A_95] : memref<24x128xi32, #tpu.memory_space<hbm>> -> memref<24x128xi32, #tpu.memory_space<hbm>>
          %dma_wait3A_97 = arith.constant 0 : i32
          %dma_wait3A_98 = arith.constant 0 : i32
          %dma_wait3A_99 = tpu.memref_slice %arg10[%dma_wait3A_97, %dma_wait3A_98] : memref<40x128xi32, #tpu.memory_space<vmem>> -> memref<24x128xi32, #tpu.memory_space<vmem>>
          %dma_wait3A_100 = arith.constant 0 : i32
          %dma_wait3A_101 = tpu.memref_slice %arg6[%multiple_of3A_56, %dma_wait3A_100] : memref<24x128xi32, #tpu.memory_space<hbm>> -> memref<24x128xi32, #tpu.memory_space<hbm>>
          tpu.wait_dma2 semaphore(%run_scoped3A : memref<!tpu.dma_semaphore, #tpu.memory_space<semaphore_mem>>) src(%dma_wait3A_101 : memref<24x128xi32, #tpu.memory_space<hbm>>) dst(%dma_wait3A_99 : memref<24x128xi32, #tpu.memory_space<vmem>>)
          tpu.yield
        }) : () -> ()
        "tpu.region"() ({
          %run_scoped3A = tpu.sem_alloc : memref<!tpu.dma_semaphore, #tpu.memory_space<semaphore_mem>>
          %dma_start3A_82 = arith.constant 0 : i32
          %dma_start3A_83 = arith.constant 0 : i32
          %dma_start3A_84 = tpu.memref_slice %arg11[%dma_start3A_82, %dma_start3A_83] : memref<40x128xi32, #tpu.memory_space<vmem>> -> memref<24x128xi32, #tpu.memory_space<vmem>>
          %dma_start3A_85 = arith.constant 0 : i32
          %dma_start3A_86 = tpu.memref_slice %arg7[%multiple_of3A_56, %dma_start3A_85] : memref<24x128xi32, #tpu.memory_space<hbm>> -> memref<24x128xi32, #tpu.memory_space<hbm>>
          %dma_start3A_87 = arith.constant 0 : i32
          %dma_start3A_88 = arith.constant 0 : i32
          %dma_start3A_89 = tpu.memref_slice %arg11[%dma_start3A_87, %dma_start3A_88] : memref<40x128xi32, #tpu.memory_space<vmem>> -> memref<24x128xi32, #tpu.memory_space<vmem>>
          %dma_start3A_90 = arith.constant 0 : i32
          %dma_start3A_91 = tpu.memref_slice %arg7[%multiple_of3A_56, %dma_start3A_90] : memref<24x128xi32, #tpu.memory_space<hbm>> -> memref<24x128xi32, #tpu.memory_space<hbm>>
          tpu.enqueue_dma source(%dma_start3A_91 : memref<24x128xi32, #tpu.memory_space<hbm>>) target(%dma_start3A_89 : memref<24x128xi32, #tpu.memory_space<vmem>>) target_semaphore(%run_scoped3A : memref<!tpu.dma_semaphore, #tpu.memory_space<semaphore_mem>>)
          %dma_wait3A_92 = arith.constant 0 : i32
          %dma_wait3A_93 = arith.constant 0 : i32
          %dma_wait3A_94 = tpu.memref_slice %arg11[%dma_wait3A_92, %dma_wait3A_93] : memref<40x128xi32, #tpu.memory_space<vmem>> -> memref<24x128xi32, #tpu.memory_space<vmem>>
          %dma_wait3A_95 = arith.constant 0 : i32
          %dma_wait3A_96 = tpu.memref_slice %arg7[%multiple_of3A_56, %dma_wait3A_95] : memref<24x128xi32, #tpu.memory_space<hbm>> -> memref<24x128xi32, #tpu.memory_space<hbm>>
          %dma_wait3A_97 = arith.constant 0 : i32
          %dma_wait3A_98 = arith.constant 0 : i32
          %dma_wait3A_99 = tpu.memref_slice %arg11[%dma_wait3A_97, %dma_wait3A_98] : memref<40x128xi32, #tpu.memory_space<vmem>> -> memref<24x128xi32, #tpu.memory_space<vmem>>
          %dma_wait3A_100 = arith.constant 0 : i32
          %dma_wait3A_101 = tpu.memref_slice %arg7[%multiple_of3A_56, %dma_wait3A_100] : memref<24x128xi32, #tpu.memory_space<hbm>> -> memref<24x128xi32, #tpu.memory_space<hbm>>
          tpu.wait_dma2 semaphore(%run_scoped3A : memref<!tpu.dma_semaphore, #tpu.memory_space<semaphore_mem>>) src(%dma_wait3A_101 : memref<24x128xi32, #tpu.memory_space<hbm>>) dst(%dma_wait3A_99 : memref<24x128xi32, #tpu.memory_space<vmem>>)
          tpu.yield
        }) : () -> ()
        %dma_start3A = arith.constant 0 : i32
        %dma_start3A_57 = arith.constant 0 : i32
        %dma_start3A_58 = tpu.memref_slice %arg10[%dma_start3A, %dma_start3A_57] : memref<40x128xi32, #tpu.memory_space<vmem>> -> memref<1x128xi32, #tpu.memory_space<vmem>>
        %dma_start3A_59 = tpu.memref_squeeze %dma_start3A_58 : memref<1x128xi32, #tpu.memory_space<vmem>> -> memref<128xi32, #tpu.memory_space<vmem>>
        %dma_start3A_60 = arith.constant 0 : i32
        %dma_start3A_61 = arith.constant 0 : i32
        %dma_start3A_62 = tpu.memref_slice %arg2[%dma_start3A_60, %dma_start3A_61] : memref<10000x128xf32, #tpu.memory_space<hbm>> -> memref<10000x128xf32, #tpu.memory_space<hbm>>
        tpu.enqueue_indirect_dma source(%dma_start3A_62 : memref<10000x128xf32, #tpu.memory_space<hbm>>) target(%arg12 : memref<128x128xf32, #tpu.memory_space<vmem>>) offsets(%dma_start3A_59 : memref<128xi32, #tpu.memory_space<vmem>>) semaphore(%arg15 : memref<!tpu.dma_semaphore, #tpu.memory_space<semaphore_mem>>)
        %scan3A_63 = arith.constant 0 : i32
        %scan3A_64 = arith.constant 0 : i32
        %scan3A_65 = arith.constant 12 : i32
        %scan3A_66 = arith.addi %scan3A_64, %scan3A_65 : i32
        %scan3A_67 = arith.constant 1 : i32
        scf.for %scan3A_82 = %scan3A_64 to %scan3A_66 step %scan3A_67  : i32 {
          %mul3A_83 = arith.constant 2 : i32
          %mul3A_84 = arith.muli %mul3A_83, %scan3A_82 : i32
          %gt3A = arith.constant 0 : i32
          %gt3A_85 = arith.cmpi sgt, %scan3A_82, %gt3A : i32
          %convert_element_type3A_86 = arith.extui %gt3A_85 : i1 to i32
          %cond3A_87 = arith.constant 0 : i32
          %cond3A_88 = arith.cmpi ne, %convert_element_type3A_86, %cond3A_87 : i32
          scf.if %cond3A_88 {
            %dma_wait3A_130 = arith.constant 0 : i32
            %dma_wait3A_131 = arith.constant 0 : i32
            %dma_wait3A_132 = tpu.memref_slice %arg11[%dma_wait3A_130, %dma_wait3A_131] : memref<40x128xi32, #tpu.memory_space<vmem>> -> memref<1x128xi32, #tpu.memory_space<vmem>>
            %dma_wait3A_133 = tpu.memref_squeeze %dma_wait3A_132 : memref<1x128xi32, #tpu.memory_space<vmem>> -> memref<128xi32, #tpu.memory_space<vmem>>
            %dma_wait3A_134 = arith.constant 0 : i32
            %dma_wait3A_135 = arith.constant 0 : i32
            %dma_wait3A_136 = tpu.memref_slice %arg14[%dma_wait3A_134, %dma_wait3A_135] : memref<10112x128xf32, #tpu.memory_space<vmem_shared>> -> memref<10112x128xf32, #tpu.memory_space<vmem_shared>>
            tpu.wait_indirect_dma semaphore(%arg18 : memref<!tpu.dma_semaphore, #tpu.memory_space<semaphore_mem>>) src(%arg13 : memref<128x128xf32, #tpu.memory_space<vmem>>) dst(%dma_wait3A_136 : memref<10112x128xf32, #tpu.memory_space<vmem_shared>>)
          } else {
          }
          %add3A_89 = arith.constant 1 : i32
          %add3A_90 = arith.addi %mul3A_84, %add3A_89 : i32
          %dma_start3A_91 = arith.constant 0 : i32
          %dma_start3A_92 = tpu.memref_slice %arg10[%add3A_90, %dma_start3A_91] : memref<40x128xi32, #tpu.memory_space<vmem>> -> memref<1x128xi32, #tpu.memory_space<vmem>>
          %dma_start3A_93 = tpu.memref_squeeze %dma_start3A_92 : memref<1x128xi32, #tpu.memory_space<vmem>> -> memref<128xi32, #tpu.memory_space<vmem>>
          %dma_start3A_94 = arith.constant 0 : i32
          %dma_start3A_95 = arith.constant 0 : i32
          %dma_start3A_96 = tpu.memref_slice %arg2[%dma_start3A_94, %dma_start3A_95] : memref<10000x128xf32, #tpu.memory_space<hbm>> -> memref<10000x128xf32, #tpu.memory_space<hbm>>
          tpu.enqueue_indirect_dma source(%dma_start3A_96 : memref<10000x128xf32, #tpu.memory_space<hbm>>) target(%arg13 : memref<128x128xf32, #tpu.memory_space<vmem>>) offsets(%dma_start3A_93 : memref<128xi32, #tpu.memory_space<vmem>>) semaphore(%arg16 : memref<!tpu.dma_semaphore, #tpu.memory_space<semaphore_mem>>)
          %dma_wait3A_97 = arith.constant 0 : i32
          %dma_wait3A_98 = arith.constant 0 : i32
          %dma_wait3A_99 = tpu.memref_slice %arg10[%dma_wait3A_97, %dma_wait3A_98] : memref<40x128xi32, #tpu.memory_space<vmem>> -> memref<1x128xi32, #tpu.memory_space<vmem>>
          %dma_wait3A_100 = tpu.memref_squeeze %dma_wait3A_99 : memref<1x128xi32, #tpu.memory_space<vmem>> -> memref<128xi32, #tpu.memory_space<vmem>>
          %dma_wait3A_101 = arith.constant 0 : i32
          %dma_wait3A_102 = arith.constant 0 : i32
          %dma_wait3A_103 = tpu.memref_slice %arg2[%dma_wait3A_101, %dma_wait3A_102] : memref<10000x128xf32, #tpu.memory_space<hbm>> -> memref<10000x128xf32, #tpu.memory_space<hbm>>
          tpu.wait_indirect_dma semaphore(%arg15 : memref<!tpu.dma_semaphore, #tpu.memory_space<semaphore_mem>>) src(%dma_wait3A_103 : memref<10000x128xf32, #tpu.memory_space<hbm>>) dst(%arg12 : memref<128x128xf32, #tpu.memory_space<vmem>>)
          %dma_start3A_104 = arith.constant 0 : i32
          %dma_start3A_105 = tpu.memref_slice %arg11[%mul3A_84, %dma_start3A_104] : memref<40x128xi32, #tpu.memory_space<vmem>> -> memref<1x128xi32, #tpu.memory_space<vmem>>
          %dma_start3A_106 = tpu.memref_squeeze %dma_start3A_105 : memref<1x128xi32, #tpu.memory_space<vmem>> -> memref<128xi32, #tpu.memory_space<vmem>>
          %dma_start3A_107 = arith.constant 0 : i32
          %dma_start3A_108 = arith.constant 0 : i32
          %dma_start3A_109 = tpu.memref_slice %arg14[%dma_start3A_107, %dma_start3A_108] : memref<10112x128xf32, #tpu.memory_space<vmem_shared>> -> memref<10112x128xf32, #tpu.memory_space<vmem_shared>>
          tpu.enqueue_indirect_dma source(%arg12 : memref<128x128xf32, #tpu.memory_space<vmem>>) target(%dma_start3A_109 : memref<10112x128xf32, #tpu.memory_space<vmem_shared>>) offsets(%dma_start3A_106 : memref<128xi32, #tpu.memory_space<vmem>>) semaphore(%arg17 : memref<!tpu.dma_semaphore, #tpu.memory_space<semaphore_mem>>) {add = true}
          %lt3A_110 = arith.constant 11 : i32
          %lt3A_111 = arith.cmpi slt, %scan3A_82, %lt3A_110 : i32
          %convert_element_type3A_112 = arith.extui %lt3A_111 : i1 to i32
          %cond3A_113 = arith.constant 0 : i32
          %cond3A_114 = arith.cmpi ne, %convert_element_type3A_112, %cond3A_113 : i32
          scf.if %cond3A_114 {
            %dma_wait3A_130 = arith.constant 0 : i32
            %dma_wait3A_131 = arith.constant 0 : i32
            %dma_wait3A_132 = tpu.memref_slice %arg11[%dma_wait3A_130, %dma_wait3A_131] : memref<40x128xi32, #tpu.memory_space<vmem>> -> memref<1x128xi32, #tpu.memory_space<vmem>>
            %dma_wait3A_133 = tpu.memref_squeeze %dma_wait3A_132 : memref<1x128xi32, #tpu.memory_space<vmem>> -> memref<128xi32, #tpu.memory_space<vmem>>
            %dma_wait3A_134 = arith.constant 0 : i32
            %dma_wait3A_135 = arith.constant 0 : i32
            %dma_wait3A_136 = tpu.memref_slice %arg14[%dma_wait3A_134, %dma_wait3A_135] : memref<10112x128xf32, #tpu.memory_space<vmem_shared>> -> memref<10112x128xf32, #tpu.memory_space<vmem_shared>>
            tpu.wait_indirect_dma semaphore(%arg17 : memref<!tpu.dma_semaphore, #tpu.memory_space<semaphore_mem>>) src(%arg12 : memref<128x128xf32, #tpu.memory_space<vmem>>) dst(%dma_wait3A_136 : memref<10112x128xf32, #tpu.memory_space<vmem_shared>>)
            %add3A_137 = arith.constant 2 : i32
            %add3A_138 = arith.addi %mul3A_84, %add3A_137 : i32
            %dma_start3A_139 = arith.constant 0 : i32
            %dma_start3A_140 = tpu.memref_slice %arg10[%add3A_138, %dma_start3A_139] : memref<40x128xi32, #tpu.memory_space<vmem>> -> memref<1x128xi32, #tpu.memory_space<vmem>>
            %dma_start3A_141 = tpu.memref_squeeze %dma_start3A_140 : memref<1x128xi32, #tpu.memory_space<vmem>> -> memref<128xi32, #tpu.memory_space<vmem>>
            %dma_start3A_142 = arith.constant 0 : i32
            %dma_start3A_143 = arith.constant 0 : i32
            %dma_start3A_144 = tpu.memref_slice %arg2[%dma_start3A_142, %dma_start3A_143] : memref<10000x128xf32, #tpu.memory_space<hbm>> -> memref<10000x128xf32, #tpu.memory_space<hbm>>
            tpu.enqueue_indirect_dma source(%dma_start3A_144 : memref<10000x128xf32, #tpu.memory_space<hbm>>) target(%arg12 : memref<128x128xf32, #tpu.memory_space<vmem>>) offsets(%dma_start3A_141 : memref<128xi32, #tpu.memory_space<vmem>>) semaphore(%arg15 : memref<!tpu.dma_semaphore, #tpu.memory_space<semaphore_mem>>)
          } else {
          }
          %dma_wait3A_115 = arith.constant 0 : i32
          %dma_wait3A_116 = arith.constant 0 : i32
          %dma_wait3A_117 = tpu.memref_slice %arg10[%dma_wait3A_115, %dma_wait3A_116] : memref<40x128xi32, #tpu.memory_space<vmem>> -> memref<1x128xi32, #tpu.memory_space<vmem>>
          %dma_wait3A_118 = tpu.memref_squeeze %dma_wait3A_117 : memref<1x128xi32, #tpu.memory_space<vmem>> -> memref<128xi32, #tpu.memory_space<vmem>>
          %dma_wait3A_119 = arith.constant 0 : i32
          %dma_wait3A_120 = arith.constant 0 : i32
          %dma_wait3A_121 = tpu.memref_slice %arg2[%dma_wait3A_119, %dma_wait3A_120] : memref<10000x128xf32, #tpu.memory_space<hbm>> -> memref<10000x128xf32, #tpu.memory_space<hbm>>
          tpu.wait_indirect_dma semaphore(%arg16 : memref<!tpu.dma_semaphore, #tpu.memory_space<semaphore_mem>>) src(%dma_wait3A_121 : memref<10000x128xf32, #tpu.memory_space<hbm>>) dst(%arg13 : memref<128x128xf32, #tpu.memory_space<vmem>>)
          %add3A_122 = arith.constant 1 : i32
          %add3A_123 = arith.addi %mul3A_84, %add3A_122 : i32
          %dma_start3A_124 = arith.constant 0 : i32
          %dma_start3A_125 = tpu.memref_slice %arg11[%add3A_123, %dma_start3A_124] : memref<40x128xi32, #tpu.memory_space<vmem>> -> memref<1x128xi32, #tpu.memory_space<vmem>>
          %dma_start3A_126 = tpu.memref_squeeze %dma_start3A_125 : memref<1x128xi32, #tpu.memory_space<vmem>> -> memref<128xi32, #tpu.memory_space<vmem>>
          %dma_start3A_127 = arith.constant 0 : i32
          %dma_start3A_128 = arith.constant 0 : i32
          %dma_start3A_129 = tpu.memref_slice %arg14[%dma_start3A_127, %dma_start3A_128] : memref<10112x128xf32, #tpu.memory_space<vmem_shared>> -> memref<10112x128xf32, #tpu.memory_space<vmem_shared>>
          tpu.enqueue_indirect_dma source(%arg13 : memref<128x128xf32, #tpu.memory_space<vmem>>) target(%dma_start3A_129 : memref<10112x128xf32, #tpu.memory_space<vmem_shared>>) offsets(%dma_start3A_126 : memref<128xi32, #tpu.memory_space<vmem>>) semaphore(%arg18 : memref<!tpu.dma_semaphore, #tpu.memory_space<semaphore_mem>>) {add = true}
        }
        %scan3A_68 = arith.constant 12 : i32
        %dma_wait3A = arith.constant 0 : i32
        %dma_wait3A_69 = arith.constant 0 : i32
        %dma_wait3A_70 = tpu.memref_slice %arg11[%dma_wait3A, %dma_wait3A_69] : memref<40x128xi32, #tpu.memory_space<vmem>> -> memref<1x128xi32, #tpu.memory_space<vmem>>
        %dma_wait3A_71 = tpu.memref_squeeze %dma_wait3A_70 : memref<1x128xi32, #tpu.memory_space<vmem>> -> memref<128xi32, #tpu.memory_space<vmem>>
        %dma_wait3A_72 = arith.constant 0 : i32
        %dma_wait3A_73 = arith.constant 0 : i32
        %dma_wait3A_74 = tpu.memref_slice %arg14[%dma_wait3A_72, %dma_wait3A_73] : memref<10112x128xf32, #tpu.memory_space<vmem_shared>> -> memref<10112x128xf32, #tpu.memory_space<vmem_shared>>
        tpu.wait_indirect_dma semaphore(%arg17 : memref<!tpu.dma_semaphore, #tpu.memory_space<semaphore_mem>>) src(%arg12 : memref<128x128xf32, #tpu.memory_space<vmem>>) dst(%dma_wait3A_74 : memref<10112x128xf32, #tpu.memory_space<vmem_shared>>)
        %dma_wait3A_75 = arith.constant 0 : i32
        %dma_wait3A_76 = arith.constant 0 : i32
        %dma_wait3A_77 = tpu.memref_slice %arg11[%dma_wait3A_75, %dma_wait3A_76] : memref<40x128xi32, #tpu.memory_space<vmem>> -> memref<1x128xi32, #tpu.memory_space<vmem>>
        %dma_wait3A_78 = tpu.memref_squeeze %dma_wait3A_77 : memref<1x128xi32, #tpu.memory_space<vmem>> -> memref<128xi32, #tpu.memory_space<vmem>>
        %dma_wait3A_79 = arith.constant 0 : i32
        %dma_wait3A_80 = arith.constant 0 : i32
        %dma_wait3A_81 = tpu.memref_slice %arg14[%dma_wait3A_79, %dma_wait3A_80] : memref<10112x128xf32, #tpu.memory_space<vmem_shared>> -> memref<10112x128xf32, #tpu.memory_space<vmem_shared>>
        tpu.wait_indirect_dma semaphore(%arg18 : memref<!tpu.dma_semaphore, #tpu.memory_space<semaphore_mem>>) src(%arg13 : memref<128x128xf32, #tpu.memory_space<vmem>>) dst(%dma_wait3A_81 : memref<10112x128xf32, #tpu.memory_space<vmem_shared>>)
      } else {
      }
    } else {
    }
    %eq3A_25 = arith.constant 1 : i32
    %eq3A_26 = arith.cmpi eq, %arg0, %eq3A_25 : i32
    %convert_element_type3A_27 = arith.extui %eq3A_26 : i1 to i32
    %cond3A_28 = arith.constant 0 : i32
    %cond3A_29 = arith.cmpi ne, %convert_element_type3A_27, %cond3A_28 : i32
    scf.if %cond3A_29 {
      %lt3A = arith.constant 15 : i32
      %lt3A_41 = arith.cmpi slt, %arg1, %lt3A : i32
      %convert_element_type3A_42 = arith.extui %lt3A_41 : i1 to i32
      %cond3A_43 = arith.constant 0 : i32
      %cond3A_44 = arith.cmpi ne, %convert_element_type3A_42, %cond3A_43 : i32
      scf.if %cond3A_44 {
        %mul3A_50 = arith.constant 160 : i32
        %mul3A_51 = arith.muli %arg1, %mul3A_50 : i32
        %scan3A_52 = arith.constant 0 : i32
        %scan3A_53 = arith.constant 0 : i32
        %scan3A_54 = arith.constant 4 : i32
        %scan3A_55 = arith.addi %scan3A_53, %scan3A_54 : i32
        %scan3A_56 = arith.constant 1 : i32
        scf.for %scan3A_58 = %scan3A_53 to %scan3A_55 step %scan3A_56  : i32 {
          %mul3A_59 = arith.constant 40 : i32
          %mul3A_60 = arith.muli %scan3A_58, %mul3A_59 : i32
          %add3A_61 = arith.addi %mul3A_51, %mul3A_60 : i32
          %multiple_of3A = tpu.assume_multiple %add3A_61, 8 : i32
          "tpu.region"() ({
            %run_scoped3A = tpu.sem_alloc : memref<!tpu.dma_semaphore, #tpu.memory_space<semaphore_mem>>
            %dma_start3A_87 = arith.constant 0 : i32
            %dma_start3A_88 = arith.constant 0 : i32
            %dma_start3A_89 = tpu.memref_slice %arg10[%dma_start3A_87, %dma_start3A_88] : memref<40x128xi32, #tpu.memory_space<vmem>> -> memref<40x128xi32, #tpu.memory_space<vmem>>
            %dma_start3A_90 = arith.constant 0 : i32
            %dma_start3A_91 = tpu.memref_slice %arg4[%multiple_of3A, %dma_start3A_90] : memref<2500x128xi32, #tpu.memory_space<hbm>> -> memref<40x128xi32, #tpu.memory_space<hbm>>
            %dma_start3A_92 = arith.constant 0 : i32
            %dma_start3A_93 = arith.constant 0 : i32
            %dma_start3A_94 = tpu.memref_slice %arg10[%dma_start3A_92, %dma_start3A_93] : memref<40x128xi32, #tpu.memory_space<vmem>> -> memref<40x128xi32, #tpu.memory_space<vmem>>
            %dma_start3A_95 = arith.constant 0 : i32
            %dma_start3A_96 = tpu.memref_slice %arg4[%multiple_of3A, %dma_start3A_95] : memref<2500x128xi32, #tpu.memory_space<hbm>> -> memref<40x128xi32, #tpu.memory_space<hbm>>
            tpu.enqueue_dma source(%dma_start3A_96 : memref<40x128xi32, #tpu.memory_space<hbm>>) target(%dma_start3A_94 : memref<40x128xi32, #tpu.memory_space<vmem>>) target_semaphore(%run_scoped3A : memref<!tpu.dma_semaphore, #tpu.memory_space<semaphore_mem>>)
            %dma_wait3A_97 = arith.constant 0 : i32
            %dma_wait3A_98 = arith.constant 0 : i32
            %dma_wait3A_99 = tpu.memref_slice %arg10[%dma_wait3A_97, %dma_wait3A_98] : memref<40x128xi32, #tpu.memory_space<vmem>> -> memref<40x128xi32, #tpu.memory_space<vmem>>
            %dma_wait3A_100 = arith.constant 0 : i32
            %dma_wait3A_101 = tpu.memref_slice %arg4[%multiple_of3A, %dma_wait3A_100] : memref<2500x128xi32, #tpu.memory_space<hbm>> -> memref<40x128xi32, #tpu.memory_space<hbm>>
            %dma_wait3A_102 = arith.constant 0 : i32
            %dma_wait3A_103 = arith.constant 0 : i32
            %dma_wait3A_104 = tpu.memref_slice %arg10[%dma_wait3A_102, %dma_wait3A_103] : memref<40x128xi32, #tpu.memory_space<vmem>> -> memref<40x128xi32, #tpu.memory_space<vmem>>
            %dma_wait3A_105 = arith.constant 0 : i32
            %dma_wait3A_106 = tpu.memref_slice %arg4[%multiple_of3A, %dma_wait3A_105] : memref<2500x128xi32, #tpu.memory_space<hbm>> -> memref<40x128xi32, #tpu.memory_space<hbm>>
            tpu.wait_dma2 semaphore(%run_scoped3A : memref<!tpu.dma_semaphore, #tpu.memory_space<semaphore_mem>>) src(%dma_wait3A_106 : memref<40x128xi32, #tpu.memory_space<hbm>>) dst(%dma_wait3A_104 : memref<40x128xi32, #tpu.memory_space<vmem>>)
            tpu.yield
          }) : () -> ()
          "tpu.region"() ({
            %run_scoped3A = tpu.sem_alloc : memref<!tpu.dma_semaphore, #tpu.memory_space<semaphore_mem>>
            %dma_start3A_87 = arith.constant 0 : i32
            %dma_start3A_88 = arith.constant 0 : i32
            %dma_start3A_89 = tpu.memref_slice %arg11[%dma_start3A_87, %dma_start3A_88] : memref<40x128xi32, #tpu.memory_space<vmem>> -> memref<40x128xi32, #tpu.memory_space<vmem>>
            %dma_start3A_90 = arith.constant 0 : i32
            %dma_start3A_91 = tpu.memref_slice %arg5[%multiple_of3A, %dma_start3A_90] : memref<2500x128xi32, #tpu.memory_space<hbm>> -> memref<40x128xi32, #tpu.memory_space<hbm>>
            %dma_start3A_92 = arith.constant 0 : i32
            %dma_start3A_93 = arith.constant 0 : i32
            %dma_start3A_94 = tpu.memref_slice %arg11[%dma_start3A_92, %dma_start3A_93] : memref<40x128xi32, #tpu.memory_space<vmem>> -> memref<40x128xi32, #tpu.memory_space<vmem>>
            %dma_start3A_95 = arith.constant 0 : i32
            %dma_start3A_96 = tpu.memref_slice %arg5[%multiple_of3A, %dma_start3A_95] : memref<2500x128xi32, #tpu.memory_space<hbm>> -> memref<40x128xi32, #tpu.memory_space<hbm>>
            tpu.enqueue_dma source(%dma_start3A_96 : memref<40x128xi32, #tpu.memory_space<hbm>>) target(%dma_start3A_94 : memref<40x128xi32, #tpu.memory_space<vmem>>) target_semaphore(%run_scoped3A : memref<!tpu.dma_semaphore, #tpu.memory_space<semaphore_mem>>)
            %dma_wait3A_97 = arith.constant 0 : i32
            %dma_wait3A_98 = arith.constant 0 : i32
            %dma_wait3A_99 = tpu.memref_slice %arg11[%dma_wait3A_97, %dma_wait3A_98] : memref<40x128xi32, #tpu.memory_space<vmem>> -> memref<40x128xi32, #tpu.memory_space<vmem>>
            %dma_wait3A_100 = arith.constant 0 : i32
            %dma_wait3A_101 = tpu.memref_slice %arg5[%multiple_of3A, %dma_wait3A_100] : memref<2500x128xi32, #tpu.memory_space<hbm>> -> memref<40x128xi32, #tpu.memory_space<hbm>>
            %dma_wait3A_102 = arith.constant 0 : i32
            %dma_wait3A_103 = arith.constant 0 : i32
            %dma_wait3A_104 = tpu.memref_slice %arg11[%dma_wait3A_102, %dma_wait3A_103] : memref<40x128xi32, #tpu.memory_space<vmem>> -> memref<40x128xi32, #tpu.memory_space<vmem>>
            %dma_wait3A_105 = arith.constant 0 : i32
            %dma_wait3A_106 = tpu.memref_slice %arg5[%multiple_of3A, %dma_wait3A_105] : memref<2500x128xi32, #tpu.memory_space<hbm>> -> memref<40x128xi32, #tpu.memory_space<hbm>>
            tpu.wait_dma2 semaphore(%run_scoped3A : memref<!tpu.dma_semaphore, #tpu.memory_space<semaphore_mem>>) src(%dma_wait3A_106 : memref<40x128xi32, #tpu.memory_space<hbm>>) dst(%dma_wait3A_104 : memref<40x128xi32, #tpu.memory_space<vmem>>)
            tpu.yield
          }) : () -> ()
          %dma_start3A = arith.constant 0 : i32
          %dma_start3A_62 = arith.constant 0 : i32
          %dma_start3A_63 = tpu.memref_slice %arg10[%dma_start3A, %dma_start3A_62] : memref<40x128xi32, #tpu.memory_space<vmem>> -> memref<1x128xi32, #tpu.memory_space<vmem>>
          %dma_start3A_64 = tpu.memref_squeeze %dma_start3A_63 : memref<1x128xi32, #tpu.memory_space<vmem>> -> memref<128xi32, #tpu.memory_space<vmem>>
          %dma_start3A_65 = arith.constant 0 : i32
          %dma_start3A_66 = arith.constant 0 : i32
          %dma_start3A_67 = tpu.memref_slice %arg3[%dma_start3A_65, %dma_start3A_66] : memref<10000x128xf32, #tpu.memory_space<hbm>> -> memref<10000x128xf32, #tpu.memory_space<hbm>>
          tpu.enqueue_indirect_dma source(%dma_start3A_67 : memref<10000x128xf32, #tpu.memory_space<hbm>>) target(%arg12 : memref<128x128xf32, #tpu.memory_space<vmem>>) offsets(%dma_start3A_64 : memref<128xi32, #tpu.memory_space<vmem>>) semaphore(%arg15 : memref<!tpu.dma_semaphore, #tpu.memory_space<semaphore_mem>>)
          %scan3A_68 = arith.constant 0 : i32
          %scan3A_69 = arith.constant 0 : i32
          %scan3A_70 = arith.constant 20 : i32
          %scan3A_71 = arith.addi %scan3A_69, %scan3A_70 : i32
          %scan3A_72 = arith.constant 1 : i32
          scf.for %scan3A_87 = %scan3A_69 to %scan3A_71 step %scan3A_72  : i32 {
            %mul3A_88 = arith.constant 2 : i32
            %mul3A_89 = arith.muli %mul3A_88, %scan3A_87 : i32
            %gt3A = arith.constant 0 : i32
            %gt3A_90 = arith.cmpi sgt, %scan3A_87, %gt3A : i32
            %convert_element_type3A_91 = arith.extui %gt3A_90 : i1 to i32
            %cond3A_92 = arith.constant 0 : i32
            %cond3A_93 = arith.cmpi ne, %convert_element_type3A_91, %cond3A_92 : i32
            scf.if %cond3A_93 {
              %dma_wait3A_135 = arith.constant 0 : i32
              %dma_wait3A_136 = arith.constant 0 : i32
              %dma_wait3A_137 = tpu.memref_slice %arg11[%dma_wait3A_135, %dma_wait3A_136] : memref<40x128xi32, #tpu.memory_space<vmem>> -> memref<1x128xi32, #tpu.memory_space<vmem>>
              %dma_wait3A_138 = tpu.memref_squeeze %dma_wait3A_137 : memref<1x128xi32, #tpu.memory_space<vmem>> -> memref<128xi32, #tpu.memory_space<vmem>>
              %dma_wait3A_139 = arith.constant 0 : i32
              %dma_wait3A_140 = arith.constant 0 : i32
              %dma_wait3A_141 = tpu.memref_slice %arg14[%dma_wait3A_139, %dma_wait3A_140] : memref<10112x128xf32, #tpu.memory_space<vmem_shared>> -> memref<10112x128xf32, #tpu.memory_space<vmem_shared>>
              tpu.wait_indirect_dma semaphore(%arg18 : memref<!tpu.dma_semaphore, #tpu.memory_space<semaphore_mem>>) src(%arg13 : memref<128x128xf32, #tpu.memory_space<vmem>>) dst(%dma_wait3A_141 : memref<10112x128xf32, #tpu.memory_space<vmem_shared>>)
            } else {
            }
            %add3A_94 = arith.constant 1 : i32
            %add3A_95 = arith.addi %mul3A_89, %add3A_94 : i32
            %dma_start3A_96 = arith.constant 0 : i32
            %dma_start3A_97 = tpu.memref_slice %arg10[%add3A_95, %dma_start3A_96] : memref<40x128xi32, #tpu.memory_space<vmem>> -> memref<1x128xi32, #tpu.memory_space<vmem>>
            %dma_start3A_98 = tpu.memref_squeeze %dma_start3A_97 : memref<1x128xi32, #tpu.memory_space<vmem>> -> memref<128xi32, #tpu.memory_space<vmem>>
            %dma_start3A_99 = arith.constant 0 : i32
            %dma_start3A_100 = arith.constant 0 : i32
            %dma_start3A_101 = tpu.memref_slice %arg3[%dma_start3A_99, %dma_start3A_100] : memref<10000x128xf32, #tpu.memory_space<hbm>> -> memref<10000x128xf32, #tpu.memory_space<hbm>>
            tpu.enqueue_indirect_dma source(%dma_start3A_101 : memref<10000x128xf32, #tpu.memory_space<hbm>>) target(%arg13 : memref<128x128xf32, #tpu.memory_space<vmem>>) offsets(%dma_start3A_98 : memref<128xi32, #tpu.memory_space<vmem>>) semaphore(%arg16 : memref<!tpu.dma_semaphore, #tpu.memory_space<semaphore_mem>>)
            %dma_wait3A_102 = arith.constant 0 : i32
            %dma_wait3A_103 = arith.constant 0 : i32
            %dma_wait3A_104 = tpu.memref_slice %arg10[%dma_wait3A_102, %dma_wait3A_103] : memref<40x128xi32, #tpu.memory_space<vmem>> -> memref<1x128xi32, #tpu.memory_space<vmem>>
            %dma_wait3A_105 = tpu.memref_squeeze %dma_wait3A_104 : memref<1x128xi32, #tpu.memory_space<vmem>> -> memref<128xi32, #tpu.memory_space<vmem>>
            %dma_wait3A_106 = arith.constant 0 : i32
            %dma_wait3A_107 = arith.constant 0 : i32
            %dma_wait3A_108 = tpu.memref_slice %arg3[%dma_wait3A_106, %dma_wait3A_107] : memref<10000x128xf32, #tpu.memory_space<hbm>> -> memref<10000x128xf32, #tpu.memory_space<hbm>>
            tpu.wait_indirect_dma semaphore(%arg15 : memref<!tpu.dma_semaphore, #tpu.memory_space<semaphore_mem>>) src(%dma_wait3A_108 : memref<10000x128xf32, #tpu.memory_space<hbm>>) dst(%arg12 : memref<128x128xf32, #tpu.memory_space<vmem>>)
            %dma_start3A_109 = arith.constant 0 : i32
            %dma_start3A_110 = tpu.memref_slice %arg11[%mul3A_89, %dma_start3A_109] : memref<40x128xi32, #tpu.memory_space<vmem>> -> memref<1x128xi32, #tpu.memory_space<vmem>>
            %dma_start3A_111 = tpu.memref_squeeze %dma_start3A_110 : memref<1x128xi32, #tpu.memory_space<vmem>> -> memref<128xi32, #tpu.memory_space<vmem>>
            %dma_start3A_112 = arith.constant 0 : i32
            %dma_start3A_113 = arith.constant 0 : i32
            %dma_start3A_114 = tpu.memref_slice %arg14[%dma_start3A_112, %dma_start3A_113] : memref<10112x128xf32, #tpu.memory_space<vmem_shared>> -> memref<10112x128xf32, #tpu.memory_space<vmem_shared>>
            tpu.enqueue_indirect_dma source(%arg12 : memref<128x128xf32, #tpu.memory_space<vmem>>) target(%dma_start3A_114 : memref<10112x128xf32, #tpu.memory_space<vmem_shared>>) offsets(%dma_start3A_111 : memref<128xi32, #tpu.memory_space<vmem>>) semaphore(%arg17 : memref<!tpu.dma_semaphore, #tpu.memory_space<semaphore_mem>>) {add = true}
            %lt3A_115 = arith.constant 19 : i32
            %lt3A_116 = arith.cmpi slt, %scan3A_87, %lt3A_115 : i32
            %convert_element_type3A_117 = arith.extui %lt3A_116 : i1 to i32
            %cond3A_118 = arith.constant 0 : i32
            %cond3A_119 = arith.cmpi ne, %convert_element_type3A_117, %cond3A_118 : i32
            scf.if %cond3A_119 {
              %dma_wait3A_135 = arith.constant 0 : i32
              %dma_wait3A_136 = arith.constant 0 : i32
              %dma_wait3A_137 = tpu.memref_slice %arg11[%dma_wait3A_135, %dma_wait3A_136] : memref<40x128xi32, #tpu.memory_space<vmem>> -> memref<1x128xi32, #tpu.memory_space<vmem>>
              %dma_wait3A_138 = tpu.memref_squeeze %dma_wait3A_137 : memref<1x128xi32, #tpu.memory_space<vmem>> -> memref<128xi32, #tpu.memory_space<vmem>>
              %dma_wait3A_139 = arith.constant 0 : i32
              %dma_wait3A_140 = arith.constant 0 : i32
              %dma_wait3A_141 = tpu.memref_slice %arg14[%dma_wait3A_139, %dma_wait3A_140] : memref<10112x128xf32, #tpu.memory_space<vmem_shared>> -> memref<10112x128xf32, #tpu.memory_space<vmem_shared>>
              tpu.wait_indirect_dma semaphore(%arg17 : memref<!tpu.dma_semaphore, #tpu.memory_space<semaphore_mem>>) src(%arg12 : memref<128x128xf32, #tpu.memory_space<vmem>>) dst(%dma_wait3A_141 : memref<10112x128xf32, #tpu.memory_space<vmem_shared>>)
              %add3A_142 = arith.constant 2 : i32
              %add3A_143 = arith.addi %mul3A_89, %add3A_142 : i32
              %dma_start3A_144 = arith.constant 0 : i32
              %dma_start3A_145 = tpu.memref_slice %arg10[%add3A_143, %dma_start3A_144] : memref<40x128xi32, #tpu.memory_space<vmem>> -> memref<1x128xi32, #tpu.memory_space<vmem>>
              %dma_start3A_146 = tpu.memref_squeeze %dma_start3A_145 : memref<1x128xi32, #tpu.memory_space<vmem>> -> memref<128xi32, #tpu.memory_space<vmem>>
              %dma_start3A_147 = arith.constant 0 : i32
              %dma_start3A_148 = arith.constant 0 : i32
              %dma_start3A_149 = tpu.memref_slice %arg3[%dma_start3A_147, %dma_start3A_148] : memref<10000x128xf32, #tpu.memory_space<hbm>> -> memref<10000x128xf32, #tpu.memory_space<hbm>>
              tpu.enqueue_indirect_dma source(%dma_start3A_149 : memref<10000x128xf32, #tpu.memory_space<hbm>>) target(%arg12 : memref<128x128xf32, #tpu.memory_space<vmem>>) offsets(%dma_start3A_146 : memref<128xi32, #tpu.memory_space<vmem>>) semaphore(%arg15 : memref<!tpu.dma_semaphore, #tpu.memory_space<semaphore_mem>>)
            } else {
            }
            %dma_wait3A_120 = arith.constant 0 : i32
            %dma_wait3A_121 = arith.constant 0 : i32
            %dma_wait3A_122 = tpu.memref_slice %arg10[%dma_wait3A_120, %dma_wait3A_121] : memref<40x128xi32, #tpu.memory_space<vmem>> -> memref<1x128xi32, #tpu.memory_space<vmem>>
            %dma_wait3A_123 = tpu.memref_squeeze %dma_wait3A_122 : memref<1x128xi32, #tpu.memory_space<vmem>> -> memref<128xi32, #tpu.memory_space<vmem>>
            %dma_wait3A_124 = arith.constant 0 : i32
            %dma_wait3A_125 = arith.constant 0 : i32
            %dma_wait3A_126 = tpu.memref_slice %arg3[%dma_wait3A_124, %dma_wait3A_125] : memref<10000x128xf32, #tpu.memory_space<hbm>> -> memref<10000x128xf32, #tpu.memory_space<hbm>>
            tpu.wait_indirect_dma semaphore(%arg16 : memref<!tpu.dma_semaphore, #tpu.memory_space<semaphore_mem>>) src(%dma_wait3A_126 : memref<10000x128xf32, #tpu.memory_space<hbm>>) dst(%arg13 : memref<128x128xf32, #tpu.memory_space<vmem>>)
            %add3A_127 = arith.constant 1 : i32
            %add3A_128 = arith.addi %mul3A_89, %add3A_127 : i32
            %dma_start3A_129 = arith.constant 0 : i32
            %dma_start3A_130 = tpu.memref_slice %arg11[%add3A_128, %dma_start3A_129] : memref<40x128xi32, #tpu.memory_space<vmem>> -> memref<1x128xi32, #tpu.memory_space<vmem>>
            %dma_start3A_131 = tpu.memref_squeeze %dma_start3A_130 : memref<1x128xi32, #tpu.memory_space<vmem>> -> memref<128xi32, #tpu.memory_space<vmem>>
            %dma_start3A_132 = arith.constant 0 : i32
            %dma_start3A_133 = arith.constant 0 : i32
            %dma_start3A_134 = tpu.memref_slice %arg14[%dma_start3A_132, %dma_start3A_133] : memref<10112x128xf32, #tpu.memory_space<vmem_shared>> -> memref<10112x128xf32, #tpu.memory_space<vmem_shared>>
            tpu.enqueue_indirect_dma source(%arg13 : memref<128x128xf32, #tpu.memory_space<vmem>>) target(%dma_start3A_134 : memref<10112x128xf32, #tpu.memory_space<vmem_shared>>) offsets(%dma_start3A_131 : memref<128xi32, #tpu.memory_space<vmem>>) semaphore(%arg18 : memref<!tpu.dma_semaphore, #tpu.memory_space<semaphore_mem>>) {add = true}
          }
          %scan3A_73 = arith.constant 20 : i32
          %dma_wait3A = arith.constant 0 : i32
          %dma_wait3A_74 = arith.constant 0 : i32
          %dma_wait3A_75 = tpu.memref_slice %arg11[%dma_wait3A, %dma_wait3A_74] : memref<40x128xi32, #tpu.memory_space<vmem>> -> memref<1x128xi32, #tpu.memory_space<vmem>>
          %dma_wait3A_76 = tpu.memref_squeeze %dma_wait3A_75 : memref<1x128xi32, #tpu.memory_space<vmem>> -> memref<128xi32, #tpu.memory_space<vmem>>
          %dma_wait3A_77 = arith.constant 0 : i32
          %dma_wait3A_78 = arith.constant 0 : i32
          %dma_wait3A_79 = tpu.memref_slice %arg14[%dma_wait3A_77, %dma_wait3A_78] : memref<10112x128xf32, #tpu.memory_space<vmem_shared>> -> memref<10112x128xf32, #tpu.memory_space<vmem_shared>>
          tpu.wait_indirect_dma semaphore(%arg17 : memref<!tpu.dma_semaphore, #tpu.memory_space<semaphore_mem>>) src(%arg12 : memref<128x128xf32, #tpu.memory_space<vmem>>) dst(%dma_wait3A_79 : memref<10112x128xf32, #tpu.memory_space<vmem_shared>>)
          %dma_wait3A_80 = arith.constant 0 : i32
          %dma_wait3A_81 = arith.constant 0 : i32
          %dma_wait3A_82 = tpu.memref_slice %arg11[%dma_wait3A_80, %dma_wait3A_81] : memref<40x128xi32, #tpu.memory_space<vmem>> -> memref<1x128xi32, #tpu.memory_space<vmem>>
          %dma_wait3A_83 = tpu.memref_squeeze %dma_wait3A_82 : memref<1x128xi32, #tpu.memory_space<vmem>> -> memref<128xi32, #tpu.memory_space<vmem>>
          %dma_wait3A_84 = arith.constant 0 : i32
          %dma_wait3A_85 = arith.constant 0 : i32
          %dma_wait3A_86 = tpu.memref_slice %arg14[%dma_wait3A_84, %dma_wait3A_85] : memref<10112x128xf32, #tpu.memory_space<vmem_shared>> -> memref<10112x128xf32, #tpu.memory_space<vmem_shared>>
          tpu.wait_indirect_dma semaphore(%arg18 : memref<!tpu.dma_semaphore, #tpu.memory_space<semaphore_mem>>) src(%arg13 : memref<128x128xf32, #tpu.memory_space<vmem>>) dst(%dma_wait3A_86 : memref<10112x128xf32, #tpu.memory_space<vmem_shared>>)
        }
        %scan3A_57 = arith.constant 4 : i32
      } else {
      }
      %eq3A_45 = arith.constant 15 : i32
      %eq3A_46 = arith.cmpi eq, %arg1, %eq3A_45 : i32
      %convert_element_type3A_47 = arith.extui %eq3A_46 : i1 to i32
      %cond3A_48 = arith.constant 0 : i32
      %cond3A_49 = arith.cmpi ne, %convert_element_type3A_47, %cond3A_48 : i32
      scf.if %cond3A_49 {
        %scan3A_50 = arith.constant 0 : i32
        %scan3A_51 = arith.constant 0 : i32
        %scan3A_52 = arith.constant 2 : i32
        %scan3A_53 = arith.addi %scan3A_51, %scan3A_52 : i32
        %scan3A_54 = arith.constant 1 : i32
        scf.for %scan3A_82 = %scan3A_51 to %scan3A_53 step %scan3A_54  : i32 {
          %mul3A_83 = arith.constant 40 : i32
          %mul3A_84 = arith.muli %scan3A_82, %mul3A_83 : i32
          %add3A_85 = arith.constant 2400 : i32
          %add3A_86 = arith.addi %add3A_85, %mul3A_84 : i32
          %multiple_of3A_87 = tpu.assume_multiple %add3A_86, 8 : i32
          "tpu.region"() ({
            %run_scoped3A = tpu.sem_alloc : memref<!tpu.dma_semaphore, #tpu.memory_space<semaphore_mem>>
            %dma_start3A_115 = arith.constant 0 : i32
            %dma_start3A_116 = arith.constant 0 : i32
            %dma_start3A_117 = tpu.memref_slice %arg10[%dma_start3A_115, %dma_start3A_116] : memref<40x128xi32, #tpu.memory_space<vmem>> -> memref<40x128xi32, #tpu.memory_space<vmem>>
            %dma_start3A_118 = arith.constant 0 : i32
            %dma_start3A_119 = tpu.memref_slice %arg4[%multiple_of3A_87, %dma_start3A_118] : memref<2500x128xi32, #tpu.memory_space<hbm>> -> memref<40x128xi32, #tpu.memory_space<hbm>>
            %dma_start3A_120 = arith.constant 0 : i32
            %dma_start3A_121 = arith.constant 0 : i32
            %dma_start3A_122 = tpu.memref_slice %arg10[%dma_start3A_120, %dma_start3A_121] : memref<40x128xi32, #tpu.memory_space<vmem>> -> memref<40x128xi32, #tpu.memory_space<vmem>>
            %dma_start3A_123 = arith.constant 0 : i32
            %dma_start3A_124 = tpu.memref_slice %arg4[%multiple_of3A_87, %dma_start3A_123] : memref<2500x128xi32, #tpu.memory_space<hbm>> -> memref<40x128xi32, #tpu.memory_space<hbm>>
            tpu.enqueue_dma source(%dma_start3A_124 : memref<40x128xi32, #tpu.memory_space<hbm>>) target(%dma_start3A_122 : memref<40x128xi32, #tpu.memory_space<vmem>>) target_semaphore(%run_scoped3A : memref<!tpu.dma_semaphore, #tpu.memory_space<semaphore_mem>>)
            %dma_wait3A_125 = arith.constant 0 : i32
            %dma_wait3A_126 = arith.constant 0 : i32
            %dma_wait3A_127 = tpu.memref_slice %arg10[%dma_wait3A_125, %dma_wait3A_126] : memref<40x128xi32, #tpu.memory_space<vmem>> -> memref<40x128xi32, #tpu.memory_space<vmem>>
            %dma_wait3A_128 = arith.constant 0 : i32
            %dma_wait3A_129 = tpu.memref_slice %arg4[%multiple_of3A_87, %dma_wait3A_128] : memref<2500x128xi32, #tpu.memory_space<hbm>> -> memref<40x128xi32, #tpu.memory_space<hbm>>
            %dma_wait3A_130 = arith.constant 0 : i32
            %dma_wait3A_131 = arith.constant 0 : i32
            %dma_wait3A_132 = tpu.memref_slice %arg10[%dma_wait3A_130, %dma_wait3A_131] : memref<40x128xi32, #tpu.memory_space<vmem>> -> memref<40x128xi32, #tpu.memory_space<vmem>>
            %dma_wait3A_133 = arith.constant 0 : i32
            %dma_wait3A_134 = tpu.memref_slice %arg4[%multiple_of3A_87, %dma_wait3A_133] : memref<2500x128xi32, #tpu.memory_space<hbm>> -> memref<40x128xi32, #tpu.memory_space<hbm>>
            tpu.wait_dma2 semaphore(%run_scoped3A : memref<!tpu.dma_semaphore, #tpu.memory_space<semaphore_mem>>) src(%dma_wait3A_134 : memref<40x128xi32, #tpu.memory_space<hbm>>) dst(%dma_wait3A_132 : memref<40x128xi32, #tpu.memory_space<vmem>>)
            tpu.yield
          }) : () -> ()
          "tpu.region"() ({
            %run_scoped3A = tpu.sem_alloc : memref<!tpu.dma_semaphore, #tpu.memory_space<semaphore_mem>>
            %dma_start3A_115 = arith.constant 0 : i32
            %dma_start3A_116 = arith.constant 0 : i32
            %dma_start3A_117 = tpu.memref_slice %arg11[%dma_start3A_115, %dma_start3A_116] : memref<40x128xi32, #tpu.memory_space<vmem>> -> memref<40x128xi32, #tpu.memory_space<vmem>>
            %dma_start3A_118 = arith.constant 0 : i32
            %dma_start3A_119 = tpu.memref_slice %arg5[%multiple_of3A_87, %dma_start3A_118] : memref<2500x128xi32, #tpu.memory_space<hbm>> -> memref<40x128xi32, #tpu.memory_space<hbm>>
            %dma_start3A_120 = arith.constant 0 : i32
            %dma_start3A_121 = arith.constant 0 : i32
            %dma_start3A_122 = tpu.memref_slice %arg11[%dma_start3A_120, %dma_start3A_121] : memref<40x128xi32, #tpu.memory_space<vmem>> -> memref<40x128xi32, #tpu.memory_space<vmem>>
            %dma_start3A_123 = arith.constant 0 : i32
            %dma_start3A_124 = tpu.memref_slice %arg5[%multiple_of3A_87, %dma_start3A_123] : memref<2500x128xi32, #tpu.memory_space<hbm>> -> memref<40x128xi32, #tpu.memory_space<hbm>>
            tpu.enqueue_dma source(%dma_start3A_124 : memref<40x128xi32, #tpu.memory_space<hbm>>) target(%dma_start3A_122 : memref<40x128xi32, #tpu.memory_space<vmem>>) target_semaphore(%run_scoped3A : memref<!tpu.dma_semaphore, #tpu.memory_space<semaphore_mem>>)
            %dma_wait3A_125 = arith.constant 0 : i32
            %dma_wait3A_126 = arith.constant 0 : i32
            %dma_wait3A_127 = tpu.memref_slice %arg11[%dma_wait3A_125, %dma_wait3A_126] : memref<40x128xi32, #tpu.memory_space<vmem>> -> memref<40x128xi32, #tpu.memory_space<vmem>>
            %dma_wait3A_128 = arith.constant 0 : i32
            %dma_wait3A_129 = tpu.memref_slice %arg5[%multiple_of3A_87, %dma_wait3A_128] : memref<2500x128xi32, #tpu.memory_space<hbm>> -> memref<40x128xi32, #tpu.memory_space<hbm>>
            %dma_wait3A_130 = arith.constant 0 : i32
            %dma_wait3A_131 = arith.constant 0 : i32
            %dma_wait3A_132 = tpu.memref_slice %arg11[%dma_wait3A_130, %dma_wait3A_131] : memref<40x128xi32, #tpu.memory_space<vmem>> -> memref<40x128xi32, #tpu.memory_space<vmem>>
            %dma_wait3A_133 = arith.constant 0 : i32
            %dma_wait3A_134 = tpu.memref_slice %arg5[%multiple_of3A_87, %dma_wait3A_133] : memref<2500x128xi32, #tpu.memory_space<hbm>> -> memref<40x128xi32, #tpu.memory_space<hbm>>
            tpu.wait_dma2 semaphore(%run_scoped3A : memref<!tpu.dma_semaphore, #tpu.memory_space<semaphore_mem>>) src(%dma_wait3A_134 : memref<40x128xi32, #tpu.memory_space<hbm>>) dst(%dma_wait3A_132 : memref<40x128xi32, #tpu.memory_space<vmem>>)
            tpu.yield
          }) : () -> ()
          %dma_start3A_88 = arith.constant 0 : i32
          %dma_start3A_89 = arith.constant 0 : i32
          %dma_start3A_90 = tpu.memref_slice %arg10[%dma_start3A_88, %dma_start3A_89] : memref<40x128xi32, #tpu.memory_space<vmem>> -> memref<1x128xi32, #tpu.memory_space<vmem>>
          %dma_start3A_91 = tpu.memref_squeeze %dma_start3A_90 : memref<1x128xi32, #tpu.memory_space<vmem>> -> memref<128xi32, #tpu.memory_space<vmem>>
          %dma_start3A_92 = arith.constant 0 : i32
          %dma_start3A_93 = arith.constant 0 : i32
          %dma_start3A_94 = tpu.memref_slice %arg3[%dma_start3A_92, %dma_start3A_93] : memref<10000x128xf32, #tpu.memory_space<hbm>> -> memref<10000x128xf32, #tpu.memory_space<hbm>>
          tpu.enqueue_indirect_dma source(%dma_start3A_94 : memref<10000x128xf32, #tpu.memory_space<hbm>>) target(%arg12 : memref<128x128xf32, #tpu.memory_space<vmem>>) offsets(%dma_start3A_91 : memref<128xi32, #tpu.memory_space<vmem>>) semaphore(%arg15 : memref<!tpu.dma_semaphore, #tpu.memory_space<semaphore_mem>>)
          %scan3A_95 = arith.constant 0 : i32
          %scan3A_96 = arith.constant 0 : i32
          %scan3A_97 = arith.constant 20 : i32
          %scan3A_98 = arith.addi %scan3A_96, %scan3A_97 : i32
          %scan3A_99 = arith.constant 1 : i32
          scf.for %scan3A_115 = %scan3A_96 to %scan3A_98 step %scan3A_99  : i32 {
            %mul3A_116 = arith.constant 2 : i32
            %mul3A_117 = arith.muli %mul3A_116, %scan3A_115 : i32
            %gt3A = arith.constant 0 : i32
            %gt3A_118 = arith.cmpi sgt, %scan3A_115, %gt3A : i32
            %convert_element_type3A_119 = arith.extui %gt3A_118 : i1 to i32
            %cond3A_120 = arith.constant 0 : i32
            %cond3A_121 = arith.cmpi ne, %convert_element_type3A_119, %cond3A_120 : i32
            scf.if %cond3A_121 {
              %dma_wait3A_163 = arith.constant 0 : i32
              %dma_wait3A_164 = arith.constant 0 : i32
              %dma_wait3A_165 = tpu.memref_slice %arg11[%dma_wait3A_163, %dma_wait3A_164] : memref<40x128xi32, #tpu.memory_space<vmem>> -> memref<1x128xi32, #tpu.memory_space<vmem>>
              %dma_wait3A_166 = tpu.memref_squeeze %dma_wait3A_165 : memref<1x128xi32, #tpu.memory_space<vmem>> -> memref<128xi32, #tpu.memory_space<vmem>>
              %dma_wait3A_167 = arith.constant 0 : i32
              %dma_wait3A_168 = arith.constant 0 : i32
              %dma_wait3A_169 = tpu.memref_slice %arg14[%dma_wait3A_167, %dma_wait3A_168] : memref<10112x128xf32, #tpu.memory_space<vmem_shared>> -> memref<10112x128xf32, #tpu.memory_space<vmem_shared>>
              tpu.wait_indirect_dma semaphore(%arg18 : memref<!tpu.dma_semaphore, #tpu.memory_space<semaphore_mem>>) src(%arg13 : memref<128x128xf32, #tpu.memory_space<vmem>>) dst(%dma_wait3A_169 : memref<10112x128xf32, #tpu.memory_space<vmem_shared>>)
            } else {
            }
            %add3A_122 = arith.constant 1 : i32
            %add3A_123 = arith.addi %mul3A_117, %add3A_122 : i32
            %dma_start3A_124 = arith.constant 0 : i32
            %dma_start3A_125 = tpu.memref_slice %arg10[%add3A_123, %dma_start3A_124] : memref<40x128xi32, #tpu.memory_space<vmem>> -> memref<1x128xi32, #tpu.memory_space<vmem>>
            %dma_start3A_126 = tpu.memref_squeeze %dma_start3A_125 : memref<1x128xi32, #tpu.memory_space<vmem>> -> memref<128xi32, #tpu.memory_space<vmem>>
            %dma_start3A_127 = arith.constant 0 : i32
            %dma_start3A_128 = arith.constant 0 : i32
            %dma_start3A_129 = tpu.memref_slice %arg3[%dma_start3A_127, %dma_start3A_128] : memref<10000x128xf32, #tpu.memory_space<hbm>> -> memref<10000x128xf32, #tpu.memory_space<hbm>>
            tpu.enqueue_indirect_dma source(%dma_start3A_129 : memref<10000x128xf32, #tpu.memory_space<hbm>>) target(%arg13 : memref<128x128xf32, #tpu.memory_space<vmem>>) offsets(%dma_start3A_126 : memref<128xi32, #tpu.memory_space<vmem>>) semaphore(%arg16 : memref<!tpu.dma_semaphore, #tpu.memory_space<semaphore_mem>>)
            %dma_wait3A_130 = arith.constant 0 : i32
            %dma_wait3A_131 = arith.constant 0 : i32
            %dma_wait3A_132 = tpu.memref_slice %arg10[%dma_wait3A_130, %dma_wait3A_131] : memref<40x128xi32, #tpu.memory_space<vmem>> -> memref<1x128xi32, #tpu.memory_space<vmem>>
            %dma_wait3A_133 = tpu.memref_squeeze %dma_wait3A_132 : memref<1x128xi32, #tpu.memory_space<vmem>> -> memref<128xi32, #tpu.memory_space<vmem>>
            %dma_wait3A_134 = arith.constant 0 : i32
            %dma_wait3A_135 = arith.constant 0 : i32
            %dma_wait3A_136 = tpu.memref_slice %arg3[%dma_wait3A_134, %dma_wait3A_135] : memref<10000x128xf32, #tpu.memory_space<hbm>> -> memref<10000x128xf32, #tpu.memory_space<hbm>>
            tpu.wait_indirect_dma semaphore(%arg15 : memref<!tpu.dma_semaphore, #tpu.memory_space<semaphore_mem>>) src(%dma_wait3A_136 : memref<10000x128xf32, #tpu.memory_space<hbm>>) dst(%arg12 : memref<128x128xf32, #tpu.memory_space<vmem>>)
            %dma_start3A_137 = arith.constant 0 : i32
            %dma_start3A_138 = tpu.memref_slice %arg11[%mul3A_117, %dma_start3A_137] : memref<40x128xi32, #tpu.memory_space<vmem>> -> memref<1x128xi32, #tpu.memory_space<vmem>>
            %dma_start3A_139 = tpu.memref_squeeze %dma_start3A_138 : memref<1x128xi32, #tpu.memory_space<vmem>> -> memref<128xi32, #tpu.memory_space<vmem>>
            %dma_start3A_140 = arith.constant 0 : i32
            %dma_start3A_141 = arith.constant 0 : i32
            %dma_start3A_142 = tpu.memref_slice %arg14[%dma_start3A_140, %dma_start3A_141] : memref<10112x128xf32, #tpu.memory_space<vmem_shared>> -> memref<10112x128xf32, #tpu.memory_space<vmem_shared>>
            tpu.enqueue_indirect_dma source(%arg12 : memref<128x128xf32, #tpu.memory_space<vmem>>) target(%dma_start3A_142 : memref<10112x128xf32, #tpu.memory_space<vmem_shared>>) offsets(%dma_start3A_139 : memref<128xi32, #tpu.memory_space<vmem>>) semaphore(%arg17 : memref<!tpu.dma_semaphore, #tpu.memory_space<semaphore_mem>>) {add = true}
            %lt3A_143 = arith.constant 19 : i32
            %lt3A_144 = arith.cmpi slt, %scan3A_115, %lt3A_143 : i32
            %convert_element_type3A_145 = arith.extui %lt3A_144 : i1 to i32
            %cond3A_146 = arith.constant 0 : i32
            %cond3A_147 = arith.cmpi ne, %convert_element_type3A_145, %cond3A_146 : i32
            scf.if %cond3A_147 {
              %dma_wait3A_163 = arith.constant 0 : i32
              %dma_wait3A_164 = arith.constant 0 : i32
              %dma_wait3A_165 = tpu.memref_slice %arg11[%dma_wait3A_163, %dma_wait3A_164] : memref<40x128xi32, #tpu.memory_space<vmem>> -> memref<1x128xi32, #tpu.memory_space<vmem>>
              %dma_wait3A_166 = tpu.memref_squeeze %dma_wait3A_165 : memref<1x128xi32, #tpu.memory_space<vmem>> -> memref<128xi32, #tpu.memory_space<vmem>>
              %dma_wait3A_167 = arith.constant 0 : i32
              %dma_wait3A_168 = arith.constant 0 : i32
              %dma_wait3A_169 = tpu.memref_slice %arg14[%dma_wait3A_167, %dma_wait3A_168] : memref<10112x128xf32, #tpu.memory_space<vmem_shared>> -> memref<10112x128xf32, #tpu.memory_space<vmem_shared>>
              tpu.wait_indirect_dma semaphore(%arg17 : memref<!tpu.dma_semaphore, #tpu.memory_space<semaphore_mem>>) src(%arg12 : memref<128x128xf32, #tpu.memory_space<vmem>>) dst(%dma_wait3A_169 : memref<10112x128xf32, #tpu.memory_space<vmem_shared>>)
              %add3A_170 = arith.constant 2 : i32
              %add3A_171 = arith.addi %mul3A_117, %add3A_170 : i32
              %dma_start3A_172 = arith.constant 0 : i32
              %dma_start3A_173 = tpu.memref_slice %arg10[%add3A_171, %dma_start3A_172] : memref<40x128xi32, #tpu.memory_space<vmem>> -> memref<1x128xi32, #tpu.memory_space<vmem>>
              %dma_start3A_174 = tpu.memref_squeeze %dma_start3A_173 : memref<1x128xi32, #tpu.memory_space<vmem>> -> memref<128xi32, #tpu.memory_space<vmem>>
              %dma_start3A_175 = arith.constant 0 : i32
              %dma_start3A_176 = arith.constant 0 : i32
              %dma_start3A_177 = tpu.memref_slice %arg3[%dma_start3A_175, %dma_start3A_176] : memref<10000x128xf32, #tpu.memory_space<hbm>> -> memref<10000x128xf32, #tpu.memory_space<hbm>>
              tpu.enqueue_indirect_dma source(%dma_start3A_177 : memref<10000x128xf32, #tpu.memory_space<hbm>>) target(%arg12 : memref<128x128xf32, #tpu.memory_space<vmem>>) offsets(%dma_start3A_174 : memref<128xi32, #tpu.memory_space<vmem>>) semaphore(%arg15 : memref<!tpu.dma_semaphore, #tpu.memory_space<semaphore_mem>>)
            } else {
            }
            %dma_wait3A_148 = arith.constant 0 : i32
            %dma_wait3A_149 = arith.constant 0 : i32
            %dma_wait3A_150 = tpu.memref_slice %arg10[%dma_wait3A_148, %dma_wait3A_149] : memref<40x128xi32, #tpu.memory_space<vmem>> -> memref<1x128xi32, #tpu.memory_space<vmem>>
            %dma_wait3A_151 = tpu.memref_squeeze %dma_wait3A_150 : memref<1x128xi32, #tpu.memory_space<vmem>> -> memref<128xi32, #tpu.memory_space<vmem>>
            %dma_wait3A_152 = arith.constant 0 : i32
            %dma_wait3A_153 = arith.constant 0 : i32
            %dma_wait3A_154 = tpu.memref_slice %arg3[%dma_wait3A_152, %dma_wait3A_153] : memref<10000x128xf32, #tpu.memory_space<hbm>> -> memref<10000x128xf32, #tpu.memory_space<hbm>>
            tpu.wait_indirect_dma semaphore(%arg16 : memref<!tpu.dma_semaphore, #tpu.memory_space<semaphore_mem>>) src(%dma_wait3A_154 : memref<10000x128xf32, #tpu.memory_space<hbm>>) dst(%arg13 : memref<128x128xf32, #tpu.memory_space<vmem>>)
            %add3A_155 = arith.constant 1 : i32
            %add3A_156 = arith.addi %mul3A_117, %add3A_155 : i32
            %dma_start3A_157 = arith.constant 0 : i32
            %dma_start3A_158 = tpu.memref_slice %arg11[%add3A_156, %dma_start3A_157] : memref<40x128xi32, #tpu.memory_space<vmem>> -> memref<1x128xi32, #tpu.memory_space<vmem>>
            %dma_start3A_159 = tpu.memref_squeeze %dma_start3A_158 : memref<1x128xi32, #tpu.memory_space<vmem>> -> memref<128xi32, #tpu.memory_space<vmem>>
            %dma_start3A_160 = arith.constant 0 : i32
            %dma_start3A_161 = arith.constant 0 : i32
            %dma_start3A_162 = tpu.memref_slice %arg14[%dma_start3A_160, %dma_start3A_161] : memref<10112x128xf32, #tpu.memory_space<vmem_shared>> -> memref<10112x128xf32, #tpu.memory_space<vmem_shared>>
            tpu.enqueue_indirect_dma source(%arg13 : memref<128x128xf32, #tpu.memory_space<vmem>>) target(%dma_start3A_162 : memref<10112x128xf32, #tpu.memory_space<vmem_shared>>) offsets(%dma_start3A_159 : memref<128xi32, #tpu.memory_space<vmem>>) semaphore(%arg18 : memref<!tpu.dma_semaphore, #tpu.memory_space<semaphore_mem>>) {add = true}
          }
          %scan3A_100 = arith.constant 20 : i32
          %dma_wait3A_101 = arith.constant 0 : i32
          %dma_wait3A_102 = arith.constant 0 : i32
          %dma_wait3A_103 = tpu.memref_slice %arg11[%dma_wait3A_101, %dma_wait3A_102] : memref<40x128xi32, #tpu.memory_space<vmem>> -> memref<1x128xi32, #tpu.memory_space<vmem>>
          %dma_wait3A_104 = tpu.memref_squeeze %dma_wait3A_103 : memref<1x128xi32, #tpu.memory_space<vmem>> -> memref<128xi32, #tpu.memory_space<vmem>>
          %dma_wait3A_105 = arith.constant 0 : i32
          %dma_wait3A_106 = arith.constant 0 : i32
          %dma_wait3A_107 = tpu.memref_slice %arg14[%dma_wait3A_105, %dma_wait3A_106] : memref<10112x128xf32, #tpu.memory_space<vmem_shared>> -> memref<10112x128xf32, #tpu.memory_space<vmem_shared>>
          tpu.wait_indirect_dma semaphore(%arg17 : memref<!tpu.dma_semaphore, #tpu.memory_space<semaphore_mem>>) src(%arg12 : memref<128x128xf32, #tpu.memory_space<vmem>>) dst(%dma_wait3A_107 : memref<10112x128xf32, #tpu.memory_space<vmem_shared>>)
          %dma_wait3A_108 = arith.constant 0 : i32
          %dma_wait3A_109 = arith.constant 0 : i32
          %dma_wait3A_110 = tpu.memref_slice %arg11[%dma_wait3A_108, %dma_wait3A_109] : memref<40x128xi32, #tpu.memory_space<vmem>> -> memref<1x128xi32, #tpu.memory_space<vmem>>
          %dma_wait3A_111 = tpu.memref_squeeze %dma_wait3A_110 : memref<1x128xi32, #tpu.memory_space<vmem>> -> memref<128xi32, #tpu.memory_space<vmem>>
          %dma_wait3A_112 = arith.constant 0 : i32
          %dma_wait3A_113 = arith.constant 0 : i32
          %dma_wait3A_114 = tpu.memref_slice %arg14[%dma_wait3A_112, %dma_wait3A_113] : memref<10112x128xf32, #tpu.memory_space<vmem_shared>> -> memref<10112x128xf32, #tpu.memory_space<vmem_shared>>
          tpu.wait_indirect_dma semaphore(%arg18 : memref<!tpu.dma_semaphore, #tpu.memory_space<semaphore_mem>>) src(%arg13 : memref<128x128xf32, #tpu.memory_space<vmem>>) dst(%dma_wait3A_114 : memref<10112x128xf32, #tpu.memory_space<vmem_shared>>)
        }
        %scan3A_55 = arith.constant 2 : i32
        %multiple_of3A = arith.constant 0 : i32
        %multiple_of3A_56 = tpu.assume_multiple %multiple_of3A, 8 : i32
        "tpu.region"() ({
          %run_scoped3A = tpu.sem_alloc : memref<!tpu.dma_semaphore, #tpu.memory_space<semaphore_mem>>
          %dma_start3A_82 = arith.constant 0 : i32
          %dma_start3A_83 = arith.constant 0 : i32
          %dma_start3A_84 = tpu.memref_slice %arg10[%dma_start3A_82, %dma_start3A_83] : memref<40x128xi32, #tpu.memory_space<vmem>> -> memref<24x128xi32, #tpu.memory_space<vmem>>
          %dma_start3A_85 = arith.constant 0 : i32
          %dma_start3A_86 = tpu.memref_slice %arg6[%multiple_of3A_56, %dma_start3A_85] : memref<24x128xi32, #tpu.memory_space<hbm>> -> memref<24x128xi32, #tpu.memory_space<hbm>>
          %dma_start3A_87 = arith.constant 0 : i32
          %dma_start3A_88 = arith.constant 0 : i32
          %dma_start3A_89 = tpu.memref_slice %arg10[%dma_start3A_87, %dma_start3A_88] : memref<40x128xi32, #tpu.memory_space<vmem>> -> memref<24x128xi32, #tpu.memory_space<vmem>>
          %dma_start3A_90 = arith.constant 0 : i32
          %dma_start3A_91 = tpu.memref_slice %arg6[%multiple_of3A_56, %dma_start3A_90] : memref<24x128xi32, #tpu.memory_space<hbm>> -> memref<24x128xi32, #tpu.memory_space<hbm>>
          tpu.enqueue_dma source(%dma_start3A_91 : memref<24x128xi32, #tpu.memory_space<hbm>>) target(%dma_start3A_89 : memref<24x128xi32, #tpu.memory_space<vmem>>) target_semaphore(%run_scoped3A : memref<!tpu.dma_semaphore, #tpu.memory_space<semaphore_mem>>)
          %dma_wait3A_92 = arith.constant 0 : i32
          %dma_wait3A_93 = arith.constant 0 : i32
          %dma_wait3A_94 = tpu.memref_slice %arg10[%dma_wait3A_92, %dma_wait3A_93] : memref<40x128xi32, #tpu.memory_space<vmem>> -> memref<24x128xi32, #tpu.memory_space<vmem>>
          %dma_wait3A_95 = arith.constant 0 : i32
          %dma_wait3A_96 = tpu.memref_slice %arg6[%multiple_of3A_56, %dma_wait3A_95] : memref<24x128xi32, #tpu.memory_space<hbm>> -> memref<24x128xi32, #tpu.memory_space<hbm>>
          %dma_wait3A_97 = arith.constant 0 : i32
          %dma_wait3A_98 = arith.constant 0 : i32
          %dma_wait3A_99 = tpu.memref_slice %arg10[%dma_wait3A_97, %dma_wait3A_98] : memref<40x128xi32, #tpu.memory_space<vmem>> -> memref<24x128xi32, #tpu.memory_space<vmem>>
          %dma_wait3A_100 = arith.constant 0 : i32
          %dma_wait3A_101 = tpu.memref_slice %arg6[%multiple_of3A_56, %dma_wait3A_100] : memref<24x128xi32, #tpu.memory_space<hbm>> -> memref<24x128xi32, #tpu.memory_space<hbm>>
          tpu.wait_dma2 semaphore(%run_scoped3A : memref<!tpu.dma_semaphore, #tpu.memory_space<semaphore_mem>>) src(%dma_wait3A_101 : memref<24x128xi32, #tpu.memory_space<hbm>>) dst(%dma_wait3A_99 : memref<24x128xi32, #tpu.memory_space<vmem>>)
          tpu.yield
        }) : () -> ()
        "tpu.region"() ({
          %run_scoped3A = tpu.sem_alloc : memref<!tpu.dma_semaphore, #tpu.memory_space<semaphore_mem>>
          %dma_start3A_82 = arith.constant 0 : i32
          %dma_start3A_83 = arith.constant 0 : i32
          %dma_start3A_84 = tpu.memref_slice %arg11[%dma_start3A_82, %dma_start3A_83] : memref<40x128xi32, #tpu.memory_space<vmem>> -> memref<24x128xi32, #tpu.memory_space<vmem>>
          %dma_start3A_85 = arith.constant 0 : i32
          %dma_start3A_86 = tpu.memref_slice %arg7[%multiple_of3A_56, %dma_start3A_85] : memref<24x128xi32, #tpu.memory_space<hbm>> -> memref<24x128xi32, #tpu.memory_space<hbm>>
          %dma_start3A_87 = arith.constant 0 : i32
          %dma_start3A_88 = arith.constant 0 : i32
          %dma_start3A_89 = tpu.memref_slice %arg11[%dma_start3A_87, %dma_start3A_88] : memref<40x128xi32, #tpu.memory_space<vmem>> -> memref<24x128xi32, #tpu.memory_space<vmem>>
          %dma_start3A_90 = arith.constant 0 : i32
          %dma_start3A_91 = tpu.memref_slice %arg7[%multiple_of3A_56, %dma_start3A_90] : memref<24x128xi32, #tpu.memory_space<hbm>> -> memref<24x128xi32, #tpu.memory_space<hbm>>
          tpu.enqueue_dma source(%dma_start3A_91 : memref<24x128xi32, #tpu.memory_space<hbm>>) target(%dma_start3A_89 : memref<24x128xi32, #tpu.memory_space<vmem>>) target_semaphore(%run_scoped3A : memref<!tpu.dma_semaphore, #tpu.memory_space<semaphore_mem>>)
          %dma_wait3A_92 = arith.constant 0 : i32
          %dma_wait3A_93 = arith.constant 0 : i32
          %dma_wait3A_94 = tpu.memref_slice %arg11[%dma_wait3A_92, %dma_wait3A_93] : memref<40x128xi32, #tpu.memory_space<vmem>> -> memref<24x128xi32, #tpu.memory_space<vmem>>
          %dma_wait3A_95 = arith.constant 0 : i32
          %dma_wait3A_96 = tpu.memref_slice %arg7[%multiple_of3A_56, %dma_wait3A_95] : memref<24x128xi32, #tpu.memory_space<hbm>> -> memref<24x128xi32, #tpu.memory_space<hbm>>
          %dma_wait3A_97 = arith.constant 0 : i32
          %dma_wait3A_98 = arith.constant 0 : i32
          %dma_wait3A_99 = tpu.memref_slice %arg11[%dma_wait3A_97, %dma_wait3A_98] : memref<40x128xi32, #tpu.memory_space<vmem>> -> memref<24x128xi32, #tpu.memory_space<vmem>>
          %dma_wait3A_100 = arith.constant 0 : i32
          %dma_wait3A_101 = tpu.memref_slice %arg7[%multiple_of3A_56, %dma_wait3A_100] : memref<24x128xi32, #tpu.memory_space<hbm>> -> memref<24x128xi32, #tpu.memory_space<hbm>>
          tpu.wait_dma2 semaphore(%run_scoped3A : memref<!tpu.dma_semaphore, #tpu.memory_space<semaphore_mem>>) src(%dma_wait3A_101 : memref<24x128xi32, #tpu.memory_space<hbm>>) dst(%dma_wait3A_99 : memref<24x128xi32, #tpu.memory_space<vmem>>)
          tpu.yield
        }) : () -> ()
        %dma_start3A = arith.constant 0 : i32
        %dma_start3A_57 = arith.constant 0 : i32
        %dma_start3A_58 = tpu.memref_slice %arg10[%dma_start3A, %dma_start3A_57] : memref<40x128xi32, #tpu.memory_space<vmem>> -> memref<1x128xi32, #tpu.memory_space<vmem>>
        %dma_start3A_59 = tpu.memref_squeeze %dma_start3A_58 : memref<1x128xi32, #tpu.memory_space<vmem>> -> memref<128xi32, #tpu.memory_space<vmem>>
        %dma_start3A_60 = arith.constant 0 : i32
        %dma_start3A_61 = arith.constant 0 : i32
        %dma_start3A_62 = tpu.memref_slice %arg3[%dma_start3A_60, %dma_start3A_61] : memref<10000x128xf32, #tpu.memory_space<hbm>> -> memref<10000x128xf32, #tpu.memory_space<hbm>>
        tpu.enqueue_indirect_dma source(%dma_start3A_62 : memref<10000x128xf32, #tpu.memory_space<hbm>>) target(%arg12 : memref<128x128xf32, #tpu.memory_space<vmem>>) offsets(%dma_start3A_59 : memref<128xi32, #tpu.memory_space<vmem>>) semaphore(%arg15 : memref<!tpu.dma_semaphore, #tpu.memory_space<semaphore_mem>>)
        %scan3A_63 = arith.constant 0 : i32
        %scan3A_64 = arith.constant 0 : i32
        %scan3A_65 = arith.constant 12 : i32
        %scan3A_66 = arith.addi %scan3A_64, %scan3A_65 : i32
        %scan3A_67 = arith.constant 1 : i32
        scf.for %scan3A_82 = %scan3A_64 to %scan3A_66 step %scan3A_67  : i32 {
          %mul3A_83 = arith.constant 2 : i32
          %mul3A_84 = arith.muli %mul3A_83, %scan3A_82 : i32
          %gt3A = arith.constant 0 : i32
          %gt3A_85 = arith.cmpi sgt, %scan3A_82, %gt3A : i32
          %convert_element_type3A_86 = arith.extui %gt3A_85 : i1 to i32
          %cond3A_87 = arith.constant 0 : i32
          %cond3A_88 = arith.cmpi ne, %convert_element_type3A_86, %cond3A_87 : i32
          scf.if %cond3A_88 {
            %dma_wait3A_130 = arith.constant 0 : i32
            %dma_wait3A_131 = arith.constant 0 : i32
            %dma_wait3A_132 = tpu.memref_slice %arg11[%dma_wait3A_130, %dma_wait3A_131] : memref<40x128xi32, #tpu.memory_space<vmem>> -> memref<1x128xi32, #tpu.memory_space<vmem>>
            %dma_wait3A_133 = tpu.memref_squeeze %dma_wait3A_132 : memref<1x128xi32, #tpu.memory_space<vmem>> -> memref<128xi32, #tpu.memory_space<vmem>>
            %dma_wait3A_134 = arith.constant 0 : i32
            %dma_wait3A_135 = arith.constant 0 : i32
            %dma_wait3A_136 = tpu.memref_slice %arg14[%dma_wait3A_134, %dma_wait3A_135] : memref<10112x128xf32, #tpu.memory_space<vmem_shared>> -> memref<10112x128xf32, #tpu.memory_space<vmem_shared>>
            tpu.wait_indirect_dma semaphore(%arg18 : memref<!tpu.dma_semaphore, #tpu.memory_space<semaphore_mem>>) src(%arg13 : memref<128x128xf32, #tpu.memory_space<vmem>>) dst(%dma_wait3A_136 : memref<10112x128xf32, #tpu.memory_space<vmem_shared>>)
          } else {
          }
          %add3A_89 = arith.constant 1 : i32
          %add3A_90 = arith.addi %mul3A_84, %add3A_89 : i32
          %dma_start3A_91 = arith.constant 0 : i32
          %dma_start3A_92 = tpu.memref_slice %arg10[%add3A_90, %dma_start3A_91] : memref<40x128xi32, #tpu.memory_space<vmem>> -> memref<1x128xi32, #tpu.memory_space<vmem>>
          %dma_start3A_93 = tpu.memref_squeeze %dma_start3A_92 : memref<1x128xi32, #tpu.memory_space<vmem>> -> memref<128xi32, #tpu.memory_space<vmem>>
          %dma_start3A_94 = arith.constant 0 : i32
          %dma_start3A_95 = arith.constant 0 : i32
          %dma_start3A_96 = tpu.memref_slice %arg3[%dma_start3A_94, %dma_start3A_95] : memref<10000x128xf32, #tpu.memory_space<hbm>> -> memref<10000x128xf32, #tpu.memory_space<hbm>>
          tpu.enqueue_indirect_dma source(%dma_start3A_96 : memref<10000x128xf32, #tpu.memory_space<hbm>>) target(%arg13 : memref<128x128xf32, #tpu.memory_space<vmem>>) offsets(%dma_start3A_93 : memref<128xi32, #tpu.memory_space<vmem>>) semaphore(%arg16 : memref<!tpu.dma_semaphore, #tpu.memory_space<semaphore_mem>>)
          %dma_wait3A_97 = arith.constant 0 : i32
          %dma_wait3A_98 = arith.constant 0 : i32
          %dma_wait3A_99 = tpu.memref_slice %arg10[%dma_wait3A_97, %dma_wait3A_98] : memref<40x128xi32, #tpu.memory_space<vmem>> -> memref<1x128xi32, #tpu.memory_space<vmem>>
          %dma_wait3A_100 = tpu.memref_squeeze %dma_wait3A_99 : memref<1x128xi32, #tpu.memory_space<vmem>> -> memref<128xi32, #tpu.memory_space<vmem>>
          %dma_wait3A_101 = arith.constant 0 : i32
          %dma_wait3A_102 = arith.constant 0 : i32
          %dma_wait3A_103 = tpu.memref_slice %arg3[%dma_wait3A_101, %dma_wait3A_102] : memref<10000x128xf32, #tpu.memory_space<hbm>> -> memref<10000x128xf32, #tpu.memory_space<hbm>>
          tpu.wait_indirect_dma semaphore(%arg15 : memref<!tpu.dma_semaphore, #tpu.memory_space<semaphore_mem>>) src(%dma_wait3A_103 : memref<10000x128xf32, #tpu.memory_space<hbm>>) dst(%arg12 : memref<128x128xf32, #tpu.memory_space<vmem>>)
          %dma_start3A_104 = arith.constant 0 : i32
          %dma_start3A_105 = tpu.memref_slice %arg11[%mul3A_84, %dma_start3A_104] : memref<40x128xi32, #tpu.memory_space<vmem>> -> memref<1x128xi32, #tpu.memory_space<vmem>>
          %dma_start3A_106 = tpu.memref_squeeze %dma_start3A_105 : memref<1x128xi32, #tpu.memory_space<vmem>> -> memref<128xi32, #tpu.memory_space<vmem>>
          %dma_start3A_107 = arith.constant 0 : i32
          %dma_start3A_108 = arith.constant 0 : i32
          %dma_start3A_109 = tpu.memref_slice %arg14[%dma_start3A_107, %dma_start3A_108] : memref<10112x128xf32, #tpu.memory_space<vmem_shared>> -> memref<10112x128xf32, #tpu.memory_space<vmem_shared>>
          tpu.enqueue_indirect_dma source(%arg12 : memref<128x128xf32, #tpu.memory_space<vmem>>) target(%dma_start3A_109 : memref<10112x128xf32, #tpu.memory_space<vmem_shared>>) offsets(%dma_start3A_106 : memref<128xi32, #tpu.memory_space<vmem>>) semaphore(%arg17 : memref<!tpu.dma_semaphore, #tpu.memory_space<semaphore_mem>>) {add = true}
          %lt3A_110 = arith.constant 11 : i32
          %lt3A_111 = arith.cmpi slt, %scan3A_82, %lt3A_110 : i32
          %convert_element_type3A_112 = arith.extui %lt3A_111 : i1 to i32
          %cond3A_113 = arith.constant 0 : i32
          %cond3A_114 = arith.cmpi ne, %convert_element_type3A_112, %cond3A_113 : i32
          scf.if %cond3A_114 {
            %dma_wait3A_130 = arith.constant 0 : i32
            %dma_wait3A_131 = arith.constant 0 : i32
            %dma_wait3A_132 = tpu.memref_slice %arg11[%dma_wait3A_130, %dma_wait3A_131] : memref<40x128xi32, #tpu.memory_space<vmem>> -> memref<1x128xi32, #tpu.memory_space<vmem>>
            %dma_wait3A_133 = tpu.memref_squeeze %dma_wait3A_132 : memref<1x128xi32, #tpu.memory_space<vmem>> -> memref<128xi32, #tpu.memory_space<vmem>>
            %dma_wait3A_134 = arith.constant 0 : i32
            %dma_wait3A_135 = arith.constant 0 : i32
            %dma_wait3A_136 = tpu.memref_slice %arg14[%dma_wait3A_134, %dma_wait3A_135] : memref<10112x128xf32, #tpu.memory_space<vmem_shared>> -> memref<10112x128xf32, #tpu.memory_space<vmem_shared>>
            tpu.wait_indirect_dma semaphore(%arg17 : memref<!tpu.dma_semaphore, #tpu.memory_space<semaphore_mem>>) src(%arg12 : memref<128x128xf32, #tpu.memory_space<vmem>>) dst(%dma_wait3A_136 : memref<10112x128xf32, #tpu.memory_space<vmem_shared>>)
            %add3A_137 = arith.constant 2 : i32
            %add3A_138 = arith.addi %mul3A_84, %add3A_137 : i32
            %dma_start3A_139 = arith.constant 0 : i32
            %dma_start3A_140 = tpu.memref_slice %arg10[%add3A_138, %dma_start3A_139] : memref<40x128xi32, #tpu.memory_space<vmem>> -> memref<1x128xi32, #tpu.memory_space<vmem>>
            %dma_start3A_141 = tpu.memref_squeeze %dma_start3A_140 : memref<1x128xi32, #tpu.memory_space<vmem>> -> memref<128xi32, #tpu.memory_space<vmem>>
            %dma_start3A_142 = arith.constant 0 : i32
            %dma_start3A_143 = arith.constant 0 : i32
            %dma_start3A_144 = tpu.memref_slice %arg3[%dma_start3A_142, %dma_start3A_143] : memref<10000x128xf32, #tpu.memory_space<hbm>> -> memref<10000x128xf32, #tpu.memory_space<hbm>>
            tpu.enqueue_indirect_dma source(%dma_start3A_144 : memref<10000x128xf32, #tpu.memory_space<hbm>>) target(%arg12 : memref<128x128xf32, #tpu.memory_space<vmem>>) offsets(%dma_start3A_141 : memref<128xi32, #tpu.memory_space<vmem>>) semaphore(%arg15 : memref<!tpu.dma_semaphore, #tpu.memory_space<semaphore_mem>>)
          } else {
          }
          %dma_wait3A_115 = arith.constant 0 : i32
          %dma_wait3A_116 = arith.constant 0 : i32
          %dma_wait3A_117 = tpu.memref_slice %arg10[%dma_wait3A_115, %dma_wait3A_116] : memref<40x128xi32, #tpu.memory_space<vmem>> -> memref<1x128xi32, #tpu.memory_space<vmem>>
          %dma_wait3A_118 = tpu.memref_squeeze %dma_wait3A_117 : memref<1x128xi32, #tpu.memory_space<vmem>> -> memref<128xi32, #tpu.memory_space<vmem>>
          %dma_wait3A_119 = arith.constant 0 : i32
          %dma_wait3A_120 = arith.constant 0 : i32
          %dma_wait3A_121 = tpu.memref_slice %arg3[%dma_wait3A_119, %dma_wait3A_120] : memref<10000x128xf32, #tpu.memory_space<hbm>> -> memref<10000x128xf32, #tpu.memory_space<hbm>>
          tpu.wait_indirect_dma semaphore(%arg16 : memref<!tpu.dma_semaphore, #tpu.memory_space<semaphore_mem>>) src(%dma_wait3A_121 : memref<10000x128xf32, #tpu.memory_space<hbm>>) dst(%arg13 : memref<128x128xf32, #tpu.memory_space<vmem>>)
          %add3A_122 = arith.constant 1 : i32
          %add3A_123 = arith.addi %mul3A_84, %add3A_122 : i32
          %dma_start3A_124 = arith.constant 0 : i32
          %dma_start3A_125 = tpu.memref_slice %arg11[%add3A_123, %dma_start3A_124] : memref<40x128xi32, #tpu.memory_space<vmem>> -> memref<1x128xi32, #tpu.memory_space<vmem>>
          %dma_start3A_126 = tpu.memref_squeeze %dma_start3A_125 : memref<1x128xi32, #tpu.memory_space<vmem>> -> memref<128xi32, #tpu.memory_space<vmem>>
          %dma_start3A_127 = arith.constant 0 : i32
          %dma_start3A_128 = arith.constant 0 : i32
          %dma_start3A_129 = tpu.memref_slice %arg14[%dma_start3A_127, %dma_start3A_128] : memref<10112x128xf32, #tpu.memory_space<vmem_shared>> -> memref<10112x128xf32, #tpu.memory_space<vmem_shared>>
          tpu.enqueue_indirect_dma source(%arg13 : memref<128x128xf32, #tpu.memory_space<vmem>>) target(%dma_start3A_129 : memref<10112x128xf32, #tpu.memory_space<vmem_shared>>) offsets(%dma_start3A_126 : memref<128xi32, #tpu.memory_space<vmem>>) semaphore(%arg18 : memref<!tpu.dma_semaphore, #tpu.memory_space<semaphore_mem>>) {add = true}
        }
        %scan3A_68 = arith.constant 12 : i32
        %dma_wait3A = arith.constant 0 : i32
        %dma_wait3A_69 = arith.constant 0 : i32
        %dma_wait3A_70 = tpu.memref_slice %arg11[%dma_wait3A, %dma_wait3A_69] : memref<40x128xi32, #tpu.memory_space<vmem>> -> memref<1x128xi32, #tpu.memory_space<vmem>>
        %dma_wait3A_71 = tpu.memref_squeeze %dma_wait3A_70 : memref<1x128xi32, #tpu.memory_space<vmem>> -> memref<128xi32, #tpu.memory_space<vmem>>
        %dma_wait3A_72 = arith.constant 0 : i32
        %dma_wait3A_73 = arith.constant 0 : i32
        %dma_wait3A_74 = tpu.memref_slice %arg14[%dma_wait3A_72, %dma_wait3A_73] : memref<10112x128xf32, #tpu.memory_space<vmem_shared>> -> memref<10112x128xf32, #tpu.memory_space<vmem_shared>>
        tpu.wait_indirect_dma semaphore(%arg17 : memref<!tpu.dma_semaphore, #tpu.memory_space<semaphore_mem>>) src(%arg12 : memref<128x128xf32, #tpu.memory_space<vmem>>) dst(%dma_wait3A_74 : memref<10112x128xf32, #tpu.memory_space<vmem_shared>>)
        %dma_wait3A_75 = arith.constant 0 : i32
        %dma_wait3A_76 = arith.constant 0 : i32
        %dma_wait3A_77 = tpu.memref_slice %arg11[%dma_wait3A_75, %dma_wait3A_76] : memref<40x128xi32, #tpu.memory_space<vmem>> -> memref<1x128xi32, #tpu.memory_space<vmem>>
        %dma_wait3A_78 = tpu.memref_squeeze %dma_wait3A_77 : memref<1x128xi32, #tpu.memory_space<vmem>> -> memref<128xi32, #tpu.memory_space<vmem>>
        %dma_wait3A_79 = arith.constant 0 : i32
        %dma_wait3A_80 = arith.constant 0 : i32
        %dma_wait3A_81 = tpu.memref_slice %arg14[%dma_wait3A_79, %dma_wait3A_80] : memref<10112x128xf32, #tpu.memory_space<vmem_shared>> -> memref<10112x128xf32, #tpu.memory_space<vmem_shared>>
        tpu.wait_indirect_dma semaphore(%arg18 : memref<!tpu.dma_semaphore, #tpu.memory_space<semaphore_mem>>) src(%arg13 : memref<128x128xf32, #tpu.memory_space<vmem>>) dst(%dma_wait3A_81 : memref<10112x128xf32, #tpu.memory_space<vmem_shared>>)
      } else {
      }
    } else {
    }
    %barrier3A_30 = arith.constant 0 : index
    tpu.barrier barrier_id(%barrier3A_30)
    %eq3A_31 = arith.constant 0 : i32
    %eq3A_32 = arith.cmpi eq, %arg0, %eq3A_31 : i32
    %convert_element_type3A_33 = arith.extui %eq3A_32 : i1 to i32
    %cond3A_34 = arith.constant 0 : i32
    %cond3A_35 = arith.cmpi ne, %convert_element_type3A_33, %cond3A_34 : i32
    scf.if %cond3A_35 {
      %mul3A_41 = arith.constant 632 : i32
      %mul3A_42 = arith.muli %arg1, %mul3A_41 : i32
      %mul3A_43 = arith.constant 632 : i32
      %mul3A_44 = arith.muli %arg1, %mul3A_43 : i32
      "tpu.region"() ({
        %run_scoped3A = tpu.sem_alloc : memref<!tpu.dma_semaphore, #tpu.memory_space<semaphore_mem>>
        %dma_start3A = arith.constant 0 : i32
        %dma_start3A_45 = tpu.memref_slice %arg8[%mul3A_44, %dma_start3A] : memref<10112x128xf32, #tpu.memory_space<hbm>> -> memref<632x128xf32, #tpu.memory_space<hbm>>
        %dma_start3A_46 = arith.constant 0 : i32
        %dma_start3A_47 = tpu.memref_slice %arg14[%mul3A_42, %dma_start3A_46] : memref<10112x128xf32, #tpu.memory_space<vmem_shared>> -> memref<632x128xf32, #tpu.memory_space<vmem_shared>>
        tpu.enqueue_dma source(%dma_start3A_47 : memref<632x128xf32, #tpu.memory_space<vmem_shared>>) target(%dma_start3A_45 : memref<632x128xf32, #tpu.memory_space<hbm>>) target_semaphore(%run_scoped3A : memref<!tpu.dma_semaphore, #tpu.memory_space<semaphore_mem>>)
        %dma_wait3A = arith.constant 0 : i32
        %dma_wait3A_48 = tpu.memref_slice %arg8[%mul3A_44, %dma_wait3A] : memref<10112x128xf32, #tpu.memory_space<hbm>> -> memref<632x128xf32, #tpu.memory_space<hbm>>
        %dma_wait3A_49 = arith.constant 0 : i32
        %dma_wait3A_50 = tpu.memref_slice %arg14[%mul3A_42, %dma_wait3A_49] : memref<10112x128xf32, #tpu.memory_space<vmem_shared>> -> memref<632x128xf32, #tpu.memory_space<vmem_shared>>
        tpu.wait_dma2 semaphore(%run_scoped3A : memref<!tpu.dma_semaphore, #tpu.memory_space<semaphore_mem>>) src(%dma_wait3A_50 : memref<632x128xf32, #tpu.memory_space<vmem_shared>>) dst(%dma_wait3A_48 : memref<632x128xf32, #tpu.memory_space<hbm>>)
        tpu.yield
      }) : () -> ()
    } else {
    }
    %eq3A_36 = arith.constant 1 : i32
    %eq3A_37 = arith.cmpi eq, %arg0, %eq3A_36 : i32
    %convert_element_type3A_38 = arith.extui %eq3A_37 : i1 to i32
    %cond3A_39 = arith.constant 0 : i32
    %cond3A_40 = arith.cmpi ne, %convert_element_type3A_38, %cond3A_39 : i32
    scf.if %cond3A_40 {
      %mul3A_41 = arith.constant 632 : i32
      %mul3A_42 = arith.muli %arg1, %mul3A_41 : i32
      %mul3A_43 = arith.constant 632 : i32
      %mul3A_44 = arith.muli %arg1, %mul3A_43 : i32
      "tpu.region"() ({
        %run_scoped3A = tpu.sem_alloc : memref<!tpu.dma_semaphore, #tpu.memory_space<semaphore_mem>>
        %dma_start3A = arith.constant 0 : i32
        %dma_start3A_45 = tpu.memref_slice %arg9[%mul3A_44, %dma_start3A] : memref<10112x128xf32, #tpu.memory_space<hbm>> -> memref<632x128xf32, #tpu.memory_space<hbm>>
        %dma_start3A_46 = arith.constant 0 : i32
        %dma_start3A_47 = tpu.memref_slice %arg14[%mul3A_42, %dma_start3A_46] : memref<10112x128xf32, #tpu.memory_space<vmem_shared>> -> memref<632x128xf32, #tpu.memory_space<vmem_shared>>
        tpu.enqueue_dma source(%dma_start3A_47 : memref<632x128xf32, #tpu.memory_space<vmem_shared>>) target(%dma_start3A_45 : memref<632x128xf32, #tpu.memory_space<hbm>>) target_semaphore(%run_scoped3A : memref<!tpu.dma_semaphore, #tpu.memory_space<semaphore_mem>>)
        %dma_wait3A = arith.constant 0 : i32
        %dma_wait3A_48 = tpu.memref_slice %arg9[%mul3A_44, %dma_wait3A] : memref<10112x128xf32, #tpu.memory_space<hbm>> -> memref<632x128xf32, #tpu.memory_space<hbm>>
        %dma_wait3A_49 = arith.constant 0 : i32
        %dma_wait3A_50 = tpu.memref_slice %arg14[%mul3A_42, %dma_wait3A_49] : memref<10112x128xf32, #tpu.memory_space<vmem_shared>> -> memref<632x128xf32, #tpu.memory_space<vmem_shared>>
        tpu.wait_dma2 semaphore(%run_scoped3A : memref<!tpu.dma_semaphore, #tpu.memory_space<semaphore_mem>>) src(%dma_wait3A_50 : memref<632x128xf32, #tpu.memory_space<vmem_shared>>) dst(%dma_wait3A_48 : memref<632x128xf32, #tpu.memory_space<hbm>>)
        tpu.yield
      }) : () -> ()
    } else {
    }
    return
  }
}

module attributes {stable_mosaic.version = 14 : i64} {
  func.func @_mm1_body(%arg0: i32, %arg1: memref<2000x128xf32, #tpu.memory_space<vmem>>, %arg2: memref<2000x128xf32, #tpu.memory_space<vmem>>, %arg3: memref<128x256xf32, #tpu.memory_space<vmem>>, %arg4: memref<1x256xf32, #tpu.memory_space<vmem>>, %arg5: memref<2000x128xf32, #tpu.memory_space<vmem>>, %arg6: memref<2000x128xf32, #tpu.memory_space<vmem>>) attributes {dimension_semantics = [#tpu.dimension_semantics<arbitrary>], iteration_bounds = array<i64: 5>, scalar_prefetch = 0 : i64, scratch_operands = 0 : i64, tpu.core_type = #tpu.core_type<tc>, window_params = [{transform_indices = @transform_0, window_bounds = array<i64: 2000, 128>}, {transform_indices = @transform_1, window_bounds = array<i64: 2000, 128>}, {pipeline_mode = #tpu.pipeline_mode<synchronous>, transform_indices = @transform_2, window_bounds = array<i64: 128, 256>}, {pipeline_mode = #tpu.pipeline_mode<synchronous>, transform_indices = @transform_3, window_bounds = array<i64: 1, 256>}, {transform_indices = @transform_4, window_bounds = array<i64: 2000, 128>}, {transform_indices = @transform_5, window_bounds = array<i64: 2000, 128>}]} {
    %get3A = arith.constant 0 : index
    %get3A_0 = arith.constant 0 : index
    %get3A_1 = vector.load %arg1[%get3A, %get3A_0] : memref<2000x128xf32, #tpu.memory_space<vmem>>, vector<2000x128xf32>
    %get3A_2 = arith.constant 0 : index
    %get3A_3 = arith.constant 0 : index
    %get3A_4 = vector.load %arg2[%get3A_2, %get3A_3] : memref<2000x128xf32, #tpu.memory_space<vmem>>, vector<2000x128xf32>
    %add3A = arith.addf %get3A_1, %get3A_4 : vector<2000x128xf32>
    %get3A_5 = arith.constant 0 : index
    %get3A_6 = arith.constant 0 : index
    %get3A_7 = vector.load %arg3[%get3A_5, %get3A_6] : memref<128x256xf32, #tpu.memory_space<vmem>>, vector<128x256xf32>
    %dot_general3A = arith.constant dense<0.000000e+00> : vector<2000x256xf32>
    %dot_general3A_8 = tpu.matmul %add3A, %get3A_7, %dot_general3A {dimension_numbers = #tpu.dot_dimension_numbers<[1], [0], [0], [1], [0, 0, 1, 1], [], []>, transpose_lhs_hint = false} : vector<2000x128xf32>, vector<128x256xf32>, vector<2000x256xf32> -> vector<2000x256xf32>
    %get3A_9 = arith.constant 0 : index
    %get3A_10 = arith.constant 0 : index
    %get3A_11 = vector.load %arg4[%get3A_9, %get3A_10] : memref<1x256xf32, #tpu.memory_space<vmem>>, vector<1x256xf32>
    %add3A_12 = vector.broadcast %get3A_11 : vector<1x256xf32> to vector<2000x256xf32>
    %add3A_13 = arith.addf %dot_general3A_8, %add3A_12 : vector<2000x256xf32>
    %max3A = arith.constant 0.000000e+00 : f32
    %max3A_14 = vector.broadcast %max3A : f32 to vector<2000x256xf32>
    %max3A_15 = arith.maximumf %add3A_13, %max3A_14 : vector<2000x256xf32>
    %slice3A = vector.extract_strided_slice %max3A_15 {offsets = [0, 0], sizes = [2000, 128], strides = [1, 1]} : vector<2000x256xf32> to vector<2000x128xf32>
    %swap3A = arith.constant 0 : index
    %swap3A_16 = arith.constant 0 : index
    %swap3A_17 = vector.load %arg5[%swap3A, %swap3A_16] : memref<2000x128xf32, #tpu.memory_space<vmem>>, vector<2000x128xf32>
    tpu.vector_store %arg5[%swap3A, %swap3A_16], %slice3A {strides = array<i32>} : memref<2000x128xf32, #tpu.memory_space<vmem>>, vector<2000x128xf32>,
    %slice3A_18 = vector.extract_strided_slice %max3A_15 {offsets = [0, 128], sizes = [2000, 128], strides = [1, 1]} : vector<2000x256xf32> to vector<2000x128xf32>
    %swap3A_19 = arith.constant 0 : index
    %swap3A_20 = arith.constant 0 : index
    %swap3A_21 = vector.load %arg6[%swap3A_19, %swap3A_20] : memref<2000x128xf32, #tpu.memory_space<vmem>>, vector<2000x128xf32>
    tpu.vector_store %arg6[%swap3A_19, %swap3A_20], %slice3A_18 {strides = array<i32>} : memref<2000x128xf32, #tpu.memory_space<vmem>>, vector<2000x128xf32>,
    return
  }
  func.func @transform_0(%arg0: i32) -> (i32, i32) {
    %c0_i32 = arith.constant 0 : i32
    %c0_i32_0 = arith.constant 0 : i32
    return %arg0, %c0_i32 : i32, i32
  }
  func.func @transform_1(%arg0: i32) -> (i32, i32) {
    %c0_i32 = arith.constant 0 : i32
    %c0_i32_0 = arith.constant 0 : i32
    return %arg0, %c0_i32 : i32, i32
  }
  func.func @transform_2(%arg0: i32) -> (i32, i32) {
    %c0_i32 = arith.constant 0 : i32
    %c0_i32_0 = arith.constant 0 : i32
    %c0_i32_1 = arith.constant 0 : i32
    return %c0_i32, %c0_i32_0 : i32, i32
  }
  func.func @transform_3(%arg0: i32) -> (i32, i32) {
    %c0_i32 = arith.constant 0 : i32
    %c0_i32_0 = arith.constant 0 : i32
    %c0_i32_1 = arith.constant 0 : i32
    return %c0_i32, %c0_i32_0 : i32, i32
  }
  func.func @transform_4(%arg0: i32) -> (i32, i32) {
    %c0_i32 = arith.constant 0 : i32
    %c0_i32_0 = arith.constant 0 : i32
    return %arg0, %c0_i32 : i32, i32
  }
  func.func @transform_5(%arg0: i32) -> (i32, i32) {
    %c0_i32 = arith.constant 0 : i32
    %c0_i32_0 = arith.constant 0 : i32
    return %arg0, %c0_i32 : i32, i32
  }
}

module attributes {stable_mosaic.version = 14 : i64} {
  func.func @_mm3_body(%arg0: i32, %arg1: memref<2000x128xf32, #tpu.memory_space<vmem>>, %arg2: memref<2000x128xf32, #tpu.memory_space<vmem>>, %arg3: memref<1x128xf32, #tpu.memory_space<vmem>>, %arg4: memref<2000x128xf32, #tpu.memory_space<vmem>>) attributes {dimension_semantics = [#tpu.dimension_semantics<arbitrary>], iteration_bounds = array<i64: 5>, scalar_prefetch = 0 : i64, scratch_operands = 0 : i64, tpu.core_type = #tpu.core_type<tc>, window_params = [{transform_indices = @transform_0, window_bounds = array<i64: 2000, 128>}, {transform_indices = @transform_1, window_bounds = array<i64: 2000, 128>}, {pipeline_mode = #tpu.pipeline_mode<synchronous>, transform_indices = @transform_2, window_bounds = array<i64: 1, 128>}, {transform_indices = @transform_3, window_bounds = array<i64: 2000, 128>}]} {
    %get3A = arith.constant 0 : index
    %get3A_0 = arith.constant 0 : index
    %get3A_1 = vector.load %arg1[%get3A, %get3A_0] : memref<2000x128xf32, #tpu.memory_space<vmem>>, vector<2000x128xf32>
    %get3A_2 = arith.constant 0 : index
    %get3A_3 = arith.constant 0 : index
    %get3A_4 = vector.load %arg2[%get3A_2, %get3A_3] : memref<2000x128xf32, #tpu.memory_space<vmem>>, vector<2000x128xf32>
    %add3A = arith.addf %get3A_1, %get3A_4 : vector<2000x128xf32>
    %get3A_5 = arith.constant 0 : index
    %get3A_6 = arith.constant 0 : index
    %get3A_7 = vector.load %arg3[%get3A_5, %get3A_6] : memref<1x128xf32, #tpu.memory_space<vmem>>, vector<1x128xf32>
    %add3A_8 = vector.broadcast %get3A_7 : vector<1x128xf32> to vector<2000x128xf32>
    %add3A_9 = arith.addf %add3A, %add3A_8 : vector<2000x128xf32>
    %swap3A = arith.constant 0 : index
    %swap3A_10 = arith.constant 0 : index
    %swap3A_11 = vector.load %arg4[%swap3A, %swap3A_10] : memref<2000x128xf32, #tpu.memory_space<vmem>>, vector<2000x128xf32>
    tpu.vector_store %arg4[%swap3A, %swap3A_10], %add3A_9 {strides = array<i32>} : memref<2000x128xf32, #tpu.memory_space<vmem>>, vector<2000x128xf32>,
    return
  }
  func.func @transform_0(%arg0: i32) -> (i32, i32) {
    %c0_i32 = arith.constant 0 : i32
    %c0_i32_0 = arith.constant 0 : i32
    return %arg0, %c0_i32 : i32, i32
  }
  func.func @transform_1(%arg0: i32) -> (i32, i32) {
    %c0_i32 = arith.constant 0 : i32
    %c0_i32_0 = arith.constant 0 : i32
    return %arg0, %c0_i32 : i32, i32
  }
  func.func @transform_2(%arg0: i32) -> (i32, i32) {
    %c0_i32 = arith.constant 0 : i32
    %c0_i32_0 = arith.constant 0 : i32
    %c0_i32_1 = arith.constant 0 : i32
    return %c0_i32, %c0_i32_0 : i32, i32
  }
  func.func @transform_3(%arg0: i32) -> (i32, i32) {
    %c0_i32 = arith.constant 0 : i32
    %c0_i32_0 = arith.constant 0 : i32
    return %arg0, %c0_i32 : i32, i32
  }
}

module attributes {stable_mosaic.version = 14 : i64} {
  func.func @_mm2_body(%arg0: i32, %arg1: memref<2000x128xf32, #tpu.memory_space<vmem>>, %arg2: memref<2000x128xf32, #tpu.memory_space<vmem>>, %arg3: memref<128x256xf32, #tpu.memory_space<vmem>>, %arg4: memref<128x256xf32, #tpu.memory_space<vmem>>, %arg5: memref<1x256xf32, #tpu.memory_space<vmem>>, %arg6: memref<256x128xf32, #tpu.memory_space<vmem>>, %arg7: memref<2000x128xf32, #tpu.memory_space<vmem>>) attributes {dimension_semantics = [#tpu.dimension_semantics<arbitrary>], iteration_bounds = array<i64: 5>, scalar_prefetch = 0 : i64, scratch_operands = 0 : i64, tpu.core_type = #tpu.core_type<tc>, window_params = [{transform_indices = @transform_0, window_bounds = array<i64: 2000, 128>}, {transform_indices = @transform_1, window_bounds = array<i64: 2000, 128>}, {pipeline_mode = #tpu.pipeline_mode<synchronous>, transform_indices = @transform_2, window_bounds = array<i64: 128, 256>}, {pipeline_mode = #tpu.pipeline_mode<synchronous>, transform_indices = @transform_3, window_bounds = array<i64: 128, 256>}, {pipeline_mode = #tpu.pipeline_mode<synchronous>, transform_indices = @transform_4, window_bounds = array<i64: 1, 256>}, {pipeline_mode = #tpu.pipeline_mode<synchronous>, transform_indices = @transform_5, window_bounds = array<i64: 256, 128>}, {transform_indices = @transform_6, window_bounds = array<i64: 2000, 128>}]} {
    %get3A = arith.constant 0 : index
    %get3A_0 = arith.constant 0 : index
    %get3A_1 = vector.load %arg1[%get3A, %get3A_0] : memref<2000x128xf32, #tpu.memory_space<vmem>>, vector<2000x128xf32>
    %get3A_2 = arith.constant 0 : index
    %get3A_3 = arith.constant 0 : index
    %get3A_4 = vector.load %arg3[%get3A_2, %get3A_3] : memref<128x256xf32, #tpu.memory_space<vmem>>, vector<128x256xf32>
    %dot_general3A = arith.constant dense<0.000000e+00> : vector<2000x256xf32>
    %dot_general3A_5 = tpu.matmul %get3A_1, %get3A_4, %dot_general3A {dimension_numbers = #tpu.dot_dimension_numbers<[1], [0], [0], [1], [0, 0, 1, 1], [], []>, transpose_lhs_hint = false} : vector<2000x128xf32>, vector<128x256xf32>, vector<2000x256xf32> -> vector<2000x256xf32>
    %get3A_6 = arith.constant 0 : index
    %get3A_7 = arith.constant 0 : index
    %get3A_8 = vector.load %arg2[%get3A_6, %get3A_7] : memref<2000x128xf32, #tpu.memory_space<vmem>>, vector<2000x128xf32>
    %get3A_9 = arith.constant 0 : index
    %get3A_10 = arith.constant 0 : index
    %get3A_11 = vector.load %arg4[%get3A_9, %get3A_10] : memref<128x256xf32, #tpu.memory_space<vmem>>, vector<128x256xf32>
    %dot_general3A_12 = arith.constant dense<0.000000e+00> : vector<2000x256xf32>
    %dot_general3A_13 = tpu.matmul %get3A_8, %get3A_11, %dot_general3A_12 {dimension_numbers = #tpu.dot_dimension_numbers<[1], [0], [0], [1], [0, 0, 1, 1], [], []>, transpose_lhs_hint = false} : vector<2000x128xf32>, vector<128x256xf32>, vector<2000x256xf32> -> vector<2000x256xf32>
    %add3A = arith.addf %dot_general3A_5, %dot_general3A_13 : vector<2000x256xf32>
    %get3A_14 = arith.constant 0 : index
    %get3A_15 = arith.constant 0 : index
    %get3A_16 = vector.load %arg5[%get3A_14, %get3A_15] : memref<1x256xf32, #tpu.memory_space<vmem>>, vector<1x256xf32>
    %add3A_17 = vector.broadcast %get3A_16 : vector<1x256xf32> to vector<2000x256xf32>
    %add3A_18 = arith.addf %add3A, %add3A_17 : vector<2000x256xf32>
    %max3A = arith.constant 0.000000e+00 : f32
    %max3A_19 = vector.broadcast %max3A : f32 to vector<2000x256xf32>
    %max3A_20 = arith.maximumf %add3A_18, %max3A_19 : vector<2000x256xf32>
    %get3A_21 = arith.constant 0 : index
    %get3A_22 = arith.constant 0 : index
    %get3A_23 = vector.load %arg6[%get3A_21, %get3A_22] : memref<256x128xf32, #tpu.memory_space<vmem>>, vector<256x128xf32>
    %dot_general3A_24 = arith.constant dense<0.000000e+00> : vector<2000x128xf32>
    %dot_general3A_25 = tpu.matmul %max3A_20, %get3A_23, %dot_general3A_24 {dimension_numbers = #tpu.dot_dimension_numbers<[1], [0], [0], [1], [0, 0, 1, 1], [], []>, transpose_lhs_hint = false} : vector<2000x256xf32>, vector<256x128xf32>, vector<2000x128xf32> -> vector<2000x128xf32>
    %swap3A = arith.constant 0 : index
    %swap3A_26 = arith.constant 0 : index
    %swap3A_27 = vector.load %arg7[%swap3A, %swap3A_26] : memref<2000x128xf32, #tpu.memory_space<vmem>>, vector<2000x128xf32>
    tpu.vector_store %arg7[%swap3A, %swap3A_26], %dot_general3A_25 {strides = array<i32>} : memref<2000x128xf32, #tpu.memory_space<vmem>>, vector<2000x128xf32>,
    return
  }
  func.func @transform_0(%arg0: i32) -> (i32, i32) {
    %c0_i32 = arith.constant 0 : i32
    %c0_i32_0 = arith.constant 0 : i32
    return %arg0, %c0_i32 : i32, i32
  }
  func.func @transform_1(%arg0: i32) -> (i32, i32) {
    %c0_i32 = arith.constant 0 : i32
    %c0_i32_0 = arith.constant 0 : i32
    return %arg0, %c0_i32 : i32, i32
  }
  func.func @transform_2(%arg0: i32) -> (i32, i32) {
    %c0_i32 = arith.constant 0 : i32
    %c0_i32_0 = arith.constant 0 : i32
    %c0_i32_1 = arith.constant 0 : i32
    return %c0_i32, %c0_i32_0 : i32, i32
  }
  func.func @transform_3(%arg0: i32) -> (i32, i32) {
    %c0_i32 = arith.constant 0 : i32
    %c0_i32_0 = arith.constant 0 : i32
    %c0_i32_1 = arith.constant 0 : i32
    return %c0_i32, %c0_i32_0 : i32, i32
  }
  func.func @transform_4(%arg0: i32) -> (i32, i32) {
    %c0_i32 = arith.constant 0 : i32
    %c0_i32_0 = arith.constant 0 : i32
    %c0_i32_1 = arith.constant 0 : i32
    return %c0_i32, %c0_i32_0 : i32, i32
  }
  func.func @transform_5(%arg0: i32) -> (i32, i32) {
    %c0_i32 = arith.constant 0 : i32
    %c0_i32_0 = arith.constant 0 : i32
    %c0_i32_1 = arith.constant 0 : i32
    return %c0_i32, %c0_i32_0 : i32, i32
  }
  func.func @transform_6(%arg0: i32) -> (i32, i32) {
    %c0_i32 = arith.constant 0 : i32
    %c0_i32_0 = arith.constant 0 : i32
    return %arg0, %c0_i32 : i32, i32
  }
}

</mosaic_0001>

<sc_bundles>
// kernel: kernel.11.cloned.1.call-start
scs
__scs_entry_jumppad:
0x0: {  	(pc) =	sbr.rel $0x88, $3  }
0x1: {  	(tag) =	ssettag $0x0;
	lr =	simm.s32 $0x1  }
0x2: {  	[smem:$0x3F99] =	sst lr;
	_ =	strace $0xD0000000  }
0x3: {  	_ = 	snop  }
0x4: {  	_ = 	snop  }
0x5: {  	_ = 	snop  }
0x6: {  	_ = 	snop  }
0x7: {  	_ = 	snop  }
__scs_overlays_trampoline_lowered:
0x8: {  	[smem:$0x3FA8] =	sst s0  }
0x9: {  	[smem:$0x3FA9] =	sst s1  }
0xa: {  	[smem:$0x3FAA] =	sst s2  }
0xb: {  	[smem:$0x3FAB] =	sst s3  }
0xc: {  	[smem:$0x3FAC] =	sst s4  }
0xd: {  	[smem:$0x3FAD] =	sst s5  }
0xe: {  	[smem:$0x3FAE] =	sst s6  }
0xf: {  	[smem:$0x3FAF] =	sst s7  }
0x10: {  	[smem:$0x3FB0] =	sst s8  }
0x11: {  	[smem:$0x3FB1] =	sst s9;
	s0 =	simm.s32 @!p0 $0x0  }
0x12: {  	s1 =	sld [smem:$0x3F97];
	s0 =	simm.s32 @p0 $0x1  }
0x13: {  	[smem:$0x3FB2] =	sst s0;
	s0 =	simm.s32 @!p1 $0x0  }
0x14: {  	s2 =	sld [smem:$0x3F96];
	s0 =	simm.s32 @p1 $0x1  }
0x15: {  	[smem:$0x3FB3] =	sst s0;
	s0 =	simm.s32 @!p2 $0x0  }
0x16: {  	s3 =	sld [smem:$0x3FDB];
	s0 =	simm.s32 @p2 $0x1  }
0x17: {  	s4 =	simm.s32 $0x1BF5;
	[smem:$0x3FB5] =	sst s0  }
0x18: {  	s0 =	sld [smem:$0x3F98];
	_ =	swait.ge [sflag:s4], $0x0  }
0x19: {  	s7 =	sld [smem:$0x3F99]  }
0x1a: {  	s8 =	sadd.s32 $0xFFFFE003, lr  }
0x1b: {  	s9 =	sadd.s32 $0xFFFFFEF7, lr;
	s5 =	simm.s32 $0xFFFFFFFF;
	p2 =	slt.u32 s8, $0xFFFFF086  }
0x1c: {  	p1 =	slt.u32 s9, $0xF7A;
	s5 =	simm.s32 @!p2 $0x0  }
0x1d: {  	s5 =	simm.s32 @p1 $0x1;
	p0 =	seq.s32 s7, s2  }
0x1e: {  	s7 =	smul.u32 @!p0 $0xF7A, s2;
	p2 =	seq.s32 @!p0 s5, $0x0  }
0x1f: {  	s9 =	smul.u32 $0xF7A, s1;
	s8 =	simm.s32 @!p0 $0x1BF5;
	p2 =	por !p2, p0  }
0x20: {  	[sflag:s8] =	ssyncset.s32 @!p0 $0xFFFFF086;
	s6 =	sadd.s32 @!p0 s3, s7;
	s7 =	simm.s32 @!p0 $0x108  }
0x21: {  	s3 =	sadd.s32 s3, s9;
	s6 =	sadd.s32 @!p0 $0x88, s6;
	s7 =	simm.s32 @p2 $0x1082  }
0x22: {  	[simem:s7], [sflag:s8] =	dma.local @!p0 [hbm:s6], $0xF7A  }
0x23: {  	s9 =	sor.u32 $0xD0000000, s2;
	s6 =	simm.s32 $0x108;
	_ =	swait.ge @!p0 [sflag:s8], $0x0  }
0x24: {  	s3 =	sadd.s32 $0x88, s3;
	s6 =	simm.s32 @!p1 $0x1082;
	[sflag:s4] =	ssyncset.s32 $0xFFFFF086  }
0x25: {  	[simem:s6], [sflag:s4] =	dma.local [hbm:s3], $0xF7A  }
0x26: {  	[smem:$0x3F99] =	sst s1;
	(tag) =	ssettag s2;
	_ =	strace s9  }
0x27: {  	s1 =	sld [smem:$0x3FA9]  }
0x28: {  	s2 =	sld [smem:$0x3FAA]  }
0x29: {  	s4 =	sld [smem:$0x3FAC]  }
0x2a: {  	p0 =	seq.s32 s5, $0x0;
	s5 =	sld [smem:$0x3FAD]  }
0x2b: {  	s6 =	sld [smem:$0x3FAE]  }
0x2c: {  	s7 =	sld [smem:$0x3FAF]  }
0x2d: {  	s3 =	simm.s32 $0x108;
	s8 =	sld [smem:$0x3FB0]  }
0x2e: {  	s3 =	simm.s32 @!p0 $0x1082;
	s9 =	sld [smem:$0x3FB1]  }
0x2f: {  	lr =	sadd.s32 s0, s3;
	s0 =	sld [smem:$0x3FA8]  }
0x30: {  	s3 =	sld [smem:$0x3FAB]  }
0x31: {  	[smem:$0x3FB4] =	sst s10  }
0x32: {  	s10 =	sld [smem:$0x3FB2];
	_ =	sdelay $0x3  }
0x33: {  	p0 =	seq.s32 s10, $0x1;
	s10 =	sld [smem:$0x3FB4];
	_ =	sdelay $0x3  }
0x34: {  	[smem:$0x3FB4] =	sst s10  }
0x35: {  	s10 =	sld [smem:$0x3FB3];
	_ =	sdelay $0x3  }
0x36: {  	p1 =	seq.s32 s10, $0x1;
	s10 =	sld [smem:$0x3FB4];
	_ =	sdelay $0x3  }
0x37: {  	[smem:$0x3FB4] =	sst s10  }
0x38: {  	s10 =	sld [smem:$0x3FB5]  }
0x39: {  	_ = 	snop;
	(pc) =	sbr.ind lr, $3  }
0x3a: {  	_ = 	snop  }
0x3b: {  	_ = 	snop  }
0x3c: {  	p2 =	seq.s32 s10, $0x1;
	s10 =	sld [smem:$0x3FB4]  }
0x3d: {  	_ =	shalt  }
0x3e: {  	_ =	shalt  }
0x3f: {  	_ =	shalt  }
0x40: {  	_ =	shalt  }
0x41: {  	_ =	shalt  }
0x42: {  	_ =	shalt  }
0x43: {  	_ =	shalt  }
0x44: {  	_ =	shalt  }
0x45: {  	_ =	shalt  }
0x46: {  	_ =	shalt  }
0x47: {  	_ =	shalt  }
0x48: {  	_ =	shalt  }
0x49: {  	_ =	shalt  }
0x4a: {  	_ =	shalt  }
0x4b: {  	_ =	shalt  }
0x4c: {  	_ =	shalt  }
0x4d: {  	_ =	shalt  }
0x4e: {  	_ =	shalt  }
0x4f: {  	_ =	shalt  }
0x50: {  	_ =	shalt  }
0x51: {  	_ =	shalt  }
0x52: {  	_ =	shalt  }
0x53: {  	_ =	shalt  }
0x54: {  	_ =	shalt  }
0x55: {  	_ =	shalt  }
0x56: {  	_ =	shalt  }
0x57: {  	_ =	shalt  }
0x58: {  	_ =	shalt  }
0x59: {  	_ =	shalt  }
0x5a: {  	_ =	shalt  }
0x5b: {  	_ =	shalt  }
0x5c: {  	_ =	shalt  }
0x5d: {  	_ =	shalt  }
0x5e: {  	_ =	shalt  }
0x5f: {  	_ =	shalt  }
0x60: {  	_ =	shalt  }
0x61: {  	_ =	shalt  }
0x62: {  	_ =	shalt  }
0x63: {  	_ =	shalt  }
0x64: {  	_ =	shalt  }
0x65: {  	_ =	shalt  }
0x66: {  	_ =	shalt  }
0x67: {  	_ =	shalt  }
0x68: {  	_ =	shalt  }
0x69: {  	_ =	shalt  }
0x6a: {  	_ =	shalt  }
0x6b: {  	_ =	shalt  }
0x6c: {  	_ =	shalt  }
0x6d: {  	_ =	shalt  }
0x6e: {  	_ =	shalt  }
0x6f: {  	_ =	shalt  }
0x70: {  	_ =	shalt  }
0x71: {  	_ =	shalt  }
0x72: {  	_ =	shalt  }
0x73: {  	_ =	shalt  }
0x74: {  	_ =	shalt  }
0x75: {  	_ =	shalt  }
0x76: {  	_ =	shalt  }
0x77: {  	_ =	shalt  }
0x78: {  	_ =	shalt  }
0x79: {  	_ =	shalt  }
0x7a: {  	_ =	shalt  }
0x7b: {  	_ =	shalt  }
0x7c: {  	_ =	shalt  }
0x7d: {  	_ =	shalt  }
0x7e: {  	_ =	shalt  }
0x7f: {  	_ =	shalt  }
0x80: {  	_ =	shalt  }
0x81: {  	_ =	shalt  }
0x82: {  	_ =	shalt  }
0x83: {  	_ =	shalt  }
0x84: {  	_ =	shalt  }
0x85: {  	_ =	shalt  }
0x86: {  	_ =	shalt  }
0x87: {  	_ =	shalt  }
.Lfunc_end0:
.L_simem_size_0:
called_computation.1_lowered:
.L_overlay_start_0:
0x88: {  	s2 =	sld [smem:$0x3FD9]  }
0x89: {  	s3 =	sld [smem:$0x3FFE];
	_ =	sdelay $0x1  }
0x8a: {  	s1 =	srdreg.scid  }
0x8b: {  	s0 =	sand.u32 $0x1, s1  }
0x8c: {  	s17 =	sshll.u32 s0, $0xA;
	s2 =	sadd.s32 s3, s2  }
0x8d: {  	s2 =	sadd.s32 s2, s17  }
0x8e: {  	[smem:$0x3FC0] =	sst s2  }
0x8f: {  	_ = 	snop  }
0x90: {  	s2 =	sld [smem:$0x3FD0];
	(tm) =	ssettm $0x1  }
0x91: {  	s18 =	sld [smem:$0x3FFB];
	_ =	sdelay $0x3  }
0x92: {  	_ =	strace s18  }
0x93: {  	s3 =	sld [smem:$0x3FFC];
	_ =	sdelay $0x3  }
0x94: {  	_ =	strace s3  }
0x95: {  	s3 =	sld [smem:$0x3FFD];
	_ =	sdelay $0x3  }
0x96: {  	_ =	strace s3  }
0x97: {  	_ =	strace $0x8FFFFFFF  }
0x98: {  	s19 =	sld [smem:$0x3FDB];
	_ =	sdelay $0x1  }
0x99: {  	s4 =	simm.s32 $_scs_section_size  }
0x9a: {  	s5 =	simm.s32 $_size__tile_overlayer_lowered;
	s6 =	simm.s32 $_tile_overlayer_lowered  }
0x9b: {  	s22 =	simm.s32 $0x1BFF;
	s21 =	sshll.u32 s6, $0x1;
	s3 =	sadd.s32 s4, s19  }
0x9c: {  	s7 =	simm.s32 $0x0;
	s20 =	sshll.u32 s5, $0x1;
	s5 =	sadd.s32 s21, s3  }
0x9d: {  	[timem:s7], [sflag:s22] =	dma.local [hbm:s5], s20  }
0x9e: {  	_ =	swait.ge [sflag:s22], s20  }
0x9f: {  	s4 =	ssub.s32 $0x0, s20;
	[sflag:s22] =	ssyncset.done $0x0  }
0xa0: {  	[sflag:s22] =	ssyncadd.s32 s4;
	_ =	sdelay $0x1  }
0xa1: {  	s23 =	simm.s32 $0x1B8B  }
0xa2: {  	_ =	swait.ge [sflag:s23], $0x1  }
0xa3: {  	[sflag:s23] =	ssyncset.done $0x0  }
0xa4: {  	s25 =	simm.s32 $0x1B8E;
	s24 =	sld [smem:$0x3FFE];
	[sflag:s23] =	ssyncadd.s32 $0xFFFFFFFF  }
0xa5: {  	s26 =	simm.s32 $execute0_lowered;
	[smem:$0x3FD2] =	sst s25  }
0xa6: {  	s5 =	sshll.u32 s26, $0x1;
	_ =	strace $0x80000049;
	[dreg:$0x1] =	wrdreg $0xFFFFFFFF  }
0xa7: {  	s28 =	simm.s32 $_size_execute0_lowered;
	s3 =	sadd.s32 s3, s5;
	[dreg:$0x0] =	wrdreg $0x0  }
0xa8: {  	s5 =	sshll.u32 s28, $0x1;
	[dreg:$0x2] =	wrdreg s3  }
0xa9: {  	[dreg:$0x3] =	wrdreg s5  }
0xaa: {  	[dreg:$0x4] =	wrdreg $0xC0  }
0xab: {  	_ =	task [dreg:s7], $0x5FFFF  }
0xac: {  	[dreg:$0x1] =	wrdreg $0xFFFFFFFF  }
0xad: {  	[dreg:$0x0] =	wrdreg $0x60  }
0xae: {  	[dreg:$0x2] =	wrdreg s2  }
0xaf: {  	[dreg:$0x3] =	wrdreg s24  }
0xb0: {  	[dreg:$0x4] =	wrdreg $0xA8000  }
0xb1: {  	[dreg:$0x5] =	wrdreg $0x9  }
0xb2: {  	_ =	task.clear_ibuf [dreg:s7], $0x6FFFF;
	_ =	strace $0x90000049  }
0xb3: {  	s29 =	simm.s32 $0x9;
	_ =	strace $0x8000004B  }
0xb4: {  	_ =	swait.ge [sflag:s29], $0x1  }
0xb5: {  	[sflag:s29] =	ssyncadd.s32 $0xFFFFFFFF  }
0xb6: {  	_ =	strace $0x9000004B  }
0xb7: {  	_ =	sfence  }
0xb8: {  	s30 =	sld [smem:$0x0];
	_ =	sdelay $0x2  }
0xb9: {  	s31 =	sshll.u32 s1, $0xD;
	s1 =	sshrl.u32 s1, $0x2  }
0xba: {  	s3 =	sand.u32 $0x4000, s31;
	s1 =	sadd.s32 s1, s30  }
0xbb: {  	s0 =	sor.u32 s3, s0;
	s1 =	sshll.u32 s1, $0x11  }
0xbc: {  	s0 =	sor.u32 s1, s0  }
0xbd: {  	s0 =	sadd.s32 $0x8F2B, s0  }
0xbe: {  	[sflag:s0] =	ssyncadd.remote.s32 $0x1  }
0xbf: {  	_ =	sfence.sel $0xFFFF  }
0xc0: {  	[dreg:$0x0] =	wrdreg $0xFFFFFFFF;
	(pc) =	sbr.abs _section_cstart, $3  }
0xc1: {  	[dreg:$0x1] =	wrdreg $0xFFFFFFFF  }
0xc2: {  	_ =	task.clear_ibuf [dreg:s7], $0x2FFFF;
	_ =	strace $0x9FFFFFFF  }
0xc3: {  	(tm) =	ssettm $0x7FFFFFFF  }
tec
execute0_lowered:
.L_overlay_start_1:
0x0: {  	(tag) =	ssettag $0x1  }
0x1: {  	s1 =	rddreg [dreg:$0x0]  }
0x2: {  	s0 =	rddreg [dreg:$0x1]  }
0x3: {  	s2 =	rddreg [dreg:$0x2];
	s4 =	simm.s32 $0x0;
	s16 =	stileid.u32  }
0x4: {  	s3 =	srdreg.scid;
	s19 =	simm.s32 $0x2800;
	s20 =	simm.s32 $0x5  }
0x5: {  	s21 =	simm.s32 $0x1400;
	s22 =	simm.s32 $0x80;
	s28 =	simm.s32 $0x2  }
0x6: {  	s29 =	simm.s32 $0x1480;
	s30 =	simm.s32 $0x4;
	s31 =	simm.s32 $0x1380  }
0x7: {  	[smem:$0x7FF] =	sst s4;
	s5 =	sadd.s32 $0x17800, s0;
	s6 =	sadd.s32 $0xD600, s0  }
0x8: {  	s8 =	smul.u32 $0x4F000, s16;
	s7 =	sadd.s32 $0x3800, s0;
	s9 =	sadd.s32 $0x17400, s0  }
0x9: {  	s3 =	sand.u32 $0x1, s3;
	s23 =	smul.u32 $0x2780, s16;
	s10 =	sadd.s32 $0x17600, s0  }
0xa: {  	s15 =	smul.u32 $0xA0, s16;
	_ =	strace $0x8000004A;
	[dreg:$0x4] =	wrdreg s9  }
0xb: {  	p1 =	seq.s32 s16, $0xF;
	s11 =	ssub.s32 $0x2, s3;
	[dreg:$0x5] =	wrdreg s10  }
0xc: {  	p0 =	sne.s32 s3, $0x0;
	s9 =	simm.s32 $0x0;
	s8 =	sshrl.u32 s8, $0x2  }
0xd: {  	s12 =	sshrl.u32 s11, $0x1;
	s0 =	sadd.s32 s23, s0;
	s23 =	simm.s32 $0x6800  }
0xe: {  	s10 =	sadd.s32 s8, s2;
	s24 =	ssub.s32 s11, s12;
	s26 =	sadd.s32 $0x66200, s0  }
.Ltmp0:
0xf: {  	s0 =	sadd.s32 $0x3EA00, s0;
	s8 =	simm.s32 $0x2780;
	(pc) =	sbr.rel .LBB2_1-.Ltmp0, $4  }
0x10: {  	s25 =	sadd.s32 $0x4000, s10;
	s12 =	sadd.s32 $0x8000, s10;
	[dreg:$0x7] =	wrdreg s26  }
0x11: {  	s13 =	sadd.s32 $0xC000, s10;
	s14 =	sadd.s32 $0x10000, s10;
	[dreg:$0x8] =	wrdreg s0  }
0x12: {  	s18 =	smax.u32 s24, $0x1;
	s24 =	simm.s32 $0x1;
	s26 =	simm.s32 $0x100  }
0x13: {  	v0 =	vimm.f32 $0.0e+00;
	s0 =	simm.s32 $0x2700;
	[dreg:$0x6] =	wrdreg s25;
	s25 =	simm.s32 $0x3  }
.LBB2_12:
0x14: {  	_ =	swait.ge [sflag:s25], $0x4000  }
0x15: {  	[sflag:s25] =	ssyncset.done $0x0  }
0x16: {  	[sflag:s25] =	ssyncadd.s32 $0xFFFFC000  }
0x17: {  	_ =	swait.ge [sflag:s30], $0x4000  }
0x18: {  	[sflag:s30] =	ssyncset.done $0x0  }
0x19: {  	[sflag:s30] =	ssyncadd.s32 $0xFFFFC000  }
.LBB2_29:
0x1a: {  	s3 =	stileid.u32;
	s9 =	sadd.s32 $0x1, s9  }
0x1b: {  	[bflag:$0x0] =	sbarrier.arrive $0xFFFF;
	s3 =	sshll.u32 s3, $0x6;
	p2 =	sne.s32 s9, s18  }
.Ltmp1:
0x1c: {  	s11 =	sshrl.u32 s10, $0x3;
	s3 =	sor.u32 $0x1C05, s3;
	(pc) =	sbr.rel @!p2 .LBB2_30-.Ltmp1, $4  }
0x1d: {  	[hbm:s16], [sflag:s3] =	dma.local [spmem:s11], $0x2780  }
0x1e: {  	_ =	swait.ge [sflag:s20], $0x2780  }
0x1f: {  	[sflag:s20] =	ssyncset.done $0x0  }
0x20: {  	[sflag:s20] =	ssyncadd.s32 $0xFFFFD880  }
.LBB2_1:
0x21: {  	s16 =	simm.s32 $0x0;
	s17 =	simm.s32 $0x200  }
.LBB2_2:
0x22: {  	p2 =	sne.s32 s17, $0xFE00;
	[tilespmem:s16+$0x2870] =	vst v0  }
0x23: {  	[tilespmem:s16+$0x2800] =	vst v0  }
0x24: {  	[tilespmem:s16+$0x2810] =	vst v0  }
.Ltmp2:
0x25: {  	[tilespmem:s16+$0x2820] =	vst v0;
	(pc) =	sbr.rel @p2 .LBB2_2-.Ltmp2, $4  }
0x26: {  	[tilespmem:s16+$0x2830] =	vst v0  }
0x27: {  	[tilespmem:s16+$0x2840] =	vst v0  }
0x28: {  	[tilespmem:s16+$0x2850] =	vst v0  }
0x29: {  	[tilespmem:s16+$0x2860] =	vst v0;
	s16 =	sshra.s32 s17, $0x2;
	s17 =	sadd.s32 $0x200, s17  }
0x2a: {  	[tilespmem:s16+$0x2870] =	vst v0  }
0x2b: {  	[tilespmem:s16+$0x2800] =	vst v0  }
0x2c: {  	[tilespmem:s16+$0x2810] =	vst v0  }
0x2d: {  	[tilespmem:s16+$0x2820] =	vst v0  }
0x2e: {  	[tilespmem:s16+$0x2830] =	vst v0  }
0x2f: {  	[tilespmem:s16+$0x2840] =	vst v0  }
0x30: {  	[tilespmem:s16+$0x2850] =	vst v0  }
0x31: {  	[tilespmem:s16+$0x2860] =	vst v0  }
0x32: {  	[spmem:s10] =	stream.linear.scatter [tilespmem:s19], [sflag:$0x5], $0x4000, $0x38;
	[tilespmem:$0x1E400] =	vst v63  }
0x33: {  	_ =	swait.ge [sflag:s20], $0x4000  }
0x34: {  	[sflag:s20] =	ssyncset.done $0x0  }
0x35: {  	s3 =	rddreg [dreg:$0x6];
	[sflag:s20] =	ssyncadd.s32 $0xFFFFC000  }
0x36: {  	[spmem:s3] =	stream.linear.scatter [tilespmem:s19], [sflag:$0x5], $0x4000, $0x38;
	[tilespmem:$0x1E400] =	vst v63  }
0x37: {  	_ =	swait.ge [sflag:s20], $0x4000  }
0x38: {  	[sflag:s20] =	ssyncset.done $0x0  }
0x39: {  	[sflag:s20] =	ssyncadd.s32 $0xFFFFC000  }
0x3a: {  	[spmem:s12] =	stream.linear.scatter [tilespmem:s19], [sflag:$0x5], $0x4000, $0x38;
	[tilespmem:$0x1E400] =	vst v63  }
0x3b: {  	_ =	swait.ge [sflag:s20], $0x4000  }
0x3c: {  	[sflag:s20] =	ssyncset.done $0x0  }
0x3d: {  	[sflag:s20] =	ssyncadd.s32 $0xFFFFC000  }
0x3e: {  	[spmem:s13] =	stream.linear.scatter [tilespmem:s19], [sflag:$0x5], $0x4000, $0x38;
	[tilespmem:$0x1E400] =	vst v63  }
0x3f: {  	_ =	swait.ge [sflag:s20], $0x4000  }
0x40: {  	[sflag:s20] =	ssyncset.done $0x0  }
0x41: {  	[sflag:s20] =	ssyncadd.s32 $0xFFFFC000  }
0x42: {  	[spmem:s14] =	stream.linear.scatter [tilespmem:s19], [sflag:$0x5], $0x3C00, $0x38;
	[tilespmem:$0x1E400] =	vst v63  }
.Ltmp3:
0x43: {  	_ =	swait.ge [sflag:s20], $0x3C00;
	(pc) =	sbr.rel @p0 .LBB2_17-.Ltmp3, $4  }
0x44: {  	[sflag:s20] =	ssyncset.done $0x0  }
0x45: {  	[sflag:s20] =	ssyncadd.s32 $0xFFFFC400  }
0x46: {  	[bflag:$0x0] =	sbarrier.arrive $0xFFFF  }
0x47: {  	s16 =	simm.s32 $0x0  }
.Ltmp4:
0x48: {  	(pc) =	sbr.rel @!p1 .LBB2_13-.Ltmp4, $1  }
0x49: {  	_ =	sdelay $0x3  }
0x4a: {  	s16 =	simm.s32 $0x9600;
	p3 =	por $0x1, $0x1  }
.LBB2_6:
0x4b: {  	s3 =	sadd.s32 s6, s16  }
0x4c: {  	[tilespmem:s4], [sflag:$0x5] =	stream.linear.gather [hbm4b:s3+s4], $0x1400, $0x38;
	[tilespmem:$0x1E400] =	vst v63  }
0x4d: {  	_ =	swait.ge [sflag:s20], $0x1400  }
0x4e: {  	[sflag:s20] =	ssyncset.done $0x0  }
0x4f: {  	s17 =	sadd.s32 s7, s16;
	[sflag:s20] =	ssyncadd.s32 $0xFFFFEC00  }
0x50: {  	[tilespmem:s21], [sflag:$0x5] =	stream.linear.gather [hbm4b:s17+s4], $0x1400, $0x38;
	[tilespmem:$0x1E400] =	vst v63  }
0x51: {  	_ =	swait.ge [sflag:s20], $0x1400  }
0x52: {  	[sflag:s20] =	ssyncset.done $0x0  }
0x53: {  	[sflag:s20] =	ssyncadd.s32 $0xFFFFEC00  }
0x54: {  	[tilespmem:s19], [sflag:$0x1] =	stream.indirect.gather [hbm4b:s1+s22], $0x80, s4, s22, $0xb8;
	[tilespmem:$0x1E400] =	vst v63  }
0x55: {  	_ = 	snop  }
0x56: {  	[tilespmem:s23], [sflag:$0x2] =	stream.indirect.gather [hbm4b:s1+s22], $0x80, s22, s22, $0xb8;
	[tilespmem:$0x1E400] =	vst v63  }
0x57: {  	_ =	swait.ge [sflag:s24], $0x4000  }
0x58: {  	[sflag:s24] =	ssyncset.done $0x0  }
0x59: {  	[sflag:s24] =	ssyncadd.s32 $0xFFFFC000  }
0x5a: {  	[spmem:s2] =	stream.indirect.scatter.add.f32 [tilespmem:s19], [sflag:$0x3], $0x80, s21, s22, $0xb8;
	[tilespmem:$0x1E400] =	vst v63  }
0x5b: {  	_ =	swait.ge [sflag:s25], $0x4000  }
0x5c: {  	[sflag:s25] =	ssyncset.done $0x0  }
0x5d: {  	[sflag:s25] =	ssyncadd.s32 $0xFFFFC000  }
0x5e: {  	[tilespmem:s19], [sflag:$0x1] =	stream.indirect.gather [hbm4b:s1+s22], $0x80, s26, s22, $0xb8;
	[tilespmem:$0x1E400] =	vst v63  }
0x5f: {  	_ =	swait.ge [sflag:s28], $0x4000  }
0x60: {  	[sflag:s28] =	ssyncset.done $0x0  }
0x61: {  	[sflag:s28] =	ssyncadd.s32 $0xFFFFC000  }
0x62: {  	[spmem:s2] =	stream.indirect.scatter.add.f32 [tilespmem:s23], [sflag:$0x4], $0x80, s29, s22, $0xb8;
	[tilespmem:$0x1E400] =	vst v63  }
0x63: {  	_ =	swait.ge [sflag:s30], $0x4000  }
0x64: {  	[sflag:s30] =	ssyncset.done $0x0  }
0x65: {  	s11 =	simm.s32 $0x180;
	[sflag:s30] =	ssyncadd.s32 $0xFFFFC000  }
0x66: {  	[tilespmem:s23], [sflag:$0x2] =	stream.indirect.gather [hbm4b:s1+s22], $0x80, s11, s22, $0xb8;
	[tilespmem:$0x1E400] =	vst v63  }
0x67: {  	_ =	swait.ge [sflag:s24], $0x4000  }
0x68: {  	[sflag:s24] =	ssyncset.done $0x0  }
0x69: {  	s16 =	simm.s32 $0x1500;
	[sflag:s24] =	ssyncadd.s32 $0xFFFFC000  }
0x6a: {  	[spmem:s2] =	stream.indirect.scatter.add.f32 [tilespmem:s19], [sflag:$0x3], $0x80, s16, s22, $0xb8;
	[tilespmem:$0x1E400] =	vst v63  }
0x6b: {  	_ =	swait.ge [sflag:s25], $0x4000  }
0x6c: {  	[sflag:s25] =	ssyncset.done $0x0  }
0x6d: {  	s17 =	simm.s32 $0x200;
	[sflag:s25] =	ssyncadd.s32 $0xFFFFC000  }
0x6e: {  	[tilespmem:s19], [sflag:$0x1] =	stream.indirect.gather [hbm4b:s1+s22], $0x80, s17, s22, $0xb8;
	[tilespmem:$0x1E400] =	vst v63  }
0x6f: {  	_ =	swait.ge [sflag:s28], $0x4000  }
0x70: {  	p2 =	por p3, p3;
	[sflag:s28] =	ssyncset.done $0x0  }
0x71: {  	s3 =	simm.s32 $0x1580;
	s16 =	simm.s32 $0xFFFFBC00;
	[sflag:s28] =	ssyncadd.s32 $0xFFFFC000  }
.LBB2_7:
0x72: {  	[spmem:s2] =	stream.indirect.scatter.add.f32 [tilespmem:s23], [sflag:$0x4], $0x80, s3, s22, $0xb8;
	[tilespmem:$0x1E400] =	vst v63  }
0x73: {  	s3 =	smov.u32 s16  }
0x74: {  	p3 =	sne.s32 s16, $0xFFFFFC00;
	s16 =	sadd.s32 $0x400, s16;
	_ =	swait.ge [sflag:s30], $0x4000  }
0x75: {  	s3 =	sshra.s32 s3, $0x2;
	[sflag:s30] =	ssyncset.done $0x0  }
0x76: {  	s11 =	sadd.s32 $0x1380, s3;
	[sflag:s30] =	ssyncadd.s32 $0xFFFFC000  }
0x77: {  	[tilespmem:s23], [sflag:$0x2] =	stream.indirect.gather [hbm4b:s1+s22], $0x80, s11, s22, $0xb8;
	[tilespmem:$0x1E400] =	vst v63  }
0x78: {  	_ =	swait.ge [sflag:s24], $0x4000  }
0x79: {  	[sflag:s24] =	ssyncset.done $0x0  }
0x7a: {  	s11 =	sadd.s32 $0x2700, s3;
	[sflag:s24] =	ssyncadd.s32 $0xFFFFC000  }
0x7b: {  	[spmem:s2] =	stream.indirect.scatter.add.f32 [tilespmem:s19], [sflag:$0x3], $0x80, s11, s22, $0xb8;
	[tilespmem:$0x1E400] =	vst v63  }
0x7c: {  	_ =	swait.ge [sflag:s25], $0x4000  }
0x7d: {  	[sflag:s25] =	ssyncset.done $0x0  }
.Ltmp5:
0x7e: {  	s11 =	sadd.s32 $0x1400, s3;
	[sflag:s25] =	ssyncadd.s32 $0xFFFFC000;
	(pc) =	sbr.rel @p3 .LBB2_7-.Ltmp5, $4  }
0x7f: {  	[tilespmem:s19], [sflag:$0x1] =	stream.indirect.gather [hbm4b:s1+s22], $0x80, s11, s22, $0xb8;
	[tilespmem:$0x1E400] =	vst v63  }
0x80: {  	_ =	swait.ge [sflag:s28], $0x4000  }
0x81: {  	[sflag:s28] =	ssyncset.done $0x0  }
0x82: {  	s3 =	sadd.s32 $0x2780, s3;
	[sflag:s28] =	ssyncadd.s32 $0xFFFFC000  }
0x83: {  	[spmem:s2] =	stream.indirect.scatter.add.f32 [tilespmem:s23], [sflag:$0x4], $0x80, s3, s22, $0xb8;
	[tilespmem:$0x1E400] =	vst v63  }
0x84: {  	_ =	swait.ge [sflag:s30], $0x4000  }
0x85: {  	[sflag:s30] =	ssyncset.done $0x0  }
0x86: {  	[sflag:s30] =	ssyncadd.s32 $0xFFFFC000  }
0x87: {  	[tilespmem:s23], [sflag:$0x2] =	stream.indirect.gather [hbm4b:s1+s22], $0x80, s31, s22, $0xb8;
	[tilespmem:$0x1E400] =	vst v63  }
0x88: {  	_ =	swait.ge [sflag:s24], $0x4000  }
0x89: {  	[sflag:s24] =	ssyncset.done $0x0  }
0x8a: {  	[sflag:s24] =	ssyncadd.s32 $0xFFFFC000  }
0x8b: {  	[spmem:s2] =	stream.indirect.scatter.add.f32 [tilespmem:s19], [sflag:$0x3], $0x80, s0, s22, $0xb8;
	[tilespmem:$0x1E400] =	vst v63  }
0x8c: {  	_ =	swait.ge [sflag:s28], $0x4000  }
0x8d: {  	[sflag:s28] =	ssyncset.done $0x0  }
0x8e: {  	[sflag:s28] =	ssyncadd.s32 $0xFFFFC000  }
0x8f: {  	[spmem:s2] =	stream.indirect.scatter.add.f32 [tilespmem:s23], [sflag:$0x4], $0x80, s8, s22, $0xb8;
	[tilespmem:$0x1E400] =	vst v63  }
0x90: {  	_ =	swait.ge [sflag:s25], $0x4000  }
.Ltmp6:
0x91: {  	[sflag:s25] =	ssyncset.done $0x0;
	(pc) =	sbr.rel @p2 .LBB2_6-.Ltmp6, $4  }
0x92: {  	[sflag:s25] =	ssyncadd.s32 $0xFFFFC000  }
0x93: {  	_ =	swait.ge [sflag:s30], $0x4000  }
0x94: {  	[sflag:s30] =	ssyncset.done $0x0  }
0x95: {  	s16 =	simm.s32 $0x9880;
	p3 =	por $0x0, $0x0;
	[sflag:s30] =	ssyncadd.s32 $0xFFFFC000  }
0x96: {  	s3 =	rddreg [dreg:$0x4]  }
0x97: {  	[tilespmem:s4], [sflag:$0x5] =	stream.linear.gather [hbm4b:s3+s4], $0xC00, $0x38;
	[tilespmem:$0x1E400] =	vst v63  }
0x98: {  	_ =	swait.ge [sflag:s20], $0xC00  }
0x99: {  	[sflag:s20] =	ssyncset.done $0x0  }
0x9a: {  	s17 =	rddreg [dreg:$0x5];
	[sflag:s20] =	ssyncadd.s32 $0xFFFFF400  }
0x9b: {  	[tilespmem:s21], [sflag:$0x5] =	stream.linear.gather [hbm4b:s17+s4], $0xC00, $0x38;
	[tilespmem:$0x1E400] =	vst v63  }
0x9c: {  	_ =	swait.ge [sflag:s20], $0xC00  }
0x9d: {  	[sflag:s20] =	ssyncset.done $0x0  }
0x9e: {  	[sflag:s20] =	ssyncadd.s32 $0xFFFFF400  }
0x9f: {  	[tilespmem:s19], [sflag:$0x1] =	stream.indirect.gather [hbm4b:s1+s22], $0x80, s4, s22, $0xb8;
	[tilespmem:$0x1E400] =	vst v63  }
0xa0: {  	_ = 	snop  }
0xa1: {  	[tilespmem:s23], [sflag:$0x2] =	stream.indirect.gather [hbm4b:s1+s22], $0x80, s22, s22, $0xb8;
	[tilespmem:$0x1E400] =	vst v63  }
0xa2: {  	_ =	swait.ge [sflag:s24], $0x4000  }
0xa3: {  	[sflag:s24] =	ssyncset.done $0x0  }
0xa4: {  	[sflag:s24] =	ssyncadd.s32 $0xFFFFC000  }
0xa5: {  	[spmem:s2] =	stream.indirect.scatter.add.f32 [tilespmem:s19], [sflag:$0x3], $0x80, s21, s22, $0xb8;
	[tilespmem:$0x1E400] =	vst v63  }
0xa6: {  	_ =	swait.ge [sflag:s25], $0x4000  }
0xa7: {  	[sflag:s25] =	ssyncset.done $0x0  }
0xa8: {  	[sflag:s25] =	ssyncadd.s32 $0xFFFFC000  }
0xa9: {  	[tilespmem:s19], [sflag:$0x1] =	stream.indirect.gather [hbm4b:s1+s22], $0x80, s26, s22, $0xb8;
	[tilespmem:$0x1E400] =	vst v63  }
0xaa: {  	_ =	swait.ge [sflag:s28], $0x4000  }
0xab: {  	[sflag:s28] =	ssyncset.done $0x0  }
0xac: {  	[sflag:s28] =	ssyncadd.s32 $0xFFFFC000  }
0xad: {  	[spmem:s2] =	stream.indirect.scatter.add.f32 [tilespmem:s23], [sflag:$0x4], $0x80, s29, s22, $0xb8;
	[tilespmem:$0x1E400] =	vst v63  }
0xae: {  	_ =	swait.ge [sflag:s30], $0x4000  }
0xaf: {  	[sflag:s30] =	ssyncset.done $0x0  }
0xb0: {  	s11 =	simm.s32 $0x180;
	[sflag:s30] =	ssyncadd.s32 $0xFFFFC000  }
0xb1: {  	[tilespmem:s23], [sflag:$0x2] =	stream.indirect.gather [hbm4b:s1+s22], $0x80, s11, s22, $0xb8;
	[tilespmem:$0x1E400] =	vst v63  }
0xb2: {  	_ =	swait.ge [sflag:s24], $0x4000  }
0xb3: {  	[sflag:s24] =	ssyncset.done $0x0  }
0xb4: {  	s16 =	simm.s32 $0x1500;
	[sflag:s24] =	ssyncadd.s32 $0xFFFFC000  }
0xb5: {  	[spmem:s2] =	stream.indirect.scatter.add.f32 [tilespmem:s19], [sflag:$0x3], $0x80, s16, s22, $0xb8;
	[tilespmem:$0x1E400] =	vst v63  }
0xb6: {  	_ =	swait.ge [sflag:s25], $0x4000  }
0xb7: {  	[sflag:s25] =	ssyncset.done $0x0  }
0xb8: {  	s17 =	simm.s32 $0x200;
	[sflag:s25] =	ssyncadd.s32 $0xFFFFC000  }
0xb9: {  	[tilespmem:s19], [sflag:$0x1] =	stream.indirect.gather [hbm4b:s1+s22], $0x80, s17, s22, $0xb8;
	[tilespmem:$0x1E400] =	vst v63  }
0xba: {  	_ =	swait.ge [sflag:s28], $0x4000  }
0xbb: {  	[sflag:s28] =	ssyncset.done $0x0  }
0xbc: {  	s3 =	simm.s32 $0x1580;
	s16 =	simm.s32 $0xFFFFDC00;
	[sflag:s28] =	ssyncadd.s32 $0xFFFFC000  }
.LBB2_10:
0xbd: {  	[spmem:s2] =	stream.indirect.scatter.add.f32 [tilespmem:s23], [sflag:$0x4], $0x80, s3, s22, $0xb8;
	[tilespmem:$0x1E400] =	vst v63  }
0xbe: {  	s3 =	smov.u32 s16  }
0xbf: {  	p2 =	seq.s32 s16, $0xFFFFFC00;
	s16 =	sadd.s32 $0x400, s16;
	_ =	swait.ge [sflag:s30], $0x4000  }
0xc0: {  	s3 =	sshra.s32 s3, $0x2;
	[sflag:s30] =	ssyncset.done $0x0  }
0xc1: {  	s11 =	sadd.s32 $0xB80, s3;
	[sflag:s30] =	ssyncadd.s32 $0xFFFFC000  }
0xc2: {  	[tilespmem:s23], [sflag:$0x2] =	stream.indirect.gather [hbm4b:s1+s22], $0x80, s11, s22, $0xb8;
	[tilespmem:$0x1E400] =	vst v63  }
0xc3: {  	_ =	swait.ge [sflag:s24], $0x4000  }
0xc4: {  	[sflag:s24] =	ssyncset.done $0x0  }
0xc5: {  	s11 =	sadd.s32 $0x1F00, s3;
	[sflag:s24] =	ssyncadd.s32 $0xFFFFC000  }
0xc6: {  	[spmem:s2] =	stream.indirect.scatter.add.f32 [tilespmem:s19], [sflag:$0x3], $0x80, s11, s22, $0xb8;
	[tilespmem:$0x1E400] =	vst v63  }
0xc7: {  	_ =	swait.ge [sflag:s25], $0x4000  }
0xc8: {  	[sflag:s25] =	ssyncset.done $0x0  }
.Ltmp7:
0xc9: {  	s11 =	sadd.s32 $0xC00, s3;
	[sflag:s25] =	ssyncadd.s32 $0xFFFFC000;
	(pc) =	sbr.rel @!p2 .LBB2_10-.Ltmp7, $4  }
0xca: {  	[tilespmem:s19], [sflag:$0x1] =	stream.indirect.gather [hbm4b:s1+s22], $0x80, s11, s22, $0xb8;
	[tilespmem:$0x1E400] =	vst v63  }
0xcb: {  	_ =	swait.ge [sflag:s28], $0x4000  }
0xcc: {  	[sflag:s28] =	ssyncset.done $0x0  }
0xcd: {  	s3 =	sadd.s32 $0x1F80, s3;
	[sflag:s28] =	ssyncadd.s32 $0xFFFFC000  }
0xce: {  	[spmem:s2] =	stream.indirect.scatter.add.f32 [tilespmem:s23], [sflag:$0x4], $0x80, s3, s22, $0xb8;
	[tilespmem:$0x1E400] =	vst v63  }
0xcf: {  	_ =	swait.ge [sflag:s30], $0x4000  }
0xd0: {  	[sflag:s30] =	ssyncset.done $0x0  }
0xd1: {  	s11 =	simm.s32 $0xB80;
	[sflag:s30] =	ssyncadd.s32 $0xFFFFC000  }
0xd2: {  	[tilespmem:s23], [sflag:$0x2] =	stream.indirect.gather [hbm4b:s1+s22], $0x80, s11, s22, $0xb8;
	[tilespmem:$0x1E400] =	vst v63  }
0xd3: {  	_ =	swait.ge [sflag:s24], $0x4000  }
0xd4: {  	[sflag:s24] =	ssyncset.done $0x0  }
0xd5: {  	s16 =	simm.s32 $0x1F00;
	[sflag:s24] =	ssyncadd.s32 $0xFFFFC000  }
0xd6: {  	[spmem:s2] =	stream.indirect.scatter.add.f32 [tilespmem:s19], [sflag:$0x3], $0x80, s16, s22, $0xb8;
	[tilespmem:$0x1E400] =	vst v63  }
.Ltmp8:
0xd7: {  	_ = 	snop;
	(pc) =	sbr.rel .LBB2_12-.Ltmp8, $4  }
0xd8: {  	_ =	swait.ge [sflag:s28], $0x4000  }
0xd9: {  	[sflag:s28] =	ssyncset.done $0x0  }
0xda: {  	s17 =	simm.s32 $0x1F80;
	s16 =	rddreg [dreg:$0x8];
	[sflag:s28] =	ssyncadd.s32 $0xFFFFC000  }
0xdb: {  	[spmem:s2] =	stream.indirect.scatter.add.f32 [tilespmem:s23], [sflag:$0x4], $0x80, s17, s22, $0xb8;
	[tilespmem:$0x1E400] =	vst v63  }
.LBB2_13:
0xdc: {  	s3 =	smul.u32 $0x28, s16;
	_ =	sdelay $0x1  }
0xdd: {  	s3 =	sadd.s32 s15, s3  }
0xde: {  	s3 =	sshll.u32 s3, $0x4  }
0xdf: {  	s17 =	sadd.s32 s6, s3  }
0xe0: {  	[tilespmem:s4], [sflag:$0x5] =	stream.linear.gather [hbm4b:s17+s4], $0x1400, $0x38;
	[tilespmem:$0x1E400] =	vst v63  }
0xe1: {  	_ =	swait.ge [sflag:s20], $0x1400  }
0xe2: {  	[sflag:s20] =	ssyncset.done $0x0  }
0xe3: {  	s3 =	sadd.s32 s7, s3;
	[sflag:s20] =	ssyncadd.s32 $0xFFFFEC00  }
0xe4: {  	[tilespmem:s21], [sflag:$0x5] =	stream.linear.gather [hbm4b:s3+s4], $0x1400, $0x38;
	[tilespmem:$0x1E400] =	vst v63  }
0xe5: {  	_ =	swait.ge [sflag:s20], $0x1400  }
0xe6: {  	[sflag:s20] =	ssyncset.done $0x0  }
0xe7: {  	[sflag:s20] =	ssyncadd.s32 $0xFFFFEC00  }
0xe8: {  	[tilespmem:s19], [sflag:$0x1] =	stream.indirect.gather [hbm4b:s1+s22], $0x80, s4, s22, $0xb8;
	[tilespmem:$0x1E400] =	vst v63  }
0xe9: {  	_ = 	snop  }
0xea: {  	[tilespmem:s23], [sflag:$0x2] =	stream.indirect.gather [hbm4b:s1+s22], $0x80, s22, s22, $0xb8;
	[tilespmem:$0x1E400] =	vst v63  }
0xeb: {  	_ =	swait.ge [sflag:s24], $0x4000  }
0xec: {  	[sflag:s24] =	ssyncset.done $0x0  }
0xed: {  	[sflag:s24] =	ssyncadd.s32 $0xFFFFC000  }
0xee: {  	[spmem:s2] =	stream.indirect.scatter.add.f32 [tilespmem:s19], [sflag:$0x3], $0x80, s21, s22, $0xb8;
	[tilespmem:$0x1E400] =	vst v63  }
0xef: {  	_ =	swait.ge [sflag:s25], $0x4000  }
0xf0: {  	[sflag:s25] =	ssyncset.done $0x0  }
0xf1: {  	[sflag:s25] =	ssyncadd.s32 $0xFFFFC000  }
0xf2: {  	[tilespmem:s19], [sflag:$0x1] =	stream.indirect.gather [hbm4b:s1+s22], $0x80, s26, s22, $0xb8;
	[tilespmem:$0x1E400] =	vst v63  }
0xf3: {  	_ =	swait.ge [sflag:s28], $0x4000  }
0xf4: {  	[sflag:s28] =	ssyncset.done $0x0  }
0xf5: {  	[sflag:s28] =	ssyncadd.s32 $0xFFFFC000  }
0xf6: {  	[spmem:s2] =	stream.indirect.scatter.add.f32 [tilespmem:s23], [sflag:$0x4], $0x80, s29, s22, $0xb8;
	[tilespmem:$0x1E400] =	vst v63  }
0xf7: {  	_ =	swait.ge [sflag:s30], $0x4000  }
0xf8: {  	[sflag:s30] =	ssyncset.done $0x0  }
0xf9: {  	s17 =	simm.s32 $0x180;
	[sflag:s30] =	ssyncadd.s32 $0xFFFFC000  }
0xfa: {  	[tilespmem:s23], [sflag:$0x2] =	stream.indirect.gather [hbm4b:s1+s22], $0x80, s17, s22, $0xb8;
	[tilespmem:$0x1E400] =	vst v63  }
0xfb: {  	_ =	swait.ge [sflag:s24], $0x4000  }
0xfc: {  	[sflag:s24] =	ssyncset.done $0x0  }
0xfd: {  	s11 =	simm.s32 $0x1500;
	[sflag:s24] =	ssyncadd.s32 $0xFFFFC000  }
0xfe: {  	[spmem:s2] =	stream.indirect.scatter.add.f32 [tilespmem:s19], [sflag:$0x3], $0x80, s11, s22, $0xb8;
	[tilespmem:$0x1E400] =	vst v63  }
0xff: {  	_ =	swait.ge [sflag:s25], $0x4000  }
0x100: {  	[sflag:s25] =	ssyncset.done $0x0  }
0x101: {  	s17 =	simm.s32 $0x200;
	[sflag:s25] =	ssyncadd.s32 $0xFFFFC000  }
0x102: {  	[tilespmem:s19], [sflag:$0x1] =	stream.indirect.gather [hbm4b:s1+s22], $0x80, s17, s22, $0xb8;
	[tilespmem:$0x1E400] =	vst v63  }
0x103: {  	_ =	swait.ge [sflag:s28], $0x4000  }
0x104: {  	[sflag:s28] =	ssyncset.done $0x0  }
0x105: {  	s3 =	simm.s32 $0x1580;
	s17 =	simm.s32 $0xFFFFBC00;
	[sflag:s28] =	ssyncadd.s32 $0xFFFFC000  }
.LBB2_14:
0x106: {  	[spmem:s2] =	stream.indirect.scatter.add.f32 [tilespmem:s23], [sflag:$0x4], $0x80, s3, s22, $0xb8;
	[tilespmem:$0x1E400] =	vst v63  }
0x107: {  	s3 =	smov.u32 s17  }
0x108: {  	p2 =	sne.s32 s17, $0xFFFFFC00;
	s17 =	sadd.s32 $0x400, s17;
	_ =	swait.ge [sflag:s30], $0x4000  }
0x109: {  	s3 =	sshra.s32 s3, $0x2;
	[sflag:s30] =	ssyncset.done $0x0  }
0x10a: {  	s11 =	sadd.s32 $0x1380, s3;
	[sflag:s30] =	ssyncadd.s32 $0xFFFFC000  }
0x10b: {  	[tilespmem:s23], [sflag:$0x2] =	stream.indirect.gather [hbm4b:s1+s22], $0x80, s11, s22, $0xb8;
	[tilespmem:$0x1E400] =	vst v63  }
0x10c: {  	_ =	swait.ge [sflag:s24], $0x4000  }
0x10d: {  	[sflag:s24] =	ssyncset.done $0x0  }
0x10e: {  	s11 =	sadd.s32 $0x2700, s3;
	[sflag:s24] =	ssyncadd.s32 $0xFFFFC000  }
0x10f: {  	[spmem:s2] =	stream.indirect.scatter.add.f32 [tilespmem:s19], [sflag:$0x3], $0x80, s11, s22, $0xb8;
	[tilespmem:$0x1E400] =	vst v63  }
0x110: {  	_ =	swait.ge [sflag:s25], $0x4000  }
0x111: {  	[sflag:s25] =	ssyncset.done $0x0  }
.Ltmp9:
0x112: {  	s11 =	sadd.s32 $0x1400, s3;
	[sflag:s25] =	ssyncadd.s32 $0xFFFFC000;
	(pc) =	sbr.rel @p2 .LBB2_14-.Ltmp9, $4  }
0x113: {  	[tilespmem:s19], [sflag:$0x1] =	stream.indirect.gather [hbm4b:s1+s22], $0x80, s11, s22, $0xb8;
	[tilespmem:$0x1E400] =	vst v63  }
0x114: {  	_ =	swait.ge [sflag:s28], $0x4000  }
0x115: {  	[sflag:s28] =	ssyncset.done $0x0  }
0x116: {  	s3 =	sadd.s32 $0x2780, s3;
	[sflag:s28] =	ssyncadd.s32 $0xFFFFC000  }
0x117: {  	[spmem:s2] =	stream.indirect.scatter.add.f32 [tilespmem:s23], [sflag:$0x4], $0x80, s3, s22, $0xb8;
	[tilespmem:$0x1E400] =	vst v63  }
0x118: {  	_ =	swait.ge [sflag:s30], $0x4000  }
0x119: {  	[sflag:s30] =	ssyncset.done $0x0  }
0x11a: {  	[sflag:s30] =	ssyncadd.s32 $0xFFFFC000  }
0x11b: {  	[tilespmem:s23], [sflag:$0x2] =	stream.indirect.gather [hbm4b:s1+s22], $0x80, s31, s22, $0xb8;
	[tilespmem:$0x1E400] =	vst v63  }
0x11c: {  	_ =	swait.ge [sflag:s24], $0x4000  }
0x11d: {  	[sflag:s24] =	ssyncset.done $0x0  }
0x11e: {  	[sflag:s24] =	ssyncadd.s32 $0xFFFFC000  }
0x11f: {  	[spmem:s2] =	stream.indirect.scatter.add.f32 [tilespmem:s19], [sflag:$0x3], $0x80, s0, s22, $0xb8;
	[tilespmem:$0x1E400] =	vst v63  }
0x120: {  	_ =	swait.ge [sflag:s28], $0x4000  }
0x121: {  	[sflag:s28] =	ssyncset.done $0x0  }
0x122: {  	s16 =	sadd.s32 $0x1, s16;
	[sflag:s28] =	ssyncadd.s32 $0xFFFFC000  }
0x123: {  	[spmem:s2] =	stream.indirect.scatter.add.f32 [tilespmem:s23], [sflag:$0x4], $0x80, s8, s22, $0xb8;
	[tilespmem:$0x1E400] =	vst v63  }
0x124: {  	p2 =	seq.s32 s16, $0x4;
	_ =	swait.ge [sflag:s25], $0x4000  }
.Ltmp10:
0x125: {  	[sflag:s25] =	ssyncset.done $0x0;
	(pc) =	sbr.rel @!p2 .LBB2_13-.Ltmp10, $4  }
0x126: {  	[sflag:s25] =	ssyncadd.s32 $0xFFFFC000  }
0x127: {  	_ =	swait.ge [sflag:s30], $0x4000  }
0x128: {  	[sflag:s30] =	ssyncset.done $0x0  }
0x129: {  	[sflag:s30] =	ssyncadd.s32 $0xFFFFC000  }
.Ltmp11:
0x12a: {  	(pc) =	sbr.rel .LBB2_29-.Ltmp11, $2  }
0x12b: {  	_ =	sdelay $0x2  }
0x12c: {  	s16 =	rddreg [dreg:$0x8]  }
.LBB2_17:
.Ltmp12:
0x12d: {  	(pc) =	sbr.rel @!p1 .LBB2_25-.Ltmp12, $1  }
0x12e: {  	_ =	sdelay $0x3  }
0x12f: {  	s16 =	simm.s32 $0x9600;
	p3 =	por $0x1, $0x1  }
.LBB2_19:
0x130: {  	s3 =	sadd.s32 s6, s16  }
0x131: {  	[tilespmem:s4], [sflag:$0x5] =	stream.linear.gather [hbm4b:s3+s4], $0x1400, $0x38;
	[tilespmem:$0x1E400] =	vst v63  }
0x132: {  	_ =	swait.ge [sflag:s20], $0x1400  }
0x133: {  	[sflag:s20] =	ssyncset.done $0x0  }
0x134: {  	s17 =	sadd.s32 s7, s16;
	[sflag:s20] =	ssyncadd.s32 $0xFFFFEC00  }
0x135: {  	[tilespmem:s21], [sflag:$0x5] =	stream.linear.gather [hbm4b:s17+s4], $0x1400, $0x38;
	[tilespmem:$0x1E400] =	vst v63  }
0x136: {  	_ =	swait.ge [sflag:s20], $0x1400  }
0x137: {  	[sflag:s20] =	ssyncset.done $0x0  }
0x138: {  	[sflag:s20] =	ssyncadd.s32 $0xFFFFEC00  }
0x139: {  	[tilespmem:s19], [sflag:$0x1] =	stream.indirect.gather [hbm4b:s5+s22], $0x80, s4, s22, $0xb8;
	[tilespmem:$0x1E400] =	vst v63  }
0x13a: {  	_ = 	snop  }
0x13b: {  	[tilespmem:s23], [sflag:$0x2] =	stream.indirect.gather [hbm4b:s5+s22], $0x80, s22, s22, $0xb8;
	[tilespmem:$0x1E400] =	vst v63  }
0x13c: {  	_ =	swait.ge [sflag:s24], $0x4000  }
0x13d: {  	[sflag:s24] =	ssyncset.done $0x0  }
0x13e: {  	[sflag:s24] =	ssyncadd.s32 $0xFFFFC000  }
0x13f: {  	[spmem:s2] =	stream.indirect.scatter.add.f32 [tilespmem:s19], [sflag:$0x3], $0x80, s21, s22, $0xb8;
	[tilespmem:$0x1E400] =	vst v63  }
0x140: {  	_ =	swait.ge [sflag:s25], $0x4000  }
0x141: {  	[sflag:s25] =	ssyncset.done $0x0  }
0x142: {  	[sflag:s25] =	ssyncadd.s32 $0xFFFFC000  }
0x143: {  	[tilespmem:s19], [sflag:$0x1] =	stream.indirect.gather [hbm4b:s5+s22], $0x80, s26, s22, $0xb8;
	[tilespmem:$0x1E400] =	vst v63  }
0x144: {  	_ =	swait.ge [sflag:s28], $0x4000  }
0x145: {  	[sflag:s28] =	ssyncset.done $0x0  }
0x146: {  	[sflag:s28] =	ssyncadd.s32 $0xFFFFC000  }
0x147: {  	[spmem:s2] =	stream.indirect.scatter.add.f32 [tilespmem:s23], [sflag:$0x4], $0x80, s29, s22, $0xb8;
	[tilespmem:$0x1E400] =	vst v63  }
0x148: {  	_ =	swait.ge [sflag:s30], $0x4000  }
0x149: {  	[sflag:s30] =	ssyncset.done $0x0  }
0x14a: {  	s11 =	simm.s32 $0x180;
	[sflag:s30] =	ssyncadd.s32 $0xFFFFC000  }
0x14b: {  	[tilespmem:s23], [sflag:$0x2] =	stream.indirect.gather [hbm4b:s5+s22], $0x80, s11, s22, $0xb8;
	[tilespmem:$0x1E400] =	vst v63  }
0x14c: {  	_ =	swait.ge [sflag:s24], $0x4000  }
0x14d: {  	[sflag:s24] =	ssyncset.done $0x0  }
0x14e: {  	s16 =	simm.s32 $0x1500;
	[sflag:s24] =	ssyncadd.s32 $0xFFFFC000  }
0x14f: {  	[spmem:s2] =	stream.indirect.scatter.add.f32 [tilespmem:s19], [sflag:$0x3], $0x80, s16, s22, $0xb8;
	[tilespmem:$0x1E400] =	vst v63  }
0x150: {  	_ =	swait.ge [sflag:s25], $0x4000  }
0x151: {  	[sflag:s25] =	ssyncset.done $0x0  }
0x152: {  	s17 =	simm.s32 $0x200;
	[sflag:s25] =	ssyncadd.s32 $0xFFFFC000  }
0x153: {  	[tilespmem:s19], [sflag:$0x1] =	stream.indirect.gather [hbm4b:s5+s22], $0x80, s17, s22, $0xb8;
	[tilespmem:$0x1E400] =	vst v63  }
0x154: {  	_ =	swait.ge [sflag:s28], $0x4000  }
0x155: {  	p2 =	por p3, p3;
	[sflag:s28] =	ssyncset.done $0x0  }
0x156: {  	s3 =	simm.s32 $0x1580;
	s16 =	simm.s32 $0xFFFFBC00;
	[sflag:s28] =	ssyncadd.s32 $0xFFFFC000  }
.LBB2_20:
0x157: {  	[spmem:s2] =	stream.indirect.scatter.add.f32 [tilespmem:s23], [sflag:$0x4], $0x80, s3, s22, $0xb8;
	[tilespmem:$0x1E400] =	vst v63  }
0x158: {  	s3 =	smov.u32 s16  }
0x159: {  	p3 =	sne.s32 s16, $0xFFFFFC00;
	s16 =	sadd.s32 $0x400, s16;
	_ =	swait.ge [sflag:s30], $0x4000  }
0x15a: {  	s3 =	sshra.s32 s3, $0x2;
	[sflag:s30] =	ssyncset.done $0x0  }
0x15b: {  	s11 =	sadd.s32 $0x1380, s3;
	[sflag:s30] =	ssyncadd.s32 $0xFFFFC000  }
0x15c: {  	[tilespmem:s23], [sflag:$0x2] =	stream.indirect.gather [hbm4b:s5+s22], $0x80, s11, s22, $0xb8;
	[tilespmem:$0x1E400] =	vst v63  }
0x15d: {  	_ =	swait.ge [sflag:s24], $0x4000  }
0x15e: {  	[sflag:s24] =	ssyncset.done $0x0  }
0x15f: {  	s11 =	sadd.s32 $0x2700, s3;
	[sflag:s24] =	ssyncadd.s32 $0xFFFFC000  }
0x160: {  	[spmem:s2] =	stream.indirect.scatter.add.f32 [tilespmem:s19], [sflag:$0x3], $0x80, s11, s22, $0xb8;
	[tilespmem:$0x1E400] =	vst v63  }
0x161: {  	_ =	swait.ge [sflag:s25], $0x4000  }
0x162: {  	[sflag:s25] =	ssyncset.done $0x0  }
.Ltmp13:
0x163: {  	s11 =	sadd.s32 $0x1400, s3;
	[sflag:s25] =	ssyncadd.s32 $0xFFFFC000;
	(pc) =	sbr.rel @p3 .LBB2_20-.Ltmp13, $4  }
0x164: {  	[tilespmem:s19], [sflag:$0x1] =	stream.indirect.gather [hbm4b:s5+s22], $0x80, s11, s22, $0xb8;
	[tilespmem:$0x1E400] =	vst v63  }
0x165: {  	_ =	swait.ge [sflag:s28], $0x4000  }
0x166: {  	[sflag:s28] =	ssyncset.done $0x0  }
0x167: {  	s3 =	sadd.s32 $0x2780, s3;
	[sflag:s28] =	ssyncadd.s32 $0xFFFFC000  }
0x168: {  	[spmem:s2] =	stream.indirect.scatter.add.f32 [tilespmem:s23], [sflag:$0x4], $0x80, s3, s22, $0xb8;
	[tilespmem:$0x1E400] =	vst v63  }
0x169: {  	_ =	swait.ge [sflag:s30], $0x4000  }
0x16a: {  	[sflag:s30] =	ssyncset.done $0x0  }
0x16b: {  	[sflag:s30] =	ssyncadd.s32 $0xFFFFC000  }
0x16c: {  	[tilespmem:s23], [sflag:$0x2] =	stream.indirect.gather [hbm4b:s5+s22], $0x80, s31, s22, $0xb8;
	[tilespmem:$0x1E400] =	vst v63  }
0x16d: {  	_ =	swait.ge [sflag:s24], $0x4000  }
0x16e: {  	[sflag:s24] =	ssyncset.done $0x0  }
0x16f: {  	[sflag:s24] =	ssyncadd.s32 $0xFFFFC000  }
0x170: {  	[spmem:s2] =	stream.indirect.scatter.add.f32 [tilespmem:s19], [sflag:$0x3], $0x80, s0, s22, $0xb8;
	[tilespmem:$0x1E400] =	vst v63  }
0x171: {  	_ =	swait.ge [sflag:s28], $0x4000  }
0x172: {  	[sflag:s28] =	ssyncset.done $0x0  }
0x173: {  	[sflag:s28] =	ssyncadd.s32 $0xFFFFC000  }
0x174: {  	[spmem:s2] =	stream.indirect.scatter.add.f32 [tilespmem:s23], [sflag:$0x4], $0x80, s8, s22, $0xb8;
	[tilespmem:$0x1E400] =	vst v63  }
0x175: {  	_ =	swait.ge [sflag:s25], $0x4000  }
.Ltmp14:
0x176: {  	[sflag:s25] =	ssyncset.done $0x0;
	(pc) =	sbr.rel @p2 .LBB2_19-.Ltmp14, $4  }
0x177: {  	[sflag:s25] =	ssyncadd.s32 $0xFFFFC000  }
0x178: {  	_ =	swait.ge [sflag:s30], $0x4000  }
0x179: {  	[sflag:s30] =	ssyncset.done $0x0  }
0x17a: {  	s16 =	simm.s32 $0x9880;
	p3 =	por $0x0, $0x0;
	[sflag:s30] =	ssyncadd.s32 $0xFFFFC000  }
0x17b: {  	s3 =	rddreg [dreg:$0x4]  }
0x17c: {  	[tilespmem:s4], [sflag:$0x5] =	stream.linear.gather [hbm4b:s3+s4], $0xC00, $0x38;
	[tilespmem:$0x1E400] =	vst v63  }
0x17d: {  	_ =	swait.ge [sflag:s20], $0xC00  }
0x17e: {  	[sflag:s20] =	ssyncset.done $0x0  }
0x17f: {  	s17 =	rddreg [dreg:$0x5];
	[sflag:s20] =	ssyncadd.s32 $0xFFFFF400  }
0x180: {  	[tilespmem:s21], [sflag:$0x5] =	stream.linear.gather [hbm4b:s17+s4], $0xC00, $0x38;
	[tilespmem:$0x1E400] =	vst v63  }
0x181: {  	_ =	swait.ge [sflag:s20], $0xC00  }
0x182: {  	[sflag:s20] =	ssyncset.done $0x0  }
0x183: {  	[sflag:s20] =	ssyncadd.s32 $0xFFFFF400  }
0x184: {  	[tilespmem:s19], [sflag:$0x1] =	stream.indirect.gather [hbm4b:s5+s22], $0x80, s4, s22, $0xb8;
	[tilespmem:$0x1E400] =	vst v63  }
0x185: {  	_ = 	snop  }
0x186: {  	[tilespmem:s23], [sflag:$0x2] =	stream.indirect.gather [hbm4b:s5+s22], $0x80, s22, s22, $0xb8;
	[tilespmem:$0x1E400] =	vst v63  }
0x187: {  	_ =	swait.ge [sflag:s24], $0x4000  }
0x188: {  	[sflag:s24] =	ssyncset.done $0x0  }
0x189: {  	[sflag:s24] =	ssyncadd.s32 $0xFFFFC000  }
0x18a: {  	[spmem:s2] =	stream.indirect.scatter.add.f32 [tilespmem:s19], [sflag:$0x3], $0x80, s21, s22, $0xb8;
	[tilespmem:$0x1E400] =	vst v63  }
0x18b: {  	_ =	swait.ge [sflag:s25], $0x4000  }
0x18c: {  	[sflag:s25] =	ssyncset.done $0x0  }
0x18d: {  	[sflag:s25] =	ssyncadd.s32 $0xFFFFC000  }
0x18e: {  	[tilespmem:s19], [sflag:$0x1] =	stream.indirect.gather [hbm4b:s5+s22], $0x80, s26, s22, $0xb8;
	[tilespmem:$0x1E400] =	vst v63  }
0x18f: {  	_ =	swait.ge [sflag:s28], $0x4000  }
0x190: {  	[sflag:s28] =	ssyncset.done $0x0  }
0x191: {  	[sflag:s28] =	ssyncadd.s32 $0xFFFFC000  }
0x192: {  	[spmem:s2] =	stream.indirect.scatter.add.f32 [tilespmem:s23], [sflag:$0x4], $0x80, s29, s22, $0xb8;
	[tilespmem:$0x1E400] =	vst v63  }
0x193: {  	_ =	swait.ge [sflag:s30], $0x4000  }
0x194: {  	[sflag:s30] =	ssyncset.done $0x0  }
0x195: {  	s11 =	simm.s32 $0x180;
	[sflag:s30] =	ssyncadd.s32 $0xFFFFC000  }
0x196: {  	[tilespmem:s23], [sflag:$0x2] =	stream.indirect.gather [hbm4b:s5+s22], $0x80, s11, s22, $0xb8;
	[tilespmem:$0x1E400] =	vst v63  }
0x197: {  	_ =	swait.ge [sflag:s24], $0x4000  }
0x198: {  	[sflag:s24] =	ssyncset.done $0x0  }
0x199: {  	s16 =	simm.s32 $0x1500;
	[sflag:s24] =	ssyncadd.s32 $0xFFFFC000  }
0x19a: {  	[spmem:s2] =	stream.indirect.scatter.add.f32 [tilespmem:s19], [sflag:$0x3], $0x80, s16, s22, $0xb8;
	[tilespmem:$0x1E400] =	vst v63  }
0x19b: {  	_ =	swait.ge [sflag:s25], $0x4000  }
0x19c: {  	[sflag:s25] =	ssyncset.done $0x0  }
0x19d: {  	s17 =	simm.s32 $0x200;
	[sflag:s25] =	ssyncadd.s32 $0xFFFFC000  }
0x19e: {  	[tilespmem:s19], [sflag:$0x1] =	stream.indirect.gather [hbm4b:s5+s22], $0x80, s17, s22, $0xb8;
	[tilespmem:$0x1E400] =	vst v63  }
0x19f: {  	_ =	swait.ge [sflag:s28], $0x4000  }
0x1a0: {  	[sflag:s28] =	ssyncset.done $0x0  }
0x1a1: {  	s3 =	simm.s32 $0x1580;
	s16 =	simm.s32 $0xFFFFDC00;
	[sflag:s28] =	ssyncadd.s32 $0xFFFFC000  }
.LBB2_23:
0x1a2: {  	[spmem:s2] =	stream.indirect.scatter.add.f32 [tilespmem:s23], [sflag:$0x4], $0x80, s3, s22, $0xb8;
	[tilespmem:$0x1E400] =	vst v63  }
0x1a3: {  	s3 =	smov.u32 s16  }
0x1a4: {  	p2 =	seq.s32 s16, $0xFFFFFC00;
	s16 =	sadd.s32 $0x400, s16;
	_ =	swait.ge [sflag:s30], $0x4000  }
0x1a5: {  	s3 =	sshra.s32 s3, $0x2;
	[sflag:s30] =	ssyncset.done $0x0  }
0x1a6: {  	s11 =	sadd.s32 $0xB80, s3;
	[sflag:s30] =	ssyncadd.s32 $0xFFFFC000  }
0x1a7: {  	[tilespmem:s23], [sflag:$0x2] =	stream.indirect.gather [hbm4b:s5+s22], $0x80, s11, s22, $0xb8;
	[tilespmem:$0x1E400] =	vst v63  }
0x1a8: {  	_ =	swait.ge [sflag:s24], $0x4000  }
0x1a9: {  	[sflag:s24] =	ssyncset.done $0x0  }
0x1aa: {  	s11 =	sadd.s32 $0x1F00, s3;
	[sflag:s24] =	ssyncadd.s32 $0xFFFFC000  }
0x1ab: {  	[spmem:s2] =	stream.indirect.scatter.add.f32 [tilespmem:s19], [sflag:$0x3], $0x80, s11, s22, $0xb8;
	[tilespmem:$0x1E400] =	vst v63  }
0x1ac: {  	_ =	swait.ge [sflag:s25], $0x4000  }
0x1ad: {  	[sflag:s25] =	ssyncset.done $0x0  }
.Ltmp15:
0x1ae: {  	s11 =	sadd.s32 $0xC00, s3;
	[sflag:s25] =	ssyncadd.s32 $0xFFFFC000;
	(pc) =	sbr.rel @!p2 .LBB2_23-.Ltmp15, $4  }
0x1af: {  	[tilespmem:s19], [sflag:$0x1] =	stream.indirect.gather [hbm4b:s5+s22], $0x80, s11, s22, $0xb8;
	[tilespmem:$0x1E400] =	vst v63  }
0x1b0: {  	_ =	swait.ge [sflag:s28], $0x4000  }
0x1b1: {  	[sflag:s28] =	ssyncset.done $0x0  }
0x1b2: {  	s3 =	sadd.s32 $0x1F80, s3;
	[sflag:s28] =	ssyncadd.s32 $0xFFFFC000  }
0x1b3: {  	[spmem:s2] =	stream.indirect.scatter.add.f32 [tilespmem:s23], [sflag:$0x4], $0x80, s3, s22, $0xb8;
	[tilespmem:$0x1E400] =	vst v63  }
0x1b4: {  	_ =	swait.ge [sflag:s30], $0x4000  }
0x1b5: {  	[sflag:s30] =	ssyncset.done $0x0  }
0x1b6: {  	s11 =	simm.s32 $0xB80;
	[sflag:s30] =	ssyncadd.s32 $0xFFFFC000  }
0x1b7: {  	[tilespmem:s23], [sflag:$0x2] =	stream.indirect.gather [hbm4b:s5+s22], $0x80, s11, s22, $0xb8;
	[tilespmem:$0x1E400] =	vst v63  }
0x1b8: {  	_ =	swait.ge [sflag:s24], $0x4000  }
0x1b9: {  	[sflag:s24] =	ssyncset.done $0x0  }
0x1ba: {  	s16 =	simm.s32 $0x1F00;
	[sflag:s24] =	ssyncadd.s32 $0xFFFFC000  }
0x1bb: {  	[spmem:s2] =	stream.indirect.scatter.add.f32 [tilespmem:s19], [sflag:$0x3], $0x80, s16, s22, $0xb8;
	[tilespmem:$0x1E400] =	vst v63  }
.Ltmp16:
0x1bc: {  	_ = 	snop;
	(pc) =	sbr.rel .LBB2_12-.Ltmp16, $4  }
0x1bd: {  	_ =	swait.ge [sflag:s28], $0x4000  }
0x1be: {  	[sflag:s28] =	ssyncset.done $0x0  }
0x1bf: {  	s17 =	simm.s32 $0x1F80;
	s16 =	rddreg [dreg:$0x7];
	[sflag:s28] =	ssyncadd.s32 $0xFFFFC000  }
0x1c0: {  	[spmem:s2] =	stream.indirect.scatter.add.f32 [tilespmem:s23], [sflag:$0x4], $0x80, s17, s22, $0xb8;
	[tilespmem:$0x1E400] =	vst v63  }
.LBB2_25:
0x1c1: {  	s3 =	smul.u32 $0x28, s16;
	_ =	sdelay $0x1  }
0x1c2: {  	s3 =	sadd.s32 s15, s3  }
0x1c3: {  	s3 =	sshll.u32 s3, $0x4  }
0x1c4: {  	s11 =	sadd.s32 s6, s3  }
0x1c5: {  	[tilespmem:s4], [sflag:$0x5] =	stream.linear.gather [hbm4b:s11+s4], $0x1400, $0x38;
	[tilespmem:$0x1E400] =	vst v63  }
0x1c6: {  	_ =	swait.ge [sflag:s20], $0x1400  }
0x1c7: {  	[sflag:s20] =	ssyncset.done $0x0  }
0x1c8: {  	s3 =	sadd.s32 s7, s3;
	[sflag:s20] =	ssyncadd.s32 $0xFFFFEC00  }
0x1c9: {  	[tilespmem:s21], [sflag:$0x5] =	stream.linear.gather [hbm4b:s3+s4], $0x1400, $0x38;
	[tilespmem:$0x1E400] =	vst v63  }
0x1ca: {  	_ =	swait.ge [sflag:s20], $0x1400  }
0x1cb: {  	[sflag:s20] =	ssyncset.done $0x0  }
0x1cc: {  	[sflag:s20] =	ssyncadd.s32 $0xFFFFEC00  }
0x1cd: {  	[tilespmem:s19], [sflag:$0x1] =	stream.indirect.gather [hbm4b:s5+s22], $0x80, s4, s22, $0xb8;
	[tilespmem:$0x1E400] =	vst v63  }
0x1ce: {  	_ = 	snop  }
0x1cf: {  	[tilespmem:s23], [sflag:$0x2] =	stream.indirect.gather [hbm4b:s5+s22], $0x80, s22, s22, $0xb8;
	[tilespmem:$0x1E400] =	vst v63  }
0x1d0: {  	_ =	swait.ge [sflag:s24], $0x4000  }
0x1d1: {  	[sflag:s24] =	ssyncset.done $0x0  }
0x1d2: {  	[sflag:s24] =	ssyncadd.s32 $0xFFFFC000  }
0x1d3: {  	[spmem:s2] =	stream.indirect.scatter.add.f32 [tilespmem:s19], [sflag:$0x3], $0x80, s21, s22, $0xb8;
	[tilespmem:$0x1E400] =	vst v63  }
0x1d4: {  	_ =	swait.ge [sflag:s25], $0x4000  }
0x1d5: {  	[sflag:s25] =	ssyncset.done $0x0  }
0x1d6: {  	[sflag:s25] =	ssyncadd.s32 $0xFFFFC000  }
0x1d7: {  	[tilespmem:s19], [sflag:$0x1] =	stream.indirect.gather [hbm4b:s5+s22], $0x80, s26, s22, $0xb8;
	[tilespmem:$0x1E400] =	vst v63  }
0x1d8: {  	_ =	swait.ge [sflag:s28], $0x4000  }
0x1d9: {  	[sflag:s28] =	ssyncset.done $0x0  }
0x1da: {  	[sflag:s28] =	ssyncadd.s32 $0xFFFFC000  }
0x1db: {  	[spmem:s2] =	stream.indirect.scatter.add.f32 [tilespmem:s23], [sflag:$0x4], $0x80, s29, s22, $0xb8;
	[tilespmem:$0x1E400] =	vst v63  }
0x1dc: {  	_ =	swait.ge [sflag:s30], $0x4000  }
0x1dd: {  	[sflag:s30] =	ssyncset.done $0x0  }
0x1de: {  	s17 =	simm.s32 $0x180;
	[sflag:s30] =	ssyncadd.s32 $0xFFFFC000  }
0x1df: {  	[tilespmem:s23], [sflag:$0x2] =	stream.indirect.gather [hbm4b:s5+s22], $0x80, s17, s22, $0xb8;
	[tilespmem:$0x1E400] =	vst v63  }
0x1e0: {  	_ =	swait.ge [sflag:s24], $0x4000  }
0x1e1: {  	[sflag:s24] =	ssyncset.done $0x0  }
0x1e2: {  	s11 =	simm.s32 $0x1500;
	[sflag:s24] =	ssyncadd.s32 $0xFFFFC000  }
0x1e3: {  	[spmem:s2] =	stream.indirect.scatter.add.f32 [tilespmem:s19], [sflag:$0x3], $0x80, s11, s22, $0xb8;
	[tilespmem:$0x1E400] =	vst v63  }
0x1e4: {  	_ =	swait.ge [sflag:s25], $0x4000  }
0x1e5: {  	[sflag:s25] =	ssyncset.done $0x0  }
0x1e6: {  	s17 =	simm.s32 $0x200;
	[sflag:s25] =	ssyncadd.s32 $0xFFFFC000  }
0x1e7: {  	[tilespmem:s19], [sflag:$0x1] =	stream.indirect.gather [hbm4b:s5+s22], $0x80, s17, s22, $0xb8;
	[tilespmem:$0x1E400] =	vst v63  }
0x1e8: {  	_ =	swait.ge [sflag:s28], $0x4000  }
0x1e9: {  	[sflag:s28] =	ssyncset.done $0x0  }
0x1ea: {  	s3 =	simm.s32 $0x1580;
	s17 =	simm.s32 $0xFFFFBC00;
	[sflag:s28] =	ssyncadd.s32 $0xFFFFC000  }
.LBB2_26:
0x1eb: {  	[spmem:s2] =	stream.indirect.scatter.add.f32 [tilespmem:s23], [sflag:$0x4], $0x80, s3, s22, $0xb8;
	[tilespmem:$0x1E400] =	vst v63  }
0x1ec: {  	s3 =	smov.u32 s17  }
0x1ed: {  	p2 =	sne.s32 s17, $0xFFFFFC00;
	s17 =	sadd.s32 $0x400, s17;
	_ =	swait.ge [sflag:s30], $0x4000  }
0x1ee: {  	s3 =	sshra.s32 s3, $0x2;
	[sflag:s30] =	ssyncset.done $0x0  }
0x1ef: {  	s11 =	sadd.s32 $0x1380, s3;
	[sflag:s30] =	ssyncadd.s32 $0xFFFFC000  }
0x1f0: {  	[tilespmem:s23], [sflag:$0x2] =	stream.indirect.gather [hbm4b:s5+s22], $0x80, s11, s22, $0xb8;
	[tilespmem:$0x1E400] =	vst v63  }
0x1f1: {  	_ =	swait.ge [sflag:s24], $0x4000  }
0x1f2: {  	[sflag:s24] =	ssyncset.done $0x0  }
0x1f3: {  	s11 =	sadd.s32 $0x2700, s3;
	[sflag:s24] =	ssyncadd.s32 $0xFFFFC000  }
0x1f4: {  	[spmem:s2] =	stream.indirect.scatter.add.f32 [tilespmem:s19], [sflag:$0x3], $0x80, s11, s22, $0xb8;
	[tilespmem:$0x1E400] =	vst v63  }
0x1f5: {  	_ =	swait.ge [sflag:s25], $0x4000  }
0x1f6: {  	[sflag:s25] =	ssyncset.done $0x0  }
.Ltmp17:
0x1f7: {  	s11 =	sadd.s32 $0x1400, s3;
	[sflag:s25] =	ssyncadd.s32 $0xFFFFC000;
	(pc) =	sbr.rel @p2 .LBB2_26-.Ltmp17, $4  }
0x1f8: {  	[tilespmem:s19], [sflag:$0x1] =	stream.indirect.gather [hbm4b:s5+s22], $0x80, s11, s22, $0xb8;
	[tilespmem:$0x1E400] =	vst v63  }
0x1f9: {  	_ =	swait.ge [sflag:s28], $0x4000  }
0x1fa: {  	[sflag:s28] =	ssyncset.done $0x0  }
0x1fb: {  	s3 =	sadd.s32 $0x2780, s3;
	[sflag:s28] =	ssyncadd.s32 $0xFFFFC000  }
0x1fc: {  	[spmem:s2] =	stream.indirect.scatter.add.f32 [tilespmem:s23], [sflag:$0x4], $0x80, s3, s22, $0xb8;
	[tilespmem:$0x1E400] =	vst v63  }
0x1fd: {  	_ =	swait.ge [sflag:s30], $0x4000  }
0x1fe: {  	[sflag:s30] =	ssyncset.done $0x0  }
0x1ff: {  	[sflag:s30] =	ssyncadd.s32 $0xFFFFC000  }
0x200: {  	[tilespmem:s23], [sflag:$0x2] =	stream.indirect.gather [hbm4b:s5+s22], $0x80, s31, s22, $0xb8;
	[tilespmem:$0x1E400] =	vst v63  }
0x201: {  	_ =	swait.ge [sflag:s24], $0x4000  }
0x202: {  	[sflag:s24] =	ssyncset.done $0x0  }
0x203: {  	[sflag:s24] =	ssyncadd.s32 $0xFFFFC000  }
0x204: {  	[spmem:s2] =	stream.indirect.scatter.add.f32 [tilespmem:s19], [sflag:$0x3], $0x80, s0, s22, $0xb8;
	[tilespmem:$0x1E400] =	vst v63  }
0x205: {  	_ =	swait.ge [sflag:s28], $0x4000  }
0x206: {  	[sflag:s28] =	ssyncset.done $0x0  }
0x207: {  	s16 =	sadd.s32 $0x1, s16;
	[sflag:s28] =	ssyncadd.s32 $0xFFFFC000  }
0x208: {  	[spmem:s2] =	stream.indirect.scatter.add.f32 [tilespmem:s23], [sflag:$0x4], $0x80, s8, s22, $0xb8;
	[tilespmem:$0x1E400] =	vst v63  }
0x209: {  	p2 =	seq.s32 s16, $0x4;
	_ =	swait.ge [sflag:s25], $0x4000  }
.Ltmp18:
0x20a: {  	[sflag:s25] =	ssyncset.done $0x0;
	(pc) =	sbr.rel @!p2 .LBB2_25-.Ltmp18, $4  }
0x20b: {  	[sflag:s25] =	ssyncadd.s32 $0xFFFFC000  }
0x20c: {  	_ =	swait.ge [sflag:s30], $0x4000  }
0x20d: {  	[sflag:s30] =	ssyncset.done $0x0  }
0x20e: {  	[sflag:s30] =	ssyncadd.s32 $0xFFFFC000  }
.Ltmp19:
0x20f: {  	(pc) =	sbr.rel .LBB2_29-.Ltmp19, $2  }
0x210: {  	_ =	sdelay $0x2  }
0x211: {  	s16 =	rddreg [dreg:$0x7]  }
.LBB2_30:
0x212: {  	_ =	sfence.sel $0x180000  }
0x213: {  	[bflag:$0x0] =	sbarrier.arrive $0xFFFF  }
0x214: {  	_ =	strace $0x9000004A  }
0x215: {  	s0 =	stileid.u32;
	[bflag:$0x2] =	sbarrier.arrive $0xFFFF  }
0x216: {  	p0 =	sne.s32 s0, $0x0;
	s0 =	rddreg [dreg:$0x3]  }
0x217: {  	s0 =	sadd.s32 @!p0 $0x100000, s0  }
0x218: {  	[sflag:s0] =	ssyncadd.tile.s32 @!p0 $0x1;
	_ =	shalt  }
.Lfunc_end2:
_tile_overlayer_lowered:
.L_overlay_start_2:
0x219: {  	(tag) =	ssettag $0x2  }
0x21a: {  	s0 =	rddreg [dreg:$0x0];
	s2 =	stileid.u32  }
0x21b: {  	s1 =	rddreg [dreg:$0x1];
	p0 =	sne.s32 s2, $0x0  }
0x21c: {  	s3 =	rddreg [dreg:$0x2];
	[bflag:$0x3] =	sbarrier.arrive $0xFFFF;
	s2 =	simm.s32 @!p0 $0x1C05  }
0x21d: {  	[timem:s3], [sflag:s2] =	dma.local @!p0 [hbm:s0], s1  }
0x21e: {  	s0 =	simm.s32 @!p0 $0x5  }
0x21f: {  	_ =	swait.ge @!p0 [sflag:s0], s1  }
0x220: {  	s1 =	ssub.s32 @!p0 $0x0, s1;
	[sflag:s0] =	ssyncset.done @!p0 $0x0  }
0x221: {  	[sflag:s0] =	ssyncadd.s32 @!p0 s1  }
0x222: {  	[bflag:$0x3] =	sbarrier.arrive $0xFFFF  }
0x223: {  	_ =	shalt  }

// kernel: kernel.14.cloned.1.call-start
scs
__scs_entry_jumppad:
0x0: {  	(pc) =	sbr.rel $0x88, $3  }
0x1: {  	(tag) =	ssettag $0x0;
	lr =	simm.s32 $0x1  }
0x2: {  	[smem:$0x3F99] =	sst lr;
	_ =	strace $0xD0000000  }
0x3: {  	_ = 	snop  }
0x4: {  	_ = 	snop  }
0x5: {  	_ = 	snop  }
0x6: {  	_ = 	snop  }
0x7: {  	_ = 	snop  }
__scs_overlays_trampoline_lowered:
0x8: {  	[smem:$0x3FA8] =	sst s0  }
0x9: {  	[smem:$0x3FA9] =	sst s1  }
0xa: {  	[smem:$0x3FAA] =	sst s2  }
0xb: {  	[smem:$0x3FAB] =	sst s3  }
0xc: {  	[smem:$0x3FAC] =	sst s4  }
0xd: {  	[smem:$0x3FAD] =	sst s5  }
0xe: {  	[smem:$0x3FAE] =	sst s6  }
0xf: {  	[smem:$0x3FAF] =	sst s7  }
0x10: {  	[smem:$0x3FB0] =	sst s8  }
0x11: {  	[smem:$0x3FB1] =	sst s9;
	s0 =	simm.s32 @!p0 $0x0  }
0x12: {  	s1 =	sld [smem:$0x3F97];
	s0 =	simm.s32 @p0 $0x1  }
0x13: {  	[smem:$0x3FB2] =	sst s0;
	s0 =	simm.s32 @!p1 $0x0  }
0x14: {  	s2 =	sld [smem:$0x3F96];
	s0 =	simm.s32 @p1 $0x1  }
0x15: {  	[smem:$0x3FB3] =	sst s0;
	s0 =	simm.s32 @!p2 $0x0  }
0x16: {  	s3 =	sld [smem:$0x3FDB];
	s0 =	simm.s32 @p2 $0x1  }
0x17: {  	s4 =	simm.s32 $0x1BF5;
	[smem:$0x3FB5] =	sst s0  }
0x18: {  	s0 =	sld [smem:$0x3F98];
	_ =	swait.ge [sflag:s4], $0x0  }
0x19: {  	s7 =	sld [smem:$0x3F99]  }
0x1a: {  	s8 =	sadd.s32 $0xFFFFE003, lr  }
0x1b: {  	s9 =	sadd.s32 $0xFFFFFEF7, lr;
	s5 =	simm.s32 $0xFFFFFFFF;
	p2 =	slt.u32 s8, $0xFFFFF086  }
0x1c: {  	p1 =	slt.u32 s9, $0xF7A;
	s5 =	simm.s32 @!p2 $0x0  }
0x1d: {  	s5 =	simm.s32 @p1 $0x1;
	p0 =	seq.s32 s7, s2  }
0x1e: {  	s7 =	smul.u32 @!p0 $0xF7A, s2;
	p2 =	seq.s32 @!p0 s5, $0x0  }
0x1f: {  	s9 =	smul.u32 $0xF7A, s1;
	s8 =	simm.s32 @!p0 $0x1BF5;
	p2 =	por !p2, p0  }
0x20: {  	[sflag:s8] =	ssyncset.s32 @!p0 $0xFFFFF086;
	s6 =	sadd.s32 @!p0 s3, s7;
	s7 =	simm.s32 @!p0 $0x108  }
0x21: {  	s3 =	sadd.s32 s3, s9;
	s6 =	sadd.s32 @!p0 $0x88, s6;
	s7 =	simm.s32 @p2 $0x1082  }
0x22: {  	[simem:s7], [sflag:s8] =	dma.local @!p0 [hbm:s6], $0xF7A  }
0x23: {  	s9 =	sor.u32 $0xD0000000, s2;
	s6 =	simm.s32 $0x108;
	_ =	swait.ge @!p0 [sflag:s8], $0x0  }
0x24: {  	s3 =	sadd.s32 $0x88, s3;
	s6 =	simm.s32 @!p1 $0x1082;
	[sflag:s4] =	ssyncset.s32 $0xFFFFF086  }
0x25: {  	[simem:s6], [sflag:s4] =	dma.local [hbm:s3], $0xF7A  }
0x26: {  	[smem:$0x3F99] =	sst s1;
	(tag) =	ssettag s2;
	_ =	strace s9  }
0x27: {  	s1 =	sld [smem:$0x3FA9]  }
0x28: {  	s2 =	sld [smem:$0x3FAA]  }
0x29: {  	s4 =	sld [smem:$0x3FAC]  }
0x2a: {  	p0 =	seq.s32 s5, $0x0;
	s5 =	sld [smem:$0x3FAD]  }
0x2b: {  	s6 =	sld [smem:$0x3FAE]  }
0x2c: {  	s7 =	sld [smem:$0x3FAF]  }
0x2d: {  	s3 =	simm.s32 $0x108;
	s8 =	sld [smem:$0x3FB0]  }
0x2e: {  	s3 =	simm.s32 @!p0 $0x1082;
	s9 =	sld [smem:$0x3FB1]  }
0x2f: {  	lr =	sadd.s32 s0, s3;
	s0 =	sld [smem:$0x3FA8]  }
0x30: {  	s3 =	sld [smem:$0x3FAB]  }
0x31: {  	[smem:$0x3FB4] =	sst s10  }
0x32: {  	s10 =	sld [smem:$0x3FB2];
	_ =	sdelay $0x3  }
0x33: {  	p0 =	seq.s32 s10, $0x1;
	s10 =	sld [smem:$0x3FB4];
	_ =	sdelay $0x3  }
0x34: {  	[smem:$0x3FB4] =	sst s10  }
0x35: {  	s10 =	sld [smem:$0x3FB3];
	_ =	sdelay $0x3  }
0x36: {  	p1 =	seq.s32 s10, $0x1;
	s10 =	sld [smem:$0x3FB4];
	_ =	sdelay $0x3  }
0x37: {  	[smem:$0x3FB4] =	sst s10  }
0x38: {  	s10 =	sld [smem:$0x3FB5]  }
0x39: {  	_ = 	snop;
	(pc) =	sbr.ind lr, $3  }
0x3a: {  	_ = 	snop  }
0x3b: {  	_ = 	snop  }
0x3c: {  	p2 =	seq.s32 s10, $0x1;
	s10 =	sld [smem:$0x3FB4]  }
0x3d: {  	_ =	shalt  }
0x3e: {  	_ =	shalt  }
0x3f: {  	_ =	shalt  }
0x40: {  	_ =	shalt  }
0x41: {  	_ =	shalt  }
0x42: {  	_ =	shalt  }
0x43: {  	_ =	shalt  }
0x44: {  	_ =	shalt  }
0x45: {  	_ =	shalt  }
0x46: {  	_ =	shalt  }
0x47: {  	_ =	shalt  }
0x48: {  	_ =	shalt  }
0x49: {  	_ =	shalt  }
0x4a: {  	_ =	shalt  }
0x4b: {  	_ =	shalt  }
0x4c: {  	_ =	shalt  }
0x4d: {  	_ =	shalt  }
0x4e: {  	_ =	shalt  }
0x4f: {  	_ =	shalt  }
0x50: {  	_ =	shalt  }
0x51: {  	_ =	shalt  }
0x52: {  	_ =	shalt  }
0x53: {  	_ =	shalt  }
0x54: {  	_ =	shalt  }
0x55: {  	_ =	shalt  }
0x56: {  	_ =	shalt  }
0x57: {  	_ =	shalt  }
0x58: {  	_ =	shalt  }
0x59: {  	_ =	shalt  }
0x5a: {  	_ =	shalt  }
0x5b: {  	_ =	shalt  }
0x5c: {  	_ =	shalt  }
0x5d: {  	_ =	shalt  }
0x5e: {  	_ =	shalt  }
0x5f: {  	_ =	shalt  }
0x60: {  	_ =	shalt  }
0x61: {  	_ =	shalt  }
0x62: {  	_ =	shalt  }
0x63: {  	_ =	shalt  }
0x64: {  	_ =	shalt  }
0x65: {  	_ =	shalt  }
0x66: {  	_ =	shalt  }
0x67: {  	_ =	shalt  }
0x68: {  	_ =	shalt  }
0x69: {  	_ =	shalt  }
0x6a: {  	_ =	shalt  }
0x6b: {  	_ =	shalt  }
0x6c: {  	_ =	shalt  }
0x6d: {  	_ =	shalt  }
0x6e: {  	_ =	shalt  }
0x6f: {  	_ =	shalt  }
0x70: {  	_ =	shalt  }
0x71: {  	_ =	shalt  }
0x72: {  	_ =	shalt  }
0x73: {  	_ =	shalt  }
0x74: {  	_ =	shalt  }
0x75: {  	_ =	shalt  }
0x76: {  	_ =	shalt  }
0x77: {  	_ =	shalt  }
0x78: {  	_ =	shalt  }
0x79: {  	_ =	shalt  }
0x7a: {  	_ =	shalt  }
0x7b: {  	_ =	shalt  }
0x7c: {  	_ =	shalt  }
0x7d: {  	_ =	shalt  }
0x7e: {  	_ =	shalt  }
0x7f: {  	_ =	shalt  }
0x80: {  	_ =	shalt  }
0x81: {  	_ =	shalt  }
0x82: {  	_ =	shalt  }
0x83: {  	_ =	shalt  }
0x84: {  	_ =	shalt  }
0x85: {  	_ =	shalt  }
0x86: {  	_ =	shalt  }
0x87: {  	_ =	shalt  }
.Lfunc_end0:
.L_simem_size_0:
called_computation.2_lowered:
.L_overlay_start_0:
0x88: {  	s2 =	sld [smem:$0x3FD9]  }
0x89: {  	s3 =	sld [smem:$0x3FFE];
	_ =	sdelay $0x1  }
0x8a: {  	s1 =	srdreg.scid  }
0x8b: {  	s0 =	sand.u32 $0x1, s1  }
0x8c: {  	s17 =	sshll.u32 s0, $0xA;
	s2 =	sadd.s32 s3, s2  }
0x8d: {  	s2 =	sadd.s32 s2, s17  }
0x8e: {  	[smem:$0x3FC0] =	sst s2  }
0x8f: {  	_ = 	snop  }
0x90: {  	s2 =	sld [smem:$0x3FD0];
	(tm) =	ssettm $0x1  }
0x91: {  	s18 =	sld [smem:$0x3FFB];
	_ =	sdelay $0x3  }
0x92: {  	_ =	strace s18  }
0x93: {  	s3 =	sld [smem:$0x3FFC];
	_ =	sdelay $0x3  }
0x94: {  	_ =	strace s3  }
0x95: {  	s3 =	sld [smem:$0x3FFD];
	_ =	sdelay $0x3  }
0x96: {  	_ =	strace s3  }
0x97: {  	_ =	strace $0x8FFFFFFF  }
0x98: {  	s19 =	sld [smem:$0x3FDB];
	_ =	sdelay $0x1  }
0x99: {  	s4 =	simm.s32 $_scs_section_size  }
0x9a: {  	s5 =	simm.s32 $_size__tile_overlayer_lowered;
	s6 =	simm.s32 $_tile_overlayer_lowered  }
0x9b: {  	s22 =	simm.s32 $0x1BFF;
	s21 =	sshll.u32 s6, $0x1;
	s3 =	sadd.s32 s4, s19  }
0x9c: {  	s7 =	simm.s32 $0x0;
	s20 =	sshll.u32 s5, $0x1;
	s5 =	sadd.s32 s21, s3  }
0x9d: {  	[timem:s7], [sflag:s22] =	dma.local [hbm:s5], s20  }
0x9e: {  	_ =	swait.ge [sflag:s22], s20  }
0x9f: {  	s4 =	ssub.s32 $0x0, s20;
	[sflag:s22] =	ssyncset.done $0x0  }
0xa0: {  	[sflag:s22] =	ssyncadd.s32 s4;
	_ =	sdelay $0x1  }
0xa1: {  	s23 =	simm.s32 $0x1B8B  }
0xa2: {  	_ =	swait.ge [sflag:s23], $0x1  }
0xa3: {  	[sflag:s23] =	ssyncset.done $0x0  }
0xa4: {  	s25 =	simm.s32 $0x1B8E;
	s24 =	sld [smem:$0x3FFE];
	[sflag:s23] =	ssyncadd.s32 $0xFFFFFFFF  }
0xa5: {  	s26 =	simm.s32 $execute0_lowered;
	[smem:$0x3FD2] =	sst s25  }
0xa6: {  	s5 =	sshll.u32 s26, $0x1;
	_ =	strace $0x8000004C;
	[dreg:$0x1] =	wrdreg $0xFFFFFFFF  }
0xa7: {  	s28 =	simm.s32 $_size_execute0_lowered;
	s3 =	sadd.s32 s3, s5;
	[dreg:$0x0] =	wrdreg $0x0  }
0xa8: {  	s5 =	sshll.u32 s28, $0x1;
	[dreg:$0x2] =	wrdreg s3  }
0xa9: {  	[dreg:$0x3] =	wrdreg s5  }
0xaa: {  	[dreg:$0x4] =	wrdreg $0xC0  }
0xab: {  	_ =	task [dreg:s7], $0x5FFFF  }
0xac: {  	[dreg:$0x1] =	wrdreg $0xFFFFFFFF  }
0xad: {  	[dreg:$0x0] =	wrdreg $0x60  }
0xae: {  	[dreg:$0x2] =	wrdreg s2  }
0xaf: {  	[dreg:$0x3] =	wrdreg s24  }
0xb0: {  	[dreg:$0x4] =	wrdreg $0xA8000  }
0xb1: {  	[dreg:$0x5] =	wrdreg $0x9  }
0xb2: {  	_ =	task.clear_ibuf [dreg:s7], $0x6FFFF;
	_ =	strace $0x9000004C  }
0xb3: {  	s29 =	simm.s32 $0x9;
	_ =	strace $0x8000004E  }
0xb4: {  	_ =	swait.ge [sflag:s29], $0x1  }
0xb5: {  	[sflag:s29] =	ssyncadd.s32 $0xFFFFFFFF  }
0xb6: {  	_ =	strace $0x9000004E  }
0xb7: {  	_ =	sfence  }
0xb8: {  	s30 =	sld [smem:$0x0];
	_ =	sdelay $0x2  }
0xb9: {  	s31 =	sshll.u32 s1, $0xD;
	s1 =	sshrl.u32 s1, $0x2  }
0xba: {  	s3 =	sand.u32 $0x4000, s31;
	s1 =	sadd.s32 s1, s30  }
0xbb: {  	s0 =	sor.u32 s3, s0;
	s1 =	sshll.u32 s1, $0x11  }
0xbc: {  	s0 =	sor.u32 s1, s0  }
0xbd: {  	s0 =	sadd.s32 $0x8F2B, s0  }
0xbe: {  	[sflag:s0] =	ssyncadd.remote.s32 $0x1  }
0xbf: {  	_ =	sfence.sel $0xFFFF  }
0xc0: {  	[dreg:$0x0] =	wrdreg $0xFFFFFFFF;
	(pc) =	sbr.abs _section_cstart, $3  }
0xc1: {  	[dreg:$0x1] =	wrdreg $0xFFFFFFFF  }
0xc2: {  	_ =	task.clear_ibuf [dreg:s7], $0x2FFFF;
	_ =	strace $0x9FFFFFFF  }
0xc3: {  	(tm) =	ssettm $0x7FFFFFFF  }
tec
execute0_lowered:
.L_overlay_start_1:
0x0: {  	(tag) =	ssettag $0x1  }
0x1: {  	s1 =	rddreg [dreg:$0x0]  }
0x2: {  	s0 =	rddreg [dreg:$0x1]  }
0x3: {  	s2 =	rddreg [dreg:$0x2];
	s4 =	simm.s32 $0x0  }
0x4: {  	s3 =	stileid.u32;
	s7 =	srdreg.scid;
	s18 =	simm.s32 $0x5  }
0x5: {  	s19 =	simm.s32 $0x1400;
	s20 =	simm.s32 $0x80;
	s21 =	simm.s32 $0x6800  }
0x6: {  	s22 =	simm.s32 $0x1;
	s23 =	simm.s32 $0x3;
	s24 =	simm.s32 $0x100  }
0x7: {  	s28 =	simm.s32 $0x4;
	s29 =	simm.s32 $0x2700;
	s30 =	simm.s32 $0x2780  }
0x8: {  	s31 =	simm.s32 $0x0;
	[smem:$0x7FF] =	sst s4;
	s5 =	sadd.s32 $0xD600, s0  }
0x9: {  	s8 =	smul.u32 $0x4F000, s3;
	s6 =	sadd.s32 $0x3800, s0;
	s9 =	sadd.s32 $0x17400, s0  }
0xa: {  	s25 =	sadd.s32 $0x17600, s0;
	_ =	strace $0x8000004D;
	[dreg:$0x4] =	wrdreg s9  }
0xb: {  	s7 =	sand.u32 $0x1, s7;
	s16 =	smul.u32 $0x2780, s3;
	[dreg:$0x5] =	wrdreg s25  }
0xc: {  	s10 =	ssub.s32 $0x2, s7;
	s12 =	sshll.u32 s7, $0x4;
	p0 =	seq.s32 s7, $0x1  }
0xd: {  	s7 =	simm.s32 $0x3F000;
	s25 =	simm.s32 $0x2;
	s8 =	sshrl.u32 s8, $0x2  }
0xe: {  	s11 =	sshrl.u32 s10, $0x1;
	s17 =	sor.u32 s3, s12;
	s7 =	simm.s32 @!p0 $0x17800  }
.Ltmp0:
0xf: {  	s9 =	sadd.s32 s8, s2;
	s26 =	ssub.s32 s10, s11;
	(pc) =	sbr.rel .LBB2_1-.Ltmp0, $4  }
0x10: {  	s14 =	smul.u32 $0x50, s17;
	s0 =	sadd.s32 s7, s0;
	p0 =	seq.s32 s17, $0x1F  }
0x11: {  	s17 =	simm.s32 $0x2800;
	s10 =	sadd.s32 $0x4000, s9;
	s11 =	sadd.s32 $0x8000, s9  }
0x12: {  	s12 =	sadd.s32 $0xC000, s9;
	s13 =	sadd.s32 $0x10000, s9;
	s15 =	smax.u32 s26, $0x1  }
0x13: {  	v0 =	vimm.f32 $0.0e+00;
	s16 =	sadd.s32 s0, s16;
	s26 =	simm.s32 $0x1480;
	s0 =	simm.s32 $0x1380  }
.LBB2_11:
0x14: {  	s3 =	stileid.u32;
	s31 =	sadd.s32 $0x1, s31  }
0x15: {  	[bflag:$0x0] =	sbarrier.arrive $0xFFFF;
	s3 =	sshll.u32 s3, $0x6;
	p1 =	sne.s32 s31, s15  }
.Ltmp1:
0x16: {  	s7 =	sshrl.u32 s9, $0x3;
	s3 =	sor.u32 $0x1C05, s3;
	(pc) =	sbr.rel @!p1 .LBB2_12-.Ltmp1, $4  }
0x17: {  	[hbm:s16], [sflag:s3] =	dma.local [spmem:s7], $0x2780  }
0x18: {  	_ =	swait.ge [sflag:s18], $0x2780  }
0x19: {  	[sflag:s18] =	ssyncset.done $0x0  }
0x1a: {  	[sflag:s18] =	ssyncadd.s32 $0xFFFFD880  }
.LBB2_1:
0x1b: {  	s7 =	simm.s32 $0x0;
	s8 =	simm.s32 $0x200  }
.LBB2_2:
0x1c: {  	p1 =	sne.s32 s8, $0xFE00;
	[tilespmem:s7+$0x2870] =	vst v0  }
0x1d: {  	[tilespmem:s7+$0x2800] =	vst v0  }
0x1e: {  	[tilespmem:s7+$0x2810] =	vst v0  }
.Ltmp2:
0x1f: {  	[tilespmem:s7+$0x2820] =	vst v0;
	(pc) =	sbr.rel @p1 .LBB2_2-.Ltmp2, $4  }
0x20: {  	[tilespmem:s7+$0x2830] =	vst v0  }
0x21: {  	[tilespmem:s7+$0x2840] =	vst v0  }
0x22: {  	[tilespmem:s7+$0x2850] =	vst v0  }
0x23: {  	[tilespmem:s7+$0x2860] =	vst v0;
	s7 =	sshra.s32 s8, $0x2;
	s8 =	sadd.s32 $0x200, s8  }
0x24: {  	[tilespmem:s7+$0x2870] =	vst v0  }
0x25: {  	[tilespmem:s7+$0x2800] =	vst v0  }
0x26: {  	[tilespmem:s7+$0x2810] =	vst v0  }
0x27: {  	[tilespmem:s7+$0x2820] =	vst v0  }
0x28: {  	[tilespmem:s7+$0x2830] =	vst v0  }
0x29: {  	[tilespmem:s7+$0x2840] =	vst v0  }
0x2a: {  	[tilespmem:s7+$0x2850] =	vst v0  }
0x2b: {  	[tilespmem:s7+$0x2860] =	vst v0  }
0x2c: {  	[spmem:s9] =	stream.linear.scatter [tilespmem:s17], [sflag:$0x5], $0x4000, $0x38;
	[tilespmem:$0x1E400] =	vst v63  }
0x2d: {  	_ =	swait.ge [sflag:s18], $0x4000  }
0x2e: {  	[sflag:s18] =	ssyncset.done $0x0  }
0x2f: {  	[sflag:s18] =	ssyncadd.s32 $0xFFFFC000  }
0x30: {  	[spmem:s10] =	stream.linear.scatter [tilespmem:s17], [sflag:$0x5], $0x4000, $0x38;
	[tilespmem:$0x1E400] =	vst v63  }
0x31: {  	_ =	swait.ge [sflag:s18], $0x4000  }
0x32: {  	[sflag:s18] =	ssyncset.done $0x0  }
0x33: {  	[sflag:s18] =	ssyncadd.s32 $0xFFFFC000  }
0x34: {  	[spmem:s11] =	stream.linear.scatter [tilespmem:s17], [sflag:$0x5], $0x4000, $0x38;
	[tilespmem:$0x1E400] =	vst v63  }
0x35: {  	_ =	swait.ge [sflag:s18], $0x4000  }
0x36: {  	[sflag:s18] =	ssyncset.done $0x0  }
0x37: {  	[sflag:s18] =	ssyncadd.s32 $0xFFFFC000  }
0x38: {  	[spmem:s12] =	stream.linear.scatter [tilespmem:s17], [sflag:$0x5], $0x4000, $0x38;
	[tilespmem:$0x1E400] =	vst v63  }
0x39: {  	_ =	swait.ge [sflag:s18], $0x4000  }
0x3a: {  	[sflag:s18] =	ssyncset.done $0x0  }
0x3b: {  	[sflag:s18] =	ssyncadd.s32 $0xFFFFC000  }
0x3c: {  	[spmem:s13] =	stream.linear.scatter [tilespmem:s17], [sflag:$0x5], $0x3C00, $0x38;
	[tilespmem:$0x1E400] =	vst v63  }
.Ltmp3:
0x3d: {  	_ =	swait.ge [sflag:s18], $0x3C00;
	(pc) =	sbr.rel @!p0 .LBB2_4-.Ltmp3, $3  }
0x3e: {  	[sflag:s18] =	ssyncset.done $0x0  }
0x3f: {  	[sflag:s18] =	ssyncadd.s32 $0xFFFFC400  }
0x40: {  	[bflag:$0x0] =	sbarrier.arrive $0xFFFF;
	_ =	sdelay $0x1  }
0x41: {  	s3 =	rddreg [dreg:$0x4]  }
0x42: {  	[tilespmem:s4], [sflag:$0x5] =	stream.linear.gather [hbm4b:s3+s4], $0xC00, $0x38;
	[tilespmem:$0x1E400] =	vst v63  }
0x43: {  	_ =	swait.ge [sflag:s18], $0xC00  }
0x44: {  	[sflag:s18] =	ssyncset.done $0x0  }
0x45: {  	s7 =	rddreg [dreg:$0x5];
	[sflag:s18] =	ssyncadd.s32 $0xFFFFF400  }
0x46: {  	[tilespmem:s19], [sflag:$0x5] =	stream.linear.gather [hbm4b:s7+s4], $0xC00, $0x38;
	[tilespmem:$0x1E400] =	vst v63  }
0x47: {  	_ =	swait.ge [sflag:s18], $0xC00  }
0x48: {  	[sflag:s18] =	ssyncset.done $0x0  }
0x49: {  	[sflag:s18] =	ssyncadd.s32 $0xFFFFF400  }
0x4a: {  	[tilespmem:s17], [sflag:$0x1] =	stream.indirect.gather [hbm4b:s1+s20], $0x80, s4, s20, $0xb8;
	[tilespmem:$0x1E400] =	vst v63  }
0x4b: {  	_ = 	snop  }
0x4c: {  	[tilespmem:s21], [sflag:$0x2] =	stream.indirect.gather [hbm4b:s1+s20], $0x80, s20, s20, $0xb8;
	[tilespmem:$0x1E400] =	vst v63  }
0x4d: {  	_ =	swait.ge [sflag:s22], $0x4000  }
0x4e: {  	[sflag:s22] =	ssyncset.done $0x0  }
0x4f: {  	[sflag:s22] =	ssyncadd.s32 $0xFFFFC000  }
0x50: {  	[spmem:s2] =	stream.indirect.scatter.add.f32 [tilespmem:s17], [sflag:$0x3], $0x80, s19, s20, $0xb8;
	[tilespmem:$0x1E400] =	vst v63  }
0x51: {  	_ =	swait.ge [sflag:s23], $0x4000  }
0x52: {  	[sflag:s23] =	ssyncset.done $0x0  }
0x53: {  	[sflag:s23] =	ssyncadd.s32 $0xFFFFC000  }
0x54: {  	[tilespmem:s17], [sflag:$0x1] =	stream.indirect.gather [hbm4b:s1+s20], $0x80, s24, s20, $0xb8;
	[tilespmem:$0x1E400] =	vst v63  }
0x55: {  	_ =	swait.ge [sflag:s25], $0x4000  }
0x56: {  	[sflag:s25] =	ssyncset.done $0x0  }
0x57: {  	[sflag:s25] =	ssyncadd.s32 $0xFFFFC000  }
0x58: {  	[spmem:s2] =	stream.indirect.scatter.add.f32 [tilespmem:s21], [sflag:$0x4], $0x80, s26, s20, $0xb8;
	[tilespmem:$0x1E400] =	vst v63  }
0x59: {  	_ =	swait.ge [sflag:s28], $0x4000  }
0x5a: {  	[sflag:s28] =	ssyncset.done $0x0  }
0x5b: {  	s8 =	simm.s32 $0x180;
	[sflag:s28] =	ssyncadd.s32 $0xFFFFC000  }
0x5c: {  	[tilespmem:s21], [sflag:$0x2] =	stream.indirect.gather [hbm4b:s1+s20], $0x80, s8, s20, $0xb8;
	[tilespmem:$0x1E400] =	vst v63  }
0x5d: {  	_ =	swait.ge [sflag:s22], $0x4000  }
0x5e: {  	[sflag:s22] =	ssyncset.done $0x0  }
0x5f: {  	s7 =	simm.s32 $0x1500;
	[sflag:s22] =	ssyncadd.s32 $0xFFFFC000  }
0x60: {  	[spmem:s2] =	stream.indirect.scatter.add.f32 [tilespmem:s17], [sflag:$0x3], $0x80, s7, s20, $0xb8;
	[tilespmem:$0x1E400] =	vst v63  }
0x61: {  	_ =	swait.ge [sflag:s23], $0x4000  }
0x62: {  	[sflag:s23] =	ssyncset.done $0x0  }
0x63: {  	s8 =	simm.s32 $0x200;
	[sflag:s23] =	ssyncadd.s32 $0xFFFFC000  }
0x64: {  	[tilespmem:s17], [sflag:$0x1] =	stream.indirect.gather [hbm4b:s1+s20], $0x80, s8, s20, $0xb8;
	[tilespmem:$0x1E400] =	vst v63  }
0x65: {  	_ =	swait.ge [sflag:s25], $0x4000  }
0x66: {  	[sflag:s25] =	ssyncset.done $0x0  }
0x67: {  	s7 =	simm.s32 $0xFFFFDC00;
	s8 =	simm.s32 $0x1580;
	[sflag:s25] =	ssyncadd.s32 $0xFFFFC000  }
.LBB2_9:
0x68: {  	[spmem:s2] =	stream.indirect.scatter.add.f32 [tilespmem:s21], [sflag:$0x4], $0x80, s8, s20, $0xb8;
	[tilespmem:$0x1E400] =	vst v63  }
0x69: {  	s3 =	smov.u32 s7  }
0x6a: {  	p1 =	sne.s32 s7, $0xFFFFFC00;
	s7 =	sadd.s32 $0x400, s7;
	_ =	swait.ge [sflag:s28], $0x4000  }
0x6b: {  	s3 =	sshra.s32 s3, $0x2;
	[sflag:s28] =	ssyncset.done $0x0  }
0x6c: {  	s8 =	sadd.s32 $0xB80, s3;
	[sflag:s28] =	ssyncadd.s32 $0xFFFFC000  }
0x6d: {  	[tilespmem:s21], [sflag:$0x2] =	stream.indirect.gather [hbm4b:s1+s20], $0x80, s8, s20, $0xb8;
	[tilespmem:$0x1E400] =	vst v63  }
0x6e: {  	_ =	swait.ge [sflag:s22], $0x4000  }
0x6f: {  	[sflag:s22] =	ssyncset.done $0x0  }
0x70: {  	s8 =	sadd.s32 $0x1F00, s3;
	[sflag:s22] =	ssyncadd.s32 $0xFFFFC000  }
0x71: {  	[spmem:s2] =	stream.indirect.scatter.add.f32 [tilespmem:s17], [sflag:$0x3], $0x80, s8, s20, $0xb8;
	[tilespmem:$0x1E400] =	vst v63  }
0x72: {  	_ =	swait.ge [sflag:s23], $0x4000  }
0x73: {  	[sflag:s23] =	ssyncset.done $0x0  }
.Ltmp4:
0x74: {  	s8 =	sadd.s32 $0xC00, s3;
	[sflag:s23] =	ssyncadd.s32 $0xFFFFC000;
	(pc) =	sbr.rel @p1 .LBB2_9-.Ltmp4, $4  }
0x75: {  	[tilespmem:s17], [sflag:$0x1] =	stream.indirect.gather [hbm4b:s1+s20], $0x80, s8, s20, $0xb8;
	[tilespmem:$0x1E400] =	vst v63  }
0x76: {  	_ =	swait.ge [sflag:s25], $0x4000  }
0x77: {  	[sflag:s25] =	ssyncset.done $0x0  }
0x78: {  	s8 =	sadd.s32 $0x1F80, s3;
	[sflag:s25] =	ssyncadd.s32 $0xFFFFC000  }
0x79: {  	[spmem:s2] =	stream.indirect.scatter.add.f32 [tilespmem:s21], [sflag:$0x4], $0x80, s8, s20, $0xb8;
	[tilespmem:$0x1E400] =	vst v63  }
0x7a: {  	_ =	swait.ge [sflag:s28], $0x4000  }
0x7b: {  	[sflag:s28] =	ssyncset.done $0x0  }
0x7c: {  	s3 =	simm.s32 $0xB80;
	[sflag:s28] =	ssyncadd.s32 $0xFFFFC000  }
0x7d: {  	[tilespmem:s21], [sflag:$0x2] =	stream.indirect.gather [hbm4b:s1+s20], $0x80, s3, s20, $0xb8;
	[tilespmem:$0x1E400] =	vst v63  }
0x7e: {  	_ =	swait.ge [sflag:s22], $0x4000  }
0x7f: {  	[sflag:s22] =	ssyncset.done $0x0  }
0x80: {  	s7 =	simm.s32 $0x1F00;
	[sflag:s22] =	ssyncadd.s32 $0xFFFFC000  }
0x81: {  	[spmem:s2] =	stream.indirect.scatter.add.f32 [tilespmem:s17], [sflag:$0x3], $0x80, s7, s20, $0xb8;
	[tilespmem:$0x1E400] =	vst v63  }
0x82: {  	_ =	swait.ge [sflag:s25], $0x4000  }
0x83: {  	[sflag:s25] =	ssyncset.done $0x0  }
0x84: {  	s8 =	simm.s32 $0x1F80;
	[sflag:s25] =	ssyncadd.s32 $0xFFFFC000  }
0x85: {  	[spmem:s2] =	stream.indirect.scatter.add.f32 [tilespmem:s21], [sflag:$0x4], $0x80, s8, s20, $0xb8;
	[tilespmem:$0x1E400] =	vst v63  }
0x86: {  	_ =	swait.ge [sflag:s23], $0x4000  }
.Ltmp5:
0x87: {  	[sflag:s23] =	ssyncset.done $0x0;
	(pc) =	sbr.rel .LBB2_11-.Ltmp5, $4  }
0x88: {  	[sflag:s23] =	ssyncadd.s32 $0xFFFFC000  }
0x89: {  	_ =	swait.ge [sflag:s28], $0x4000  }
0x8a: {  	[sflag:s28] =	ssyncset.done $0x0  }
0x8b: {  	[sflag:s28] =	ssyncadd.s32 $0xFFFFC000  }
.LBB2_4:
0x8c: {  	s7 =	simm.s32 $0x0;
	p2 =	por $0x1, $0x1  }
.LBB2_5:
0x8d: {  	s7 =	sadd.s32 s14, s7  }
0x8e: {  	s7 =	sshll.u32 s7, $0x4  }
0x8f: {  	s8 =	sadd.s32 s5, s7  }
0x90: {  	[tilespmem:s4], [sflag:$0x5] =	stream.linear.gather [hbm4b:s8+s4], $0x1400, $0x38;
	[tilespmem:$0x1E400] =	vst v63  }
0x91: {  	_ =	swait.ge [sflag:s18], $0x1400  }
0x92: {  	[sflag:s18] =	ssyncset.done $0x0  }
0x93: {  	s7 =	sadd.s32 s6, s7;
	[sflag:s18] =	ssyncadd.s32 $0xFFFFEC00  }
0x94: {  	[tilespmem:s19], [sflag:$0x5] =	stream.linear.gather [hbm4b:s7+s4], $0x1400, $0x38;
	[tilespmem:$0x1E400] =	vst v63  }
0x95: {  	_ =	swait.ge [sflag:s18], $0x1400  }
0x96: {  	[sflag:s18] =	ssyncset.done $0x0  }
0x97: {  	[sflag:s18] =	ssyncadd.s32 $0xFFFFEC00  }
0x98: {  	[tilespmem:s17], [sflag:$0x1] =	stream.indirect.gather [hbm4b:s1+s20], $0x80, s4, s20, $0xb8;
	[tilespmem:$0x1E400] =	vst v63  }
0x99: {  	_ = 	snop  }
0x9a: {  	[tilespmem:s21], [sflag:$0x2] =	stream.indirect.gather [hbm4b:s1+s20], $0x80, s20, s20, $0xb8;
	[tilespmem:$0x1E400] =	vst v63  }
0x9b: {  	_ =	swait.ge [sflag:s22], $0x4000  }
0x9c: {  	[sflag:s22] =	ssyncset.done $0x0  }
0x9d: {  	[sflag:s22] =	ssyncadd.s32 $0xFFFFC000  }
0x9e: {  	[spmem:s2] =	stream.indirect.scatter.add.f32 [tilespmem:s17], [sflag:$0x3], $0x80, s19, s20, $0xb8;
	[tilespmem:$0x1E400] =	vst v63  }
0x9f: {  	_ =	swait.ge [sflag:s23], $0x4000  }
0xa0: {  	[sflag:s23] =	ssyncset.done $0x0  }
0xa1: {  	[sflag:s23] =	ssyncadd.s32 $0xFFFFC000  }
0xa2: {  	[tilespmem:s17], [sflag:$0x1] =	stream.indirect.gather [hbm4b:s1+s20], $0x80, s24, s20, $0xb8;
	[tilespmem:$0x1E400] =	vst v63  }
0xa3: {  	_ =	swait.ge [sflag:s25], $0x4000  }
0xa4: {  	[sflag:s25] =	ssyncset.done $0x0  }
0xa5: {  	[sflag:s25] =	ssyncadd.s32 $0xFFFFC000  }
0xa6: {  	[spmem:s2] =	stream.indirect.scatter.add.f32 [tilespmem:s21], [sflag:$0x4], $0x80, s26, s20, $0xb8;
	[tilespmem:$0x1E400] =	vst v63  }
0xa7: {  	_ =	swait.ge [sflag:s28], $0x4000  }
0xa8: {  	[sflag:s28] =	ssyncset.done $0x0  }
0xa9: {  	s8 =	simm.s32 $0x180;
	[sflag:s28] =	ssyncadd.s32 $0xFFFFC000  }
0xaa: {  	[tilespmem:s21], [sflag:$0x2] =	stream.indirect.gather [hbm4b:s1+s20], $0x80, s8, s20, $0xb8;
	[tilespmem:$0x1E400] =	vst v63  }
0xab: {  	_ =	swait.ge [sflag:s22], $0x4000  }
0xac: {  	[sflag:s22] =	ssyncset.done $0x0  }
0xad: {  	s3 =	simm.s32 $0x1500;
	[sflag:s22] =	ssyncadd.s32 $0xFFFFC000  }
0xae: {  	[spmem:s2] =	stream.indirect.scatter.add.f32 [tilespmem:s17], [sflag:$0x3], $0x80, s3, s20, $0xb8;
	[tilespmem:$0x1E400] =	vst v63  }
0xaf: {  	_ =	swait.ge [sflag:s23], $0x4000  }
0xb0: {  	[sflag:s23] =	ssyncset.done $0x0  }
0xb1: {  	s8 =	simm.s32 $0x200;
	[sflag:s23] =	ssyncadd.s32 $0xFFFFC000  }
0xb2: {  	[tilespmem:s17], [sflag:$0x1] =	stream.indirect.gather [hbm4b:s1+s20], $0x80, s8, s20, $0xb8;
	[tilespmem:$0x1E400] =	vst v63  }
0xb3: {  	_ =	swait.ge [sflag:s25], $0x4000  }
0xb4: {  	p1 =	por p2, p2;
	[sflag:s25] =	ssyncset.done $0x0  }
0xb5: {  	s7 =	simm.s32 $0xFFFFBC00;
	s8 =	simm.s32 $0x1580;
	[sflag:s25] =	ssyncadd.s32 $0xFFFFC000  }
.LBB2_6:
0xb6: {  	[spmem:s2] =	stream.indirect.scatter.add.f32 [tilespmem:s21], [sflag:$0x4], $0x80, s8, s20, $0xb8;
	[tilespmem:$0x1E400] =	vst v63  }
0xb7: {  	s8 =	smov.u32 s7  }
0xb8: {  	p2 =	sne.s32 s7, $0xFFFFFC00;
	s7 =	sadd.s32 $0x400, s7;
	_ =	swait.ge [sflag:s28], $0x4000  }
0xb9: {  	s8 =	sshra.s32 s8, $0x2;
	[sflag:s28] =	ssyncset.done $0x0  }
0xba: {  	s3 =	sadd.s32 $0x1380, s8;
	[sflag:s28] =	ssyncadd.s32 $0xFFFFC000  }
0xbb: {  	[tilespmem:s21], [sflag:$0x2] =	stream.indirect.gather [hbm4b:s1+s20], $0x80, s3, s20, $0xb8;
	[tilespmem:$0x1E400] =	vst v63  }
0xbc: {  	_ =	swait.ge [sflag:s22], $0x4000  }
0xbd: {  	[sflag:s22] =	ssyncset.done $0x0  }
0xbe: {  	s3 =	sadd.s32 $0x2700, s8;
	[sflag:s22] =	ssyncadd.s32 $0xFFFFC000  }
0xbf: {  	[spmem:s2] =	stream.indirect.scatter.add.f32 [tilespmem:s17], [sflag:$0x3], $0x80, s3, s20, $0xb8;
	[tilespmem:$0x1E400] =	vst v63  }
0xc0: {  	_ =	swait.ge [sflag:s23], $0x4000  }
0xc1: {  	[sflag:s23] =	ssyncset.done $0x0  }
.Ltmp6:
0xc2: {  	s3 =	sadd.s32 $0x1400, s8;
	[sflag:s23] =	ssyncadd.s32 $0xFFFFC000;
	(pc) =	sbr.rel @p2 .LBB2_6-.Ltmp6, $4  }
0xc3: {  	[tilespmem:s17], [sflag:$0x1] =	stream.indirect.gather [hbm4b:s1+s20], $0x80, s3, s20, $0xb8;
	[tilespmem:$0x1E400] =	vst v63  }
0xc4: {  	_ =	swait.ge [sflag:s25], $0x4000  }
0xc5: {  	[sflag:s25] =	ssyncset.done $0x0  }
0xc6: {  	s8 =	sadd.s32 $0x2780, s8;
	[sflag:s25] =	ssyncadd.s32 $0xFFFFC000  }
0xc7: {  	[spmem:s2] =	stream.indirect.scatter.add.f32 [tilespmem:s21], [sflag:$0x4], $0x80, s8, s20, $0xb8;
	[tilespmem:$0x1E400] =	vst v63  }
0xc8: {  	_ =	swait.ge [sflag:s28], $0x4000  }
0xc9: {  	[sflag:s28] =	ssyncset.done $0x0  }
0xca: {  	[sflag:s28] =	ssyncadd.s32 $0xFFFFC000  }
0xcb: {  	[tilespmem:s21], [sflag:$0x2] =	stream.indirect.gather [hbm4b:s1+s20], $0x80, s0, s20, $0xb8;
	[tilespmem:$0x1E400] =	vst v63  }
0xcc: {  	_ =	swait.ge [sflag:s22], $0x4000  }
0xcd: {  	[sflag:s22] =	ssyncset.done $0x0  }
0xce: {  	[sflag:s22] =	ssyncadd.s32 $0xFFFFC000  }
0xcf: {  	[spmem:s2] =	stream.indirect.scatter.add.f32 [tilespmem:s17], [sflag:$0x3], $0x80, s29, s20, $0xb8;
	[tilespmem:$0x1E400] =	vst v63  }
0xd0: {  	_ =	swait.ge [sflag:s25], $0x4000  }
0xd1: {  	[sflag:s25] =	ssyncset.done $0x0  }
0xd2: {  	[sflag:s25] =	ssyncadd.s32 $0xFFFFC000  }
0xd3: {  	[spmem:s2] =	stream.indirect.scatter.add.f32 [tilespmem:s21], [sflag:$0x4], $0x80, s30, s20, $0xb8;
	[tilespmem:$0x1E400] =	vst v63  }
0xd4: {  	_ =	swait.ge [sflag:s23], $0x4000  }
.Ltmp7:
0xd5: {  	[sflag:s23] =	ssyncset.done $0x0;
	(pc) =	sbr.rel @p1 .LBB2_5-.Ltmp7, $4  }
.Ltmp8:
0xd6: {  	[sflag:s23] =	ssyncadd.s32 $0xFFFFC000;
	(pc) =	sbr.rel @!p1 .LBB2_11-.Ltmp8, $4  }
0xd7: {  	_ =	swait.ge [sflag:s28], $0x4000  }
0xd8: {  	[sflag:s28] =	ssyncset.done $0x0  }
0xd9: {  	s7 =	simm.s32 $0x28;
	p2 =	por $0x0, $0x0;
	[sflag:s28] =	ssyncadd.s32 $0xFFFFC000  }
0xda: {  	_ = 	snop  }
.LBB2_12:
0xdb: {  	_ =	sfence.sel $0x180000  }
0xdc: {  	[bflag:$0x0] =	sbarrier.arrive $0xFFFF  }
0xdd: {  	_ =	strace $0x9000004D  }
0xde: {  	s0 =	stileid.u32;
	[bflag:$0x2] =	sbarrier.arrive $0xFFFF  }
0xdf: {  	p0 =	sne.s32 s0, $0x0;
	s0 =	rddreg [dreg:$0x3]  }
0xe0: {  	s0 =	sadd.s32 @!p0 $0x100000, s0  }
0xe1: {  	[sflag:s0] =	ssyncadd.tile.s32 @!p0 $0x1;
	_ =	shalt  }
.Lfunc_end2:
_tile_overlayer_lowered:
.L_overlay_start_2:
0xe2: {  	(tag) =	ssettag $0x2  }
0xe3: {  	s0 =	rddreg [dreg:$0x0];
	s2 =	stileid.u32  }
0xe4: {  	s1 =	rddreg [dreg:$0x1];
	p0 =	sne.s32 s2, $0x0  }
0xe5: {  	s3 =	rddreg [dreg:$0x2];
	[bflag:$0x3] =	sbarrier.arrive $0xFFFF;
	s2 =	simm.s32 @!p0 $0x1C05  }
0xe6: {  	[timem:s3], [sflag:s2] =	dma.local @!p0 [hbm:s0], s1  }
0xe7: {  	s0 =	simm.s32 @!p0 $0x5  }
0xe8: {  	_ =	swait.ge @!p0 [sflag:s0], s1  }
0xe9: {  	s1 =	ssub.s32 @!p0 $0x0, s1;
	[sflag:s0] =	ssyncset.done @!p0 $0x0  }
0xea: {  	[sflag:s0] =	ssyncadd.s32 @!p0 s1  }
0xeb: {  	[bflag:$0x3] =	sbarrier.arrive $0xFFFF  }
0xec: {  	_ =	shalt  }

// kernel: kernel.8.cloned.1.call-start
scs
__scs_entry_jumppad:
0x0: {  	(pc) =	sbr.rel $0x88, $3  }
0x1: {  	(tag) =	ssettag $0x0;
	lr =	simm.s32 $0x1  }
0x2: {  	[smem:$0x3F99] =	sst lr;
	_ =	strace $0xD0000000  }
0x3: {  	_ = 	snop  }
0x4: {  	_ = 	snop  }
0x5: {  	_ = 	snop  }
0x6: {  	_ = 	snop  }
0x7: {  	_ = 	snop  }
__scs_overlays_trampoline_lowered:
0x8: {  	[smem:$0x3FA8] =	sst s0  }
0x9: {  	[smem:$0x3FA9] =	sst s1  }
0xa: {  	[smem:$0x3FAA] =	sst s2  }
0xb: {  	[smem:$0x3FAB] =	sst s3  }
0xc: {  	[smem:$0x3FAC] =	sst s4  }
0xd: {  	[smem:$0x3FAD] =	sst s5  }
0xe: {  	[smem:$0x3FAE] =	sst s6  }
0xf: {  	[smem:$0x3FAF] =	sst s7  }
0x10: {  	[smem:$0x3FB0] =	sst s8  }
0x11: {  	[smem:$0x3FB1] =	sst s9;
	s0 =	simm.s32 @!p0 $0x0  }
0x12: {  	s1 =	sld [smem:$0x3F97];
	s0 =	simm.s32 @p0 $0x1  }
0x13: {  	[smem:$0x3FB2] =	sst s0;
	s0 =	simm.s32 @!p1 $0x0  }
0x14: {  	s2 =	sld [smem:$0x3F96];
	s0 =	simm.s32 @p1 $0x1  }
0x15: {  	[smem:$0x3FB3] =	sst s0;
	s0 =	simm.s32 @!p2 $0x0  }
0x16: {  	s3 =	sld [smem:$0x3FDB];
	s0 =	simm.s32 @p2 $0x1  }
0x17: {  	s4 =	simm.s32 $0x1BF5;
	[smem:$0x3FB5] =	sst s0  }
0x18: {  	s0 =	sld [smem:$0x3F98];
	_ =	swait.ge [sflag:s4], $0x0  }
0x19: {  	s7 =	sld [smem:$0x3F99]  }
0x1a: {  	s8 =	sadd.s32 $0xFFFFE003, lr  }
0x1b: {  	s9 =	sadd.s32 $0xFFFFFEF7, lr;
	s5 =	simm.s32 $0xFFFFFFFF;
	p2 =	slt.u32 s8, $0xFFFFF086  }
0x1c: {  	p1 =	slt.u32 s9, $0xF7A;
	s5 =	simm.s32 @!p2 $0x0  }
0x1d: {  	s5 =	simm.s32 @p1 $0x1;
	p0 =	seq.s32 s7, s2  }
0x1e: {  	s7 =	smul.u32 @!p0 $0xF7A, s2;
	p2 =	seq.s32 @!p0 s5, $0x0  }
0x1f: {  	s9 =	smul.u32 $0xF7A, s1;
	s8 =	simm.s32 @!p0 $0x1BF5;
	p2 =	por !p2, p0  }
0x20: {  	[sflag:s8] =	ssyncset.s32 @!p0 $0xFFFFF086;
	s6 =	sadd.s32 @!p0 s3, s7;
	s7 =	simm.s32 @!p0 $0x108  }
0x21: {  	s3 =	sadd.s32 s3, s9;
	s6 =	sadd.s32 @!p0 $0x88, s6;
	s7 =	simm.s32 @p2 $0x1082  }
0x22: {  	[simem:s7], [sflag:s8] =	dma.local @!p0 [hbm:s6], $0xF7A  }
0x23: {  	s9 =	sor.u32 $0xD0000000, s2;
	s6 =	simm.s32 $0x108;
	_ =	swait.ge @!p0 [sflag:s8], $0x0  }
0x24: {  	s3 =	sadd.s32 $0x88, s3;
	s6 =	simm.s32 @!p1 $0x1082;
	[sflag:s4] =	ssyncset.s32 $0xFFFFF086  }
0x25: {  	[simem:s6], [sflag:s4] =	dma.local [hbm:s3], $0xF7A  }
0x26: {  	[smem:$0x3F99] =	sst s1;
	(tag) =	ssettag s2;
	_ =	strace s9  }
0x27: {  	s1 =	sld [smem:$0x3FA9]  }
0x28: {  	s2 =	sld [smem:$0x3FAA]  }
0x29: {  	s4 =	sld [smem:$0x3FAC]  }
0x2a: {  	p0 =	seq.s32 s5, $0x0;
	s5 =	sld [smem:$0x3FAD]  }
0x2b: {  	s6 =	sld [smem:$0x3FAE]  }
0x2c: {  	s7 =	sld [smem:$0x3FAF]  }
0x2d: {  	s3 =	simm.s32 $0x108;
	s8 =	sld [smem:$0x3FB0]  }
0x2e: {  	s3 =	simm.s32 @!p0 $0x1082;
	s9 =	sld [smem:$0x3FB1]  }
0x2f: {  	lr =	sadd.s32 s0, s3;
	s0 =	sld [smem:$0x3FA8]  }
0x30: {  	s3 =	sld [smem:$0x3FAB]  }
0x31: {  	[smem:$0x3FB4] =	sst s10  }
0x32: {  	s10 =	sld [smem:$0x3FB2];
	_ =	sdelay $0x3  }
0x33: {  	p0 =	seq.s32 s10, $0x1;
	s10 =	sld [smem:$0x3FB4];
	_ =	sdelay $0x3  }
0x34: {  	[smem:$0x3FB4] =	sst s10  }
0x35: {  	s10 =	sld [smem:$0x3FB3];
	_ =	sdelay $0x3  }
0x36: {  	p1 =	seq.s32 s10, $0x1;
	s10 =	sld [smem:$0x3FB4];
	_ =	sdelay $0x3  }
0x37: {  	[smem:$0x3FB4] =	sst s10  }
0x38: {  	s10 =	sld [smem:$0x3FB5]  }
0x39: {  	_ = 	snop;
	(pc) =	sbr.ind lr, $3  }
0x3a: {  	_ = 	snop  }
0x3b: {  	_ = 	snop  }
0x3c: {  	p2 =	seq.s32 s10, $0x1;
	s10 =	sld [smem:$0x3FB4]  }
0x3d: {  	_ =	shalt  }
0x3e: {  	_ =	shalt  }
0x3f: {  	_ =	shalt  }
0x40: {  	_ =	shalt  }
0x41: {  	_ =	shalt  }
0x42: {  	_ =	shalt  }
0x43: {  	_ =	shalt  }
0x44: {  	_ =	shalt  }
0x45: {  	_ =	shalt  }
0x46: {  	_ =	shalt  }
0x47: {  	_ =	shalt  }
0x48: {  	_ =	shalt  }
0x49: {  	_ =	shalt  }
0x4a: {  	_ =	shalt  }
0x4b: {  	_ =	shalt  }
0x4c: {  	_ =	shalt  }
0x4d: {  	_ =	shalt  }
0x4e: {  	_ =	shalt  }
0x4f: {  	_ =	shalt  }
0x50: {  	_ =	shalt  }
0x51: {  	_ =	shalt  }
0x52: {  	_ =	shalt  }
0x53: {  	_ =	shalt  }
0x54: {  	_ =	shalt  }
0x55: {  	_ =	shalt  }
0x56: {  	_ =	shalt  }
0x57: {  	_ =	shalt  }
0x58: {  	_ =	shalt  }
0x59: {  	_ =	shalt  }
0x5a: {  	_ =	shalt  }
0x5b: {  	_ =	shalt  }
0x5c: {  	_ =	shalt  }
0x5d: {  	_ =	shalt  }
0x5e: {  	_ =	shalt  }
0x5f: {  	_ =	shalt  }
0x60: {  	_ =	shalt  }
0x61: {  	_ =	shalt  }
0x62: {  	_ =	shalt  }
0x63: {  	_ =	shalt  }
0x64: {  	_ =	shalt  }
0x65: {  	_ =	shalt  }
0x66: {  	_ =	shalt  }
0x67: {  	_ =	shalt  }
0x68: {  	_ =	shalt  }
0x69: {  	_ =	shalt  }
0x6a: {  	_ =	shalt  }
0x6b: {  	_ =	shalt  }
0x6c: {  	_ =	shalt  }
0x6d: {  	_ =	shalt  }
0x6e: {  	_ =	shalt  }
0x6f: {  	_ =	shalt  }
0x70: {  	_ =	shalt  }
0x71: {  	_ =	shalt  }
0x72: {  	_ =	shalt  }
0x73: {  	_ =	shalt  }
0x74: {  	_ =	shalt  }
0x75: {  	_ =	shalt  }
0x76: {  	_ =	shalt  }
0x77: {  	_ =	shalt  }
0x78: {  	_ =	shalt  }
0x79: {  	_ =	shalt  }
0x7a: {  	_ =	shalt  }
0x7b: {  	_ =	shalt  }
0x7c: {  	_ =	shalt  }
0x7d: {  	_ =	shalt  }
0x7e: {  	_ =	shalt  }
0x7f: {  	_ =	shalt  }
0x80: {  	_ =	shalt  }
0x81: {  	_ =	shalt  }
0x82: {  	_ =	shalt  }
0x83: {  	_ =	shalt  }
0x84: {  	_ =	shalt  }
0x85: {  	_ =	shalt  }
0x86: {  	_ =	shalt  }
0x87: {  	_ =	shalt  }
.Lfunc_end0:
.L_simem_size_0:
called_computation_lowered:
.L_overlay_start_0:
0x88: {  	s2 =	sld [smem:$0x3FD9]  }
0x89: {  	s3 =	sld [smem:$0x3FFE];
	_ =	sdelay $0x1  }
0x8a: {  	s1 =	srdreg.scid  }
0x8b: {  	s0 =	sand.u32 $0x1, s1  }
0x8c: {  	s17 =	sshll.u32 s0, $0xA;
	s2 =	sadd.s32 s3, s2  }
0x8d: {  	s2 =	sadd.s32 s2, s17  }
0x8e: {  	[smem:$0x3FC0] =	sst s2  }
0x8f: {  	_ = 	snop  }
0x90: {  	s2 =	sld [smem:$0x3FC9];
	(tm) =	ssettm $0x1  }
0x91: {  	s18 =	sld [smem:$0x3FFB];
	_ =	sdelay $0x3  }
0x92: {  	_ =	strace s18  }
0x93: {  	s3 =	sld [smem:$0x3FFC];
	_ =	sdelay $0x3  }
0x94: {  	_ =	strace s3  }
0x95: {  	s3 =	sld [smem:$0x3FFD];
	_ =	sdelay $0x3  }
0x96: {  	_ =	strace s3  }
0x97: {  	_ =	strace $0x8FFFFFFF  }
0x98: {  	s19 =	sld [smem:$0x3FDB];
	_ =	sdelay $0x1  }
0x99: {  	s4 =	simm.s32 $_scs_section_size  }
0x9a: {  	s5 =	simm.s32 $_size__tile_overlayer_lowered;
	s6 =	simm.s32 $_tile_overlayer_lowered  }
0x9b: {  	s22 =	simm.s32 $0x1BFF;
	s21 =	sshll.u32 s6, $0x1;
	s3 =	sadd.s32 s4, s19  }
0x9c: {  	s7 =	simm.s32 $0x0;
	s20 =	sshll.u32 s5, $0x1;
	s5 =	sadd.s32 s21, s3  }
0x9d: {  	[timem:s7], [sflag:s22] =	dma.local [hbm:s5], s20  }
0x9e: {  	_ =	swait.ge [sflag:s22], s20  }
0x9f: {  	s4 =	ssub.s32 $0x0, s20;
	[sflag:s22] =	ssyncset.done $0x0  }
0xa0: {  	[sflag:s22] =	ssyncadd.s32 s4;
	_ =	sdelay $0x1  }
0xa1: {  	s23 =	simm.s32 $0x1B8B  }
0xa2: {  	_ =	swait.ge [sflag:s23], $0x1  }
0xa3: {  	[sflag:s23] =	ssyncset.done $0x0  }
0xa4: {  	s25 =	simm.s32 $0x1B8E;
	s24 =	sld [smem:$0x3FFE];
	[sflag:s23] =	ssyncadd.s32 $0xFFFFFFFF  }
0xa5: {  	s26 =	simm.s32 $execute0_lowered;
	[smem:$0x3FD2] =	sst s25  }
0xa6: {  	s5 =	sshll.u32 s26, $0x1;
	_ =	strace $0x80000046;
	[dreg:$0x1] =	wrdreg $0xFFFFFFFF  }
0xa7: {  	s28 =	simm.s32 $_size_execute0_lowered;
	s3 =	sadd.s32 s3, s5;
	[dreg:$0x0] =	wrdreg $0x0  }
0xa8: {  	s5 =	sshll.u32 s28, $0x1;
	[dreg:$0x2] =	wrdreg s3  }
0xa9: {  	[dreg:$0x3] =	wrdreg s5  }
0xaa: {  	[dreg:$0x4] =	wrdreg $0xC0  }
0xab: {  	_ =	task [dreg:s7], $0x5FFFF  }
0xac: {  	[dreg:$0x1] =	wrdreg $0xFFFFFFFF  }
0xad: {  	[dreg:$0x0] =	wrdreg $0x60  }
0xae: {  	[dreg:$0x2] =	wrdreg s2  }
0xaf: {  	[dreg:$0x3] =	wrdreg s24  }
0xb0: {  	[dreg:$0x4] =	wrdreg $0xA8000  }
0xb1: {  	[dreg:$0x5] =	wrdreg $0x9  }
0xb2: {  	_ =	task.clear_ibuf [dreg:s7], $0x6FFFF;
	_ =	strace $0x90000046  }
0xb3: {  	s29 =	simm.s32 $0x9;
	_ =	strace $0x80000048  }
0xb4: {  	_ =	swait.ge [sflag:s29], $0x1  }
0xb5: {  	[sflag:s29] =	ssyncadd.s32 $0xFFFFFFFF  }
0xb6: {  	_ =	strace $0x90000048  }
0xb7: {  	_ =	sfence  }
0xb8: {  	s30 =	sld [smem:$0x0];
	_ =	sdelay $0x2  }
0xb9: {  	s31 =	sshll.u32 s1, $0xD;
	s1 =	sshrl.u32 s1, $0x2  }
0xba: {  	s3 =	sand.u32 $0x4000, s31;
	s1 =	sadd.s32 s1, s30  }
0xbb: {  	s0 =	sor.u32 s3, s0;
	s1 =	sshll.u32 s1, $0x11  }
0xbc: {  	s0 =	sor.u32 s1, s0  }
0xbd: {  	s0 =	sadd.s32 $0x8F2B, s0  }
0xbe: {  	[sflag:s0] =	ssyncadd.remote.s32 $0x1  }
0xbf: {  	_ =	sfence.sel $0xFFFF  }
0xc0: {  	[dreg:$0x0] =	wrdreg $0xFFFFFFFF;
	(pc) =	sbr.abs _section_cstart, $3  }
0xc1: {  	[dreg:$0x1] =	wrdreg $0xFFFFFFFF  }
0xc2: {  	_ =	task.clear_ibuf [dreg:s7], $0x2FFFF;
	_ =	strace $0x9FFFFFFF  }
0xc3: {  	(tm) =	ssettm $0x7FFFFFFF  }
tec
execute0_lowered:
.L_overlay_start_1:
0x0: {  	(tag) =	ssettag $0x1  }
0x1: {  	s1 =	rddreg [dreg:$0x0]  }
0x2: {  	s0 =	rddreg [dreg:$0x1]  }
0x3: {  	s2 =	rddreg [dreg:$0x2];
	s4 =	simm.s32 $0x0  }
0x4: {  	s3 =	stileid.u32;
	s7 =	srdreg.scid;
	s18 =	simm.s32 $0x5  }
0x5: {  	s19 =	simm.s32 $0x1400;
	s20 =	simm.s32 $0x80;
	s21 =	simm.s32 $0x6800  }
0x6: {  	s22 =	simm.s32 $0x1;
	s23 =	simm.s32 $0x3;
	s24 =	simm.s32 $0x100  }
0x7: {  	s28 =	simm.s32 $0x4;
	s29 =	simm.s32 $0x2700;
	s30 =	simm.s32 $0x2780  }
0x8: {  	s31 =	simm.s32 $0x0;
	[smem:$0x7FF] =	sst s4;
	s5 =	sadd.s32 $0xD600, s0  }
0x9: {  	s8 =	smul.u32 $0x4F000, s3;
	s6 =	sadd.s32 $0x3800, s0;
	s9 =	sadd.s32 $0x17400, s0  }
0xa: {  	s25 =	sadd.s32 $0x17600, s0;
	_ =	strace $0x80000047;
	[dreg:$0x4] =	wrdreg s9  }
0xb: {  	s7 =	sand.u32 $0x1, s7;
	s16 =	smul.u32 $0x2780, s3;
	[dreg:$0x5] =	wrdreg s25  }
0xc: {  	s10 =	ssub.s32 $0x2, s7;
	s12 =	sshll.u32 s7, $0x4;
	p0 =	seq.s32 s7, $0x1  }
0xd: {  	s7 =	simm.s32 $0x3F000;
	s25 =	simm.s32 $0x2;
	s8 =	sshrl.u32 s8, $0x2  }
0xe: {  	s11 =	sshrl.u32 s10, $0x1;
	s17 =	sor.u32 s3, s12;
	s7 =	simm.s32 @!p0 $0x17800  }
.Ltmp0:
0xf: {  	s9 =	sadd.s32 s8, s2;
	s26 =	ssub.s32 s10, s11;
	(pc) =	sbr.rel .LBB2_1-.Ltmp0, $4  }
0x10: {  	s14 =	smul.u32 $0x50, s17;
	s0 =	sadd.s32 s7, s0;
	p0 =	seq.s32 s17, $0x1F  }
0x11: {  	s17 =	simm.s32 $0x2800;
	s10 =	sadd.s32 $0x4000, s9;
	s11 =	sadd.s32 $0x8000, s9  }
0x12: {  	s12 =	sadd.s32 $0xC000, s9;
	s13 =	sadd.s32 $0x10000, s9;
	s15 =	smax.u32 s26, $0x1  }
0x13: {  	v0 =	vimm.f32 $0.0e+00;
	s16 =	sadd.s32 s0, s16;
	s26 =	simm.s32 $0x1480;
	s0 =	simm.s32 $0x1380  }
.LBB2_11:
0x14: {  	s3 =	stileid.u32;
	s31 =	sadd.s32 $0x1, s31  }
0x15: {  	[bflag:$0x0] =	sbarrier.arrive $0xFFFF;
	s3 =	sshll.u32 s3, $0x6;
	p1 =	sne.s32 s31, s15  }
.Ltmp1:
0x16: {  	s7 =	sshrl.u32 s9, $0x3;
	s3 =	sor.u32 $0x1C05, s3;
	(pc) =	sbr.rel @!p1 .LBB2_12-.Ltmp1, $4  }
0x17: {  	[hbm:s16], [sflag:s3] =	dma.local [spmem:s7], $0x2780  }
0x18: {  	_ =	swait.ge [sflag:s18], $0x2780  }
0x19: {  	[sflag:s18] =	ssyncset.done $0x0  }
0x1a: {  	[sflag:s18] =	ssyncadd.s32 $0xFFFFD880  }
.LBB2_1:
0x1b: {  	s7 =	simm.s32 $0x0;
	s8 =	simm.s32 $0x200  }
.LBB2_2:
0x1c: {  	p1 =	sne.s32 s8, $0xFE00;
	[tilespmem:s7+$0x2870] =	vst v0  }
0x1d: {  	[tilespmem:s7+$0x2800] =	vst v0  }
0x1e: {  	[tilespmem:s7+$0x2810] =	vst v0  }
.Ltmp2:
0x1f: {  	[tilespmem:s7+$0x2820] =	vst v0;
	(pc) =	sbr.rel @p1 .LBB2_2-.Ltmp2, $4  }
0x20: {  	[tilespmem:s7+$0x2830] =	vst v0  }
0x21: {  	[tilespmem:s7+$0x2840] =	vst v0  }
0x22: {  	[tilespmem:s7+$0x2850] =	vst v0  }
0x23: {  	[tilespmem:s7+$0x2860] =	vst v0;
	s7 =	sshra.s32 s8, $0x2;
	s8 =	sadd.s32 $0x200, s8  }
0x24: {  	[tilespmem:s7+$0x2870] =	vst v0  }
0x25: {  	[tilespmem:s7+$0x2800] =	vst v0  }
0x26: {  	[tilespmem:s7+$0x2810] =	vst v0  }
0x27: {  	[tilespmem:s7+$0x2820] =	vst v0  }
0x28: {  	[tilespmem:s7+$0x2830] =	vst v0  }
0x29: {  	[tilespmem:s7+$0x2840] =	vst v0  }
0x2a: {  	[tilespmem:s7+$0x2850] =	vst v0  }
0x2b: {  	[tilespmem:s7+$0x2860] =	vst v0  }
0x2c: {  	[spmem:s9] =	stream.linear.scatter [tilespmem:s17], [sflag:$0x5], $0x4000, $0x38;
	[tilespmem:$0x1E400] =	vst v63  }
0x2d: {  	_ =	swait.ge [sflag:s18], $0x4000  }
0x2e: {  	[sflag:s18] =	ssyncset.done $0x0  }
0x2f: {  	[sflag:s18] =	ssyncadd.s32 $0xFFFFC000  }
0x30: {  	[spmem:s10] =	stream.linear.scatter [tilespmem:s17], [sflag:$0x5], $0x4000, $0x38;
	[tilespmem:$0x1E400] =	vst v63  }
0x31: {  	_ =	swait.ge [sflag:s18], $0x4000  }
0x32: {  	[sflag:s18] =	ssyncset.done $0x0  }
0x33: {  	[sflag:s18] =	ssyncadd.s32 $0xFFFFC000  }
0x34: {  	[spmem:s11] =	stream.linear.scatter [tilespmem:s17], [sflag:$0x5], $0x4000, $0x38;
	[tilespmem:$0x1E400] =	vst v63  }
0x35: {  	_ =	swait.ge [sflag:s18], $0x4000  }
0x36: {  	[sflag:s18] =	ssyncset.done $0x0  }
0x37: {  	[sflag:s18] =	ssyncadd.s32 $0xFFFFC000  }
0x38: {  	[spmem:s12] =	stream.linear.scatter [tilespmem:s17], [sflag:$0x5], $0x4000, $0x38;
	[tilespmem:$0x1E400] =	vst v63  }
0x39: {  	_ =	swait.ge [sflag:s18], $0x4000  }
0x3a: {  	[sflag:s18] =	ssyncset.done $0x0  }
0x3b: {  	[sflag:s18] =	ssyncadd.s32 $0xFFFFC000  }
0x3c: {  	[spmem:s13] =	stream.linear.scatter [tilespmem:s17], [sflag:$0x5], $0x3C00, $0x38;
	[tilespmem:$0x1E400] =	vst v63  }
.Ltmp3:
0x3d: {  	_ =	swait.ge [sflag:s18], $0x3C00;
	(pc) =	sbr.rel @!p0 .LBB2_4-.Ltmp3, $3  }
0x3e: {  	[sflag:s18] =	ssyncset.done $0x0  }
0x3f: {  	[sflag:s18] =	ssyncadd.s32 $0xFFFFC400  }
0x40: {  	[bflag:$0x0] =	sbarrier.arrive $0xFFFF;
	_ =	sdelay $0x1  }
0x41: {  	s3 =	rddreg [dreg:$0x4]  }
0x42: {  	[tilespmem:s4], [sflag:$0x5] =	stream.linear.gather [hbm4b:s3+s4], $0xC00, $0x38;
	[tilespmem:$0x1E400] =	vst v63  }
0x43: {  	_ =	swait.ge [sflag:s18], $0xC00  }
0x44: {  	[sflag:s18] =	ssyncset.done $0x0  }
0x45: {  	s7 =	rddreg [dreg:$0x5];
	[sflag:s18] =	ssyncadd.s32 $0xFFFFF400  }
0x46: {  	[tilespmem:s19], [sflag:$0x5] =	stream.linear.gather [hbm4b:s7+s4], $0xC00, $0x38;
	[tilespmem:$0x1E400] =	vst v63  }
0x47: {  	_ =	swait.ge [sflag:s18], $0xC00  }
0x48: {  	[sflag:s18] =	ssyncset.done $0x0  }
0x49: {  	[sflag:s18] =	ssyncadd.s32 $0xFFFFF400  }
0x4a: {  	[tilespmem:s17], [sflag:$0x1] =	stream.indirect.gather [hbm4b:s1+s20], $0x80, s4, s20, $0xb8;
	[tilespmem:$0x1E400] =	vst v63  }
0x4b: {  	_ = 	snop  }
0x4c: {  	[tilespmem:s21], [sflag:$0x2] =	stream.indirect.gather [hbm4b:s1+s20], $0x80, s20, s20, $0xb8;
	[tilespmem:$0x1E400] =	vst v63  }
0x4d: {  	_ =	swait.ge [sflag:s22], $0x4000  }
0x4e: {  	[sflag:s22] =	ssyncset.done $0x0  }
0x4f: {  	[sflag:s22] =	ssyncadd.s32 $0xFFFFC000  }
0x50: {  	[spmem:s2] =	stream.indirect.scatter.add.f32 [tilespmem:s17], [sflag:$0x3], $0x80, s19, s20, $0xb8;
	[tilespmem:$0x1E400] =	vst v63  }
0x51: {  	_ =	swait.ge [sflag:s23], $0x4000  }
0x52: {  	[sflag:s23] =	ssyncset.done $0x0  }
0x53: {  	[sflag:s23] =	ssyncadd.s32 $0xFFFFC000  }
0x54: {  	[tilespmem:s17], [sflag:$0x1] =	stream.indirect.gather [hbm4b:s1+s20], $0x80, s24, s20, $0xb8;
	[tilespmem:$0x1E400] =	vst v63  }
0x55: {  	_ =	swait.ge [sflag:s25], $0x4000  }
0x56: {  	[sflag:s25] =	ssyncset.done $0x0  }
0x57: {  	[sflag:s25] =	ssyncadd.s32 $0xFFFFC000  }
0x58: {  	[spmem:s2] =	stream.indirect.scatter.add.f32 [tilespmem:s21], [sflag:$0x4], $0x80, s26, s20, $0xb8;
	[tilespmem:$0x1E400] =	vst v63  }
0x59: {  	_ =	swait.ge [sflag:s28], $0x4000  }
0x5a: {  	[sflag:s28] =	ssyncset.done $0x0  }
0x5b: {  	s8 =	simm.s32 $0x180;
	[sflag:s28] =	ssyncadd.s32 $0xFFFFC000  }
0x5c: {  	[tilespmem:s21], [sflag:$0x2] =	stream.indirect.gather [hbm4b:s1+s20], $0x80, s8, s20, $0xb8;
	[tilespmem:$0x1E400] =	vst v63  }
0x5d: {  	_ =	swait.ge [sflag:s22], $0x4000  }
0x5e: {  	[sflag:s22] =	ssyncset.done $0x0  }
0x5f: {  	s7 =	simm.s32 $0x1500;
	[sflag:s22] =	ssyncadd.s32 $0xFFFFC000  }
0x60: {  	[spmem:s2] =	stream.indirect.scatter.add.f32 [tilespmem:s17], [sflag:$0x3], $0x80, s7, s20, $0xb8;
	[tilespmem:$0x1E400] =	vst v63  }
0x61: {  	_ =	swait.ge [sflag:s23], $0x4000  }
0x62: {  	[sflag:s23] =	ssyncset.done $0x0  }
0x63: {  	s8 =	simm.s32 $0x200;
	[sflag:s23] =	ssyncadd.s32 $0xFFFFC000  }
0x64: {  	[tilespmem:s17], [sflag:$0x1] =	stream.indirect.gather [hbm4b:s1+s20], $0x80, s8, s20, $0xb8;
	[tilespmem:$0x1E400] =	vst v63  }
0x65: {  	_ =	swait.ge [sflag:s25], $0x4000  }
0x66: {  	[sflag:s25] =	ssyncset.done $0x0  }
0x67: {  	s7 =	simm.s32 $0xFFFFDC00;
	s8 =	simm.s32 $0x1580;
	[sflag:s25] =	ssyncadd.s32 $0xFFFFC000  }
.LBB2_9:
0x68: {  	[spmem:s2] =	stream.indirect.scatter.add.f32 [tilespmem:s21], [sflag:$0x4], $0x80, s8, s20, $0xb8;
	[tilespmem:$0x1E400] =	vst v63  }
0x69: {  	s3 =	smov.u32 s7  }
0x6a: {  	p1 =	sne.s32 s7, $0xFFFFFC00;
	s7 =	sadd.s32 $0x400, s7;
	_ =	swait.ge [sflag:s28], $0x4000  }
0x6b: {  	s3 =	sshra.s32 s3, $0x2;
	[sflag:s28] =	ssyncset.done $0x0  }
0x6c: {  	s8 =	sadd.s32 $0xB80, s3;
	[sflag:s28] =	ssyncadd.s32 $0xFFFFC000  }
0x6d: {  	[tilespmem:s21], [sflag:$0x2] =	stream.indirect.gather [hbm4b:s1+s20], $0x80, s8, s20, $0xb8;
	[tilespmem:$0x1E400] =	vst v63  }
0x6e: {  	_ =	swait.ge [sflag:s22], $0x4000  }
0x6f: {  	[sflag:s22] =	ssyncset.done $0x0  }
0x70: {  	s8 =	sadd.s32 $0x1F00, s3;
	[sflag:s22] =	ssyncadd.s32 $0xFFFFC000  }
0x71: {  	[spmem:s2] =	stream.indirect.scatter.add.f32 [tilespmem:s17], [sflag:$0x3], $0x80, s8, s20, $0xb8;
	[tilespmem:$0x1E400] =	vst v63  }
0x72: {  	_ =	swait.ge [sflag:s23], $0x4000  }
0x73: {  	[sflag:s23] =	ssyncset.done $0x0  }
.Ltmp4:
0x74: {  	s8 =	sadd.s32 $0xC00, s3;
	[sflag:s23] =	ssyncadd.s32 $0xFFFFC000;
	(pc) =	sbr.rel @p1 .LBB2_9-.Ltmp4, $4  }
0x75: {  	[tilespmem:s17], [sflag:$0x1] =	stream.indirect.gather [hbm4b:s1+s20], $0x80, s8, s20, $0xb8;
	[tilespmem:$0x1E400] =	vst v63  }
0x76: {  	_ =	swait.ge [sflag:s25], $0x4000  }
0x77: {  	[sflag:s25] =	ssyncset.done $0x0  }
0x78: {  	s8 =	sadd.s32 $0x1F80, s3;
	[sflag:s25] =	ssyncadd.s32 $0xFFFFC000  }
0x79: {  	[spmem:s2] =	stream.indirect.scatter.add.f32 [tilespmem:s21], [sflag:$0x4], $0x80, s8, s20, $0xb8;
	[tilespmem:$0x1E400] =	vst v63  }
0x7a: {  	_ =	swait.ge [sflag:s28], $0x4000  }
0x7b: {  	[sflag:s28] =	ssyncset.done $0x0  }
0x7c: {  	s3 =	simm.s32 $0xB80;
	[sflag:s28] =	ssyncadd.s32 $0xFFFFC000  }
0x7d: {  	[tilespmem:s21], [sflag:$0x2] =	stream.indirect.gather [hbm4b:s1+s20], $0x80, s3, s20, $0xb8;
	[tilespmem:$0x1E400] =	vst v63  }
0x7e: {  	_ =	swait.ge [sflag:s22], $0x4000  }
0x7f: {  	[sflag:s22] =	ssyncset.done $0x0  }
0x80: {  	s7 =	simm.s32 $0x1F00;
	[sflag:s22] =	ssyncadd.s32 $0xFFFFC000  }
0x81: {  	[spmem:s2] =	stream.indirect.scatter.add.f32 [tilespmem:s17], [sflag:$0x3], $0x80, s7, s20, $0xb8;
	[tilespmem:$0x1E400] =	vst v63  }
0x82: {  	_ =	swait.ge [sflag:s25], $0x4000  }
0x83: {  	[sflag:s25] =	ssyncset.done $0x0  }
0x84: {  	s8 =	simm.s32 $0x1F80;
	[sflag:s25] =	ssyncadd.s32 $0xFFFFC000  }
0x85: {  	[spmem:s2] =	stream.indirect.scatter.add.f32 [tilespmem:s21], [sflag:$0x4], $0x80, s8, s20, $0xb8;
	[tilespmem:$0x1E400] =	vst v63  }
0x86: {  	_ =	swait.ge [sflag:s23], $0x4000  }
.Ltmp5:
0x87: {  	[sflag:s23] =	ssyncset.done $0x0;
	(pc) =	sbr.rel .LBB2_11-.Ltmp5, $4  }
0x88: {  	[sflag:s23] =	ssyncadd.s32 $0xFFFFC000  }
0x89: {  	_ =	swait.ge [sflag:s28], $0x4000  }
0x8a: {  	[sflag:s28] =	ssyncset.done $0x0  }
0x8b: {  	[sflag:s28] =	ssyncadd.s32 $0xFFFFC000  }
.LBB2_4:
0x8c: {  	s7 =	simm.s32 $0x0;
	p2 =	por $0x1, $0x1  }
.LBB2_5:
0x8d: {  	s7 =	sadd.s32 s14, s7  }
0x8e: {  	s7 =	sshll.u32 s7, $0x4  }
0x8f: {  	s8 =	sadd.s32 s5, s7  }
0x90: {  	[tilespmem:s4], [sflag:$0x5] =	stream.linear.gather [hbm4b:s8+s4], $0x1400, $0x38;
	[tilespmem:$0x1E400] =	vst v63  }
0x91: {  	_ =	swait.ge [sflag:s18], $0x1400  }
0x92: {  	[sflag:s18] =	ssyncset.done $0x0  }
0x93: {  	s7 =	sadd.s32 s6, s7;
	[sflag:s18] =	ssyncadd.s32 $0xFFFFEC00  }
0x94: {  	[tilespmem:s19], [sflag:$0x5] =	stream.linear.gather [hbm4b:s7+s4], $0x1400, $0x38;
	[tilespmem:$0x1E400] =	vst v63  }
0x95: {  	_ =	swait.ge [sflag:s18], $0x1400  }
0x96: {  	[sflag:s18] =	ssyncset.done $0x0  }
0x97: {  	[sflag:s18] =	ssyncadd.s32 $0xFFFFEC00  }
0x98: {  	[tilespmem:s17], [sflag:$0x1] =	stream.indirect.gather [hbm4b:s1+s20], $0x80, s4, s20, $0xb8;
	[tilespmem:$0x1E400] =	vst v63  }
0x99: {  	_ = 	snop  }
0x9a: {  	[tilespmem:s21], [sflag:$0x2] =	stream.indirect.gather [hbm4b:s1+s20], $0x80, s20, s20, $0xb8;
	[tilespmem:$0x1E400] =	vst v63  }
0x9b: {  	_ =	swait.ge [sflag:s22], $0x4000  }
0x9c: {  	[sflag:s22] =	ssyncset.done $0x0  }
0x9d: {  	[sflag:s22] =	ssyncadd.s32 $0xFFFFC000  }
0x9e: {  	[spmem:s2] =	stream.indirect.scatter.add.f32 [tilespmem:s17], [sflag:$0x3], $0x80, s19, s20, $0xb8;
	[tilespmem:$0x1E400] =	vst v63  }
0x9f: {  	_ =	swait.ge [sflag:s23], $0x4000  }
0xa0: {  	[sflag:s23] =	ssyncset.done $0x0  }
0xa1: {  	[sflag:s23] =	ssyncadd.s32 $0xFFFFC000  }
0xa2: {  	[tilespmem:s17], [sflag:$0x1] =	stream.indirect.gather [hbm4b:s1+s20], $0x80, s24, s20, $0xb8;
	[tilespmem:$0x1E400] =	vst v63  }
0xa3: {  	_ =	swait.ge [sflag:s25], $0x4000  }
0xa4: {  	[sflag:s25] =	ssyncset.done $0x0  }
0xa5: {  	[sflag:s25] =	ssyncadd.s32 $0xFFFFC000  }
0xa6: {  	[spmem:s2] =	stream.indirect.scatter.add.f32 [tilespmem:s21], [sflag:$0x4], $0x80, s26, s20, $0xb8;
	[tilespmem:$0x1E400] =	vst v63  }
0xa7: {  	_ =	swait.ge [sflag:s28], $0x4000  }
0xa8: {  	[sflag:s28] =	ssyncset.done $0x0  }
0xa9: {  	s8 =	simm.s32 $0x180;
	[sflag:s28] =	ssyncadd.s32 $0xFFFFC000  }
0xaa: {  	[tilespmem:s21], [sflag:$0x2] =	stream.indirect.gather [hbm4b:s1+s20], $0x80, s8, s20, $0xb8;
	[tilespmem:$0x1E400] =	vst v63  }
0xab: {  	_ =	swait.ge [sflag:s22], $0x4000  }
0xac: {  	[sflag:s22] =	ssyncset.done $0x0  }
0xad: {  	s3 =	simm.s32 $0x1500;
	[sflag:s22] =	ssyncadd.s32 $0xFFFFC000  }
0xae: {  	[spmem:s2] =	stream.indirect.scatter.add.f32 [tilespmem:s17], [sflag:$0x3], $0x80, s3, s20, $0xb8;
	[tilespmem:$0x1E400] =	vst v63  }
0xaf: {  	_ =	swait.ge [sflag:s23], $0x4000  }
0xb0: {  	[sflag:s23] =	ssyncset.done $0x0  }
0xb1: {  	s8 =	simm.s32 $0x200;
	[sflag:s23] =	ssyncadd.s32 $0xFFFFC000  }
0xb2: {  	[tilespmem:s17], [sflag:$0x1] =	stream.indirect.gather [hbm4b:s1+s20], $0x80, s8, s20, $0xb8;
	[tilespmem:$0x1E400] =	vst v63  }
0xb3: {  	_ =	swait.ge [sflag:s25], $0x4000  }
0xb4: {  	p1 =	por p2, p2;
	[sflag:s25] =	ssyncset.done $0x0  }
0xb5: {  	s7 =	simm.s32 $0xFFFFBC00;
	s8 =	simm.s32 $0x1580;
	[sflag:s25] =	ssyncadd.s32 $0xFFFFC000  }
.LBB2_6:
0xb6: {  	[spmem:s2] =	stream.indirect.scatter.add.f32 [tilespmem:s21], [sflag:$0x4], $0x80, s8, s20, $0xb8;
	[tilespmem:$0x1E400] =	vst v63  }
0xb7: {  	s8 =	smov.u32 s7  }
0xb8: {  	p2 =	sne.s32 s7, $0xFFFFFC00;
	s7 =	sadd.s32 $0x400, s7;
	_ =	swait.ge [sflag:s28], $0x4000  }
0xb9: {  	s8 =	sshra.s32 s8, $0x2;
	[sflag:s28] =	ssyncset.done $0x0  }
0xba: {  	s3 =	sadd.s32 $0x1380, s8;
	[sflag:s28] =	ssyncadd.s32 $0xFFFFC000  }
0xbb: {  	[tilespmem:s21], [sflag:$0x2] =	stream.indirect.gather [hbm4b:s1+s20], $0x80, s3, s20, $0xb8;
	[tilespmem:$0x1E400] =	vst v63  }
0xbc: {  	_ =	swait.ge [sflag:s22], $0x4000  }
0xbd: {  	[sflag:s22] =	ssyncset.done $0x0  }
0xbe: {  	s3 =	sadd.s32 $0x2700, s8;
	[sflag:s22] =	ssyncadd.s32 $0xFFFFC000  }
0xbf: {  	[spmem:s2] =	stream.indirect.scatter.add.f32 [tilespmem:s17], [sflag:$0x3], $0x80, s3, s20, $0xb8;
	[tilespmem:$0x1E400] =	vst v63  }
0xc0: {  	_ =	swait.ge [sflag:s23], $0x4000  }
0xc1: {  	[sflag:s23] =	ssyncset.done $0x0  }
.Ltmp6:
0xc2: {  	s3 =	sadd.s32 $0x1400, s8;
	[sflag:s23] =	ssyncadd.s32 $0xFFFFC000;
	(pc) =	sbr.rel @p2 .LBB2_6-.Ltmp6, $4  }
0xc3: {  	[tilespmem:s17], [sflag:$0x1] =	stream.indirect.gather [hbm4b:s1+s20], $0x80, s3, s20, $0xb8;
	[tilespmem:$0x1E400] =	vst v63  }
0xc4: {  	_ =	swait.ge [sflag:s25], $0x4000  }
0xc5: {  	[sflag:s25] =	ssyncset.done $0x0  }
0xc6: {  	s8 =	sadd.s32 $0x2780, s8;
	[sflag:s25] =	ssyncadd.s32 $0xFFFFC000  }
0xc7: {  	[spmem:s2] =	stream.indirect.scatter.add.f32 [tilespmem:s21], [sflag:$0x4], $0x80, s8, s20, $0xb8;
	[tilespmem:$0x1E400] =	vst v63  }
0xc8: {  	_ =	swait.ge [sflag:s28], $0x4000  }
0xc9: {  	[sflag:s28] =	ssyncset.done $0x0  }
0xca: {  	[sflag:s28] =	ssyncadd.s32 $0xFFFFC000  }
0xcb: {  	[tilespmem:s21], [sflag:$0x2] =	stream.indirect.gather [hbm4b:s1+s20], $0x80, s0, s20, $0xb8;
	[tilespmem:$0x1E400] =	vst v63  }
0xcc: {  	_ =	swait.ge [sflag:s22], $0x4000  }
0xcd: {  	[sflag:s22] =	ssyncset.done $0x0  }
0xce: {  	[sflag:s22] =	ssyncadd.s32 $0xFFFFC000  }
0xcf: {  	[spmem:s2] =	stream.indirect.scatter.add.f32 [tilespmem:s17], [sflag:$0x3], $0x80, s29, s20, $0xb8;
	[tilespmem:$0x1E400] =	vst v63  }
0xd0: {  	_ =	swait.ge [sflag:s25], $0x4000  }
0xd1: {  	[sflag:s25] =	ssyncset.done $0x0  }
0xd2: {  	[sflag:s25] =	ssyncadd.s32 $0xFFFFC000  }
0xd3: {  	[spmem:s2] =	stream.indirect.scatter.add.f32 [tilespmem:s21], [sflag:$0x4], $0x80, s30, s20, $0xb8;
	[tilespmem:$0x1E400] =	vst v63  }
0xd4: {  	_ =	swait.ge [sflag:s23], $0x4000  }
.Ltmp7:
0xd5: {  	[sflag:s23] =	ssyncset.done $0x0;
	(pc) =	sbr.rel @p1 .LBB2_5-.Ltmp7, $4  }
.Ltmp8:
0xd6: {  	[sflag:s23] =	ssyncadd.s32 $0xFFFFC000;
	(pc) =	sbr.rel @!p1 .LBB2_11-.Ltmp8, $4  }
0xd7: {  	_ =	swait.ge [sflag:s28], $0x4000  }
0xd8: {  	[sflag:s28] =	ssyncset.done $0x0  }
0xd9: {  	s7 =	simm.s32 $0x28;
	p2 =	por $0x0, $0x0;
	[sflag:s28] =	ssyncadd.s32 $0xFFFFC000  }
0xda: {  	_ = 	snop  }
.LBB2_12:
0xdb: {  	_ =	sfence.sel $0x180000  }
0xdc: {  	[bflag:$0x0] =	sbarrier.arrive $0xFFFF  }
0xdd: {  	_ =	strace $0x90000047  }
0xde: {  	s0 =	stileid.u32;
	[bflag:$0x2] =	sbarrier.arrive $0xFFFF  }
0xdf: {  	p0 =	sne.s32 s0, $0x0;
	s0 =	rddreg [dreg:$0x3]  }
0xe0: {  	s0 =	sadd.s32 @!p0 $0x100000, s0  }
0xe1: {  	[sflag:s0] =	ssyncadd.tile.s32 @!p0 $0x1;
	_ =	shalt  }
.Lfunc_end2:
_tile_overlayer_lowered:
.L_overlay_start_2:
0xe2: {  	(tag) =	ssettag $0x2  }
0xe3: {  	s0 =	rddreg [dreg:$0x0];
	s2 =	stileid.u32  }
0xe4: {  	s1 =	rddreg [dreg:$0x1];
	p0 =	sne.s32 s2, $0x0  }
0xe5: {  	s3 =	rddreg [dreg:$0x2];
	[bflag:$0x3] =	sbarrier.arrive $0xFFFF;
	s2 =	simm.s32 @!p0 $0x1C05  }
0xe6: {  	[timem:s3], [sflag:s2] =	dma.local @!p0 [hbm:s0], s1  }
0xe7: {  	s0 =	simm.s32 @!p0 $0x5  }
0xe8: {  	_ =	swait.ge @!p0 [sflag:s0], s1  }
0xe9: {  	s1 =	ssub.s32 @!p0 $0x0, s1;
	[sflag:s0] =	ssyncset.done @!p0 $0x0  }
0xea: {  	[sflag:s0] =	ssyncadd.s32 @!p0 s1  }
0xeb: {  	[bflag:$0x3] =	sbarrier.arrive $0xFFFF  }
0xec: {  	_ =	shalt  }

</sc_bundles>
